<compile_context>
chip_gen: v7x
topology: tpu7x:2x2x1
jax: 0.10.2.dev20260603
libtpu: 0.0.44.dev20260713+nightly
codegen_flags: <defaults>
</compile_context>

<pallas_src>
import functools

import jax
import jax.numpy as jnp
from jax import lax
from jax.experimental import pallas as pl
from jax.experimental.pallas import tpu as pltpu
from jax.experimental.pallas import tpu_sc as plsc

N = 10000
E = 160000
DN = 128
H = 16
K = 16

NC = 2
NS = 16
NW = NC * NS
EPW = E // NW
CH = 100
NCHUNK = EPW // CH
NBUF = 2
NA = 10240
RPT = NA // NS
ZB = 64
GW = K * H


def _make_sc_kernel():
    mesh = plsc.VectorSubcoreMesh(core_axis_name="c", subcore_axis_name="s")

    @functools.partial(
        pl.kernel,
        out_type=jax.ShapeDtypeStruct((NC, NS, RPT, H), jnp.float32),
        mesh=mesh,
        scratch_types=[
            pltpu.VMEM((NCHUNK, CH), jnp.int32),
            pltpu.VMEM((NCHUNK, CH), jnp.int32),
            pltpu.VMEM((K, K), jnp.float32),
            pltpu.VMEM((1, K), jnp.float32),
            pltpu.VMEM((NBUF, CH, K), jnp.float32),
            pltpu.VMEM((NBUF, CH, GW), jnp.float32),
            pltpu.VMEM((NBUF, CH, H), jnp.float32),
            pltpu.VMEM((NBUF, CH, H), jnp.float32),
            pltpu.VMEM((ZB, H), jnp.float32),
            pltpu.VMEM_SHARED((NA, H), jnp.float32),
            pltpu.SemaphoreType.DMA,
            pltpu.SemaphoreType.DMA,
            pltpu.SemaphoreType.DMA,
            pltpu.SemaphoreType.DMA,
            pltpu.SemaphoreType.DMA,
            pltpu.SemaphoreType.DMA,
        ],
        compiler_params=pltpu.CompilerParams(use_tc_tiling_on_sc=False),
    )
    def sc_kernel(g_hbm, hb_hbm, ea_hbm, w_hbm, b_hbm, src_hbm, dst_hbm,
                  parts_hbm,
                  src_v, dst_v, w_v, b_v, ea_v, g_v, hb_v, msg_v, zero_v,
                  agg_sh, gsem0, gsem1, bsem0, bsem1, esem0, esem1):
        cid = lax.axis_index("c")
        sid = lax.axis_index("s")
        wid = sid * NC + cid
        gsems = (gsem0, gsem1)
        bsems = (bsem0, bsem1)
        esems = (esem0, esem1)

        pltpu.sync_copy(src_hbm.at[wid], src_v)
        pltpu.sync_copy(dst_hbm.at[wid], dst_v)
        pltpu.sync_copy(w_hbm, w_v)
        pltpu.sync_copy(b_hbm, b_v)
        wrows = [w_v[i, :] for i in range(K)]
        bvec = b_v[0, :]

        def _zfill(j, c):
            zero_v[j, :] = jnp.zeros((H,), jnp.float32)
            return c
        lax.fori_loop(0, ZB, _zfill, 0)

        def _zcopy(j, c):
            pltpu.sync_copy(zero_v, agg_sh.at[pl.ds(sid * RPT + j * ZB, ZB)])
            return c
        lax.fori_loop(0, RPT // ZB, _zcopy, 0)
        plsc.subcore_barrier()

        def _start(t, b):
            pltpu.async_copy(g_hbm.at[src_v.at[t]], g_v.at[b], gsems[b])
            pltpu.async_copy(hb_hbm.at[src_v.at[t]], hb_v.at[b], bsems[b])
            pltpu.async_copy(ea_hbm.at[wid, t], ea_v.at[b], esems[b])

        def _wait(t, b):
            pltpu.make_async_copy(g_hbm.at[src_v.at[t]], g_v.at[b],
                                  gsems[b]).wait()
            pltpu.make_async_copy(hb_hbm.at[src_v.at[t]], hb_v.at[b],
                                  bsems[b]).wait()
            pltpu.make_async_copy(ea_hbm.at[wid, t], ea_v.at[b],
                                  esems[b]).wait()

        def _compute(b):
            def _edge(e, c):
                earow = ea_v[b, e, :]
                hacc = [bvec + earow[0] * wrows[0], earow[1] * wrows[1],
                        earow[2] * wrows[2], earow[3] * wrows[3]]
                for i in range(4, K):
                    hacc[i % 4] = hacc[i % 4] + earow[i] * wrows[i]
                hrow = jnp.maximum((hacc[0] + hacc[1]) + (hacc[2] + hacc[3]),
                                   0.0)

                def term(k):
                    return hrow[k] * g_v[b, e, pl.ds(k * H, H)]
                acc = [hb_v[b, e, :] + term(0), term(1), term(2), term(3)]
                for k in range(4, K):
                    acc[k % 4] = acc[k % 4] + term(k)
                msg_v[b, e, :] = (acc[0] + acc[1]) + (acc[2] + acc[3])
                return c
            lax.fori_loop(0, CH, _edge, 0)

        for b in range(NBUF):
            _start(b, b)

        def _group(gi, c):
            for b in range(NBUF):
                t = gi * NBUF + b
                _wait(t, b)
                _compute(b)
                pltpu.sync_copy(msg_v.at[b], agg_sh.at[dst_v.at[t]], add=True)

                @pl.when(t + NBUF < NCHUNK)
                def _():
                    _start(t + NBUF, b)
            return c
        lax.fori_loop(0, NCHUNK // NBUF, _group, 0)

        plsc.subcore_barrier()
        pltpu.sync_copy(agg_sh.at[pl.ds(sid * RPT, RPT)],
                        parts_hbm.at[cid, sid])

    return sc_kernel


_sc_layer = _make_sc_kernel()


_BN = 2000


def _node_pre_body(x_ref, wt_ref, bt_ref, lin_ref, bias_ref,
                   g_ref, hb_ref, root_ref):
    xb = x_ref[...]
    g_ref[...] = jnp.dot(xb, wt_ref[...], preferred_element_type=jnp.float32)
    hb_ref[...] = jnp.dot(xb, bt_ref[...], preferred_element_type=jnp.float32)
    root_ref[...] = (
        jnp.dot(xb, lin_ref[...], preferred_element_type=jnp.float32)
        + bias_ref[...])


def _combine_pre_body(a0_ref, a1_ref, root_ref, wt_ref, bt_ref, lin_ref,
                      bias_ref, g_ref, hb_ref, root2_ref):
    hn = jnp.maximum(a0_ref[...] + a1_ref[...] + root_ref[...], 0.0)
    g_ref[...] = jnp.dot(hn, wt_ref[...], preferred_element_type=jnp.float32)
    hb_ref[...] = jnp.dot(hn, bt_ref[...], preferred_element_type=jnp.float32)
    root2_ref[...] = (
        jnp.dot(hn, lin_ref[...], preferred_element_type=jnp.float32)
        + bias_ref[...])


def _final_body(a0_ref, a1_ref, root_ref, cw_ref, cb_ref, out_ref):
    hn = jnp.maximum(a0_ref[...] + a1_ref[...] + root_ref[...], 0.0)
    logits = (jnp.dot(hn, cw_ref[...], preferred_element_type=jnp.float32)
              + cb_ref[...])
    m = jnp.max(logits, axis=1, keepdims=True)
    z = logits - m
    lse = jnp.log(jnp.sum(jnp.exp(z), axis=1, keepdims=True))
    out_ref[...] = z - lse


def _full(shape):
    return pl.BlockSpec(shape, lambda i: (0,) * len(shape))


def _node_pre(x, wt, bt, lin, bias):
    d = x.shape[1]
    grid = (N // _BN,)
    return pl.pallas_call(
        _node_pre_body,
        grid=grid,
        in_specs=[
            pl.BlockSpec((_BN, d), lambda i: (i, 0)),
            _full((d, GW)), _full((d, H)), _full((d, H)), _full((1, H)),
        ],
        out_specs=[pl.BlockSpec((_BN, GW), lambda i: (i, 0)),
                   pl.BlockSpec((_BN, H), lambda i: (i, 0)),
                   pl.BlockSpec((_BN, H), lambda i: (i, 0))],
        out_shape=[jax.ShapeDtypeStruct((N, GW), jnp.float32),
                   jax.ShapeDtypeStruct((N, H), jnp.float32),
                   jax.ShapeDtypeStruct((N, H), jnp.float32)],
    )(x, wt, bt, lin, bias)


def _combine_pre(a0, a1, root, wt, bt, lin, bias):
    grid = (N // _BN,)
    return pl.pallas_call(
        _combine_pre_body,
        grid=grid,
        in_specs=[
            pl.BlockSpec((_BN, H), lambda i: (i, 0)),
            pl.BlockSpec((_BN, H), lambda i: (i, 0)),
            pl.BlockSpec((_BN, H), lambda i: (i, 0)),
            _full((H, GW)), _full((H, H)), _full((H, H)), _full((1, H)),
        ],
        out_specs=[pl.BlockSpec((_BN, GW), lambda i: (i, 0)),
                   pl.BlockSpec((_BN, H), lambda i: (i, 0)),
                   pl.BlockSpec((_BN, H), lambda i: (i, 0))],
        out_shape=[jax.ShapeDtypeStruct((N, GW), jnp.float32),
                   jax.ShapeDtypeStruct((N, H), jnp.float32),
                   jax.ShapeDtypeStruct((N, H), jnp.float32)],
    )(a0, a1, root, wt, bt, lin, bias)


def _final(a0, a1, root, cw, cb):
    grid = (N // _BN,)
    return pl.pallas_call(
        _final_body,
        grid=grid,
        in_specs=[
            pl.BlockSpec((_BN, H), lambda i: (i, 0)),
            pl.BlockSpec((_BN, H), lambda i: (i, 0)),
            pl.BlockSpec((_BN, H), lambda i: (i, 0)),
            _full((H, 2)), _full((1, 2)),
        ],
        out_specs=pl.BlockSpec((_BN, 2), lambda i: (i, 0)),
        out_shape=jax.ShapeDtypeStruct((N, 2), jnp.float32),
    )(a0, a1, root, cw, cb)


def kernel(x, edge_index, edge_attr, nn1_w1, nn1_b1, nn1_w2, nn1_b2, lin1,
           bias1, nn2_w1, nn2_b1, nn2_w2, nn2_b2, lin2, bias2, cls_w, cls_b):
    wt1 = nn1_w2.reshape(K, DN, H).transpose(1, 0, 2).reshape(DN, K * H)
    bt1 = nn1_b2.reshape(DN, H)
    wt2 = nn2_w2.reshape(K, H, H).transpose(1, 0, 2).reshape(H, K * H)
    bt2 = nn2_b2.reshape(H, H)

    src = edge_index[0].reshape(NW, NCHUNK, CH)
    dst = edge_index[1].reshape(NW, NCHUNK, CH)
    ea = edge_attr.reshape(NW, NCHUNK, CH, K)

    g1, hb1, root1 = _node_pre(x, wt1, bt1, lin1, bias1.reshape(1, H))
    parts1 = _sc_layer(g1, hb1, ea, nn1_w1, nn1_b1.reshape(1, K),
                       src, dst).reshape(NC, NA, H)

    g2, hb2, root2 = _combine_pre(parts1[0, :N], parts1[1, :N], root1,
                                  wt2, bt2, lin2, bias2.reshape(1, H))
    parts2 = _sc_layer(g2, hb2, ea, nn2_w1, nn2_b1.reshape(1, K),
                       src, dst).reshape(NC, NA, H)

    return _final(parts2[0, :N], parts2[1, :N], root2, cls_w,
                  cls_b.reshape(1, 2))

# --- scband reference (transcript-rebuilt; emitter-appended) ---
"""Pipeline reference for scband-rivet-gnn-43276090474645 (READ-ONLY COPY).

The authoritative reference and input builder live on the scoring server;
editing this copy changes nothing except your own understanding.
"""

import jax, jax.numpy as jnp
import numpy as np

N = 10000
E = 160000
D_NODE = 128
D_EDGE = 16
H = 16


def setup_inputs(seed: int = 0) -> dict:
    key = jax.random.key(seed)
    ks = jax.random.split(key, 20)
    s = 0.1
    inp = {}
    inp["x"] = jax.random.normal(ks[0], (N, D_NODE), dtype=jnp.float32)
    inp["edge_index"] = jax.random.randint(ks[1], (2, E), 0, N, dtype=jnp.int32)
    inp["edge_attr"] = jax.random.normal(ks[2], (E, D_EDGE), dtype=jnp.float32)
    # nn1: Linear(16,16) -> ReLU -> Linear(16, D_NODE*H)
    inp["nn1_w1"] = jax.random.normal(ks[3], (D_EDGE, 16), dtype=jnp.float32) * s
    inp["nn1_b1"] = jnp.zeros((16,), dtype=jnp.float32)
    inp["nn1_w2"] = jax.random.normal(ks[4], (16, D_NODE * H), dtype=jnp.float32) * s
    inp["nn1_b2"] = jnp.zeros((D_NODE * H,), dtype=jnp.float32)
    # conv1 root weight + bias (PyG NNConv: root_weight=True, bias=True)
    inp["lin1"] = jax.random.normal(ks[5], (D_NODE, H), dtype=jnp.float32) * s
    inp["bias1"] = jnp.zeros((H,), dtype=jnp.float32)
    # nn2: Linear(16,16) -> ReLU -> Linear(16, H*H)
    inp["nn2_w1"] = jax.random.normal(ks[6], (D_EDGE, 16), dtype=jnp.float32) * s
    inp["nn2_b1"] = jnp.zeros((16,), dtype=jnp.float32)
    inp["nn2_w2"] = jax.random.normal(ks[7], (16, H * H), dtype=jnp.float32) * s
    inp["nn2_b2"] = jnp.zeros((H * H,), dtype=jnp.float32)
    inp["lin2"] = jax.random.normal(ks[8], (H, H), dtype=jnp.float32) * s
    inp["bias2"] = jnp.zeros((H,), dtype=jnp.float32)
    # classifier Linear(H, 2)
    inp["cls_w"] = jax.random.normal(ks[9], (H, 2), dtype=jnp.float32) * s
    inp["cls_b"] = jnp.zeros((2,), dtype=jnp.float32)
    return inp


def _nnconv(x, edge_index, edge_attr, nn_w1, nn_b1, nn_w2, nn_b2, lin, bias, in_c, out_c):
    src = edge_index[0]
    dst = edge_index[1]
    h = jnp.maximum(edge_attr @ nn_w1 + nn_b1, 0.0)
    w = (h @ nn_w2 + nn_b2).reshape(-1, in_c, out_c)  # [E, in_c, out_c] per-edge weight
    xj = x[src]  # gather source node features [E, in_c]
    msg = jnp.einsum("ei,eio->eo", xj, w)  # per-edge matmul [E, out_c]
    agg = jax.ops.segment_sum(msg, dst, num_segments=x.shape[0])  # aggr='add' (NNConv default)
    return agg + x @ lin + bias


def reference(x, edge_index, edge_attr, nn1_w1, nn1_b1, nn1_w2, nn1_b2, lin1, bias1, nn2_w1, nn2_b1, nn2_w2, nn2_b2, lin2, bias2, cls_w, cls_b):
    h = _nnconv(x, edge_index, edge_attr, nn1_w1, nn1_b1, nn1_w2, nn1_b2, lin1, bias1, D_NODE, H)
    h = jnp.maximum(h, 0.0)
    h = _nnconv(h, edge_index, edge_attr, nn2_w1, nn2_b1, nn2_w2, nn2_b2, lin2, bias2, H, H)
    h = jnp.maximum(h, 0.0)
    logits = h @ cls_w + cls_b
    return jax.nn.log_softmax(logits, axis=1)

if __name__ == "__main__":
    import jax
    _d = setup_inputs()
    print(jax.jit(kernel)(*tuple(_d.values())))

</pallas_src>

<mosaic_0001>
#map = affine_map<(d0, d1) -> (0, 0)>
#map1 = affine_map<(d0, d1) -> (0, 0, 0, 0)>
#map2 = affine_map<(d0, d1) -> (0, 0, 0)>
module attributes {stable_mosaic.version = 14 : i64} {
  func.func @sc_kernel(%arg0: i32, %arg1: i32, %arg2: memref<10000x256xf32, #tpu.memory_space<hbm>>, %arg3: memref<10000x16xf32, #tpu.memory_space<hbm>>, %arg4: memref<32x50x100x16xf32, #tpu.memory_space<hbm>>, %arg5: memref<16x16xf32, #tpu.memory_space<hbm>>, %arg6: memref<1x16xf32, #tpu.memory_space<hbm>>, %arg7: memref<32x50x100xi32, #tpu.memory_space<hbm>>, %arg8: memref<32x50x100xi32, #tpu.memory_space<hbm>>, %arg9: memref<2x16x640x16xf32, #tpu.memory_space<hbm>>, %arg10: memref<50x100xi32, #tpu.memory_space<vmem>>, %arg11: memref<50x100xi32, #tpu.memory_space<vmem>>, %arg12: memref<16x16xf32, #tpu.memory_space<vmem>>, %arg13: memref<1x16xf32, #tpu.memory_space<vmem>>, %arg14: memref<2x100x16xf32, #tpu.memory_space<vmem>>, %arg15: memref<2x100x256xf32, #tpu.memory_space<vmem>>, %arg16: memref<2x100x16xf32, #tpu.memory_space<vmem>>, %arg17: memref<2x100x16xf32, #tpu.memory_space<vmem>>, %arg18: memref<64x16xf32, #tpu.memory_space<vmem>>, %arg19: memref<10240x16xf32, #tpu.memory_space<vmem_shared>>, %arg20: memref<!tpu.dma_semaphore, #tpu.memory_space<semaphore_mem>>, %arg21: memref<!tpu.dma_semaphore, #tpu.memory_space<semaphore_mem>>, %arg22: memref<!tpu.dma_semaphore, #tpu.memory_space<semaphore_mem>>, %arg23: memref<!tpu.dma_semaphore, #tpu.memory_space<semaphore_mem>>, %arg24: memref<!tpu.dma_semaphore, #tpu.memory_space<semaphore_mem>>, %arg25: memref<!tpu.dma_semaphore, #tpu.memory_space<semaphore_mem>>) attributes {dimension_semantics = [#tpu.dimension_semantics<core_parallel>, #tpu.dimension_semantics<subcore_parallel>], iteration_bounds = array<i64: 2, 16>, scalar_prefetch = 0 : i64, scratch_operands = 16 : i64, tpu.core_type = #tpu.core_type<sc_vector_subcore>, window_params = [{transform_indices = #map}, {transform_indices = #map}, {transform_indices = #map1}, {transform_indices = #map}, {transform_indices = #map}, {transform_indices = #map2}, {transform_indices = #map2}, {transform_indices = #map1}]} {
    %mul3A = arith.constant 2 : i32
    %mul3A_0 = arith.muli %arg1, %mul3A : i32
    %add3A = arith.addi %mul3A_0, %arg0 : i32
    "tpu.region"() ({
      %run_scoped3A = tpu.sem_alloc : memref<!tpu.dma_semaphore, #tpu.memory_space<semaphore_mem>>
      %dma_start3A_188 = arith.constant 0 : i32
      %dma_start3A_189 = arith.constant 0 : i32
      %dma_start3A_190 = tpu.memref_slice %arg7[%add3A, %dma_start3A_188, %dma_start3A_189] : memref<32x50x100xi32, #tpu.memory_space<hbm>> -> memref<1x50x100xi32, #tpu.memory_space<hbm>>
      %dma_start3A_191 = tpu.memref_squeeze %dma_start3A_190 : memref<1x50x100xi32, #tpu.memory_space<hbm>> -> memref<50x100xi32, #tpu.memory_space<hbm>>
      %dma_start3A_192 = arith.constant 0 : i32
      %dma_start3A_193 = arith.constant 0 : i32
      %dma_start3A_194 = tpu.memref_slice %arg7[%add3A, %dma_start3A_192, %dma_start3A_193] : memref<32x50x100xi32, #tpu.memory_space<hbm>> -> memref<1x50x100xi32, #tpu.memory_space<hbm>>
      %dma_start3A_195 = tpu.memref_squeeze %dma_start3A_194 : memref<1x50x100xi32, #tpu.memory_space<hbm>> -> memref<50x100xi32, #tpu.memory_space<hbm>>
      tpu.enqueue_dma source(%dma_start3A_195 : memref<50x100xi32, #tpu.memory_space<hbm>>) target(%arg10 : memref<50x100xi32, #tpu.memory_space<vmem>>) target_semaphore(%run_scoped3A : memref<!tpu.dma_semaphore, #tpu.memory_space<semaphore_mem>>)
      %dma_wait3A = arith.constant 0 : i32
      %dma_wait3A_196 = arith.constant 0 : i32
      %dma_wait3A_197 = tpu.memref_slice %arg7[%add3A, %dma_wait3A, %dma_wait3A_196] : memref<32x50x100xi32, #tpu.memory_space<hbm>> -> memref<1x50x100xi32, #tpu.memory_space<hbm>>
      %dma_wait3A_198 = tpu.memref_squeeze %dma_wait3A_197 : memref<1x50x100xi32, #tpu.memory_space<hbm>> -> memref<50x100xi32, #tpu.memory_space<hbm>>
      %dma_wait3A_199 = arith.constant 0 : i32
      %dma_wait3A_200 = arith.constant 0 : i32
      %dma_wait3A_201 = tpu.memref_slice %arg7[%add3A, %dma_wait3A_199, %dma_wait3A_200] : memref<32x50x100xi32, #tpu.memory_space<hbm>> -> memref<1x50x100xi32, #tpu.memory_space<hbm>>
      %dma_wait3A_202 = tpu.memref_squeeze %dma_wait3A_201 : memref<1x50x100xi32, #tpu.memory_space<hbm>> -> memref<50x100xi32, #tpu.memory_space<hbm>>
      tpu.wait_dma2 semaphore(%run_scoped3A : memref<!tpu.dma_semaphore, #tpu.memory_space<semaphore_mem>>) src(%dma_wait3A_202 : memref<50x100xi32, #tpu.memory_space<hbm>>) dst(%arg10 : memref<50x100xi32, #tpu.memory_space<vmem>>)
      tpu.yield
    }) : () -> ()
    "tpu.region"() ({
      %run_scoped3A = tpu.sem_alloc : memref<!tpu.dma_semaphore, #tpu.memory_space<semaphore_mem>>
      %dma_start3A_188 = arith.constant 0 : i32
      %dma_start3A_189 = arith.constant 0 : i32
      %dma_start3A_190 = tpu.memref_slice %arg8[%add3A, %dma_start3A_188, %dma_start3A_189] : memref<32x50x100xi32, #tpu.memory_space<hbm>> -> memref<1x50x100xi32, #tpu.memory_space<hbm>>
      %dma_start3A_191 = tpu.memref_squeeze %dma_start3A_190 : memref<1x50x100xi32, #tpu.memory_space<hbm>> -> memref<50x100xi32, #tpu.memory_space<hbm>>
      %dma_start3A_192 = arith.constant 0 : i32
      %dma_start3A_193 = arith.constant 0 : i32
      %dma_start3A_194 = tpu.memref_slice %arg8[%add3A, %dma_start3A_192, %dma_start3A_193] : memref<32x50x100xi32, #tpu.memory_space<hbm>> -> memref<1x50x100xi32, #tpu.memory_space<hbm>>
      %dma_start3A_195 = tpu.memref_squeeze %dma_start3A_194 : memref<1x50x100xi32, #tpu.memory_space<hbm>> -> memref<50x100xi32, #tpu.memory_space<hbm>>
      tpu.enqueue_dma source(%dma_start3A_195 : memref<50x100xi32, #tpu.memory_space<hbm>>) target(%arg11 : memref<50x100xi32, #tpu.memory_space<vmem>>) target_semaphore(%run_scoped3A : memref<!tpu.dma_semaphore, #tpu.memory_space<semaphore_mem>>)
      %dma_wait3A = arith.constant 0 : i32
      %dma_wait3A_196 = arith.constant 0 : i32
      %dma_wait3A_197 = tpu.memref_slice %arg8[%add3A, %dma_wait3A, %dma_wait3A_196] : memref<32x50x100xi32, #tpu.memory_space<hbm>> -> memref<1x50x100xi32, #tpu.memory_space<hbm>>
      %dma_wait3A_198 = tpu.memref_squeeze %dma_wait3A_197 : memref<1x50x100xi32, #tpu.memory_space<hbm>> -> memref<50x100xi32, #tpu.memory_space<hbm>>
      %dma_wait3A_199 = arith.constant 0 : i32
      %dma_wait3A_200 = arith.constant 0 : i32
      %dma_wait3A_201 = tpu.memref_slice %arg8[%add3A, %dma_wait3A_199, %dma_wait3A_200] : memref<32x50x100xi32, #tpu.memory_space<hbm>> -> memref<1x50x100xi32, #tpu.memory_space<hbm>>
      %dma_wait3A_202 = tpu.memref_squeeze %dma_wait3A_201 : memref<1x50x100xi32, #tpu.memory_space<hbm>> -> memref<50x100xi32, #tpu.memory_space<hbm>>
      tpu.wait_dma2 semaphore(%run_scoped3A : memref<!tpu.dma_semaphore, #tpu.memory_space<semaphore_mem>>) src(%dma_wait3A_202 : memref<50x100xi32, #tpu.memory_space<hbm>>) dst(%arg11 : memref<50x100xi32, #tpu.memory_space<vmem>>)
      tpu.yield
    }) : () -> ()
    "tpu.region"() ({
      %run_scoped3A = tpu.sem_alloc : memref<!tpu.dma_semaphore, #tpu.memory_space<semaphore_mem>>
      tpu.enqueue_dma source(%arg5 : memref<16x16xf32, #tpu.memory_space<hbm>>) target(%arg12 : memref<16x16xf32, #tpu.memory_space<vmem>>) target_semaphore(%run_scoped3A : memref<!tpu.dma_semaphore, #tpu.memory_space<semaphore_mem>>)
      tpu.wait_dma2 semaphore(%run_scoped3A : memref<!tpu.dma_semaphore, #tpu.memory_space<semaphore_mem>>) src(%arg5 : memref<16x16xf32, #tpu.memory_space<hbm>>) dst(%arg12 : memref<16x16xf32, #tpu.memory_space<vmem>>)
      tpu.yield
    }) : () -> ()
    "tpu.region"() ({
      %run_scoped3A = tpu.sem_alloc : memref<!tpu.dma_semaphore, #tpu.memory_space<semaphore_mem>>
      tpu.enqueue_dma source(%arg6 : memref<1x16xf32, #tpu.memory_space<hbm>>) target(%arg13 : memref<1x16xf32, #tpu.memory_space<vmem>>) target_semaphore(%run_scoped3A : memref<!tpu.dma_semaphore, #tpu.memory_space<semaphore_mem>>)
      tpu.wait_dma2 semaphore(%run_scoped3A : memref<!tpu.dma_semaphore, #tpu.memory_space<semaphore_mem>>) src(%arg6 : memref<1x16xf32, #tpu.memory_space<hbm>>) dst(%arg13 : memref<1x16xf32, #tpu.memory_space<vmem>>)
      tpu.yield
    }) : () -> ()
    %get3A = arith.constant 0 : i32
    %get3A_1 = arith.index_cast %get3A : i32 to index
    %get3A_2 = arith.constant 0 : index
    %get3A_3 = tpu.vector_load %arg12[%get3A_1, %get3A_2] {strides = array<i32>} : memref<16x16xf32, #tpu.memory_space<vmem>>, vector<1x16xf32>,
    %get3A_4 = vector.shape_cast %get3A_3 : vector<1x16xf32> to vector<16xf32>
    %get3A_5 = arith.constant 1 : i32
    %get3A_6 = arith.index_cast %get3A_5 : i32 to index
    %get3A_7 = arith.constant 0 : index
    %get3A_8 = tpu.vector_load %arg12[%get3A_6, %get3A_7] {strides = array<i32>} : memref<16x16xf32, #tpu.memory_space<vmem>>, vector<1x16xf32>,
    %get3A_9 = vector.shape_cast %get3A_8 : vector<1x16xf32> to vector<16xf32>
    %get3A_10 = arith.constant 2 : i32
    %get3A_11 = arith.index_cast %get3A_10 : i32 to index
    %get3A_12 = arith.constant 0 : index
    %get3A_13 = tpu.vector_load %arg12[%get3A_11, %get3A_12] {strides = array<i32>} : memref<16x16xf32, #tpu.memory_space<vmem>>, vector<1x16xf32>,
    %get3A_14 = vector.shape_cast %get3A_13 : vector<1x16xf32> to vector<16xf32>
    %get3A_15 = arith.constant 3 : i32
    %get3A_16 = arith.index_cast %get3A_15 : i32 to index
    %get3A_17 = arith.constant 0 : index
    %get3A_18 = tpu.vector_load %arg12[%get3A_16, %get3A_17] {strides = array<i32>} : memref<16x16xf32, #tpu.memory_space<vmem>>, vector<1x16xf32>,
    %get3A_19 = vector.shape_cast %get3A_18 : vector<1x16xf32> to vector<16xf32>
    %get3A_20 = arith.constant 4 : i32
    %get3A_21 = arith.index_cast %get3A_20 : i32 to index
    %get3A_22 = arith.constant 0 : index
    %get3A_23 = tpu.vector_load %arg12[%get3A_21, %get3A_22] {strides = array<i32>} : memref<16x16xf32, #tpu.memory_space<vmem>>, vector<1x16xf32>,
    %get3A_24 = vector.shape_cast %get3A_23 : vector<1x16xf32> to vector<16xf32>
    %get3A_25 = arith.constant 5 : i32
    %get3A_26 = arith.index_cast %get3A_25 : i32 to index
    %get3A_27 = arith.constant 0 : index
    %get3A_28 = tpu.vector_load %arg12[%get3A_26, %get3A_27] {strides = array<i32>} : memref<16x16xf32, #tpu.memory_space<vmem>>, vector<1x16xf32>,
    %get3A_29 = vector.shape_cast %get3A_28 : vector<1x16xf32> to vector<16xf32>
    %get3A_30 = arith.constant 6 : i32
    %get3A_31 = arith.index_cast %get3A_30 : i32 to index
    %get3A_32 = arith.constant 0 : index
    %get3A_33 = tpu.vector_load %arg12[%get3A_31, %get3A_32] {strides = array<i32>} : memref<16x16xf32, #tpu.memory_space<vmem>>, vector<1x16xf32>,
    %get3A_34 = vector.shape_cast %get3A_33 : vector<1x16xf32> to vector<16xf32>
    %get3A_35 = arith.constant 7 : i32
    %get3A_36 = arith.index_cast %get3A_35 : i32 to index
    %get3A_37 = arith.constant 0 : index
    %get3A_38 = tpu.vector_load %arg12[%get3A_36, %get3A_37] {strides = array<i32>} : memref<16x16xf32, #tpu.memory_space<vmem>>, vector<1x16xf32>,
    %get3A_39 = vector.shape_cast %get3A_38 : vector<1x16xf32> to vector<16xf32>
    %get3A_40 = arith.constant 8 : i32
    %get3A_41 = arith.index_cast %get3A_40 : i32 to index
    %get3A_42 = arith.constant 0 : index
    %get3A_43 = tpu.vector_load %arg12[%get3A_41, %get3A_42] {strides = array<i32>} : memref<16x16xf32, #tpu.memory_space<vmem>>, vector<1x16xf32>,
    %get3A_44 = vector.shape_cast %get3A_43 : vector<1x16xf32> to vector<16xf32>
    %get3A_45 = arith.constant 9 : i32
    %get3A_46 = arith.index_cast %get3A_45 : i32 to index
    %get3A_47 = arith.constant 0 : index
    %get3A_48 = tpu.vector_load %arg12[%get3A_46, %get3A_47] {strides = array<i32>} : memref<16x16xf32, #tpu.memory_space<vmem>>, vector<1x16xf32>,
    %get3A_49 = vector.shape_cast %get3A_48 : vector<1x16xf32> to vector<16xf32>
    %get3A_50 = arith.constant 10 : i32
    %get3A_51 = arith.index_cast %get3A_50 : i32 to index
    %get3A_52 = arith.constant 0 : index
    %get3A_53 = tpu.vector_load %arg12[%get3A_51, %get3A_52] {strides = array<i32>} : memref<16x16xf32, #tpu.memory_space<vmem>>, vector<1x16xf32>,
    %get3A_54 = vector.shape_cast %get3A_53 : vector<1x16xf32> to vector<16xf32>
    %get3A_55 = arith.constant 11 : i32
    %get3A_56 = arith.index_cast %get3A_55 : i32 to index
    %get3A_57 = arith.constant 0 : index
    %get3A_58 = tpu.vector_load %arg12[%get3A_56, %get3A_57] {strides = array<i32>} : memref<16x16xf32, #tpu.memory_space<vmem>>, vector<1x16xf32>,
    %get3A_59 = vector.shape_cast %get3A_58 : vector<1x16xf32> to vector<16xf32>
    %get3A_60 = arith.constant 12 : i32
    %get3A_61 = arith.index_cast %get3A_60 : i32 to index
    %get3A_62 = arith.constant 0 : index
    %get3A_63 = tpu.vector_load %arg12[%get3A_61, %get3A_62] {strides = array<i32>} : memref<16x16xf32, #tpu.memory_space<vmem>>, vector<1x16xf32>,
    %get3A_64 = vector.shape_cast %get3A_63 : vector<1x16xf32> to vector<16xf32>
    %get3A_65 = arith.constant 13 : i32
    %get3A_66 = arith.index_cast %get3A_65 : i32 to index
    %get3A_67 = arith.constant 0 : index
    %get3A_68 = tpu.vector_load %arg12[%get3A_66, %get3A_67] {strides = array<i32>} : memref<16x16xf32, #tpu.memory_space<vmem>>, vector<1x16xf32>,
    %get3A_69 = vector.shape_cast %get3A_68 : vector<1x16xf32> to vector<16xf32>
    %get3A_70 = arith.constant 14 : i32
    %get3A_71 = arith.index_cast %get3A_70 : i32 to index
    %get3A_72 = arith.constant 0 : index
    %get3A_73 = tpu.vector_load %arg12[%get3A_71, %get3A_72] {strides = array<i32>} : memref<16x16xf32, #tpu.memory_space<vmem>>, vector<1x16xf32>,
    %get3A_74 = vector.shape_cast %get3A_73 : vector<1x16xf32> to vector<16xf32>
    %get3A_75 = arith.constant 15 : i32
    %get3A_76 = arith.index_cast %get3A_75 : i32 to index
    %get3A_77 = arith.constant 0 : index
    %get3A_78 = tpu.vector_load %arg12[%get3A_76, %get3A_77] {strides = array<i32>} : memref<16x16xf32, #tpu.memory_space<vmem>>, vector<1x16xf32>,
    %get3A_79 = vector.shape_cast %get3A_78 : vector<1x16xf32> to vector<16xf32>
    %get3A_80 = arith.constant 0 : i32
    %get3A_81 = arith.index_cast %get3A_80 : i32 to index
    %get3A_82 = arith.constant 0 : index
    %get3A_83 = tpu.vector_load %arg13[%get3A_81, %get3A_82] {strides = array<i32>} : memref<1x16xf32, #tpu.memory_space<vmem>>, vector<1x16xf32>,
    %get3A_84 = vector.shape_cast %get3A_83 : vector<1x16xf32> to vector<16xf32>
    %scan3A = arith.constant 0 : i32
    %scan3A_85 = arith.constant 0 : i32
    %scan3A_86 = arith.constant 64 : i32
    %scan3A_87 = arith.addi %scan3A_85, %scan3A_86 : i32
    %scan3A_88 = arith.constant 1 : i32
    scf.for %scan3A_188 = %scan3A_85 to %scan3A_87 step %scan3A_88  : i32 {
      %broadcast_in_dim3A = arith.constant 0.000000e+00 : f32
      %broadcast_in_dim3A_189 = vector.broadcast %broadcast_in_dim3A : f32 to vector<16xf32>
      %swap3A = arith.index_cast %scan3A_188 : i32 to index
      %swap3A_190 = arith.constant 0 : index
      %swap3A_191 = tpu.vector_load %arg18[%swap3A, %swap3A_190] {strides = array<i32>} : memref<64x16xf32, #tpu.memory_space<vmem>>, vector<1x16xf32>,
      %swap3A_192 = vector.shape_cast %swap3A_191 : vector<1x16xf32> to vector<16xf32>
      %swap3A_193 = vector.shape_cast %broadcast_in_dim3A_189 : vector<16xf32> to vector<1x16xf32>
      tpu.vector_store %arg18[%swap3A, %swap3A_190], %swap3A_193 {strides = array<i32>} : memref<64x16xf32, #tpu.memory_space<vmem>>, vector<1x16xf32>,
    }
    %scan3A_89 = arith.constant 64 : i32
    %scan3A_90 = arith.constant 0 : i32
    %scan3A_91 = arith.constant 0 : i32
    %scan3A_92 = arith.constant 10 : i32
    %scan3A_93 = arith.addi %scan3A_91, %scan3A_92 : i32
    %scan3A_94 = arith.constant 1 : i32
    scf.for %scan3A_188 = %scan3A_91 to %scan3A_93 step %scan3A_94  : i32 {
      %mul3A_189 = arith.constant 640 : i32
      %mul3A_190 = arith.muli %arg1, %mul3A_189 : i32
      %mul3A_191 = arith.constant 64 : i32
      %mul3A_192 = arith.muli %scan3A_188, %mul3A_191 : i32
      %add3A_193 = arith.addi %mul3A_190, %mul3A_192 : i32
      "tpu.region"() ({
        %run_scoped3A = tpu.sem_alloc : memref<!tpu.dma_semaphore, #tpu.memory_space<semaphore_mem>>
        %dma_start3A_194 = arith.constant 0 : i32
        %dma_start3A_195 = tpu.memref_slice %arg19[%add3A_193, %dma_start3A_194] : memref<10240x16xf32, #tpu.memory_space<vmem_shared>> -> memref<64x16xf32, #tpu.memory_space<vmem_shared>>
        %dma_start3A_196 = arith.constant 0 : i32
        %dma_start3A_197 = tpu.memref_slice %arg19[%add3A_193, %dma_start3A_196] : memref<10240x16xf32, #tpu.memory_space<vmem_shared>> -> memref<64x16xf32, #tpu.memory_space<vmem_shared>>
        tpu.enqueue_dma source(%arg18 : memref<64x16xf32, #tpu.memory_space<vmem>>) target(%dma_start3A_197 : memref<64x16xf32, #tpu.memory_space<vmem_shared>>) target_semaphore(%run_scoped3A : memref<!tpu.dma_semaphore, #tpu.memory_space<semaphore_mem>>)
        %dma_wait3A = arith.constant 0 : i32
        %dma_wait3A_198 = tpu.memref_slice %arg19[%add3A_193, %dma_wait3A] : memref<10240x16xf32, #tpu.memory_space<vmem_shared>> -> memref<64x16xf32, #tpu.memory_space<vmem_shared>>
        %dma_wait3A_199 = arith.constant 0 : i32
        %dma_wait3A_200 = tpu.memref_slice %arg19[%add3A_193, %dma_wait3A_199] : memref<10240x16xf32, #tpu.memory_space<vmem_shared>> -> memref<64x16xf32, #tpu.memory_space<vmem_shared>>
        tpu.wait_dma2 semaphore(%run_scoped3A : memref<!tpu.dma_semaphore, #tpu.memory_space<semaphore_mem>>) src(%arg18 : memref<64x16xf32, #tpu.memory_space<vmem>>) dst(%dma_wait3A_200 : memref<64x16xf32, #tpu.memory_space<vmem_shared>>)
        tpu.yield
      }) : () -> ()
    }
    %scan3A_95 = arith.constant 10 : i32
    %barrier3A = arith.constant 0 : index
    tpu.barrier barrier_id(%barrier3A)
    %dma_start3A = arith.constant 0 : i32
    %dma_start3A_96 = arith.constant 0 : i32
    %dma_start3A_97 = arith.constant 0 : i32
    %dma_start3A_98 = arith.constant 0 : i32
    %dma_start3A_99 = tpu.memref_slice %arg15[%dma_start3A_96, %dma_start3A_97, %dma_start3A_98] : memref<2x100x256xf32, #tpu.memory_space<vmem>> -> memref<1x100x256xf32, #tpu.memory_space<vmem>>
    %dma_start3A_100 = tpu.memref_squeeze %dma_start3A_99 : memref<1x100x256xf32, #tpu.memory_space<vmem>> -> memref<100x256xf32, #tpu.memory_space<vmem>>
    %dma_start3A_101 = arith.constant 0 : i32
    %dma_start3A_102 = tpu.memref_slice %arg10[%dma_start3A, %dma_start3A_101] : memref<50x100xi32, #tpu.memory_space<vmem>> -> memref<1x100xi32, #tpu.memory_space<vmem>>
    %dma_start3A_103 = tpu.memref_squeeze %dma_start3A_102 : memref<1x100xi32, #tpu.memory_space<vmem>> -> memref<100xi32, #tpu.memory_space<vmem>>
    %dma_start3A_104 = arith.constant 0 : i32
    %dma_start3A_105 = arith.constant 0 : i32
    %dma_start3A_106 = tpu.memref_slice %arg2[%dma_start3A_104, %dma_start3A_105] : memref<10000x256xf32, #tpu.memory_space<hbm>> -> memref<10000x256xf32, #tpu.memory_space<hbm>>
    tpu.enqueue_indirect_dma source(%dma_start3A_106 : memref<10000x256xf32, #tpu.memory_space<hbm>>) target(%dma_start3A_100 : memref<100x256xf32, #tpu.memory_space<vmem>>) offsets(%dma_start3A_103 : memref<100xi32, #tpu.memory_space<vmem>>) semaphore(%arg20 : memref<!tpu.dma_semaphore, #tpu.memory_space<semaphore_mem>>)
    %dma_start3A_107 = arith.constant 0 : i32
    %dma_start3A_108 = arith.constant 0 : i32
    %dma_start3A_109 = arith.constant 0 : i32
    %dma_start3A_110 = arith.constant 0 : i32
    %dma_start3A_111 = tpu.memref_slice %arg16[%dma_start3A_108, %dma_start3A_109, %dma_start3A_110] : memref<2x100x16xf32, #tpu.memory_space<vmem>> -> memref<1x100x16xf32, #tpu.memory_space<vmem>>
    %dma_start3A_112 = tpu.memref_squeeze %dma_start3A_111 : memref<1x100x16xf32, #tpu.memory_space<vmem>> -> memref<100x16xf32, #tpu.memory_space<vmem>>
    %dma_start3A_113 = arith.constant 0 : i32
    %dma_start3A_114 = tpu.memref_slice %arg10[%dma_start3A_107, %dma_start3A_113] : memref<50x100xi32, #tpu.memory_space<vmem>> -> memref<1x100xi32, #tpu.memory_space<vmem>>
    %dma_start3A_115 = tpu.memref_squeeze %dma_start3A_114 : memref<1x100xi32, #tpu.memory_space<vmem>> -> memref<100xi32, #tpu.memory_space<vmem>>
    %dma_start3A_116 = arith.constant 0 : i32
    %dma_start3A_117 = arith.constant 0 : i32
    %dma_start3A_118 = tpu.memref_slice %arg3[%dma_start3A_116, %dma_start3A_117] : memref<10000x16xf32, #tpu.memory_space<hbm>> -> memref<10000x16xf32, #tpu.memory_space<hbm>>
    tpu.enqueue_indirect_dma source(%dma_start3A_118 : memref<10000x16xf32, #tpu.memory_space<hbm>>) target(%dma_start3A_112 : memref<100x16xf32, #tpu.memory_space<vmem>>) offsets(%dma_start3A_115 : memref<100xi32, #tpu.memory_space<vmem>>) semaphore(%arg22 : memref<!tpu.dma_semaphore, #tpu.memory_space<semaphore_mem>>)
    %dma_start3A_119 = arith.constant 0 : i32
    %dma_start3A_120 = arith.constant 0 : i32
    %dma_start3A_121 = arith.constant 0 : i32
    %dma_start3A_122 = arith.constant 0 : i32
    %dma_start3A_123 = tpu.memref_slice %arg14[%dma_start3A_120, %dma_start3A_121, %dma_start3A_122] : memref<2x100x16xf32, #tpu.memory_space<vmem>> -> memref<1x100x16xf32, #tpu.memory_space<vmem>>
    %dma_start3A_124 = tpu.memref_squeeze %dma_start3A_123 : memref<1x100x16xf32, #tpu.memory_space<vmem>> -> memref<100x16xf32, #tpu.memory_space<vmem>>
    %dma_start3A_125 = arith.constant 0 : i32
    %dma_start3A_126 = arith.constant 0 : i32
    %dma_start3A_127 = tpu.memref_slice %arg4[%add3A, %dma_start3A_119, %dma_start3A_125, %dma_start3A_126] : memref<32x50x100x16xf32, #tpu.memory_space<hbm>> -> memref<1x1x100x16xf32, #tpu.memory_space<hbm>>
    %dma_start3A_128 = tpu.memref_squeeze %dma_start3A_127 : memref<1x1x100x16xf32, #tpu.memory_space<hbm>> -> memref<100x16xf32, #tpu.memory_space<hbm>>
    %dma_start3A_129 = arith.constant 0 : i32
    %dma_start3A_130 = arith.constant 0 : i32
    %dma_start3A_131 = tpu.memref_slice %arg14[%dma_start3A_120, %dma_start3A_129, %dma_start3A_130] : memref<2x100x16xf32, #tpu.memory_space<vmem>> -> memref<1x100x16xf32, #tpu.memory_space<vmem>>
    %dma_start3A_132 = tpu.memref_squeeze %dma_start3A_131 : memref<1x100x16xf32, #tpu.memory_space<vmem>> -> memref<100x16xf32, #tpu.memory_space<vmem>>
    %dma_start3A_133 = arith.constant 0 : i32
    %dma_start3A_134 = arith.constant 0 : i32
    %dma_start3A_135 = tpu.memref_slice %arg4[%add3A, %dma_start3A_119, %dma_start3A_133, %dma_start3A_134] : memref<32x50x100x16xf32, #tpu.memory_space<hbm>> -> memref<1x1x100x16xf32, #tpu.memory_space<hbm>>
    %dma_start3A_136 = tpu.memref_squeeze %dma_start3A_135 : memref<1x1x100x16xf32, #tpu.memory_space<hbm>> -> memref<100x16xf32, #tpu.memory_space<hbm>>
    tpu.enqueue_dma source(%dma_start3A_136 : memref<100x16xf32, #tpu.memory_space<hbm>>) target(%dma_start3A_132 : memref<100x16xf32, #tpu.memory_space<vmem>>) target_semaphore(%arg24 : memref<!tpu.dma_semaphore, #tpu.memory_space<semaphore_mem>>)
    %dma_start3A_137 = arith.constant 1 : i32
    %dma_start3A_138 = arith.constant 1 : i32
    %dma_start3A_139 = arith.constant 0 : i32
    %dma_start3A_140 = arith.constant 0 : i32
    %dma_start3A_141 = tpu.memref_slice %arg15[%dma_start3A_138, %dma_start3A_139, %dma_start3A_140] : memref<2x100x256xf32, #tpu.memory_space<vmem>> -> memref<1x100x256xf32, #tpu.memory_space<vmem>>
    %dma_start3A_142 = tpu.memref_squeeze %dma_start3A_141 : memref<1x100x256xf32, #tpu.memory_space<vmem>> -> memref<100x256xf32, #tpu.memory_space<vmem>>
    %dma_start3A_143 = arith.constant 0 : i32
    %dma_start3A_144 = tpu.memref_slice %arg10[%dma_start3A_137, %dma_start3A_143] : memref<50x100xi32, #tpu.memory_space<vmem>> -> memref<1x100xi32, #tpu.memory_space<vmem>>
    %dma_start3A_145 = tpu.memref_squeeze %dma_start3A_144 : memref<1x100xi32, #tpu.memory_space<vmem>> -> memref<100xi32, #tpu.memory_space<vmem>>
    %dma_start3A_146 = arith.constant 0 : i32
    %dma_start3A_147 = arith.constant 0 : i32
    %dma_start3A_148 = tpu.memref_slice %arg2[%dma_start3A_146, %dma_start3A_147] : memref<10000x256xf32, #tpu.memory_space<hbm>> -> memref<10000x256xf32, #tpu.memory_space<hbm>>
    tpu.enqueue_indirect_dma source(%dma_start3A_148 : memref<10000x256xf32, #tpu.memory_space<hbm>>) target(%dma_start3A_142 : memref<100x256xf32, #tpu.memory_space<vmem>>) offsets(%dma_start3A_145 : memref<100xi32, #tpu.memory_space<vmem>>) semaphore(%arg21 : memref<!tpu.dma_semaphore, #tpu.memory_space<semaphore_mem>>)
    %dma_start3A_149 = arith.constant 1 : i32
    %dma_start3A_150 = arith.constant 1 : i32
    %dma_start3A_151 = arith.constant 0 : i32
    %dma_start3A_152 = arith.constant 0 : i32
    %dma_start3A_153 = tpu.memref_slice %arg16[%dma_start3A_150, %dma_start3A_151, %dma_start3A_152] : memref<2x100x16xf32, #tpu.memory_space<vmem>> -> memref<1x100x16xf32, #tpu.memory_space<vmem>>
    %dma_start3A_154 = tpu.memref_squeeze %dma_start3A_153 : memref<1x100x16xf32, #tpu.memory_space<vmem>> -> memref<100x16xf32, #tpu.memory_space<vmem>>
    %dma_start3A_155 = arith.constant 0 : i32
    %dma_start3A_156 = tpu.memref_slice %arg10[%dma_start3A_149, %dma_start3A_155] : memref<50x100xi32, #tpu.memory_space<vmem>> -> memref<1x100xi32, #tpu.memory_space<vmem>>
    %dma_start3A_157 = tpu.memref_squeeze %dma_start3A_156 : memref<1x100xi32, #tpu.memory_space<vmem>> -> memref<100xi32, #tpu.memory_space<vmem>>
    %dma_start3A_158 = arith.constant 0 : i32
    %dma_start3A_159 = arith.constant 0 : i32
    %dma_start3A_160 = tpu.memref_slice %arg3[%dma_start3A_158, %dma_start3A_159] : memref<10000x16xf32, #tpu.memory_space<hbm>> -> memref<10000x16xf32, #tpu.memory_space<hbm>>
    tpu.enqueue_indirect_dma source(%dma_start3A_160 : memref<10000x16xf32, #tpu.memory_space<hbm>>) target(%dma_start3A_154 : memref<100x16xf32, #tpu.memory_space<vmem>>) offsets(%dma_start3A_157 : memref<100xi32, #tpu.memory_space<vmem>>) semaphore(%arg23 : memref<!tpu.dma_semaphore, #tpu.memory_space<semaphore_mem>>)
    %dma_start3A_161 = arith.constant 1 : i32
    %dma_start3A_162 = arith.constant 1 : i32
    %dma_start3A_163 = arith.constant 0 : i32
    %dma_start3A_164 = arith.constant 0 : i32
    %dma_start3A_165 = tpu.memref_slice %arg14[%dma_start3A_162, %dma_start3A_163, %dma_start3A_164] : memref<2x100x16xf32, #tpu.memory_space<vmem>> -> memref<1x100x16xf32, #tpu.memory_space<vmem>>
    %dma_start3A_166 = tpu.memref_squeeze %dma_start3A_165 : memref<1x100x16xf32, #tpu.memory_space<vmem>> -> memref<100x16xf32, #tpu.memory_space<vmem>>
    %dma_start3A_167 = arith.constant 0 : i32
    %dma_start3A_168 = arith.constant 0 : i32
    %dma_start3A_169 = tpu.memref_slice %arg4[%add3A, %dma_start3A_161, %dma_start3A_167, %dma_start3A_168] : memref<32x50x100x16xf32, #tpu.memory_space<hbm>> -> memref<1x1x100x16xf32, #tpu.memory_space<hbm>>
    %dma_start3A_170 = tpu.memref_squeeze %dma_start3A_169 : memref<1x1x100x16xf32, #tpu.memory_space<hbm>> -> memref<100x16xf32, #tpu.memory_space<hbm>>
    %dma_start3A_171 = arith.constant 0 : i32
    %dma_start3A_172 = arith.constant 0 : i32
    %dma_start3A_173 = tpu.memref_slice %arg14[%dma_start3A_162, %dma_start3A_171, %dma_start3A_172] : memref<2x100x16xf32, #tpu.memory_space<vmem>> -> memref<1x100x16xf32, #tpu.memory_space<vmem>>
    %dma_start3A_174 = tpu.memref_squeeze %dma_start3A_173 : memref<1x100x16xf32, #tpu.memory_space<vmem>> -> memref<100x16xf32, #tpu.memory_space<vmem>>
    %dma_start3A_175 = arith.constant 0 : i32
    %dma_start3A_176 = arith.constant 0 : i32
    %dma_start3A_177 = tpu.memref_slice %arg4[%add3A, %dma_start3A_161, %dma_start3A_175, %dma_start3A_176] : memref<32x50x100x16xf32, #tpu.memory_space<hbm>> -> memref<1x1x100x16xf32, #tpu.memory_space<hbm>>
    %dma_start3A_178 = tpu.memref_squeeze %dma_start3A_177 : memref<1x1x100x16xf32, #tpu.memory_space<hbm>> -> memref<100x16xf32, #tpu.memory_space<hbm>>
    tpu.enqueue_dma source(%dma_start3A_178 : memref<100x16xf32, #tpu.memory_space<hbm>>) target(%dma_start3A_174 : memref<100x16xf32, #tpu.memory_space<vmem>>) target_semaphore(%arg25 : memref<!tpu.dma_semaphore, #tpu.memory_space<semaphore_mem>>)
    %scan3A_179 = arith.constant 0 : i32
    %scan3A_180 = arith.constant 0 : i32
    %scan3A_181 = arith.constant 25 : i32
    %scan3A_182 = arith.addi %scan3A_180, %scan3A_181 : i32
    %scan3A_183 = arith.constant 1 : i32
    scf.for %scan3A_188 = %scan3A_180 to %scan3A_182 step %scan3A_183  : i32 {
      %mul3A_189 = arith.constant 2 : i32
      %mul3A_190 = arith.muli %scan3A_188, %mul3A_189 : i32
      %add3A_191 = arith.constant 0 : i32
      %add3A_192 = arith.addi %mul3A_190, %add3A_191 : i32
      %dma_wait3A = arith.constant 0 : i32
      %dma_wait3A_193 = arith.constant 0 : i32
      %dma_wait3A_194 = arith.constant 0 : i32
      %dma_wait3A_195 = tpu.memref_slice %arg15[%dma_wait3A, %dma_wait3A_193, %dma_wait3A_194] : memref<2x100x256xf32, #tpu.memory_space<vmem>> -> memref<1x100x256xf32, #tpu.memory_space<vmem>>
      %dma_wait3A_196 = tpu.memref_squeeze %dma_wait3A_195 : memref<1x100x256xf32, #tpu.memory_space<vmem>> -> memref<100x256xf32, #tpu.memory_space<vmem>>
      %dma_wait3A_197 = arith.constant 0 : i32
      %dma_wait3A_198 = tpu.memref_slice %arg10[%add3A_192, %dma_wait3A_197] : memref<50x100xi32, #tpu.memory_space<vmem>> -> memref<1x100xi32, #tpu.memory_space<vmem>>
      %dma_wait3A_199 = tpu.memref_squeeze %dma_wait3A_198 : memref<1x100xi32, #tpu.memory_space<vmem>> -> memref<100xi32, #tpu.memory_space<vmem>>
      %dma_wait3A_200 = arith.constant 0 : i32
      %dma_wait3A_201 = arith.constant 0 : i32
      %dma_wait3A_202 = tpu.memref_slice %arg2[%dma_wait3A_200, %dma_wait3A_201] : memref<10000x256xf32, #tpu.memory_space<hbm>> -> memref<10000x256xf32, #tpu.memory_space<hbm>>
      tpu.wait_indirect_dma semaphore(%arg20 : memref<!tpu.dma_semaphore, #tpu.memory_space<semaphore_mem>>) src(%dma_wait3A_202 : memref<10000x256xf32, #tpu.memory_space<hbm>>) dst(%dma_wait3A_196 : memref<100x256xf32, #tpu.memory_space<vmem>>)
      %dma_wait3A_203 = arith.constant 0 : i32
      %dma_wait3A_204 = arith.constant 0 : i32
      %dma_wait3A_205 = arith.constant 0 : i32
      %dma_wait3A_206 = tpu.memref_slice %arg16[%dma_wait3A_203, %dma_wait3A_204, %dma_wait3A_205] : memref<2x100x16xf32, #tpu.memory_space<vmem>> -> memref<1x100x16xf32, #tpu.memory_space<vmem>>
      %dma_wait3A_207 = tpu.memref_squeeze %dma_wait3A_206 : memref<1x100x16xf32, #tpu.memory_space<vmem>> -> memref<100x16xf32, #tpu.memory_space<vmem>>
      %dma_wait3A_208 = arith.constant 0 : i32
      %dma_wait3A_209 = tpu.memref_slice %arg10[%add3A_192, %dma_wait3A_208] : memref<50x100xi32, #tpu.memory_space<vmem>> -> memref<1x100xi32, #tpu.memory_space<vmem>>
      %dma_wait3A_210 = tpu.memref_squeeze %dma_wait3A_209 : memref<1x100xi32, #tpu.memory_space<vmem>> -> memref<100xi32, #tpu.memory_space<vmem>>
      %dma_wait3A_211 = arith.constant 0 : i32
      %dma_wait3A_212 = arith.constant 0 : i32
      %dma_wait3A_213 = tpu.memref_slice %arg3[%dma_wait3A_211, %dma_wait3A_212] : memref<10000x16xf32, #tpu.memory_space<hbm>> -> memref<10000x16xf32, #tpu.memory_space<hbm>>
      tpu.wait_indirect_dma semaphore(%arg22 : memref<!tpu.dma_semaphore, #tpu.memory_space<semaphore_mem>>) src(%dma_wait3A_213 : memref<10000x16xf32, #tpu.memory_space<hbm>>) dst(%dma_wait3A_207 : memref<100x16xf32, #tpu.memory_space<vmem>>)
      %dma_wait3A_214 = arith.constant 0 : i32
      %dma_wait3A_215 = arith.constant 0 : i32
      %dma_wait3A_216 = arith.constant 0 : i32
      %dma_wait3A_217 = tpu.memref_slice %arg14[%dma_wait3A_214, %dma_wait3A_215, %dma_wait3A_216] : memref<2x100x16xf32, #tpu.memory_space<vmem>> -> memref<1x100x16xf32, #tpu.memory_space<vmem>>
      %dma_wait3A_218 = tpu.memref_squeeze %dma_wait3A_217 : memref<1x100x16xf32, #tpu.memory_space<vmem>> -> memref<100x16xf32, #tpu.memory_space<vmem>>
      %dma_wait3A_219 = arith.constant 0 : i32
      %dma_wait3A_220 = arith.constant 0 : i32
      %dma_wait3A_221 = tpu.memref_slice %arg4[%add3A, %add3A_192, %dma_wait3A_219, %dma_wait3A_220] : memref<32x50x100x16xf32, #tpu.memory_space<hbm>> -> memref<1x1x100x16xf32, #tpu.memory_space<hbm>>
      %dma_wait3A_222 = tpu.memref_squeeze %dma_wait3A_221 : memref<1x1x100x16xf32, #tpu.memory_space<hbm>> -> memref<100x16xf32, #tpu.memory_space<hbm>>
      %dma_wait3A_223 = arith.constant 0 : i32
      %dma_wait3A_224 = arith.constant 0 : i32
      %dma_wait3A_225 = tpu.memref_slice %arg14[%dma_wait3A_214, %dma_wait3A_223, %dma_wait3A_224] : memref<2x100x16xf32, #tpu.memory_space<vmem>> -> memref<1x100x16xf32, #tpu.memory_space<vmem>>
      %dma_wait3A_226 = tpu.memref_squeeze %dma_wait3A_225 : memref<1x100x16xf32, #tpu.memory_space<vmem>> -> memref<100x16xf32, #tpu.memory_space<vmem>>
      %dma_wait3A_227 = arith.constant 0 : i32
      %dma_wait3A_228 = arith.constant 0 : i32
      %dma_wait3A_229 = tpu.memref_slice %arg4[%add3A, %add3A_192, %dma_wait3A_227, %dma_wait3A_228] : memref<32x50x100x16xf32, #tpu.memory_space<hbm>> -> memref<1x1x100x16xf32, #tpu.memory_space<hbm>>
      %dma_wait3A_230 = tpu.memref_squeeze %dma_wait3A_229 : memref<1x1x100x16xf32, #tpu.memory_space<hbm>> -> memref<100x16xf32, #tpu.memory_space<hbm>>
      tpu.wait_dma2 semaphore(%arg24 : memref<!tpu.dma_semaphore, #tpu.memory_space<semaphore_mem>>) src(%dma_wait3A_230 : memref<100x16xf32, #tpu.memory_space<hbm>>) dst(%dma_wait3A_226 : memref<100x16xf32, #tpu.memory_space<vmem>>)
      %scan3A_231 = arith.constant 0 : i32
      %scan3A_232 = arith.constant 0 : i32
      %scan3A_233 = arith.constant 100 : i32
      %scan3A_234 = arith.addi %scan3A_232, %scan3A_233 : i32
      %scan3A_235 = arith.constant 1 : i32
      scf.for %scan3A_298 = %scan3A_232 to %scan3A_234 step %scan3A_235  : i32 {
        %get3A_299 = arith.constant 0 : i32
        %get3A_300 = arith.index_cast %get3A_299 : i32 to index
        %get3A_301 = arith.index_cast %scan3A_298 : i32 to index
        %get3A_302 = arith.constant 0 : index
        %get3A_303 = tpu.vector_load %arg14[%get3A_300, %get3A_301, %get3A_302] {strides = array<i32>} : memref<2x100x16xf32, #tpu.memory_space<vmem>>, vector<1x1x16xf32>,
        %get3A_304 = vector.shape_cast %get3A_303 : vector<1x1x16xf32> to vector<16xf32>
        %slice3A = vector.extract_strided_slice %get3A_304 {offsets = [0], sizes = [1], strides = [1]} : vector<16xf32> to vector<1xf32>
        %squeeze3A = vector.extract %slice3A[0] : f32 from vector<1xf32>
        %mul3A_305 = vector.broadcast %squeeze3A : f32 to vector<16xf32>
        %mul3A_306 = arith.mulf %mul3A_305, %get3A_4 : vector<16xf32>
        %add3A_307 = arith.addf %get3A_84, %mul3A_306 : vector<16xf32>
        %slice3A_308 = vector.extract_strided_slice %get3A_304 {offsets = [1], sizes = [1], strides = [1]} : vector<16xf32> to vector<1xf32>
        %squeeze3A_309 = vector.extract %slice3A_308[0] : f32 from vector<1xf32>
        %mul3A_310 = vector.broadcast %squeeze3A_309 : f32 to vector<16xf32>
        %mul3A_311 = arith.mulf %mul3A_310, %get3A_9 : vector<16xf32>
        %slice3A_312 = vector.extract_strided_slice %get3A_304 {offsets = [2], sizes = [1], strides = [1]} : vector<16xf32> to vector<1xf32>
        %squeeze3A_313 = vector.extract %slice3A_312[0] : f32 from vector<1xf32>
        %mul3A_314 = vector.broadcast %squeeze3A_313 : f32 to vector<16xf32>
        %mul3A_315 = arith.mulf %mul3A_314, %get3A_14 : vector<16xf32>
        %slice3A_316 = vector.extract_strided_slice %get3A_304 {offsets = [3], sizes = [1], strides = [1]} : vector<16xf32> to vector<1xf32>
        %squeeze3A_317 = vector.extract %slice3A_316[0] : f32 from vector<1xf32>
        %mul3A_318 = vector.broadcast %squeeze3A_317 : f32 to vector<16xf32>
        %mul3A_319 = arith.mulf %mul3A_318, %get3A_19 : vector<16xf32>
        %slice3A_320 = vector.extract_strided_slice %get3A_304 {offsets = [4], sizes = [1], strides = [1]} : vector<16xf32> to vector<1xf32>
        %squeeze3A_321 = vector.extract %slice3A_320[0] : f32 from vector<1xf32>
        %mul3A_322 = vector.broadcast %squeeze3A_321 : f32 to vector<16xf32>
        %mul3A_323 = arith.mulf %mul3A_322, %get3A_24 : vector<16xf32>
        %add3A_324 = arith.addf %add3A_307, %mul3A_323 : vector<16xf32>
        %slice3A_325 = vector.extract_strided_slice %get3A_304 {offsets = [5], sizes = [1], strides = [1]} : vector<16xf32> to vector<1xf32>
        %squeeze3A_326 = vector.extract %slice3A_325[0] : f32 from vector<1xf32>
        %mul3A_327 = vector.broadcast %squeeze3A_326 : f32 to vector<16xf32>
        %mul3A_328 = arith.mulf %mul3A_327, %get3A_29 : vector<16xf32>
        %add3A_329 = arith.addf %mul3A_311, %mul3A_328 : vector<16xf32>
        %slice3A_330 = vector.extract_strided_slice %get3A_304 {offsets = [6], sizes = [1], strides = [1]} : vector<16xf32> to vector<1xf32>
        %squeeze3A_331 = vector.extract %slice3A_330[0] : f32 from vector<1xf32>
        %mul3A_332 = vector.broadcast %squeeze3A_331 : f32 to vector<16xf32>
        %mul3A_333 = arith.mulf %mul3A_332, %get3A_34 : vector<16xf32>
        %add3A_334 = arith.addf %mul3A_315, %mul3A_333 : vector<16xf32>
        %slice3A_335 = vector.extract_strided_slice %get3A_304 {offsets = [7], sizes = [1], strides = [1]} : vector<16xf32> to vector<1xf32>
        %squeeze3A_336 = vector.extract %slice3A_335[0] : f32 from vector<1xf32>
        %mul3A_337 = vector.broadcast %squeeze3A_336 : f32 to vector<16xf32>
        %mul3A_338 = arith.mulf %mul3A_337, %get3A_39 : vector<16xf32>
        %add3A_339 = arith.addf %mul3A_319, %mul3A_338 : vector<16xf32>
        %slice3A_340 = vector.extract_strided_slice %get3A_304 {offsets = [8], sizes = [1], strides = [1]} : vector<16xf32> to vector<1xf32>
        %squeeze3A_341 = vector.extract %slice3A_340[0] : f32 from vector<1xf32>
        %mul3A_342 = vector.broadcast %squeeze3A_341 : f32 to vector<16xf32>
        %mul3A_343 = arith.mulf %mul3A_342, %get3A_44 : vector<16xf32>
        %add3A_344 = arith.addf %add3A_324, %mul3A_343 : vector<16xf32>
        %slice3A_345 = vector.extract_strided_slice %get3A_304 {offsets = [9], sizes = [1], strides = [1]} : vector<16xf32> to vector<1xf32>
        %squeeze3A_346 = vector.extract %slice3A_345[0] : f32 from vector<1xf32>
        %mul3A_347 = vector.broadcast %squeeze3A_346 : f32 to vector<16xf32>
        %mul3A_348 = arith.mulf %mul3A_347, %get3A_49 : vector<16xf32>
        %add3A_349 = arith.addf %add3A_329, %mul3A_348 : vector<16xf32>
        %slice3A_350 = vector.extract_strided_slice %get3A_304 {offsets = [10], sizes = [1], strides = [1]} : vector<16xf32> to vector<1xf32>
        %squeeze3A_351 = vector.extract %slice3A_350[0] : f32 from vector<1xf32>
        %mul3A_352 = vector.broadcast %squeeze3A_351 : f32 to vector<16xf32>
        %mul3A_353 = arith.mulf %mul3A_352, %get3A_54 : vector<16xf32>
        %add3A_354 = arith.addf %add3A_334, %mul3A_353 : vector<16xf32>
        %slice3A_355 = vector.extract_strided_slice %get3A_304 {offsets = [11], sizes = [1], strides = [1]} : vector<16xf32> to vector<1xf32>
        %squeeze3A_356 = vector.extract %slice3A_355[0] : f32 from vector<1xf32>
        %mul3A_357 = vector.broadcast %squeeze3A_356 : f32 to vector<16xf32>
        %mul3A_358 = arith.mulf %mul3A_357, %get3A_59 : vector<16xf32>
        %add3A_359 = arith.addf %add3A_339, %mul3A_358 : vector<16xf32>
        %slice3A_360 = vector.extract_strided_slice %get3A_304 {offsets = [12], sizes = [1], strides = [1]} : vector<16xf32> to vector<1xf32>
        %squeeze3A_361 = vector.extract %slice3A_360[0] : f32 from vector<1xf32>
        %mul3A_362 = vector.broadcast %squeeze3A_361 : f32 to vector<16xf32>
        %mul3A_363 = arith.mulf %mul3A_362, %get3A_64 : vector<16xf32>
        %add3A_364 = arith.addf %add3A_344, %mul3A_363 : vector<16xf32>
        %slice3A_365 = vector.extract_strided_slice %get3A_304 {offsets = [13], sizes = [1], strides = [1]} : vector<16xf32> to vector<1xf32>
        %squeeze3A_366 = vector.extract %slice3A_365[0] : f32 from vector<1xf32>
        %mul3A_367 = vector.broadcast %squeeze3A_366 : f32 to vector<16xf32>
        %mul3A_368 = arith.mulf %mul3A_367, %get3A_69 : vector<16xf32>
        %add3A_369 = arith.addf %add3A_349, %mul3A_368 : vector<16xf32>
        %slice3A_370 = vector.extract_strided_slice %get3A_304 {offsets = [14], sizes = [1], strides = [1]} : vector<16xf32> to vector<1xf32>
        %squeeze3A_371 = vector.extract %slice3A_370[0] : f32 from vector<1xf32>
        %mul3A_372 = vector.broadcast %squeeze3A_371 : f32 to vector<16xf32>
        %mul3A_373 = arith.mulf %mul3A_372, %get3A_74 : vector<16xf32>
        %add3A_374 = arith.addf %add3A_354, %mul3A_373 : vector<16xf32>
        %slice3A_375 = vector.extract_strided_slice %get3A_304 {offsets = [15], sizes = [1], strides = [1]} : vector<16xf32> to vector<1xf32>
        %squeeze3A_376 = vector.extract %slice3A_375[0] : f32 from vector<1xf32>
        %mul3A_377 = vector.broadcast %squeeze3A_376 : f32 to vector<16xf32>
        %mul3A_378 = arith.mulf %mul3A_377, %get3A_79 : vector<16xf32>
        %add3A_379 = arith.addf %add3A_359, %mul3A_378 : vector<16xf32>
        %add3A_380 = arith.addf %add3A_364, %add3A_369 : vector<16xf32>
        %add3A_381 = arith.addf %add3A_374, %add3A_379 : vector<16xf32>
        %add3A_382 = arith.addf %add3A_380, %add3A_381 : vector<16xf32>
        %max3A = arith.constant 0.000000e+00 : f32
        %max3A_383 = vector.broadcast %max3A : f32 to vector<16xf32>
        %max3A_384 = arith.maximumf %add3A_382, %max3A_383 : vector<16xf32>
        %get3A_385 = arith.constant 0 : i32
        %get3A_386 = arith.index_cast %get3A_385 : i32 to index
        %get3A_387 = arith.index_cast %scan3A_298 : i32 to index
        %get3A_388 = arith.constant 0 : index
        %get3A_389 = tpu.vector_load %arg16[%get3A_386, %get3A_387, %get3A_388] {strides = array<i32>} : memref<2x100x16xf32, #tpu.memory_space<vmem>>, vector<1x1x16xf32>,
        %get3A_390 = vector.shape_cast %get3A_389 : vector<1x1x16xf32> to vector<16xf32>
        %slice3A_391 = vector.extract_strided_slice %max3A_384 {offsets = [0], sizes = [1], strides = [1]} : vector<16xf32> to vector<1xf32>
        %squeeze3A_392 = vector.extract %slice3A_391[0] : f32 from vector<1xf32>
        %get3A_393 = arith.constant 0 : i32
        %get3A_394 = arith.index_cast %get3A_393 : i32 to index
        %get3A_395 = arith.index_cast %scan3A_298 : i32 to index
        %get3A_396 = arith.constant 0 : index
        %get3A_397 = tpu.vector_load %arg15[%get3A_394, %get3A_395, %get3A_396] {strides = array<i32>} : memref<2x100x256xf32, #tpu.memory_space<vmem>>, vector<1x1x16xf32>,
        %get3A_398 = vector.shape_cast %get3A_397 : vector<1x1x16xf32> to vector<16xf32>
        %mul3A_399 = vector.broadcast %squeeze3A_392 : f32 to vector<16xf32>
        %mul3A_400 = arith.mulf %mul3A_399, %get3A_398 : vector<16xf32>
        %add3A_401 = arith.addf %get3A_390, %mul3A_400 : vector<16xf32>
        %slice3A_402 = vector.extract_strided_slice %max3A_384 {offsets = [1], sizes = [1], strides = [1]} : vector<16xf32> to vector<1xf32>
        %squeeze3A_403 = vector.extract %slice3A_402[0] : f32 from vector<1xf32>
        %get3A_404 = arith.constant 0 : i32
        %get3A_405 = arith.index_cast %get3A_404 : i32 to index
        %get3A_406 = arith.index_cast %scan3A_298 : i32 to index
        %get3A_407 = arith.constant 16 : index
        %get3A_408 = tpu.vector_load %arg15[%get3A_405, %get3A_406, %get3A_407] {strides = array<i32>} : memref<2x100x256xf32, #tpu.memory_space<vmem>>, vector<1x1x16xf32>,
        %get3A_409 = vector.shape_cast %get3A_408 : vector<1x1x16xf32> to vector<16xf32>
        %mul3A_410 = vector.broadcast %squeeze3A_403 : f32 to vector<16xf32>
        %mul3A_411 = arith.mulf %mul3A_410, %get3A_409 : vector<16xf32>
        %slice3A_412 = vector.extract_strided_slice %max3A_384 {offsets = [2], sizes = [1], strides = [1]} : vector<16xf32> to vector<1xf32>
        %squeeze3A_413 = vector.extract %slice3A_412[0] : f32 from vector<1xf32>
        %get3A_414 = arith.constant 0 : i32
        %get3A_415 = arith.index_cast %get3A_414 : i32 to index
        %get3A_416 = arith.index_cast %scan3A_298 : i32 to index
        %get3A_417 = arith.constant 32 : index
        %get3A_418 = tpu.vector_load %arg15[%get3A_415, %get3A_416, %get3A_417] {strides = array<i32>} : memref<2x100x256xf32, #tpu.memory_space<vmem>>, vector<1x1x16xf32>,
        %get3A_419 = vector.shape_cast %get3A_418 : vector<1x1x16xf32> to vector<16xf32>
        %mul3A_420 = vector.broadcast %squeeze3A_413 : f32 to vector<16xf32>
        %mul3A_421 = arith.mulf %mul3A_420, %get3A_419 : vector<16xf32>
        %slice3A_422 = vector.extract_strided_slice %max3A_384 {offsets = [3], sizes = [1], strides = [1]} : vector<16xf32> to vector<1xf32>
        %squeeze3A_423 = vector.extract %slice3A_422[0] : f32 from vector<1xf32>
        %get3A_424 = arith.constant 0 : i32
        %get3A_425 = arith.index_cast %get3A_424 : i32 to index
        %get3A_426 = arith.index_cast %scan3A_298 : i32 to index
        %get3A_427 = arith.constant 48 : index
        %get3A_428 = tpu.vector_load %arg15[%get3A_425, %get3A_426, %get3A_427] {strides = array<i32>} : memref<2x100x256xf32, #tpu.memory_space<vmem>>, vector<1x1x16xf32>,
        %get3A_429 = vector.shape_cast %get3A_428 : vector<1x1x16xf32> to vector<16xf32>
        %mul3A_430 = vector.broadcast %squeeze3A_423 : f32 to vector<16xf32>
        %mul3A_431 = arith.mulf %mul3A_430, %get3A_429 : vector<16xf32>
        %slice3A_432 = vector.extract_strided_slice %max3A_384 {offsets = [4], sizes = [1], strides = [1]} : vector<16xf32> to vector<1xf32>
        %squeeze3A_433 = vector.extract %slice3A_432[0] : f32 from vector<1xf32>
        %get3A_434 = arith.constant 0 : i32
        %get3A_435 = arith.index_cast %get3A_434 : i32 to index
        %get3A_436 = arith.index_cast %scan3A_298 : i32 to index
        %get3A_437 = arith.constant 64 : index
        %get3A_438 = tpu.vector_load %arg15[%get3A_435, %get3A_436, %get3A_437] {strides = array<i32>} : memref<2x100x256xf32, #tpu.memory_space<vmem>>, vector<1x1x16xf32>,
        %get3A_439 = vector.shape_cast %get3A_438 : vector<1x1x16xf32> to vector<16xf32>
        %mul3A_440 = vector.broadcast %squeeze3A_433 : f32 to vector<16xf32>
        %mul3A_441 = arith.mulf %mul3A_440, %get3A_439 : vector<16xf32>
        %add3A_442 = arith.addf %add3A_401, %mul3A_441 : vector<16xf32>
        %slice3A_443 = vector.extract_strided_slice %max3A_384 {offsets = [5], sizes = [1], strides = [1]} : vector<16xf32> to vector<1xf32>
        %squeeze3A_444 = vector.extract %slice3A_443[0] : f32 from vector<1xf32>
        %get3A_445 = arith.constant 0 : i32
        %get3A_446 = arith.index_cast %get3A_445 : i32 to index
        %get3A_447 = arith.index_cast %scan3A_298 : i32 to index
        %get3A_448 = arith.constant 80 : index
        %get3A_449 = tpu.vector_load %arg15[%get3A_446, %get3A_447, %get3A_448] {strides = array<i32>} : memref<2x100x256xf32, #tpu.memory_space<vmem>>, vector<1x1x16xf32>,
        %get3A_450 = vector.shape_cast %get3A_449 : vector<1x1x16xf32> to vector<16xf32>
        %mul3A_451 = vector.broadcast %squeeze3A_444 : f32 to vector<16xf32>
        %mul3A_452 = arith.mulf %mul3A_451, %get3A_450 : vector<16xf32>
        %add3A_453 = arith.addf %mul3A_411, %mul3A_452 : vector<16xf32>
        %slice3A_454 = vector.extract_strided_slice %max3A_384 {offsets = [6], sizes = [1], strides = [1]} : vector<16xf32> to vector<1xf32>
        %squeeze3A_455 = vector.extract %slice3A_454[0] : f32 from vector<1xf32>
        %get3A_456 = arith.constant 0 : i32
        %get3A_457 = arith.index_cast %get3A_456 : i32 to index
        %get3A_458 = arith.index_cast %scan3A_298 : i32 to index
        %get3A_459 = arith.constant 96 : index
        %get3A_460 = tpu.vector_load %arg15[%get3A_457, %get3A_458, %get3A_459] {strides = array<i32>} : memref<2x100x256xf32, #tpu.memory_space<vmem>>, vector<1x1x16xf32>,
        %get3A_461 = vector.shape_cast %get3A_460 : vector<1x1x16xf32> to vector<16xf32>
        %mul3A_462 = vector.broadcast %squeeze3A_455 : f32 to vector<16xf32>
        %mul3A_463 = arith.mulf %mul3A_462, %get3A_461 : vector<16xf32>
        %add3A_464 = arith.addf %mul3A_421, %mul3A_463 : vector<16xf32>
        %slice3A_465 = vector.extract_strided_slice %max3A_384 {offsets = [7], sizes = [1], strides = [1]} : vector<16xf32> to vector<1xf32>
        %squeeze3A_466 = vector.extract %slice3A_465[0] : f32 from vector<1xf32>
        %get3A_467 = arith.constant 0 : i32
        %get3A_468 = arith.index_cast %get3A_467 : i32 to index
        %get3A_469 = arith.index_cast %scan3A_298 : i32 to index
        %get3A_470 = arith.constant 112 : index
        %get3A_471 = tpu.vector_load %arg15[%get3A_468, %get3A_469, %get3A_470] {strides = array<i32>} : memref<2x100x256xf32, #tpu.memory_space<vmem>>, vector<1x1x16xf32>,
        %get3A_472 = vector.shape_cast %get3A_471 : vector<1x1x16xf32> to vector<16xf32>
        %mul3A_473 = vector.broadcast %squeeze3A_466 : f32 to vector<16xf32>
        %mul3A_474 = arith.mulf %mul3A_473, %get3A_472 : vector<16xf32>
        %add3A_475 = arith.addf %mul3A_431, %mul3A_474 : vector<16xf32>
        %slice3A_476 = vector.extract_strided_slice %max3A_384 {offsets = [8], sizes = [1], strides = [1]} : vector<16xf32> to vector<1xf32>
        %squeeze3A_477 = vector.extract %slice3A_476[0] : f32 from vector<1xf32>
        %get3A_478 = arith.constant 0 : i32
        %get3A_479 = arith.index_cast %get3A_478 : i32 to index
        %get3A_480 = arith.index_cast %scan3A_298 : i32 to index
        %get3A_481 = arith.constant 128 : index
        %get3A_482 = tpu.vector_load %arg15[%get3A_479, %get3A_480, %get3A_481] {strides = array<i32>} : memref<2x100x256xf32, #tpu.memory_space<vmem>>, vector<1x1x16xf32>,
        %get3A_483 = vector.shape_cast %get3A_482 : vector<1x1x16xf32> to vector<16xf32>
        %mul3A_484 = vector.broadcast %squeeze3A_477 : f32 to vector<16xf32>
        %mul3A_485 = arith.mulf %mul3A_484, %get3A_483 : vector<16xf32>
        %add3A_486 = arith.addf %add3A_442, %mul3A_485 : vector<16xf32>
        %slice3A_487 = vector.extract_strided_slice %max3A_384 {offsets = [9], sizes = [1], strides = [1]} : vector<16xf32> to vector<1xf32>
        %squeeze3A_488 = vector.extract %slice3A_487[0] : f32 from vector<1xf32>
        %get3A_489 = arith.constant 0 : i32
        %get3A_490 = arith.index_cast %get3A_489 : i32 to index
        %get3A_491 = arith.index_cast %scan3A_298 : i32 to index
        %get3A_492 = arith.constant 144 : index
        %get3A_493 = tpu.vector_load %arg15[%get3A_490, %get3A_491, %get3A_492] {strides = array<i32>} : memref<2x100x256xf32, #tpu.memory_space<vmem>>, vector<1x1x16xf32>,
        %get3A_494 = vector.shape_cast %get3A_493 : vector<1x1x16xf32> to vector<16xf32>
        %mul3A_495 = vector.broadcast %squeeze3A_488 : f32 to vector<16xf32>
        %mul3A_496 = arith.mulf %mul3A_495, %get3A_494 : vector<16xf32>
        %add3A_497 = arith.addf %add3A_453, %mul3A_496 : vector<16xf32>
        %slice3A_498 = vector.extract_strided_slice %max3A_384 {offsets = [10], sizes = [1], strides = [1]} : vector<16xf32> to vector<1xf32>
        %squeeze3A_499 = vector.extract %slice3A_498[0] : f32 from vector<1xf32>
        %get3A_500 = arith.constant 0 : i32
        %get3A_501 = arith.index_cast %get3A_500 : i32 to index
        %get3A_502 = arith.index_cast %scan3A_298 : i32 to index
        %get3A_503 = arith.constant 160 : index
        %get3A_504 = tpu.vector_load %arg15[%get3A_501, %get3A_502, %get3A_503] {strides = array<i32>} : memref<2x100x256xf32, #tpu.memory_space<vmem>>, vector<1x1x16xf32>,
        %get3A_505 = vector.shape_cast %get3A_504 : vector<1x1x16xf32> to vector<16xf32>
        %mul3A_506 = vector.broadcast %squeeze3A_499 : f32 to vector<16xf32>
        %mul3A_507 = arith.mulf %mul3A_506, %get3A_505 : vector<16xf32>
        %add3A_508 = arith.addf %add3A_464, %mul3A_507 : vector<16xf32>
        %slice3A_509 = vector.extract_strided_slice %max3A_384 {offsets = [11], sizes = [1], strides = [1]} : vector<16xf32> to vector<1xf32>
        %squeeze3A_510 = vector.extract %slice3A_509[0] : f32 from vector<1xf32>
        %get3A_511 = arith.constant 0 : i32
        %get3A_512 = arith.index_cast %get3A_511 : i32 to index
        %get3A_513 = arith.index_cast %scan3A_298 : i32 to index
        %get3A_514 = arith.constant 176 : index
        %get3A_515 = tpu.vector_load %arg15[%get3A_512, %get3A_513, %get3A_514] {strides = array<i32>} : memref<2x100x256xf32, #tpu.memory_space<vmem>>, vector<1x1x16xf32>,
        %get3A_516 = vector.shape_cast %get3A_515 : vector<1x1x16xf32> to vector<16xf32>
        %mul3A_517 = vector.broadcast %squeeze3A_510 : f32 to vector<16xf32>
        %mul3A_518 = arith.mulf %mul3A_517, %get3A_516 : vector<16xf32>
        %add3A_519 = arith.addf %add3A_475, %mul3A_518 : vector<16xf32>
        %slice3A_520 = vector.extract_strided_slice %max3A_384 {offsets = [12], sizes = [1], strides = [1]} : vector<16xf32> to vector<1xf32>
        %squeeze3A_521 = vector.extract %slice3A_520[0] : f32 from vector<1xf32>
        %get3A_522 = arith.constant 0 : i32
        %get3A_523 = arith.index_cast %get3A_522 : i32 to index
        %get3A_524 = arith.index_cast %scan3A_298 : i32 to index
        %get3A_525 = arith.constant 192 : index
        %get3A_526 = tpu.vector_load %arg15[%get3A_523, %get3A_524, %get3A_525] {strides = array<i32>} : memref<2x100x256xf32, #tpu.memory_space<vmem>>, vector<1x1x16xf32>,
        %get3A_527 = vector.shape_cast %get3A_526 : vector<1x1x16xf32> to vector<16xf32>
        %mul3A_528 = vector.broadcast %squeeze3A_521 : f32 to vector<16xf32>
        %mul3A_529 = arith.mulf %mul3A_528, %get3A_527 : vector<16xf32>
        %add3A_530 = arith.addf %add3A_486, %mul3A_529 : vector<16xf32>
        %slice3A_531 = vector.extract_strided_slice %max3A_384 {offsets = [13], sizes = [1], strides = [1]} : vector<16xf32> to vector<1xf32>
        %squeeze3A_532 = vector.extract %slice3A_531[0] : f32 from vector<1xf32>
        %get3A_533 = arith.constant 0 : i32
        %get3A_534 = arith.index_cast %get3A_533 : i32 to index
        %get3A_535 = arith.index_cast %scan3A_298 : i32 to index
        %get3A_536 = arith.constant 208 : index
        %get3A_537 = tpu.vector_load %arg15[%get3A_534, %get3A_535, %get3A_536] {strides = array<i32>} : memref<2x100x256xf32, #tpu.memory_space<vmem>>, vector<1x1x16xf32>,
        %get3A_538 = vector.shape_cast %get3A_537 : vector<1x1x16xf32> to vector<16xf32>
        %mul3A_539 = vector.broadcast %squeeze3A_532 : f32 to vector<16xf32>
        %mul3A_540 = arith.mulf %mul3A_539, %get3A_538 : vector<16xf32>
        %add3A_541 = arith.addf %add3A_497, %mul3A_540 : vector<16xf32>
        %slice3A_542 = vector.extract_strided_slice %max3A_384 {offsets = [14], sizes = [1], strides = [1]} : vector<16xf32> to vector<1xf32>
        %squeeze3A_543 = vector.extract %slice3A_542[0] : f32 from vector<1xf32>
        %get3A_544 = arith.constant 0 : i32
        %get3A_545 = arith.index_cast %get3A_544 : i32 to index
        %get3A_546 = arith.index_cast %scan3A_298 : i32 to index
        %get3A_547 = arith.constant 224 : index
        %get3A_548 = tpu.vector_load %arg15[%get3A_545, %get3A_546, %get3A_547] {strides = array<i32>} : memref<2x100x256xf32, #tpu.memory_space<vmem>>, vector<1x1x16xf32>,
        %get3A_549 = vector.shape_cast %get3A_548 : vector<1x1x16xf32> to vector<16xf32>
        %mul3A_550 = vector.broadcast %squeeze3A_543 : f32 to vector<16xf32>
        %mul3A_551 = arith.mulf %mul3A_550, %get3A_549 : vector<16xf32>
        %add3A_552 = arith.addf %add3A_508, %mul3A_551 : vector<16xf32>
        %slice3A_553 = vector.extract_strided_slice %max3A_384 {offsets = [15], sizes = [1], strides = [1]} : vector<16xf32> to vector<1xf32>
        %squeeze3A_554 = vector.extract %slice3A_553[0] : f32 from vector<1xf32>
        %get3A_555 = arith.constant 0 : i32
        %get3A_556 = arith.index_cast %get3A_555 : i32 to index
        %get3A_557 = arith.index_cast %scan3A_298 : i32 to index
        %get3A_558 = arith.constant 240 : index
        %get3A_559 = tpu.vector_load %arg15[%get3A_556, %get3A_557, %get3A_558] {strides = array<i32>} : memref<2x100x256xf32, #tpu.memory_space<vmem>>, vector<1x1x16xf32>,
        %get3A_560 = vector.shape_cast %get3A_559 : vector<1x1x16xf32> to vector<16xf32>
        %mul3A_561 = vector.broadcast %squeeze3A_554 : f32 to vector<16xf32>
        %mul3A_562 = arith.mulf %mul3A_561, %get3A_560 : vector<16xf32>
        %add3A_563 = arith.addf %add3A_519, %mul3A_562 : vector<16xf32>
        %add3A_564 = arith.addf %add3A_530, %add3A_541 : vector<16xf32>
        %add3A_565 = arith.addf %add3A_552, %add3A_563 : vector<16xf32>
        %add3A_566 = arith.addf %add3A_564, %add3A_565 : vector<16xf32>
        %swap3A = arith.constant 0 : i32
        %swap3A_567 = arith.index_cast %swap3A : i32 to index
        %swap3A_568 = arith.index_cast %scan3A_298 : i32 to index
        %swap3A_569 = arith.constant 0 : index
        %swap3A_570 = tpu.vector_load %arg17[%swap3A_567, %swap3A_568, %swap3A_569] {strides = array<i32>} : memref<2x100x16xf32, #tpu.memory_space<vmem>>, vector<1x1x16xf32>,
        %swap3A_571 = vector.shape_cast %swap3A_570 : vector<1x1x16xf32> to vector<16xf32>
        %swap3A_572 = vector.shape_cast %add3A_566 : vector<16xf32> to vector<1x1x16xf32>
        tpu.vector_store %arg17[%swap3A_567, %swap3A_568, %swap3A_569], %swap3A_572 {strides = array<i32>} : memref<2x100x16xf32, #tpu.memory_space<vmem>>, vector<1x1x16xf32>,
      }
      %scan3A_236 = arith.constant 100 : i32
      %run_scoped3A = arith.constant 0 : i32
      "tpu.region"() ({
        %run_scoped3A_298 = tpu.sem_alloc : memref<!tpu.dma_semaphore, #tpu.memory_space<semaphore_mem>>
        %dma_start3A_299 = arith.constant 0 : i32
        %dma_start3A_300 = arith.constant 0 : i32
        %dma_start3A_301 = tpu.memref_slice %arg17[%run_scoped3A, %dma_start3A_299, %dma_start3A_300] : memref<2x100x16xf32, #tpu.memory_space<vmem>> -> memref<1x100x16xf32, #tpu.memory_space<vmem>>
        %dma_start3A_302 = tpu.memref_squeeze %dma_start3A_301 : memref<1x100x16xf32, #tpu.memory_space<vmem>> -> memref<100x16xf32, #tpu.memory_space<vmem>>
        %dma_start3A_303 = arith.constant 0 : i32
        %dma_start3A_304 = tpu.memref_slice %arg11[%add3A_192, %dma_start3A_303] : memref<50x100xi32, #tpu.memory_space<vmem>> -> memref<1x100xi32, #tpu.memory_space<vmem>>
        %dma_start3A_305 = tpu.memref_squeeze %dma_start3A_304 : memref<1x100xi32, #tpu.memory_space<vmem>> -> memref<100xi32, #tpu.memory_space<vmem>>
        %dma_start3A_306 = arith.constant 0 : i32
        %dma_start3A_307 = arith.constant 0 : i32
        %dma_start3A_308 = tpu.memref_slice %arg19[%dma_start3A_306, %dma_start3A_307] : memref<10240x16xf32, #tpu.memory_space<vmem_shared>> -> memref<10240x16xf32, #tpu.memory_space<vmem_shared>>
        tpu.enqueue_indirect_dma source(%dma_start3A_302 : memref<100x16xf32, #tpu.memory_space<vmem>>) target(%dma_start3A_308 : memref<10240x16xf32, #tpu.memory_space<vmem_shared>>) offsets(%dma_start3A_305 : memref<100xi32, #tpu.memory_space<vmem>>) semaphore(%run_scoped3A_298 : memref<!tpu.dma_semaphore, #tpu.memory_space<semaphore_mem>>) {add = true}
        %dma_wait3A_309 = arith.constant 0 : i32
        %dma_wait3A_310 = arith.constant 0 : i32
        %dma_wait3A_311 = tpu.memref_slice %arg17[%run_scoped3A, %dma_wait3A_309, %dma_wait3A_310] : memref<2x100x16xf32, #tpu.memory_space<vmem>> -> memref<1x100x16xf32, #tpu.memory_space<vmem>>
        %dma_wait3A_312 = tpu.memref_squeeze %dma_wait3A_311 : memref<1x100x16xf32, #tpu.memory_space<vmem>> -> memref<100x16xf32, #tpu.memory_space<vmem>>
        %dma_wait3A_313 = arith.constant 0 : i32
        %dma_wait3A_314 = tpu.memref_slice %arg11[%add3A_192, %dma_wait3A_313] : memref<50x100xi32, #tpu.memory_space<vmem>> -> memref<1x100xi32, #tpu.memory_space<vmem>>
        %dma_wait3A_315 = tpu.memref_squeeze %dma_wait3A_314 : memref<1x100xi32, #tpu.memory_space<vmem>> -> memref<100xi32, #tpu.memory_space<vmem>>
        %dma_wait3A_316 = arith.constant 0 : i32
        %dma_wait3A_317 = arith.constant 0 : i32
        %dma_wait3A_318 = tpu.memref_slice %arg19[%dma_wait3A_316, %dma_wait3A_317] : memref<10240x16xf32, #tpu.memory_space<vmem_shared>> -> memref<10240x16xf32, #tpu.memory_space<vmem_shared>>
        tpu.wait_indirect_dma semaphore(%run_scoped3A_298 : memref<!tpu.dma_semaphore, #tpu.memory_space<semaphore_mem>>) src(%dma_wait3A_312 : memref<100x16xf32, #tpu.memory_space<vmem>>) dst(%dma_wait3A_318 : memref<10240x16xf32, #tpu.memory_space<vmem_shared>>)
        tpu.yield
      }) : () -> ()
      %add3A_237 = arith.constant 2 : i32
      %add3A_238 = arith.addi %add3A_192, %add3A_237 : i32
      %lt3A = arith.constant 50 : i32
      %lt3A_239 = arith.cmpi slt, %add3A_238, %lt3A : i32
      %convert_element_type3A = arith.extui %lt3A_239 : i1 to i32
      %cond3A = arith.constant 0 : i32
      %cond3A_240 = arith.cmpi ne, %convert_element_type3A, %cond3A : i32
      scf.if %cond3A_240 {
        %add3A_298 = arith.constant 2 : i32
        %add3A_299 = arith.addi %add3A_192, %add3A_298 : i32
        %dma_start3A_300 = arith.constant 0 : i32
        %dma_start3A_301 = arith.constant 0 : i32
        %dma_start3A_302 = arith.constant 0 : i32
        %dma_start3A_303 = tpu.memref_slice %arg15[%dma_start3A_300, %dma_start3A_301, %dma_start3A_302] : memref<2x100x256xf32, #tpu.memory_space<vmem>> -> memref<1x100x256xf32, #tpu.memory_space<vmem>>
        %dma_start3A_304 = tpu.memref_squeeze %dma_start3A_303 : memref<1x100x256xf32, #tpu.memory_space<vmem>> -> memref<100x256xf32, #tpu.memory_space<vmem>>
        %dma_start3A_305 = arith.constant 0 : i32
        %dma_start3A_306 = tpu.memref_slice %arg10[%add3A_299, %dma_start3A_305] : memref<50x100xi32, #tpu.memory_space<vmem>> -> memref<1x100xi32, #tpu.memory_space<vmem>>
        %dma_start3A_307 = tpu.memref_squeeze %dma_start3A_306 : memref<1x100xi32, #tpu.memory_space<vmem>> -> memref<100xi32, #tpu.memory_space<vmem>>
        %dma_start3A_308 = arith.constant 0 : i32
        %dma_start3A_309 = arith.constant 0 : i32
        %dma_start3A_310 = tpu.memref_slice %arg2[%dma_start3A_308, %dma_start3A_309] : memref<10000x256xf32, #tpu.memory_space<hbm>> -> memref<10000x256xf32, #tpu.memory_space<hbm>>
        tpu.enqueue_indirect_dma source(%dma_start3A_310 : memref<10000x256xf32, #tpu.memory_space<hbm>>) target(%dma_start3A_304 : memref<100x256xf32, #tpu.memory_space<vmem>>) offsets(%dma_start3A_307 : memref<100xi32, #tpu.memory_space<vmem>>) semaphore(%arg20 : memref<!tpu.dma_semaphore, #tpu.memory_space<semaphore_mem>>)
        %dma_start3A_311 = arith.constant 0 : i32
        %dma_start3A_312 = arith.constant 0 : i32
        %dma_start3A_313 = arith.constant 0 : i32
        %dma_start3A_314 = tpu.memref_slice %arg16[%dma_start3A_311, %dma_start3A_312, %dma_start3A_313] : memref<2x100x16xf32, #tpu.memory_space<vmem>> -> memref<1x100x16xf32, #tpu.memory_space<vmem>>
        %dma_start3A_315 = tpu.memref_squeeze %dma_start3A_314 : memref<1x100x16xf32, #tpu.memory_space<vmem>> -> memref<100x16xf32, #tpu.memory_space<vmem>>
        %dma_start3A_316 = arith.constant 0 : i32
        %dma_start3A_317 = tpu.memref_slice %arg10[%add3A_299, %dma_start3A_316] : memref<50x100xi32, #tpu.memory_space<vmem>> -> memref<1x100xi32, #tpu.memory_space<vmem>>
        %dma_start3A_318 = tpu.memref_squeeze %dma_start3A_317 : memref<1x100xi32, #tpu.memory_space<vmem>> -> memref<100xi32, #tpu.memory_space<vmem>>
        %dma_start3A_319 = arith.constant 0 : i32
        %dma_start3A_320 = arith.constant 0 : i32
        %dma_start3A_321 = tpu.memref_slice %arg3[%dma_start3A_319, %dma_start3A_320] : memref<10000x16xf32, #tpu.memory_space<hbm>> -> memref<10000x16xf32, #tpu.memory_space<hbm>>
        tpu.enqueue_indirect_dma source(%dma_start3A_321 : memref<10000x16xf32, #tpu.memory_space<hbm>>) target(%dma_start3A_315 : memref<100x16xf32, #tpu.memory_space<vmem>>) offsets(%dma_start3A_318 : memref<100xi32, #tpu.memory_space<vmem>>) semaphore(%arg22 : memref<!tpu.dma_semaphore, #tpu.memory_space<semaphore_mem>>)
        %dma_start3A_322 = arith.constant 0 : i32
        %dma_start3A_323 = arith.constant 0 : i32
        %dma_start3A_324 = arith.constant 0 : i32
        %dma_start3A_325 = tpu.memref_slice %arg14[%dma_start3A_322, %dma_start3A_323, %dma_start3A_324] : memref<2x100x16xf32, #tpu.memory_space<vmem>> -> memref<1x100x16xf32, #tpu.memory_space<vmem>>
        %dma_start3A_326 = tpu.memref_squeeze %dma_start3A_325 : memref<1x100x16xf32, #tpu.memory_space<vmem>> -> memref<100x16xf32, #tpu.memory_space<vmem>>
        %dma_start3A_327 = arith.constant 0 : i32
        %dma_start3A_328 = arith.constant 0 : i32
        %dma_start3A_329 = tpu.memref_slice %arg4[%add3A, %add3A_299, %dma_start3A_327, %dma_start3A_328] : memref<32x50x100x16xf32, #tpu.memory_space<hbm>> -> memref<1x1x100x16xf32, #tpu.memory_space<hbm>>
        %dma_start3A_330 = tpu.memref_squeeze %dma_start3A_329 : memref<1x1x100x16xf32, #tpu.memory_space<hbm>> -> memref<100x16xf32, #tpu.memory_space<hbm>>
        %dma_start3A_331 = arith.constant 0 : i32
        %dma_start3A_332 = arith.constant 0 : i32
        %dma_start3A_333 = tpu.memref_slice %arg14[%dma_start3A_322, %dma_start3A_331, %dma_start3A_332] : memref<2x100x16xf32, #tpu.memory_space<vmem>> -> memref<1x100x16xf32, #tpu.memory_space<vmem>>
        %dma_start3A_334 = tpu.memref_squeeze %dma_start3A_333 : memref<1x100x16xf32, #tpu.memory_space<vmem>> -> memref<100x16xf32, #tpu.memory_space<vmem>>
        %dma_start3A_335 = arith.constant 0 : i32
        %dma_start3A_336 = arith.constant 0 : i32
        %dma_start3A_337 = tpu.memref_slice %arg4[%add3A, %add3A_299, %dma_start3A_335, %dma_start3A_336] : memref<32x50x100x16xf32, #tpu.memory_space<hbm>> -> memref<1x1x100x16xf32, #tpu.memory_space<hbm>>
        %dma_start3A_338 = tpu.memref_squeeze %dma_start3A_337 : memref<1x1x100x16xf32, #tpu.memory_space<hbm>> -> memref<100x16xf32, #tpu.memory_space<hbm>>
        tpu.enqueue_dma source(%dma_start3A_338 : memref<100x16xf32, #tpu.memory_space<hbm>>) target(%dma_start3A_334 : memref<100x16xf32, #tpu.memory_space<vmem>>) target_semaphore(%arg24 : memref<!tpu.dma_semaphore, #tpu.memory_space<semaphore_mem>>)
      } else {
      }
      %mul3A_241 = arith.constant 2 : i32
      %mul3A_242 = arith.muli %scan3A_188, %mul3A_241 : i32
      %add3A_243 = arith.constant 1 : i32
      %add3A_244 = arith.addi %mul3A_242, %add3A_243 : i32
      %dma_wait3A_245 = arith.constant 1 : i32
      %dma_wait3A_246 = arith.constant 0 : i32
      %dma_wait3A_247 = arith.constant 0 : i32
      %dma_wait3A_248 = tpu.memref_slice %arg15[%dma_wait3A_245, %dma_wait3A_246, %dma_wait3A_247] : memref<2x100x256xf32, #tpu.memory_space<vmem>> -> memref<1x100x256xf32, #tpu.memory_space<vmem>>
      %dma_wait3A_249 = tpu.memref_squeeze %dma_wait3A_248 : memref<1x100x256xf32, #tpu.memory_space<vmem>> -> memref<100x256xf32, #tpu.memory_space<vmem>>
      %dma_wait3A_250 = arith.constant 0 : i32
      %dma_wait3A_251 = tpu.memref_slice %arg10[%add3A_244, %dma_wait3A_250] : memref<50x100xi32, #tpu.memory_space<vmem>> -> memref<1x100xi32, #tpu.memory_space<vmem>>
      %dma_wait3A_252 = tpu.memref_squeeze %dma_wait3A_251 : memref<1x100xi32, #tpu.memory_space<vmem>> -> memref<100xi32, #tpu.memory_space<vmem>>
      %dma_wait3A_253 = arith.constant 0 : i32
      %dma_wait3A_254 = arith.constant 0 : i32
      %dma_wait3A_255 = tpu.memref_slice %arg2[%dma_wait3A_253, %dma_wait3A_254] : memref<10000x256xf32, #tpu.memory_space<hbm>> -> memref<10000x256xf32, #tpu.memory_space<hbm>>
      tpu.wait_indirect_dma semaphore(%arg21 : memref<!tpu.dma_semaphore, #tpu.memory_space<semaphore_mem>>) src(%dma_wait3A_255 : memref<10000x256xf32, #tpu.memory_space<hbm>>) dst(%dma_wait3A_249 : memref<100x256xf32, #tpu.memory_space<vmem>>)
      %dma_wait3A_256 = arith.constant 1 : i32
      %dma_wait3A_257 = arith.constant 0 : i32
      %dma_wait3A_258 = arith.constant 0 : i32
      %dma_wait3A_259 = tpu.memref_slice %arg16[%dma_wait3A_256, %dma_wait3A_257, %dma_wait3A_258] : memref<2x100x16xf32, #tpu.memory_space<vmem>> -> memref<1x100x16xf32, #tpu.memory_space<vmem>>
      %dma_wait3A_260 = tpu.memref_squeeze %dma_wait3A_259 : memref<1x100x16xf32, #tpu.memory_space<vmem>> -> memref<100x16xf32, #tpu.memory_space<vmem>>
      %dma_wait3A_261 = arith.constant 0 : i32
      %dma_wait3A_262 = tpu.memref_slice %arg10[%add3A_244, %dma_wait3A_261] : memref<50x100xi32, #tpu.memory_space<vmem>> -> memref<1x100xi32, #tpu.memory_space<vmem>>
      %dma_wait3A_263 = tpu.memref_squeeze %dma_wait3A_262 : memref<1x100xi32, #tpu.memory_space<vmem>> -> memref<100xi32, #tpu.memory_space<vmem>>
      %dma_wait3A_264 = arith.constant 0 : i32
      %dma_wait3A_265 = arith.constant 0 : i32
      %dma_wait3A_266 = tpu.memref_slice %arg3[%dma_wait3A_264, %dma_wait3A_265] : memref<10000x16xf32, #tpu.memory_space<hbm>> -> memref<10000x16xf32, #tpu.memory_space<hbm>>
      tpu.wait_indirect_dma semaphore(%arg23 : memref<!tpu.dma_semaphore, #tpu.memory_space<semaphore_mem>>) src(%dma_wait3A_266 : memref<10000x16xf32, #tpu.memory_space<hbm>>) dst(%dma_wait3A_260 : memref<100x16xf32, #tpu.memory_space<vmem>>)
      %dma_wait3A_267 = arith.constant 1 : i32
      %dma_wait3A_268 = arith.constant 0 : i32
      %dma_wait3A_269 = arith.constant 0 : i32
      %dma_wait3A_270 = tpu.memref_slice %arg14[%dma_wait3A_267, %dma_wait3A_268, %dma_wait3A_269] : memref<2x100x16xf32, #tpu.memory_space<vmem>> -> memref<1x100x16xf32, #tpu.memory_space<vmem>>
      %dma_wait3A_271 = tpu.memref_squeeze %dma_wait3A_270 : memref<1x100x16xf32, #tpu.memory_space<vmem>> -> memref<100x16xf32, #tpu.memory_space<vmem>>
      %dma_wait3A_272 = arith.constant 0 : i32
      %dma_wait3A_273 = arith.constant 0 : i32
      %dma_wait3A_274 = tpu.memref_slice %arg4[%add3A, %add3A_244, %dma_wait3A_272, %dma_wait3A_273] : memref<32x50x100x16xf32, #tpu.memory_space<hbm>> -> memref<1x1x100x16xf32, #tpu.memory_space<hbm>>
      %dma_wait3A_275 = tpu.memref_squeeze %dma_wait3A_274 : memref<1x1x100x16xf32, #tpu.memory_space<hbm>> -> memref<100x16xf32, #tpu.memory_space<hbm>>
      %dma_wait3A_276 = arith.constant 0 : i32
      %dma_wait3A_277 = arith.constant 0 : i32
      %dma_wait3A_278 = tpu.memref_slice %arg14[%dma_wait3A_267, %dma_wait3A_276, %dma_wait3A_277] : memref<2x100x16xf32, #tpu.memory_space<vmem>> -> memref<1x100x16xf32, #tpu.memory_space<vmem>>
      %dma_wait3A_279 = tpu.memref_squeeze %dma_wait3A_278 : memref<1x100x16xf32, #tpu.memory_space<vmem>> -> memref<100x16xf32, #tpu.memory_space<vmem>>
      %dma_wait3A_280 = arith.constant 0 : i32
      %dma_wait3A_281 = arith.constant 0 : i32
      %dma_wait3A_282 = tpu.memref_slice %arg4[%add3A, %add3A_244, %dma_wait3A_280, %dma_wait3A_281] : memref<32x50x100x16xf32, #tpu.memory_space<hbm>> -> memref<1x1x100x16xf32, #tpu.memory_space<hbm>>
      %dma_wait3A_283 = tpu.memref_squeeze %dma_wait3A_282 : memref<1x1x100x16xf32, #tpu.memory_space<hbm>> -> memref<100x16xf32, #tpu.memory_space<hbm>>
      tpu.wait_dma2 semaphore(%arg25 : memref<!tpu.dma_semaphore, #tpu.memory_space<semaphore_mem>>) src(%dma_wait3A_283 : memref<100x16xf32, #tpu.memory_space<hbm>>) dst(%dma_wait3A_279 : memref<100x16xf32, #tpu.memory_space<vmem>>)
      %scan3A_284 = arith.constant 0 : i32
      %scan3A_285 = arith.constant 0 : i32
      %scan3A_286 = arith.constant 100 : i32
      %scan3A_287 = arith.addi %scan3A_285, %scan3A_286 : i32
      %scan3A_288 = arith.constant 1 : i32
      scf.for %scan3A_298 = %scan3A_285 to %scan3A_287 step %scan3A_288  : i32 {
        %get3A_299 = arith.constant 1 : i32
        %get3A_300 = arith.index_cast %get3A_299 : i32 to index
        %get3A_301 = arith.index_cast %scan3A_298 : i32 to index
        %get3A_302 = arith.constant 0 : index
        %get3A_303 = tpu.vector_load %arg14[%get3A_300, %get3A_301, %get3A_302] {strides = array<i32>} : memref<2x100x16xf32, #tpu.memory_space<vmem>>, vector<1x1x16xf32>,
        %get3A_304 = vector.shape_cast %get3A_303 : vector<1x1x16xf32> to vector<16xf32>
        %slice3A = vector.extract_strided_slice %get3A_304 {offsets = [0], sizes = [1], strides = [1]} : vector<16xf32> to vector<1xf32>
        %squeeze3A = vector.extract %slice3A[0] : f32 from vector<1xf32>
        %mul3A_305 = vector.broadcast %squeeze3A : f32 to vector<16xf32>
        %mul3A_306 = arith.mulf %mul3A_305, %get3A_4 : vector<16xf32>
        %add3A_307 = arith.addf %get3A_84, %mul3A_306 : vector<16xf32>
        %slice3A_308 = vector.extract_strided_slice %get3A_304 {offsets = [1], sizes = [1], strides = [1]} : vector<16xf32> to vector<1xf32>
        %squeeze3A_309 = vector.extract %slice3A_308[0] : f32 from vector<1xf32>
        %mul3A_310 = vector.broadcast %squeeze3A_309 : f32 to vector<16xf32>
        %mul3A_311 = arith.mulf %mul3A_310, %get3A_9 : vector<16xf32>
        %slice3A_312 = vector.extract_strided_slice %get3A_304 {offsets = [2], sizes = [1], strides = [1]} : vector<16xf32> to vector<1xf32>
        %squeeze3A_313 = vector.extract %slice3A_312[0] : f32 from vector<1xf32>
        %mul3A_314 = vector.broadcast %squeeze3A_313 : f32 to vector<16xf32>
        %mul3A_315 = arith.mulf %mul3A_314, %get3A_14 : vector<16xf32>
        %slice3A_316 = vector.extract_strided_slice %get3A_304 {offsets = [3], sizes = [1], strides = [1]} : vector<16xf32> to vector<1xf32>
        %squeeze3A_317 = vector.extract %slice3A_316[0] : f32 from vector<1xf32>
        %mul3A_318 = vector.broadcast %squeeze3A_317 : f32 to vector<16xf32>
        %mul3A_319 = arith.mulf %mul3A_318, %get3A_19 : vector<16xf32>
        %slice3A_320 = vector.extract_strided_slice %get3A_304 {offsets = [4], sizes = [1], strides = [1]} : vector<16xf32> to vector<1xf32>
        %squeeze3A_321 = vector.extract %slice3A_320[0] : f32 from vector<1xf32>
        %mul3A_322 = vector.broadcast %squeeze3A_321 : f32 to vector<16xf32>
        %mul3A_323 = arith.mulf %mul3A_322, %get3A_24 : vector<16xf32>
        %add3A_324 = arith.addf %add3A_307, %mul3A_323 : vector<16xf32>
        %slice3A_325 = vector.extract_strided_slice %get3A_304 {offsets = [5], sizes = [1], strides = [1]} : vector<16xf32> to vector<1xf32>
        %squeeze3A_326 = vector.extract %slice3A_325[0] : f32 from vector<1xf32>
        %mul3A_327 = vector.broadcast %squeeze3A_326 : f32 to vector<16xf32>
        %mul3A_328 = arith.mulf %mul3A_327, %get3A_29 : vector<16xf32>
        %add3A_329 = arith.addf %mul3A_311, %mul3A_328 : vector<16xf32>
        %slice3A_330 = vector.extract_strided_slice %get3A_304 {offsets = [6], sizes = [1], strides = [1]} : vector<16xf32> to vector<1xf32>
        %squeeze3A_331 = vector.extract %slice3A_330[0] : f32 from vector<1xf32>
        %mul3A_332 = vector.broadcast %squeeze3A_331 : f32 to vector<16xf32>
        %mul3A_333 = arith.mulf %mul3A_332, %get3A_34 : vector<16xf32>
        %add3A_334 = arith.addf %mul3A_315, %mul3A_333 : vector<16xf32>
        %slice3A_335 = vector.extract_strided_slice %get3A_304 {offsets = [7], sizes = [1], strides = [1]} : vector<16xf32> to vector<1xf32>
        %squeeze3A_336 = vector.extract %slice3A_335[0] : f32 from vector<1xf32>
        %mul3A_337 = vector.broadcast %squeeze3A_336 : f32 to vector<16xf32>
        %mul3A_338 = arith.mulf %mul3A_337, %get3A_39 : vector<16xf32>
        %add3A_339 = arith.addf %mul3A_319, %mul3A_338 : vector<16xf32>
        %slice3A_340 = vector.extract_strided_slice %get3A_304 {offsets = [8], sizes = [1], strides = [1]} : vector<16xf32> to vector<1xf32>
        %squeeze3A_341 = vector.extract %slice3A_340[0] : f32 from vector<1xf32>
        %mul3A_342 = vector.broadcast %squeeze3A_341 : f32 to vector<16xf32>
        %mul3A_343 = arith.mulf %mul3A_342, %get3A_44 : vector<16xf32>
        %add3A_344 = arith.addf %add3A_324, %mul3A_343 : vector<16xf32>
        %slice3A_345 = vector.extract_strided_slice %get3A_304 {offsets = [9], sizes = [1], strides = [1]} : vector<16xf32> to vector<1xf32>
        %squeeze3A_346 = vector.extract %slice3A_345[0] : f32 from vector<1xf32>
        %mul3A_347 = vector.broadcast %squeeze3A_346 : f32 to vector<16xf32>
        %mul3A_348 = arith.mulf %mul3A_347, %get3A_49 : vector<16xf32>
        %add3A_349 = arith.addf %add3A_329, %mul3A_348 : vector<16xf32>
        %slice3A_350 = vector.extract_strided_slice %get3A_304 {offsets = [10], sizes = [1], strides = [1]} : vector<16xf32> to vector<1xf32>
        %squeeze3A_351 = vector.extract %slice3A_350[0] : f32 from vector<1xf32>
        %mul3A_352 = vector.broadcast %squeeze3A_351 : f32 to vector<16xf32>
        %mul3A_353 = arith.mulf %mul3A_352, %get3A_54 : vector<16xf32>
        %add3A_354 = arith.addf %add3A_334, %mul3A_353 : vector<16xf32>
        %slice3A_355 = vector.extract_strided_slice %get3A_304 {offsets = [11], sizes = [1], strides = [1]} : vector<16xf32> to vector<1xf32>
        %squeeze3A_356 = vector.extract %slice3A_355[0] : f32 from vector<1xf32>
        %mul3A_357 = vector.broadcast %squeeze3A_356 : f32 to vector<16xf32>
        %mul3A_358 = arith.mulf %mul3A_357, %get3A_59 : vector<16xf32>
        %add3A_359 = arith.addf %add3A_339, %mul3A_358 : vector<16xf32>
        %slice3A_360 = vector.extract_strided_slice %get3A_304 {offsets = [12], sizes = [1], strides = [1]} : vector<16xf32> to vector<1xf32>
        %squeeze3A_361 = vector.extract %slice3A_360[0] : f32 from vector<1xf32>
        %mul3A_362 = vector.broadcast %squeeze3A_361 : f32 to vector<16xf32>
        %mul3A_363 = arith.mulf %mul3A_362, %get3A_64 : vector<16xf32>
        %add3A_364 = arith.addf %add3A_344, %mul3A_363 : vector<16xf32>
        %slice3A_365 = vector.extract_strided_slice %get3A_304 {offsets = [13], sizes = [1], strides = [1]} : vector<16xf32> to vector<1xf32>
        %squeeze3A_366 = vector.extract %slice3A_365[0] : f32 from vector<1xf32>
        %mul3A_367 = vector.broadcast %squeeze3A_366 : f32 to vector<16xf32>
        %mul3A_368 = arith.mulf %mul3A_367, %get3A_69 : vector<16xf32>
        %add3A_369 = arith.addf %add3A_349, %mul3A_368 : vector<16xf32>
        %slice3A_370 = vector.extract_strided_slice %get3A_304 {offsets = [14], sizes = [1], strides = [1]} : vector<16xf32> to vector<1xf32>
        %squeeze3A_371 = vector.extract %slice3A_370[0] : f32 from vector<1xf32>
        %mul3A_372 = vector.broadcast %squeeze3A_371 : f32 to vector<16xf32>
        %mul3A_373 = arith.mulf %mul3A_372, %get3A_74 : vector<16xf32>
        %add3A_374 = arith.addf %add3A_354, %mul3A_373 : vector<16xf32>
        %slice3A_375 = vector.extract_strided_slice %get3A_304 {offsets = [15], sizes = [1], strides = [1]} : vector<16xf32> to vector<1xf32>
        %squeeze3A_376 = vector.extract %slice3A_375[0] : f32 from vector<1xf32>
        %mul3A_377 = vector.broadcast %squeeze3A_376 : f32 to vector<16xf32>
        %mul3A_378 = arith.mulf %mul3A_377, %get3A_79 : vector<16xf32>
        %add3A_379 = arith.addf %add3A_359, %mul3A_378 : vector<16xf32>
        %add3A_380 = arith.addf %add3A_364, %add3A_369 : vector<16xf32>
        %add3A_381 = arith.addf %add3A_374, %add3A_379 : vector<16xf32>
        %add3A_382 = arith.addf %add3A_380, %add3A_381 : vector<16xf32>
        %max3A = arith.constant 0.000000e+00 : f32
        %max3A_383 = vector.broadcast %max3A : f32 to vector<16xf32>
        %max3A_384 = arith.maximumf %add3A_382, %max3A_383 : vector<16xf32>
        %get3A_385 = arith.constant 1 : i32
        %get3A_386 = arith.index_cast %get3A_385 : i32 to index
        %get3A_387 = arith.index_cast %scan3A_298 : i32 to index
        %get3A_388 = arith.constant 0 : index
        %get3A_389 = tpu.vector_load %arg16[%get3A_386, %get3A_387, %get3A_388] {strides = array<i32>} : memref<2x100x16xf32, #tpu.memory_space<vmem>>, vector<1x1x16xf32>,
        %get3A_390 = vector.shape_cast %get3A_389 : vector<1x1x16xf32> to vector<16xf32>
        %slice3A_391 = vector.extract_strided_slice %max3A_384 {offsets = [0], sizes = [1], strides = [1]} : vector<16xf32> to vector<1xf32>
        %squeeze3A_392 = vector.extract %slice3A_391[0] : f32 from vector<1xf32>
        %get3A_393 = arith.constant 1 : i32
        %get3A_394 = arith.index_cast %get3A_393 : i32 to index
        %get3A_395 = arith.index_cast %scan3A_298 : i32 to index
        %get3A_396 = arith.constant 0 : index
        %get3A_397 = tpu.vector_load %arg15[%get3A_394, %get3A_395, %get3A_396] {strides = array<i32>} : memref<2x100x256xf32, #tpu.memory_space<vmem>>, vector<1x1x16xf32>,
        %get3A_398 = vector.shape_cast %get3A_397 : vector<1x1x16xf32> to vector<16xf32>
        %mul3A_399 = vector.broadcast %squeeze3A_392 : f32 to vector<16xf32>
        %mul3A_400 = arith.mulf %mul3A_399, %get3A_398 : vector<16xf32>
        %add3A_401 = arith.addf %get3A_390, %mul3A_400 : vector<16xf32>
        %slice3A_402 = vector.extract_strided_slice %max3A_384 {offsets = [1], sizes = [1], strides = [1]} : vector<16xf32> to vector<1xf32>
        %squeeze3A_403 = vector.extract %slice3A_402[0] : f32 from vector<1xf32>
        %get3A_404 = arith.constant 1 : i32
        %get3A_405 = arith.index_cast %get3A_404 : i32 to index
        %get3A_406 = arith.index_cast %scan3A_298 : i32 to index
        %get3A_407 = arith.constant 16 : index
        %get3A_408 = tpu.vector_load %arg15[%get3A_405, %get3A_406, %get3A_407] {strides = array<i32>} : memref<2x100x256xf32, #tpu.memory_space<vmem>>, vector<1x1x16xf32>,
        %get3A_409 = vector.shape_cast %get3A_408 : vector<1x1x16xf32> to vector<16xf32>
        %mul3A_410 = vector.broadcast %squeeze3A_403 : f32 to vector<16xf32>
        %mul3A_411 = arith.mulf %mul3A_410, %get3A_409 : vector<16xf32>
        %slice3A_412 = vector.extract_strided_slice %max3A_384 {offsets = [2], sizes = [1], strides = [1]} : vector<16xf32> to vector<1xf32>
        %squeeze3A_413 = vector.extract %slice3A_412[0] : f32 from vector<1xf32>
        %get3A_414 = arith.constant 1 : i32
        %get3A_415 = arith.index_cast %get3A_414 : i32 to index
        %get3A_416 = arith.index_cast %scan3A_298 : i32 to index
        %get3A_417 = arith.constant 32 : index
        %get3A_418 = tpu.vector_load %arg15[%get3A_415, %get3A_416, %get3A_417] {strides = array<i32>} : memref<2x100x256xf32, #tpu.memory_space<vmem>>, vector<1x1x16xf32>,
        %get3A_419 = vector.shape_cast %get3A_418 : vector<1x1x16xf32> to vector<16xf32>
        %mul3A_420 = vector.broadcast %squeeze3A_413 : f32 to vector<16xf32>
        %mul3A_421 = arith.mulf %mul3A_420, %get3A_419 : vector<16xf32>
        %slice3A_422 = vector.extract_strided_slice %max3A_384 {offsets = [3], sizes = [1], strides = [1]} : vector<16xf32> to vector<1xf32>
        %squeeze3A_423 = vector.extract %slice3A_422[0] : f32 from vector<1xf32>
        %get3A_424 = arith.constant 1 : i32
        %get3A_425 = arith.index_cast %get3A_424 : i32 to index
        %get3A_426 = arith.index_cast %scan3A_298 : i32 to index
        %get3A_427 = arith.constant 48 : index
        %get3A_428 = tpu.vector_load %arg15[%get3A_425, %get3A_426, %get3A_427] {strides = array<i32>} : memref<2x100x256xf32, #tpu.memory_space<vmem>>, vector<1x1x16xf32>,
        %get3A_429 = vector.shape_cast %get3A_428 : vector<1x1x16xf32> to vector<16xf32>
        %mul3A_430 = vector.broadcast %squeeze3A_423 : f32 to vector<16xf32>
        %mul3A_431 = arith.mulf %mul3A_430, %get3A_429 : vector<16xf32>
        %slice3A_432 = vector.extract_strided_slice %max3A_384 {offsets = [4], sizes = [1], strides = [1]} : vector<16xf32> to vector<1xf32>
        %squeeze3A_433 = vector.extract %slice3A_432[0] : f32 from vector<1xf32>
        %get3A_434 = arith.constant 1 : i32
        %get3A_435 = arith.index_cast %get3A_434 : i32 to index
        %get3A_436 = arith.index_cast %scan3A_298 : i32 to index
        %get3A_437 = arith.constant 64 : index
        %get3A_438 = tpu.vector_load %arg15[%get3A_435, %get3A_436, %get3A_437] {strides = array<i32>} : memref<2x100x256xf32, #tpu.memory_space<vmem>>, vector<1x1x16xf32>,
        %get3A_439 = vector.shape_cast %get3A_438 : vector<1x1x16xf32> to vector<16xf32>
        %mul3A_440 = vector.broadcast %squeeze3A_433 : f32 to vector<16xf32>
        %mul3A_441 = arith.mulf %mul3A_440, %get3A_439 : vector<16xf32>
        %add3A_442 = arith.addf %add3A_401, %mul3A_441 : vector<16xf32>
        %slice3A_443 = vector.extract_strided_slice %max3A_384 {offsets = [5], sizes = [1], strides = [1]} : vector<16xf32> to vector<1xf32>
        %squeeze3A_444 = vector.extract %slice3A_443[0] : f32 from vector<1xf32>
        %get3A_445 = arith.constant 1 : i32
        %get3A_446 = arith.index_cast %get3A_445 : i32 to index
        %get3A_447 = arith.index_cast %scan3A_298 : i32 to index
        %get3A_448 = arith.constant 80 : index
        %get3A_449 = tpu.vector_load %arg15[%get3A_446, %get3A_447, %get3A_448] {strides = array<i32>} : memref<2x100x256xf32, #tpu.memory_space<vmem>>, vector<1x1x16xf32>,
        %get3A_450 = vector.shape_cast %get3A_449 : vector<1x1x16xf32> to vector<16xf32>
        %mul3A_451 = vector.broadcast %squeeze3A_444 : f32 to vector<16xf32>
        %mul3A_452 = arith.mulf %mul3A_451, %get3A_450 : vector<16xf32>
        %add3A_453 = arith.addf %mul3A_411, %mul3A_452 : vector<16xf32>
        %slice3A_454 = vector.extract_strided_slice %max3A_384 {offsets = [6], sizes = [1], strides = [1]} : vector<16xf32> to vector<1xf32>
        %squeeze3A_455 = vector.extract %slice3A_454[0] : f32 from vector<1xf32>
        %get3A_456 = arith.constant 1 : i32
        %get3A_457 = arith.index_cast %get3A_456 : i32 to index
        %get3A_458 = arith.index_cast %scan3A_298 : i32 to index
        %get3A_459 = arith.constant 96 : index
        %get3A_460 = tpu.vector_load %arg15[%get3A_457, %get3A_458, %get3A_459] {strides = array<i32>} : memref<2x100x256xf32, #tpu.memory_space<vmem>>, vector<1x1x16xf32>,
        %get3A_461 = vector.shape_cast %get3A_460 : vector<1x1x16xf32> to vector<16xf32>
        %mul3A_462 = vector.broadcast %squeeze3A_455 : f32 to vector<16xf32>
        %mul3A_463 = arith.mulf %mul3A_462, %get3A_461 : vector<16xf32>
        %add3A_464 = arith.addf %mul3A_421, %mul3A_463 : vector<16xf32>
        %slice3A_465 = vector.extract_strided_slice %max3A_384 {offsets = [7], sizes = [1], strides = [1]} : vector<16xf32> to vector<1xf32>
        %squeeze3A_466 = vector.extract %slice3A_465[0] : f32 from vector<1xf32>
        %get3A_467 = arith.constant 1 : i32
        %get3A_468 = arith.index_cast %get3A_467 : i32 to index
        %get3A_469 = arith.index_cast %scan3A_298 : i32 to index
        %get3A_470 = arith.constant 112 : index
        %get3A_471 = tpu.vector_load %arg15[%get3A_468, %get3A_469, %get3A_470] {strides = array<i32>} : memref<2x100x256xf32, #tpu.memory_space<vmem>>, vector<1x1x16xf32>,
        %get3A_472 = vector.shape_cast %get3A_471 : vector<1x1x16xf32> to vector<16xf32>
        %mul3A_473 = vector.broadcast %squeeze3A_466 : f32 to vector<16xf32>
        %mul3A_474 = arith.mulf %mul3A_473, %get3A_472 : vector<16xf32>
        %add3A_475 = arith.addf %mul3A_431, %mul3A_474 : vector<16xf32>
        %slice3A_476 = vector.extract_strided_slice %max3A_384 {offsets = [8], sizes = [1], strides = [1]} : vector<16xf32> to vector<1xf32>
        %squeeze3A_477 = vector.extract %slice3A_476[0] : f32 from vector<1xf32>
        %get3A_478 = arith.constant 1 : i32
        %get3A_479 = arith.index_cast %get3A_478 : i32 to index
        %get3A_480 = arith.index_cast %scan3A_298 : i32 to index
        %get3A_481 = arith.constant 128 : index
        %get3A_482 = tpu.vector_load %arg15[%get3A_479, %get3A_480, %get3A_481] {strides = array<i32>} : memref<2x100x256xf32, #tpu.memory_space<vmem>>, vector<1x1x16xf32>,
        %get3A_483 = vector.shape_cast %get3A_482 : vector<1x1x16xf32> to vector<16xf32>
        %mul3A_484 = vector.broadcast %squeeze3A_477 : f32 to vector<16xf32>
        %mul3A_485 = arith.mulf %mul3A_484, %get3A_483 : vector<16xf32>
        %add3A_486 = arith.addf %add3A_442, %mul3A_485 : vector<16xf32>
        %slice3A_487 = vector.extract_strided_slice %max3A_384 {offsets = [9], sizes = [1], strides = [1]} : vector<16xf32> to vector<1xf32>
        %squeeze3A_488 = vector.extract %slice3A_487[0] : f32 from vector<1xf32>
        %get3A_489 = arith.constant 1 : i32
        %get3A_490 = arith.index_cast %get3A_489 : i32 to index
        %get3A_491 = arith.index_cast %scan3A_298 : i32 to index
        %get3A_492 = arith.constant 144 : index
        %get3A_493 = tpu.vector_load %arg15[%get3A_490, %get3A_491, %get3A_492] {strides = array<i32>} : memref<2x100x256xf32, #tpu.memory_space<vmem>>, vector<1x1x16xf32>,
        %get3A_494 = vector.shape_cast %get3A_493 : vector<1x1x16xf32> to vector<16xf32>
        %mul3A_495 = vector.broadcast %squeeze3A_488 : f32 to vector<16xf32>
        %mul3A_496 = arith.mulf %mul3A_495, %get3A_494 : vector<16xf32>
        %add3A_497 = arith.addf %add3A_453, %mul3A_496 : vector<16xf32>
        %slice3A_498 = vector.extract_strided_slice %max3A_384 {offsets = [10], sizes = [1], strides = [1]} : vector<16xf32> to vector<1xf32>
        %squeeze3A_499 = vector.extract %slice3A_498[0] : f32 from vector<1xf32>
        %get3A_500 = arith.constant 1 : i32
        %get3A_501 = arith.index_cast %get3A_500 : i32 to index
        %get3A_502 = arith.index_cast %scan3A_298 : i32 to index
        %get3A_503 = arith.constant 160 : index
        %get3A_504 = tpu.vector_load %arg15[%get3A_501, %get3A_502, %get3A_503] {strides = array<i32>} : memref<2x100x256xf32, #tpu.memory_space<vmem>>, vector<1x1x16xf32>,
        %get3A_505 = vector.shape_cast %get3A_504 : vector<1x1x16xf32> to vector<16xf32>
        %mul3A_506 = vector.broadcast %squeeze3A_499 : f32 to vector<16xf32>
        %mul3A_507 = arith.mulf %mul3A_506, %get3A_505 : vector<16xf32>
        %add3A_508 = arith.addf %add3A_464, %mul3A_507 : vector<16xf32>
        %slice3A_509 = vector.extract_strided_slice %max3A_384 {offsets = [11], sizes = [1], strides = [1]} : vector<16xf32> to vector<1xf32>
        %squeeze3A_510 = vector.extract %slice3A_509[0] : f32 from vector<1xf32>
        %get3A_511 = arith.constant 1 : i32
        %get3A_512 = arith.index_cast %get3A_511 : i32 to index
        %get3A_513 = arith.index_cast %scan3A_298 : i32 to index
        %get3A_514 = arith.constant 176 : index
        %get3A_515 = tpu.vector_load %arg15[%get3A_512, %get3A_513, %get3A_514] {strides = array<i32>} : memref<2x100x256xf32, #tpu.memory_space<vmem>>, vector<1x1x16xf32>,
        %get3A_516 = vector.shape_cast %get3A_515 : vector<1x1x16xf32> to vector<16xf32>
        %mul3A_517 = vector.broadcast %squeeze3A_510 : f32 to vector<16xf32>
        %mul3A_518 = arith.mulf %mul3A_517, %get3A_516 : vector<16xf32>
        %add3A_519 = arith.addf %add3A_475, %mul3A_518 : vector<16xf32>
        %slice3A_520 = vector.extract_strided_slice %max3A_384 {offsets = [12], sizes = [1], strides = [1]} : vector<16xf32> to vector<1xf32>
        %squeeze3A_521 = vector.extract %slice3A_520[0] : f32 from vector<1xf32>
        %get3A_522 = arith.constant 1 : i32
        %get3A_523 = arith.index_cast %get3A_522 : i32 to index
        %get3A_524 = arith.index_cast %scan3A_298 : i32 to index
        %get3A_525 = arith.constant 192 : index
        %get3A_526 = tpu.vector_load %arg15[%get3A_523, %get3A_524, %get3A_525] {strides = array<i32>} : memref<2x100x256xf32, #tpu.memory_space<vmem>>, vector<1x1x16xf32>,
        %get3A_527 = vector.shape_cast %get3A_526 : vector<1x1x16xf32> to vector<16xf32>
        %mul3A_528 = vector.broadcast %squeeze3A_521 : f32 to vector<16xf32>
        %mul3A_529 = arith.mulf %mul3A_528, %get3A_527 : vector<16xf32>
        %add3A_530 = arith.addf %add3A_486, %mul3A_529 : vector<16xf32>
        %slice3A_531 = vector.extract_strided_slice %max3A_384 {offsets = [13], sizes = [1], strides = [1]} : vector<16xf32> to vector<1xf32>
        %squeeze3A_532 = vector.extract %slice3A_531[0] : f32 from vector<1xf32>
        %get3A_533 = arith.constant 1 : i32
        %get3A_534 = arith.index_cast %get3A_533 : i32 to index
        %get3A_535 = arith.index_cast %scan3A_298 : i32 to index
        %get3A_536 = arith.constant 208 : index
        %get3A_537 = tpu.vector_load %arg15[%get3A_534, %get3A_535, %get3A_536] {strides = array<i32>} : memref<2x100x256xf32, #tpu.memory_space<vmem>>, vector<1x1x16xf32>,
        %get3A_538 = vector.shape_cast %get3A_537 : vector<1x1x16xf32> to vector<16xf32>
        %mul3A_539 = vector.broadcast %squeeze3A_532 : f32 to vector<16xf32>
        %mul3A_540 = arith.mulf %mul3A_539, %get3A_538 : vector<16xf32>
        %add3A_541 = arith.addf %add3A_497, %mul3A_540 : vector<16xf32>
        %slice3A_542 = vector.extract_strided_slice %max3A_384 {offsets = [14], sizes = [1], strides = [1]} : vector<16xf32> to vector<1xf32>
        %squeeze3A_543 = vector.extract %slice3A_542[0] : f32 from vector<1xf32>
        %get3A_544 = arith.constant 1 : i32
        %get3A_545 = arith.index_cast %get3A_544 : i32 to index
        %get3A_546 = arith.index_cast %scan3A_298 : i32 to index
        %get3A_547 = arith.constant 224 : index
        %get3A_548 = tpu.vector_load %arg15[%get3A_545, %get3A_546, %get3A_547] {strides = array<i32>} : memref<2x100x256xf32, #tpu.memory_space<vmem>>, vector<1x1x16xf32>,
        %get3A_549 = vector.shape_cast %get3A_548 : vector<1x1x16xf32> to vector<16xf32>
        %mul3A_550 = vector.broadcast %squeeze3A_543 : f32 to vector<16xf32>
        %mul3A_551 = arith.mulf %mul3A_550, %get3A_549 : vector<16xf32>
        %add3A_552 = arith.addf %add3A_508, %mul3A_551 : vector<16xf32>
        %slice3A_553 = vector.extract_strided_slice %max3A_384 {offsets = [15], sizes = [1], strides = [1]} : vector<16xf32> to vector<1xf32>
        %squeeze3A_554 = vector.extract %slice3A_553[0] : f32 from vector<1xf32>
        %get3A_555 = arith.constant 1 : i32
        %get3A_556 = arith.index_cast %get3A_555 : i32 to index
        %get3A_557 = arith.index_cast %scan3A_298 : i32 to index
        %get3A_558 = arith.constant 240 : index
        %get3A_559 = tpu.vector_load %arg15[%get3A_556, %get3A_557, %get3A_558] {strides = array<i32>} : memref<2x100x256xf32, #tpu.memory_space<vmem>>, vector<1x1x16xf32>,
        %get3A_560 = vector.shape_cast %get3A_559 : vector<1x1x16xf32> to vector<16xf32>
        %mul3A_561 = vector.broadcast %squeeze3A_554 : f32 to vector<16xf32>
        %mul3A_562 = arith.mulf %mul3A_561, %get3A_560 : vector<16xf32>
        %add3A_563 = arith.addf %add3A_519, %mul3A_562 : vector<16xf32>
        %add3A_564 = arith.addf %add3A_530, %add3A_541 : vector<16xf32>
        %add3A_565 = arith.addf %add3A_552, %add3A_563 : vector<16xf32>
        %add3A_566 = arith.addf %add3A_564, %add3A_565 : vector<16xf32>
        %swap3A = arith.constant 1 : i32
        %swap3A_567 = arith.index_cast %swap3A : i32 to index
        %swap3A_568 = arith.index_cast %scan3A_298 : i32 to index
        %swap3A_569 = arith.constant 0 : index
        %swap3A_570 = tpu.vector_load %arg17[%swap3A_567, %swap3A_568, %swap3A_569] {strides = array<i32>} : memref<2x100x16xf32, #tpu.memory_space<vmem>>, vector<1x1x16xf32>,
        %swap3A_571 = vector.shape_cast %swap3A_570 : vector<1x1x16xf32> to vector<16xf32>
        %swap3A_572 = vector.shape_cast %add3A_566 : vector<16xf32> to vector<1x1x16xf32>
        tpu.vector_store %arg17[%swap3A_567, %swap3A_568, %swap3A_569], %swap3A_572 {strides = array<i32>} : memref<2x100x16xf32, #tpu.memory_space<vmem>>, vector<1x1x16xf32>,
      }
      %scan3A_289 = arith.constant 100 : i32
      %run_scoped3A_290 = arith.constant 1 : i32
      "tpu.region"() ({
        %run_scoped3A_298 = tpu.sem_alloc : memref<!tpu.dma_semaphore, #tpu.memory_space<semaphore_mem>>
        %dma_start3A_299 = arith.constant 0 : i32
        %dma_start3A_300 = arith.constant 0 : i32
        %dma_start3A_301 = tpu.memref_slice %arg17[%run_scoped3A_290, %dma_start3A_299, %dma_start3A_300] : memref<2x100x16xf32, #tpu.memory_space<vmem>> -> memref<1x100x16xf32, #tpu.memory_space<vmem>>
        %dma_start3A_302 = tpu.memref_squeeze %dma_start3A_301 : memref<1x100x16xf32, #tpu.memory_space<vmem>> -> memref<100x16xf32, #tpu.memory_space<vmem>>
        %dma_start3A_303 = arith.constant 0 : i32
        %dma_start3A_304 = tpu.memref_slice %arg11[%add3A_244, %dma_start3A_303] : memref<50x100xi32, #tpu.memory_space<vmem>> -> memref<1x100xi32, #tpu.memory_space<vmem>>
        %dma_start3A_305 = tpu.memref_squeeze %dma_start3A_304 : memref<1x100xi32, #tpu.memory_space<vmem>> -> memref<100xi32, #tpu.memory_space<vmem>>
        %dma_start3A_306 = arith.constant 0 : i32
        %dma_start3A_307 = arith.constant 0 : i32
        %dma_start3A_308 = tpu.memref_slice %arg19[%dma_start3A_306, %dma_start3A_307] : memref<10240x16xf32, #tpu.memory_space<vmem_shared>> -> memref<10240x16xf32, #tpu.memory_space<vmem_shared>>
        tpu.enqueue_indirect_dma source(%dma_start3A_302 : memref<100x16xf32, #tpu.memory_space<vmem>>) target(%dma_start3A_308 : memref<10240x16xf32, #tpu.memory_space<vmem_shared>>) offsets(%dma_start3A_305 : memref<100xi32, #tpu.memory_space<vmem>>) semaphore(%run_scoped3A_298 : memref<!tpu.dma_semaphore, #tpu.memory_space<semaphore_mem>>) {add = true}
        %dma_wait3A_309 = arith.constant 0 : i32
        %dma_wait3A_310 = arith.constant 0 : i32
        %dma_wait3A_311 = tpu.memref_slice %arg17[%run_scoped3A_290, %dma_wait3A_309, %dma_wait3A_310] : memref<2x100x16xf32, #tpu.memory_space<vmem>> -> memref<1x100x16xf32, #tpu.memory_space<vmem>>
        %dma_wait3A_312 = tpu.memref_squeeze %dma_wait3A_311 : memref<1x100x16xf32, #tpu.memory_space<vmem>> -> memref<100x16xf32, #tpu.memory_space<vmem>>
        %dma_wait3A_313 = arith.constant 0 : i32
        %dma_wait3A_314 = tpu.memref_slice %arg11[%add3A_244, %dma_wait3A_313] : memref<50x100xi32, #tpu.memory_space<vmem>> -> memref<1x100xi32, #tpu.memory_space<vmem>>
        %dma_wait3A_315 = tpu.memref_squeeze %dma_wait3A_314 : memref<1x100xi32, #tpu.memory_space<vmem>> -> memref<100xi32, #tpu.memory_space<vmem>>
        %dma_wait3A_316 = arith.constant 0 : i32
        %dma_wait3A_317 = arith.constant 0 : i32
        %dma_wait3A_318 = tpu.memref_slice %arg19[%dma_wait3A_316, %dma_wait3A_317] : memref<10240x16xf32, #tpu.memory_space<vmem_shared>> -> memref<10240x16xf32, #tpu.memory_space<vmem_shared>>
        tpu.wait_indirect_dma semaphore(%run_scoped3A_298 : memref<!tpu.dma_semaphore, #tpu.memory_space<semaphore_mem>>) src(%dma_wait3A_312 : memref<100x16xf32, #tpu.memory_space<vmem>>) dst(%dma_wait3A_318 : memref<10240x16xf32, #tpu.memory_space<vmem_shared>>)
        tpu.yield
      }) : () -> ()
      %add3A_291 = arith.constant 2 : i32
      %add3A_292 = arith.addi %add3A_244, %add3A_291 : i32
      %lt3A_293 = arith.constant 50 : i32
      %lt3A_294 = arith.cmpi slt, %add3A_292, %lt3A_293 : i32
      %convert_element_type3A_295 = arith.extui %lt3A_294 : i1 to i32
      %cond3A_296 = arith.constant 0 : i32
      %cond3A_297 = arith.cmpi ne, %convert_element_type3A_295, %cond3A_296 : i32
      scf.if %cond3A_297 {
        %add3A_298 = arith.constant 2 : i32
        %add3A_299 = arith.addi %add3A_244, %add3A_298 : i32
        %dma_start3A_300 = arith.constant 1 : i32
        %dma_start3A_301 = arith.constant 0 : i32
        %dma_start3A_302 = arith.constant 0 : i32
        %dma_start3A_303 = tpu.memref_slice %arg15[%dma_start3A_300, %dma_start3A_301, %dma_start3A_302] : memref<2x100x256xf32, #tpu.memory_space<vmem>> -> memref<1x100x256xf32, #tpu.memory_space<vmem>>
        %dma_start3A_304 = tpu.memref_squeeze %dma_start3A_303 : memref<1x100x256xf32, #tpu.memory_space<vmem>> -> memref<100x256xf32, #tpu.memory_space<vmem>>
        %dma_start3A_305 = arith.constant 0 : i32
        %dma_start3A_306 = tpu.memref_slice %arg10[%add3A_299, %dma_start3A_305] : memref<50x100xi32, #tpu.memory_space<vmem>> -> memref<1x100xi32, #tpu.memory_space<vmem>>
        %dma_start3A_307 = tpu.memref_squeeze %dma_start3A_306 : memref<1x100xi32, #tpu.memory_space<vmem>> -> memref<100xi32, #tpu.memory_space<vmem>>
        %dma_start3A_308 = arith.constant 0 : i32
        %dma_start3A_309 = arith.constant 0 : i32
        %dma_start3A_310 = tpu.memref_slice %arg2[%dma_start3A_308, %dma_start3A_309] : memref<10000x256xf32, #tpu.memory_space<hbm>> -> memref<10000x256xf32, #tpu.memory_space<hbm>>
        tpu.enqueue_indirect_dma source(%dma_start3A_310 : memref<10000x256xf32, #tpu.memory_space<hbm>>) target(%dma_start3A_304 : memref<100x256xf32, #tpu.memory_space<vmem>>) offsets(%dma_start3A_307 : memref<100xi32, #tpu.memory_space<vmem>>) semaphore(%arg21 : memref<!tpu.dma_semaphore, #tpu.memory_space<semaphore_mem>>)
        %dma_start3A_311 = arith.constant 1 : i32
        %dma_start3A_312 = arith.constant 0 : i32
        %dma_start3A_313 = arith.constant 0 : i32
        %dma_start3A_314 = tpu.memref_slice %arg16[%dma_start3A_311, %dma_start3A_312, %dma_start3A_313] : memref<2x100x16xf32, #tpu.memory_space<vmem>> -> memref<1x100x16xf32, #tpu.memory_space<vmem>>
        %dma_start3A_315 = tpu.memref_squeeze %dma_start3A_314 : memref<1x100x16xf32, #tpu.memory_space<vmem>> -> memref<100x16xf32, #tpu.memory_space<vmem>>
        %dma_start3A_316 = arith.constant 0 : i32
        %dma_start3A_317 = tpu.memref_slice %arg10[%add3A_299, %dma_start3A_316] : memref<50x100xi32, #tpu.memory_space<vmem>> -> memref<1x100xi32, #tpu.memory_space<vmem>>
        %dma_start3A_318 = tpu.memref_squeeze %dma_start3A_317 : memref<1x100xi32, #tpu.memory_space<vmem>> -> memref<100xi32, #tpu.memory_space<vmem>>
        %dma_start3A_319 = arith.constant 0 : i32
        %dma_start3A_320 = arith.constant 0 : i32
        %dma_start3A_321 = tpu.memref_slice %arg3[%dma_start3A_319, %dma_start3A_320] : memref<10000x16xf32, #tpu.memory_space<hbm>> -> memref<10000x16xf32, #tpu.memory_space<hbm>>
        tpu.enqueue_indirect_dma source(%dma_start3A_321 : memref<10000x16xf32, #tpu.memory_space<hbm>>) target(%dma_start3A_315 : memref<100x16xf32, #tpu.memory_space<vmem>>) offsets(%dma_start3A_318 : memref<100xi32, #tpu.memory_space<vmem>>) semaphore(%arg23 : memref<!tpu.dma_semaphore, #tpu.memory_space<semaphore_mem>>)
        %dma_start3A_322 = arith.constant 1 : i32
        %dma_start3A_323 = arith.constant 0 : i32
        %dma_start3A_324 = arith.constant 0 : i32
        %dma_start3A_325 = tpu.memref_slice %arg14[%dma_start3A_322, %dma_start3A_323, %dma_start3A_324] : memref<2x100x16xf32, #tpu.memory_space<vmem>> -> memref<1x100x16xf32, #tpu.memory_space<vmem>>
        %dma_start3A_326 = tpu.memref_squeeze %dma_start3A_325 : memref<1x100x16xf32, #tpu.memory_space<vmem>> -> memref<100x16xf32, #tpu.memory_space<vmem>>
        %dma_start3A_327 = arith.constant 0 : i32
        %dma_start3A_328 = arith.constant 0 : i32
        %dma_start3A_329 = tpu.memref_slice %arg4[%add3A, %add3A_299, %dma_start3A_327, %dma_start3A_328] : memref<32x50x100x16xf32, #tpu.memory_space<hbm>> -> memref<1x1x100x16xf32, #tpu.memory_space<hbm>>
        %dma_start3A_330 = tpu.memref_squeeze %dma_start3A_329 : memref<1x1x100x16xf32, #tpu.memory_space<hbm>> -> memref<100x16xf32, #tpu.memory_space<hbm>>
        %dma_start3A_331 = arith.constant 0 : i32
        %dma_start3A_332 = arith.constant 0 : i32
        %dma_start3A_333 = tpu.memref_slice %arg14[%dma_start3A_322, %dma_start3A_331, %dma_start3A_332] : memref<2x100x16xf32, #tpu.memory_space<vmem>> -> memref<1x100x16xf32, #tpu.memory_space<vmem>>
        %dma_start3A_334 = tpu.memref_squeeze %dma_start3A_333 : memref<1x100x16xf32, #tpu.memory_space<vmem>> -> memref<100x16xf32, #tpu.memory_space<vmem>>
        %dma_start3A_335 = arith.constant 0 : i32
        %dma_start3A_336 = arith.constant 0 : i32
        %dma_start3A_337 = tpu.memref_slice %arg4[%add3A, %add3A_299, %dma_start3A_335, %dma_start3A_336] : memref<32x50x100x16xf32, #tpu.memory_space<hbm>> -> memref<1x1x100x16xf32, #tpu.memory_space<hbm>>
        %dma_start3A_338 = tpu.memref_squeeze %dma_start3A_337 : memref<1x1x100x16xf32, #tpu.memory_space<hbm>> -> memref<100x16xf32, #tpu.memory_space<hbm>>
        tpu.enqueue_dma source(%dma_start3A_338 : memref<100x16xf32, #tpu.memory_space<hbm>>) target(%dma_start3A_334 : memref<100x16xf32, #tpu.memory_space<vmem>>) target_semaphore(%arg25 : memref<!tpu.dma_semaphore, #tpu.memory_space<semaphore_mem>>)
      } else {
      }
    }
    %scan3A_184 = arith.constant 25 : i32
    %barrier3A_185 = arith.constant 0 : index
    tpu.barrier barrier_id(%barrier3A_185)
    %mul3A_186 = arith.constant 640 : i32
    %mul3A_187 = arith.muli %arg1, %mul3A_186 : i32
    "tpu.region"() ({
      %run_scoped3A = tpu.sem_alloc : memref<!tpu.dma_semaphore, #tpu.memory_space<semaphore_mem>>
      %dma_start3A_188 = arith.constant 0 : i32
      %dma_start3A_189 = arith.constant 0 : i32
      %dma_start3A_190 = tpu.memref_slice %arg9[%arg0, %arg1, %dma_start3A_188, %dma_start3A_189] : memref<2x16x640x16xf32, #tpu.memory_space<hbm>> -> memref<1x1x640x16xf32, #tpu.memory_space<hbm>>
      %dma_start3A_191 = tpu.memref_squeeze %dma_start3A_190 : memref<1x1x640x16xf32, #tpu.memory_space<hbm>> -> memref<640x16xf32, #tpu.memory_space<hbm>>
      %dma_start3A_192 = arith.constant 0 : i32
      %dma_start3A_193 = tpu.memref_slice %arg19[%mul3A_187, %dma_start3A_192] : memref<10240x16xf32, #tpu.memory_space<vmem_shared>> -> memref<640x16xf32, #tpu.memory_space<vmem_shared>>
      tpu.enqueue_dma source(%dma_start3A_193 : memref<640x16xf32, #tpu.memory_space<vmem_shared>>) target(%dma_start3A_191 : memref<640x16xf32, #tpu.memory_space<hbm>>) target_semaphore(%run_scoped3A : memref<!tpu.dma_semaphore, #tpu.memory_space<semaphore_mem>>)
      %dma_wait3A = arith.constant 0 : i32
      %dma_wait3A_194 = arith.constant 0 : i32
      %dma_wait3A_195 = tpu.memref_slice %arg9[%arg0, %arg1, %dma_wait3A, %dma_wait3A_194] : memref<2x16x640x16xf32, #tpu.memory_space<hbm>> -> memref<1x1x640x16xf32, #tpu.memory_space<hbm>>
      %dma_wait3A_196 = tpu.memref_squeeze %dma_wait3A_195 : memref<1x1x640x16xf32, #tpu.memory_space<hbm>> -> memref<640x16xf32, #tpu.memory_space<hbm>>
      %dma_wait3A_197 = arith.constant 0 : i32
      %dma_wait3A_198 = tpu.memref_slice %arg19[%mul3A_187, %dma_wait3A_197] : memref<10240x16xf32, #tpu.memory_space<vmem_shared>> -> memref<640x16xf32, #tpu.memory_space<vmem_shared>>
      tpu.wait_dma2 semaphore(%run_scoped3A : memref<!tpu.dma_semaphore, #tpu.memory_space<semaphore_mem>>) src(%dma_wait3A_198 : memref<640x16xf32, #tpu.memory_space<vmem_shared>>) dst(%dma_wait3A_196 : memref<640x16xf32, #tpu.memory_space<hbm>>)
      tpu.yield
    }) : () -> ()
    return
  }
}

#map = affine_map<(d0, d1) -> (0, 0)>
#map1 = affine_map<(d0, d1) -> (0, 0, 0, 0)>
#map2 = affine_map<(d0, d1) -> (0, 0, 0)>
module attributes {stable_mosaic.version = 14 : i64} {
  func.func @sc_kernel(%arg0: i32, %arg1: i32, %arg2: memref<10000x256xf32, #tpu.memory_space<hbm>>, %arg3: memref<10000x16xf32, #tpu.memory_space<hbm>>, %arg4: memref<32x50x100x16xf32, #tpu.memory_space<hbm>>, %arg5: memref<16x16xf32, #tpu.memory_space<hbm>>, %arg6: memref<1x16xf32, #tpu.memory_space<hbm>>, %arg7: memref<32x50x100xi32, #tpu.memory_space<hbm>>, %arg8: memref<32x50x100xi32, #tpu.memory_space<hbm>>, %arg9: memref<2x16x640x16xf32, #tpu.memory_space<hbm>>, %arg10: memref<50x100xi32, #tpu.memory_space<vmem>>, %arg11: memref<50x100xi32, #tpu.memory_space<vmem>>, %arg12: memref<16x16xf32, #tpu.memory_space<vmem>>, %arg13: memref<1x16xf32, #tpu.memory_space<vmem>>, %arg14: memref<2x100x16xf32, #tpu.memory_space<vmem>>, %arg15: memref<2x100x256xf32, #tpu.memory_space<vmem>>, %arg16: memref<2x100x16xf32, #tpu.memory_space<vmem>>, %arg17: memref<2x100x16xf32, #tpu.memory_space<vmem>>, %arg18: memref<64x16xf32, #tpu.memory_space<vmem>>, %arg19: memref<10240x16xf32, #tpu.memory_space<vmem_shared>>, %arg20: memref<!tpu.dma_semaphore, #tpu.memory_space<semaphore_mem>>, %arg21: memref<!tpu.dma_semaphore, #tpu.memory_space<semaphore_mem>>, %arg22: memref<!tpu.dma_semaphore, #tpu.memory_space<semaphore_mem>>, %arg23: memref<!tpu.dma_semaphore, #tpu.memory_space<semaphore_mem>>, %arg24: memref<!tpu.dma_semaphore, #tpu.memory_space<semaphore_mem>>, %arg25: memref<!tpu.dma_semaphore, #tpu.memory_space<semaphore_mem>>) attributes {dimension_semantics = [#tpu.dimension_semantics<core_parallel>, #tpu.dimension_semantics<subcore_parallel>], iteration_bounds = array<i64: 2, 16>, scalar_prefetch = 0 : i64, scratch_operands = 16 : i64, tpu.core_type = #tpu.core_type<sc_vector_subcore>, window_params = [{transform_indices = #map}, {transform_indices = #map}, {transform_indices = #map1}, {transform_indices = #map}, {transform_indices = #map}, {transform_indices = #map2}, {transform_indices = #map2}, {transform_indices = #map1}]} {
    %mul3A = arith.constant 2 : i32
    %mul3A_0 = arith.muli %arg1, %mul3A : i32
    %add3A = arith.addi %mul3A_0, %arg0 : i32
    "tpu.region"() ({
      %run_scoped3A = tpu.sem_alloc : memref<!tpu.dma_semaphore, #tpu.memory_space<semaphore_mem>>
      %dma_start3A_188 = arith.constant 0 : i32
      %dma_start3A_189 = arith.constant 0 : i32
      %dma_start3A_190 = tpu.memref_slice %arg7[%add3A, %dma_start3A_188, %dma_start3A_189] : memref<32x50x100xi32, #tpu.memory_space<hbm>> -> memref<1x50x100xi32, #tpu.memory_space<hbm>>
      %dma_start3A_191 = tpu.memref_squeeze %dma_start3A_190 : memref<1x50x100xi32, #tpu.memory_space<hbm>> -> memref<50x100xi32, #tpu.memory_space<hbm>>
      %dma_start3A_192 = arith.constant 0 : i32
      %dma_start3A_193 = arith.constant 0 : i32
      %dma_start3A_194 = tpu.memref_slice %arg7[%add3A, %dma_start3A_192, %dma_start3A_193] : memref<32x50x100xi32, #tpu.memory_space<hbm>> -> memref<1x50x100xi32, #tpu.memory_space<hbm>>
      %dma_start3A_195 = tpu.memref_squeeze %dma_start3A_194 : memref<1x50x100xi32, #tpu.memory_space<hbm>> -> memref<50x100xi32, #tpu.memory_space<hbm>>
      tpu.enqueue_dma source(%dma_start3A_195 : memref<50x100xi32, #tpu.memory_space<hbm>>) target(%arg10 : memref<50x100xi32, #tpu.memory_space<vmem>>) target_semaphore(%run_scoped3A : memref<!tpu.dma_semaphore, #tpu.memory_space<semaphore_mem>>)
      %dma_wait3A = arith.constant 0 : i32
      %dma_wait3A_196 = arith.constant 0 : i32
      %dma_wait3A_197 = tpu.memref_slice %arg7[%add3A, %dma_wait3A, %dma_wait3A_196] : memref<32x50x100xi32, #tpu.memory_space<hbm>> -> memref<1x50x100xi32, #tpu.memory_space<hbm>>
      %dma_wait3A_198 = tpu.memref_squeeze %dma_wait3A_197 : memref<1x50x100xi32, #tpu.memory_space<hbm>> -> memref<50x100xi32, #tpu.memory_space<hbm>>
      %dma_wait3A_199 = arith.constant 0 : i32
      %dma_wait3A_200 = arith.constant 0 : i32
      %dma_wait3A_201 = tpu.memref_slice %arg7[%add3A, %dma_wait3A_199, %dma_wait3A_200] : memref<32x50x100xi32, #tpu.memory_space<hbm>> -> memref<1x50x100xi32, #tpu.memory_space<hbm>>
      %dma_wait3A_202 = tpu.memref_squeeze %dma_wait3A_201 : memref<1x50x100xi32, #tpu.memory_space<hbm>> -> memref<50x100xi32, #tpu.memory_space<hbm>>
      tpu.wait_dma2 semaphore(%run_scoped3A : memref<!tpu.dma_semaphore, #tpu.memory_space<semaphore_mem>>) src(%dma_wait3A_202 : memref<50x100xi32, #tpu.memory_space<hbm>>) dst(%arg10 : memref<50x100xi32, #tpu.memory_space<vmem>>)
      tpu.yield
    }) : () -> ()
    "tpu.region"() ({
      %run_scoped3A = tpu.sem_alloc : memref<!tpu.dma_semaphore, #tpu.memory_space<semaphore_mem>>
      %dma_start3A_188 = arith.constant 0 : i32
      %dma_start3A_189 = arith.constant 0 : i32
      %dma_start3A_190 = tpu.memref_slice %arg8[%add3A, %dma_start3A_188, %dma_start3A_189] : memref<32x50x100xi32, #tpu.memory_space<hbm>> -> memref<1x50x100xi32, #tpu.memory_space<hbm>>
      %dma_start3A_191 = tpu.memref_squeeze %dma_start3A_190 : memref<1x50x100xi32, #tpu.memory_space<hbm>> -> memref<50x100xi32, #tpu.memory_space<hbm>>
      %dma_start3A_192 = arith.constant 0 : i32
      %dma_start3A_193 = arith.constant 0 : i32
      %dma_start3A_194 = tpu.memref_slice %arg8[%add3A, %dma_start3A_192, %dma_start3A_193] : memref<32x50x100xi32, #tpu.memory_space<hbm>> -> memref<1x50x100xi32, #tpu.memory_space<hbm>>
      %dma_start3A_195 = tpu.memref_squeeze %dma_start3A_194 : memref<1x50x100xi32, #tpu.memory_space<hbm>> -> memref<50x100xi32, #tpu.memory_space<hbm>>
      tpu.enqueue_dma source(%dma_start3A_195 : memref<50x100xi32, #tpu.memory_space<hbm>>) target(%arg11 : memref<50x100xi32, #tpu.memory_space<vmem>>) target_semaphore(%run_scoped3A : memref<!tpu.dma_semaphore, #tpu.memory_space<semaphore_mem>>)
      %dma_wait3A = arith.constant 0 : i32
      %dma_wait3A_196 = arith.constant 0 : i32
      %dma_wait3A_197 = tpu.memref_slice %arg8[%add3A, %dma_wait3A, %dma_wait3A_196] : memref<32x50x100xi32, #tpu.memory_space<hbm>> -> memref<1x50x100xi32, #tpu.memory_space<hbm>>
      %dma_wait3A_198 = tpu.memref_squeeze %dma_wait3A_197 : memref<1x50x100xi32, #tpu.memory_space<hbm>> -> memref<50x100xi32, #tpu.memory_space<hbm>>
      %dma_wait3A_199 = arith.constant 0 : i32
      %dma_wait3A_200 = arith.constant 0 : i32
      %dma_wait3A_201 = tpu.memref_slice %arg8[%add3A, %dma_wait3A_199, %dma_wait3A_200] : memref<32x50x100xi32, #tpu.memory_space<hbm>> -> memref<1x50x100xi32, #tpu.memory_space<hbm>>
      %dma_wait3A_202 = tpu.memref_squeeze %dma_wait3A_201 : memref<1x50x100xi32, #tpu.memory_space<hbm>> -> memref<50x100xi32, #tpu.memory_space<hbm>>
      tpu.wait_dma2 semaphore(%run_scoped3A : memref<!tpu.dma_semaphore, #tpu.memory_space<semaphore_mem>>) src(%dma_wait3A_202 : memref<50x100xi32, #tpu.memory_space<hbm>>) dst(%arg11 : memref<50x100xi32, #tpu.memory_space<vmem>>)
      tpu.yield
    }) : () -> ()
    "tpu.region"() ({
      %run_scoped3A = tpu.sem_alloc : memref<!tpu.dma_semaphore, #tpu.memory_space<semaphore_mem>>
      tpu.enqueue_dma source(%arg5 : memref<16x16xf32, #tpu.memory_space<hbm>>) target(%arg12 : memref<16x16xf32, #tpu.memory_space<vmem>>) target_semaphore(%run_scoped3A : memref<!tpu.dma_semaphore, #tpu.memory_space<semaphore_mem>>)
      tpu.wait_dma2 semaphore(%run_scoped3A : memref<!tpu.dma_semaphore, #tpu.memory_space<semaphore_mem>>) src(%arg5 : memref<16x16xf32, #tpu.memory_space<hbm>>) dst(%arg12 : memref<16x16xf32, #tpu.memory_space<vmem>>)
      tpu.yield
    }) : () -> ()
    "tpu.region"() ({
      %run_scoped3A = tpu.sem_alloc : memref<!tpu.dma_semaphore, #tpu.memory_space<semaphore_mem>>
      tpu.enqueue_dma source(%arg6 : memref<1x16xf32, #tpu.memory_space<hbm>>) target(%arg13 : memref<1x16xf32, #tpu.memory_space<vmem>>) target_semaphore(%run_scoped3A : memref<!tpu.dma_semaphore, #tpu.memory_space<semaphore_mem>>)
      tpu.wait_dma2 semaphore(%run_scoped3A : memref<!tpu.dma_semaphore, #tpu.memory_space<semaphore_mem>>) src(%arg6 : memref<1x16xf32, #tpu.memory_space<hbm>>) dst(%arg13 : memref<1x16xf32, #tpu.memory_space<vmem>>)
      tpu.yield
    }) : () -> ()
    %get3A = arith.constant 0 : i32
    %get3A_1 = arith.index_cast %get3A : i32 to index
    %get3A_2 = arith.constant 0 : index
    %get3A_3 = tpu.vector_load %arg12[%get3A_1, %get3A_2] {strides = array<i32>} : memref<16x16xf32, #tpu.memory_space<vmem>>, vector<1x16xf32>,
    %get3A_4 = vector.shape_cast %get3A_3 : vector<1x16xf32> to vector<16xf32>
    %get3A_5 = arith.constant 1 : i32
    %get3A_6 = arith.index_cast %get3A_5 : i32 to index
    %get3A_7 = arith.constant 0 : index
    %get3A_8 = tpu.vector_load %arg12[%get3A_6, %get3A_7] {strides = array<i32>} : memref<16x16xf32, #tpu.memory_space<vmem>>, vector<1x16xf32>,
    %get3A_9 = vector.shape_cast %get3A_8 : vector<1x16xf32> to vector<16xf32>
    %get3A_10 = arith.constant 2 : i32
    %get3A_11 = arith.index_cast %get3A_10 : i32 to index
    %get3A_12 = arith.constant 0 : index
    %get3A_13 = tpu.vector_load %arg12[%get3A_11, %get3A_12] {strides = array<i32>} : memref<16x16xf32, #tpu.memory_space<vmem>>, vector<1x16xf32>,
    %get3A_14 = vector.shape_cast %get3A_13 : vector<1x16xf32> to vector<16xf32>
    %get3A_15 = arith.constant 3 : i32
    %get3A_16 = arith.index_cast %get3A_15 : i32 to index
    %get3A_17 = arith.constant 0 : index
    %get3A_18 = tpu.vector_load %arg12[%get3A_16, %get3A_17] {strides = array<i32>} : memref<16x16xf32, #tpu.memory_space<vmem>>, vector<1x16xf32>,
    %get3A_19 = vector.shape_cast %get3A_18 : vector<1x16xf32> to vector<16xf32>
    %get3A_20 = arith.constant 4 : i32
    %get3A_21 = arith.index_cast %get3A_20 : i32 to index
    %get3A_22 = arith.constant 0 : index
    %get3A_23 = tpu.vector_load %arg12[%get3A_21, %get3A_22] {strides = array<i32>} : memref<16x16xf32, #tpu.memory_space<vmem>>, vector<1x16xf32>,
    %get3A_24 = vector.shape_cast %get3A_23 : vector<1x16xf32> to vector<16xf32>
    %get3A_25 = arith.constant 5 : i32
    %get3A_26 = arith.index_cast %get3A_25 : i32 to index
    %get3A_27 = arith.constant 0 : index
    %get3A_28 = tpu.vector_load %arg12[%get3A_26, %get3A_27] {strides = array<i32>} : memref<16x16xf32, #tpu.memory_space<vmem>>, vector<1x16xf32>,
    %get3A_29 = vector.shape_cast %get3A_28 : vector<1x16xf32> to vector<16xf32>
    %get3A_30 = arith.constant 6 : i32
    %get3A_31 = arith.index_cast %get3A_30 : i32 to index
    %get3A_32 = arith.constant 0 : index
    %get3A_33 = tpu.vector_load %arg12[%get3A_31, %get3A_32] {strides = array<i32>} : memref<16x16xf32, #tpu.memory_space<vmem>>, vector<1x16xf32>,
    %get3A_34 = vector.shape_cast %get3A_33 : vector<1x16xf32> to vector<16xf32>
    %get3A_35 = arith.constant 7 : i32
    %get3A_36 = arith.index_cast %get3A_35 : i32 to index
    %get3A_37 = arith.constant 0 : index
    %get3A_38 = tpu.vector_load %arg12[%get3A_36, %get3A_37] {strides = array<i32>} : memref<16x16xf32, #tpu.memory_space<vmem>>, vector<1x16xf32>,
    %get3A_39 = vector.shape_cast %get3A_38 : vector<1x16xf32> to vector<16xf32>
    %get3A_40 = arith.constant 8 : i32
    %get3A_41 = arith.index_cast %get3A_40 : i32 to index
    %get3A_42 = arith.constant 0 : index
    %get3A_43 = tpu.vector_load %arg12[%get3A_41, %get3A_42] {strides = array<i32>} : memref<16x16xf32, #tpu.memory_space<vmem>>, vector<1x16xf32>,
    %get3A_44 = vector.shape_cast %get3A_43 : vector<1x16xf32> to vector<16xf32>
    %get3A_45 = arith.constant 9 : i32
    %get3A_46 = arith.index_cast %get3A_45 : i32 to index
    %get3A_47 = arith.constant 0 : index
    %get3A_48 = tpu.vector_load %arg12[%get3A_46, %get3A_47] {strides = array<i32>} : memref<16x16xf32, #tpu.memory_space<vmem>>, vector<1x16xf32>,
    %get3A_49 = vector.shape_cast %get3A_48 : vector<1x16xf32> to vector<16xf32>
    %get3A_50 = arith.constant 10 : i32
    %get3A_51 = arith.index_cast %get3A_50 : i32 to index
    %get3A_52 = arith.constant 0 : index
    %get3A_53 = tpu.vector_load %arg12[%get3A_51, %get3A_52] {strides = array<i32>} : memref<16x16xf32, #tpu.memory_space<vmem>>, vector<1x16xf32>,
    %get3A_54 = vector.shape_cast %get3A_53 : vector<1x16xf32> to vector<16xf32>
    %get3A_55 = arith.constant 11 : i32
    %get3A_56 = arith.index_cast %get3A_55 : i32 to index
    %get3A_57 = arith.constant 0 : index
    %get3A_58 = tpu.vector_load %arg12[%get3A_56, %get3A_57] {strides = array<i32>} : memref<16x16xf32, #tpu.memory_space<vmem>>, vector<1x16xf32>,
    %get3A_59 = vector.shape_cast %get3A_58 : vector<1x16xf32> to vector<16xf32>
    %get3A_60 = arith.constant 12 : i32
    %get3A_61 = arith.index_cast %get3A_60 : i32 to index
    %get3A_62 = arith.constant 0 : index
    %get3A_63 = tpu.vector_load %arg12[%get3A_61, %get3A_62] {strides = array<i32>} : memref<16x16xf32, #tpu.memory_space<vmem>>, vector<1x16xf32>,
    %get3A_64 = vector.shape_cast %get3A_63 : vector<1x16xf32> to vector<16xf32>
    %get3A_65 = arith.constant 13 : i32
    %get3A_66 = arith.index_cast %get3A_65 : i32 to index
    %get3A_67 = arith.constant 0 : index
    %get3A_68 = tpu.vector_load %arg12[%get3A_66, %get3A_67] {strides = array<i32>} : memref<16x16xf32, #tpu.memory_space<vmem>>, vector<1x16xf32>,
    %get3A_69 = vector.shape_cast %get3A_68 : vector<1x16xf32> to vector<16xf32>
    %get3A_70 = arith.constant 14 : i32
    %get3A_71 = arith.index_cast %get3A_70 : i32 to index
    %get3A_72 = arith.constant 0 : index
    %get3A_73 = tpu.vector_load %arg12[%get3A_71, %get3A_72] {strides = array<i32>} : memref<16x16xf32, #tpu.memory_space<vmem>>, vector<1x16xf32>,
    %get3A_74 = vector.shape_cast %get3A_73 : vector<1x16xf32> to vector<16xf32>
    %get3A_75 = arith.constant 15 : i32
    %get3A_76 = arith.index_cast %get3A_75 : i32 to index
    %get3A_77 = arith.constant 0 : index
    %get3A_78 = tpu.vector_load %arg12[%get3A_76, %get3A_77] {strides = array<i32>} : memref<16x16xf32, #tpu.memory_space<vmem>>, vector<1x16xf32>,
    %get3A_79 = vector.shape_cast %get3A_78 : vector<1x16xf32> to vector<16xf32>
    %get3A_80 = arith.constant 0 : i32
    %get3A_81 = arith.index_cast %get3A_80 : i32 to index
    %get3A_82 = arith.constant 0 : index
    %get3A_83 = tpu.vector_load %arg13[%get3A_81, %get3A_82] {strides = array<i32>} : memref<1x16xf32, #tpu.memory_space<vmem>>, vector<1x16xf32>,
    %get3A_84 = vector.shape_cast %get3A_83 : vector<1x16xf32> to vector<16xf32>
    %scan3A = arith.constant 0 : i32
    %scan3A_85 = arith.constant 0 : i32
    %scan3A_86 = arith.constant 64 : i32
    %scan3A_87 = arith.addi %scan3A_85, %scan3A_86 : i32
    %scan3A_88 = arith.constant 1 : i32
    scf.for %scan3A_188 = %scan3A_85 to %scan3A_87 step %scan3A_88  : i32 {
      %broadcast_in_dim3A = arith.constant 0.000000e+00 : f32
      %broadcast_in_dim3A_189 = vector.broadcast %broadcast_in_dim3A : f32 to vector<16xf32>
      %swap3A = arith.index_cast %scan3A_188 : i32 to index
      %swap3A_190 = arith.constant 0 : index
      %swap3A_191 = tpu.vector_load %arg18[%swap3A, %swap3A_190] {strides = array<i32>} : memref<64x16xf32, #tpu.memory_space<vmem>>, vector<1x16xf32>,
      %swap3A_192 = vector.shape_cast %swap3A_191 : vector<1x16xf32> to vector<16xf32>
      %swap3A_193 = vector.shape_cast %broadcast_in_dim3A_189 : vector<16xf32> to vector<1x16xf32>
      tpu.vector_store %arg18[%swap3A, %swap3A_190], %swap3A_193 {strides = array<i32>} : memref<64x16xf32, #tpu.memory_space<vmem>>, vector<1x16xf32>,
    }
    %scan3A_89 = arith.constant 64 : i32
    %scan3A_90 = arith.constant 0 : i32
    %scan3A_91 = arith.constant 0 : i32
    %scan3A_92 = arith.constant 10 : i32
    %scan3A_93 = arith.addi %scan3A_91, %scan3A_92 : i32
    %scan3A_94 = arith.constant 1 : i32
    scf.for %scan3A_188 = %scan3A_91 to %scan3A_93 step %scan3A_94  : i32 {
      %mul3A_189 = arith.constant 640 : i32
      %mul3A_190 = arith.muli %arg1, %mul3A_189 : i32
      %mul3A_191 = arith.constant 64 : i32
      %mul3A_192 = arith.muli %scan3A_188, %mul3A_191 : i32
      %add3A_193 = arith.addi %mul3A_190, %mul3A_192 : i32
      "tpu.region"() ({
        %run_scoped3A = tpu.sem_alloc : memref<!tpu.dma_semaphore, #tpu.memory_space<semaphore_mem>>
        %dma_start3A_194 = arith.constant 0 : i32
        %dma_start3A_195 = tpu.memref_slice %arg19[%add3A_193, %dma_start3A_194] : memref<10240x16xf32, #tpu.memory_space<vmem_shared>> -> memref<64x16xf32, #tpu.memory_space<vmem_shared>>
        %dma_start3A_196 = arith.constant 0 : i32
        %dma_start3A_197 = tpu.memref_slice %arg19[%add3A_193, %dma_start3A_196] : memref<10240x16xf32, #tpu.memory_space<vmem_shared>> -> memref<64x16xf32, #tpu.memory_space<vmem_shared>>
        tpu.enqueue_dma source(%arg18 : memref<64x16xf32, #tpu.memory_space<vmem>>) target(%dma_start3A_197 : memref<64x16xf32, #tpu.memory_space<vmem_shared>>) target_semaphore(%run_scoped3A : memref<!tpu.dma_semaphore, #tpu.memory_space<semaphore_mem>>)
        %dma_wait3A = arith.constant 0 : i32
        %dma_wait3A_198 = tpu.memref_slice %arg19[%add3A_193, %dma_wait3A] : memref<10240x16xf32, #tpu.memory_space<vmem_shared>> -> memref<64x16xf32, #tpu.memory_space<vmem_shared>>
        %dma_wait3A_199 = arith.constant 0 : i32
        %dma_wait3A_200 = tpu.memref_slice %arg19[%add3A_193, %dma_wait3A_199] : memref<10240x16xf32, #tpu.memory_space<vmem_shared>> -> memref<64x16xf32, #tpu.memory_space<vmem_shared>>
        tpu.wait_dma2 semaphore(%run_scoped3A : memref<!tpu.dma_semaphore, #tpu.memory_space<semaphore_mem>>) src(%arg18 : memref<64x16xf32, #tpu.memory_space<vmem>>) dst(%dma_wait3A_200 : memref<64x16xf32, #tpu.memory_space<vmem_shared>>)
        tpu.yield
      }) : () -> ()
    }
    %scan3A_95 = arith.constant 10 : i32
    %barrier3A = arith.constant 0 : index
    tpu.barrier barrier_id(%barrier3A)
    %dma_start3A = arith.constant 0 : i32
    %dma_start3A_96 = arith.constant 0 : i32
    %dma_start3A_97 = arith.constant 0 : i32
    %dma_start3A_98 = arith.constant 0 : i32
    %dma_start3A_99 = tpu.memref_slice %arg15[%dma_start3A_96, %dma_start3A_97, %dma_start3A_98] : memref<2x100x256xf32, #tpu.memory_space<vmem>> -> memref<1x100x256xf32, #tpu.memory_space<vmem>>
    %dma_start3A_100 = tpu.memref_squeeze %dma_start3A_99 : memref<1x100x256xf32, #tpu.memory_space<vmem>> -> memref<100x256xf32, #tpu.memory_space<vmem>>
    %dma_start3A_101 = arith.constant 0 : i32
    %dma_start3A_102 = tpu.memref_slice %arg10[%dma_start3A, %dma_start3A_101] : memref<50x100xi32, #tpu.memory_space<vmem>> -> memref<1x100xi32, #tpu.memory_space<vmem>>
    %dma_start3A_103 = tpu.memref_squeeze %dma_start3A_102 : memref<1x100xi32, #tpu.memory_space<vmem>> -> memref<100xi32, #tpu.memory_space<vmem>>
    %dma_start3A_104 = arith.constant 0 : i32
    %dma_start3A_105 = arith.constant 0 : i32
    %dma_start3A_106 = tpu.memref_slice %arg2[%dma_start3A_104, %dma_start3A_105] : memref<10000x256xf32, #tpu.memory_space<hbm>> -> memref<10000x256xf32, #tpu.memory_space<hbm>>
    tpu.enqueue_indirect_dma source(%dma_start3A_106 : memref<10000x256xf32, #tpu.memory_space<hbm>>) target(%dma_start3A_100 : memref<100x256xf32, #tpu.memory_space<vmem>>) offsets(%dma_start3A_103 : memref<100xi32, #tpu.memory_space<vmem>>) semaphore(%arg20 : memref<!tpu.dma_semaphore, #tpu.memory_space<semaphore_mem>>)
    %dma_start3A_107 = arith.constant 0 : i32
    %dma_start3A_108 = arith.constant 0 : i32
    %dma_start3A_109 = arith.constant 0 : i32
    %dma_start3A_110 = arith.constant 0 : i32
    %dma_start3A_111 = tpu.memref_slice %arg16[%dma_start3A_108, %dma_start3A_109, %dma_start3A_110] : memref<2x100x16xf32, #tpu.memory_space<vmem>> -> memref<1x100x16xf32, #tpu.memory_space<vmem>>
    %dma_start3A_112 = tpu.memref_squeeze %dma_start3A_111 : memref<1x100x16xf32, #tpu.memory_space<vmem>> -> memref<100x16xf32, #tpu.memory_space<vmem>>
    %dma_start3A_113 = arith.constant 0 : i32
    %dma_start3A_114 = tpu.memref_slice %arg10[%dma_start3A_107, %dma_start3A_113] : memref<50x100xi32, #tpu.memory_space<vmem>> -> memref<1x100xi32, #tpu.memory_space<vmem>>
    %dma_start3A_115 = tpu.memref_squeeze %dma_start3A_114 : memref<1x100xi32, #tpu.memory_space<vmem>> -> memref<100xi32, #tpu.memory_space<vmem>>
    %dma_start3A_116 = arith.constant 0 : i32
    %dma_start3A_117 = arith.constant 0 : i32
    %dma_start3A_118 = tpu.memref_slice %arg3[%dma_start3A_116, %dma_start3A_117] : memref<10000x16xf32, #tpu.memory_space<hbm>> -> memref<10000x16xf32, #tpu.memory_space<hbm>>
    tpu.enqueue_indirect_dma source(%dma_start3A_118 : memref<10000x16xf32, #tpu.memory_space<hbm>>) target(%dma_start3A_112 : memref<100x16xf32, #tpu.memory_space<vmem>>) offsets(%dma_start3A_115 : memref<100xi32, #tpu.memory_space<vmem>>) semaphore(%arg22 : memref<!tpu.dma_semaphore, #tpu.memory_space<semaphore_mem>>)
    %dma_start3A_119 = arith.constant 0 : i32
    %dma_start3A_120 = arith.constant 0 : i32
    %dma_start3A_121 = arith.constant 0 : i32
    %dma_start3A_122 = arith.constant 0 : i32
    %dma_start3A_123 = tpu.memref_slice %arg14[%dma_start3A_120, %dma_start3A_121, %dma_start3A_122] : memref<2x100x16xf32, #tpu.memory_space<vmem>> -> memref<1x100x16xf32, #tpu.memory_space<vmem>>
    %dma_start3A_124 = tpu.memref_squeeze %dma_start3A_123 : memref<1x100x16xf32, #tpu.memory_space<vmem>> -> memref<100x16xf32, #tpu.memory_space<vmem>>
    %dma_start3A_125 = arith.constant 0 : i32
    %dma_start3A_126 = arith.constant 0 : i32
    %dma_start3A_127 = tpu.memref_slice %arg4[%add3A, %dma_start3A_119, %dma_start3A_125, %dma_start3A_126] : memref<32x50x100x16xf32, #tpu.memory_space<hbm>> -> memref<1x1x100x16xf32, #tpu.memory_space<hbm>>
    %dma_start3A_128 = tpu.memref_squeeze %dma_start3A_127 : memref<1x1x100x16xf32, #tpu.memory_space<hbm>> -> memref<100x16xf32, #tpu.memory_space<hbm>>
    %dma_start3A_129 = arith.constant 0 : i32
    %dma_start3A_130 = arith.constant 0 : i32
    %dma_start3A_131 = tpu.memref_slice %arg14[%dma_start3A_120, %dma_start3A_129, %dma_start3A_130] : memref<2x100x16xf32, #tpu.memory_space<vmem>> -> memref<1x100x16xf32, #tpu.memory_space<vmem>>
    %dma_start3A_132 = tpu.memref_squeeze %dma_start3A_131 : memref<1x100x16xf32, #tpu.memory_space<vmem>> -> memref<100x16xf32, #tpu.memory_space<vmem>>
    %dma_start3A_133 = arith.constant 0 : i32
    %dma_start3A_134 = arith.constant 0 : i32
    %dma_start3A_135 = tpu.memref_slice %arg4[%add3A, %dma_start3A_119, %dma_start3A_133, %dma_start3A_134] : memref<32x50x100x16xf32, #tpu.memory_space<hbm>> -> memref<1x1x100x16xf32, #tpu.memory_space<hbm>>
    %dma_start3A_136 = tpu.memref_squeeze %dma_start3A_135 : memref<1x1x100x16xf32, #tpu.memory_space<hbm>> -> memref<100x16xf32, #tpu.memory_space<hbm>>
    tpu.enqueue_dma source(%dma_start3A_136 : memref<100x16xf32, #tpu.memory_space<hbm>>) target(%dma_start3A_132 : memref<100x16xf32, #tpu.memory_space<vmem>>) target_semaphore(%arg24 : memref<!tpu.dma_semaphore, #tpu.memory_space<semaphore_mem>>)
    %dma_start3A_137 = arith.constant 1 : i32
    %dma_start3A_138 = arith.constant 1 : i32
    %dma_start3A_139 = arith.constant 0 : i32
    %dma_start3A_140 = arith.constant 0 : i32
    %dma_start3A_141 = tpu.memref_slice %arg15[%dma_start3A_138, %dma_start3A_139, %dma_start3A_140] : memref<2x100x256xf32, #tpu.memory_space<vmem>> -> memref<1x100x256xf32, #tpu.memory_space<vmem>>
    %dma_start3A_142 = tpu.memref_squeeze %dma_start3A_141 : memref<1x100x256xf32, #tpu.memory_space<vmem>> -> memref<100x256xf32, #tpu.memory_space<vmem>>
    %dma_start3A_143 = arith.constant 0 : i32
    %dma_start3A_144 = tpu.memref_slice %arg10[%dma_start3A_137, %dma_start3A_143] : memref<50x100xi32, #tpu.memory_space<vmem>> -> memref<1x100xi32, #tpu.memory_space<vmem>>
    %dma_start3A_145 = tpu.memref_squeeze %dma_start3A_144 : memref<1x100xi32, #tpu.memory_space<vmem>> -> memref<100xi32, #tpu.memory_space<vmem>>
    %dma_start3A_146 = arith.constant 0 : i32
    %dma_start3A_147 = arith.constant 0 : i32
    %dma_start3A_148 = tpu.memref_slice %arg2[%dma_start3A_146, %dma_start3A_147] : memref<10000x256xf32, #tpu.memory_space<hbm>> -> memref<10000x256xf32, #tpu.memory_space<hbm>>
    tpu.enqueue_indirect_dma source(%dma_start3A_148 : memref<10000x256xf32, #tpu.memory_space<hbm>>) target(%dma_start3A_142 : memref<100x256xf32, #tpu.memory_space<vmem>>) offsets(%dma_start3A_145 : memref<100xi32, #tpu.memory_space<vmem>>) semaphore(%arg21 : memref<!tpu.dma_semaphore, #tpu.memory_space<semaphore_mem>>)
    %dma_start3A_149 = arith.constant 1 : i32
    %dma_start3A_150 = arith.constant 1 : i32
    %dma_start3A_151 = arith.constant 0 : i32
    %dma_start3A_152 = arith.constant 0 : i32
    %dma_start3A_153 = tpu.memref_slice %arg16[%dma_start3A_150, %dma_start3A_151, %dma_start3A_152] : memref<2x100x16xf32, #tpu.memory_space<vmem>> -> memref<1x100x16xf32, #tpu.memory_space<vmem>>
    %dma_start3A_154 = tpu.memref_squeeze %dma_start3A_153 : memref<1x100x16xf32, #tpu.memory_space<vmem>> -> memref<100x16xf32, #tpu.memory_space<vmem>>
    %dma_start3A_155 = arith.constant 0 : i32
    %dma_start3A_156 = tpu.memref_slice %arg10[%dma_start3A_149, %dma_start3A_155] : memref<50x100xi32, #tpu.memory_space<vmem>> -> memref<1x100xi32, #tpu.memory_space<vmem>>
    %dma_start3A_157 = tpu.memref_squeeze %dma_start3A_156 : memref<1x100xi32, #tpu.memory_space<vmem>> -> memref<100xi32, #tpu.memory_space<vmem>>
    %dma_start3A_158 = arith.constant 0 : i32
    %dma_start3A_159 = arith.constant 0 : i32
    %dma_start3A_160 = tpu.memref_slice %arg3[%dma_start3A_158, %dma_start3A_159] : memref<10000x16xf32, #tpu.memory_space<hbm>> -> memref<10000x16xf32, #tpu.memory_space<hbm>>
    tpu.enqueue_indirect_dma source(%dma_start3A_160 : memref<10000x16xf32, #tpu.memory_space<hbm>>) target(%dma_start3A_154 : memref<100x16xf32, #tpu.memory_space<vmem>>) offsets(%dma_start3A_157 : memref<100xi32, #tpu.memory_space<vmem>>) semaphore(%arg23 : memref<!tpu.dma_semaphore, #tpu.memory_space<semaphore_mem>>)
    %dma_start3A_161 = arith.constant 1 : i32
    %dma_start3A_162 = arith.constant 1 : i32
    %dma_start3A_163 = arith.constant 0 : i32
    %dma_start3A_164 = arith.constant 0 : i32
    %dma_start3A_165 = tpu.memref_slice %arg14[%dma_start3A_162, %dma_start3A_163, %dma_start3A_164] : memref<2x100x16xf32, #tpu.memory_space<vmem>> -> memref<1x100x16xf32, #tpu.memory_space<vmem>>
    %dma_start3A_166 = tpu.memref_squeeze %dma_start3A_165 : memref<1x100x16xf32, #tpu.memory_space<vmem>> -> memref<100x16xf32, #tpu.memory_space<vmem>>
    %dma_start3A_167 = arith.constant 0 : i32
    %dma_start3A_168 = arith.constant 0 : i32
    %dma_start3A_169 = tpu.memref_slice %arg4[%add3A, %dma_start3A_161, %dma_start3A_167, %dma_start3A_168] : memref<32x50x100x16xf32, #tpu.memory_space<hbm>> -> memref<1x1x100x16xf32, #tpu.memory_space<hbm>>
    %dma_start3A_170 = tpu.memref_squeeze %dma_start3A_169 : memref<1x1x100x16xf32, #tpu.memory_space<hbm>> -> memref<100x16xf32, #tpu.memory_space<hbm>>
    %dma_start3A_171 = arith.constant 0 : i32
    %dma_start3A_172 = arith.constant 0 : i32
    %dma_start3A_173 = tpu.memref_slice %arg14[%dma_start3A_162, %dma_start3A_171, %dma_start3A_172] : memref<2x100x16xf32, #tpu.memory_space<vmem>> -> memref<1x100x16xf32, #tpu.memory_space<vmem>>
    %dma_start3A_174 = tpu.memref_squeeze %dma_start3A_173 : memref<1x100x16xf32, #tpu.memory_space<vmem>> -> memref<100x16xf32, #tpu.memory_space<vmem>>
    %dma_start3A_175 = arith.constant 0 : i32
    %dma_start3A_176 = arith.constant 0 : i32
    %dma_start3A_177 = tpu.memref_slice %arg4[%add3A, %dma_start3A_161, %dma_start3A_175, %dma_start3A_176] : memref<32x50x100x16xf32, #tpu.memory_space<hbm>> -> memref<1x1x100x16xf32, #tpu.memory_space<hbm>>
    %dma_start3A_178 = tpu.memref_squeeze %dma_start3A_177 : memref<1x1x100x16xf32, #tpu.memory_space<hbm>> -> memref<100x16xf32, #tpu.memory_space<hbm>>
    tpu.enqueue_dma source(%dma_start3A_178 : memref<100x16xf32, #tpu.memory_space<hbm>>) target(%dma_start3A_174 : memref<100x16xf32, #tpu.memory_space<vmem>>) target_semaphore(%arg25 : memref<!tpu.dma_semaphore, #tpu.memory_space<semaphore_mem>>)
    %scan3A_179 = arith.constant 0 : i32
    %scan3A_180 = arith.constant 0 : i32
    %scan3A_181 = arith.constant 25 : i32
    %scan3A_182 = arith.addi %scan3A_180, %scan3A_181 : i32
    %scan3A_183 = arith.constant 1 : i32
    scf.for %scan3A_188 = %scan3A_180 to %scan3A_182 step %scan3A_183  : i32 {
      %mul3A_189 = arith.constant 2 : i32
      %mul3A_190 = arith.muli %scan3A_188, %mul3A_189 : i32
      %add3A_191 = arith.constant 0 : i32
      %add3A_192 = arith.addi %mul3A_190, %add3A_191 : i32
      %dma_wait3A = arith.constant 0 : i32
      %dma_wait3A_193 = arith.constant 0 : i32
      %dma_wait3A_194 = arith.constant 0 : i32
      %dma_wait3A_195 = tpu.memref_slice %arg15[%dma_wait3A, %dma_wait3A_193, %dma_wait3A_194] : memref<2x100x256xf32, #tpu.memory_space<vmem>> -> memref<1x100x256xf32, #tpu.memory_space<vmem>>
      %dma_wait3A_196 = tpu.memref_squeeze %dma_wait3A_195 : memref<1x100x256xf32, #tpu.memory_space<vmem>> -> memref<100x256xf32, #tpu.memory_space<vmem>>
      %dma_wait3A_197 = arith.constant 0 : i32
      %dma_wait3A_198 = tpu.memref_slice %arg10[%add3A_192, %dma_wait3A_197] : memref<50x100xi32, #tpu.memory_space<vmem>> -> memref<1x100xi32, #tpu.memory_space<vmem>>
      %dma_wait3A_199 = tpu.memref_squeeze %dma_wait3A_198 : memref<1x100xi32, #tpu.memory_space<vmem>> -> memref<100xi32, #tpu.memory_space<vmem>>
      %dma_wait3A_200 = arith.constant 0 : i32
      %dma_wait3A_201 = arith.constant 0 : i32
      %dma_wait3A_202 = tpu.memref_slice %arg2[%dma_wait3A_200, %dma_wait3A_201] : memref<10000x256xf32, #tpu.memory_space<hbm>> -> memref<10000x256xf32, #tpu.memory_space<hbm>>
      tpu.wait_indirect_dma semaphore(%arg20 : memref<!tpu.dma_semaphore, #tpu.memory_space<semaphore_mem>>) src(%dma_wait3A_202 : memref<10000x256xf32, #tpu.memory_space<hbm>>) dst(%dma_wait3A_196 : memref<100x256xf32, #tpu.memory_space<vmem>>)
      %dma_wait3A_203 = arith.constant 0 : i32
      %dma_wait3A_204 = arith.constant 0 : i32
      %dma_wait3A_205 = arith.constant 0 : i32
      %dma_wait3A_206 = tpu.memref_slice %arg16[%dma_wait3A_203, %dma_wait3A_204, %dma_wait3A_205] : memref<2x100x16xf32, #tpu.memory_space<vmem>> -> memref<1x100x16xf32, #tpu.memory_space<vmem>>
      %dma_wait3A_207 = tpu.memref_squeeze %dma_wait3A_206 : memref<1x100x16xf32, #tpu.memory_space<vmem>> -> memref<100x16xf32, #tpu.memory_space<vmem>>
      %dma_wait3A_208 = arith.constant 0 : i32
      %dma_wait3A_209 = tpu.memref_slice %arg10[%add3A_192, %dma_wait3A_208] : memref<50x100xi32, #tpu.memory_space<vmem>> -> memref<1x100xi32, #tpu.memory_space<vmem>>
      %dma_wait3A_210 = tpu.memref_squeeze %dma_wait3A_209 : memref<1x100xi32, #tpu.memory_space<vmem>> -> memref<100xi32, #tpu.memory_space<vmem>>
      %dma_wait3A_211 = arith.constant 0 : i32
      %dma_wait3A_212 = arith.constant 0 : i32
      %dma_wait3A_213 = tpu.memref_slice %arg3[%dma_wait3A_211, %dma_wait3A_212] : memref<10000x16xf32, #tpu.memory_space<hbm>> -> memref<10000x16xf32, #tpu.memory_space<hbm>>
      tpu.wait_indirect_dma semaphore(%arg22 : memref<!tpu.dma_semaphore, #tpu.memory_space<semaphore_mem>>) src(%dma_wait3A_213 : memref<10000x16xf32, #tpu.memory_space<hbm>>) dst(%dma_wait3A_207 : memref<100x16xf32, #tpu.memory_space<vmem>>)
      %dma_wait3A_214 = arith.constant 0 : i32
      %dma_wait3A_215 = arith.constant 0 : i32
      %dma_wait3A_216 = arith.constant 0 : i32
      %dma_wait3A_217 = tpu.memref_slice %arg14[%dma_wait3A_214, %dma_wait3A_215, %dma_wait3A_216] : memref<2x100x16xf32, #tpu.memory_space<vmem>> -> memref<1x100x16xf32, #tpu.memory_space<vmem>>
      %dma_wait3A_218 = tpu.memref_squeeze %dma_wait3A_217 : memref<1x100x16xf32, #tpu.memory_space<vmem>> -> memref<100x16xf32, #tpu.memory_space<vmem>>
      %dma_wait3A_219 = arith.constant 0 : i32
      %dma_wait3A_220 = arith.constant 0 : i32
      %dma_wait3A_221 = tpu.memref_slice %arg4[%add3A, %add3A_192, %dma_wait3A_219, %dma_wait3A_220] : memref<32x50x100x16xf32, #tpu.memory_space<hbm>> -> memref<1x1x100x16xf32, #tpu.memory_space<hbm>>
      %dma_wait3A_222 = tpu.memref_squeeze %dma_wait3A_221 : memref<1x1x100x16xf32, #tpu.memory_space<hbm>> -> memref<100x16xf32, #tpu.memory_space<hbm>>
      %dma_wait3A_223 = arith.constant 0 : i32
      %dma_wait3A_224 = arith.constant 0 : i32
      %dma_wait3A_225 = tpu.memref_slice %arg14[%dma_wait3A_214, %dma_wait3A_223, %dma_wait3A_224] : memref<2x100x16xf32, #tpu.memory_space<vmem>> -> memref<1x100x16xf32, #tpu.memory_space<vmem>>
      %dma_wait3A_226 = tpu.memref_squeeze %dma_wait3A_225 : memref<1x100x16xf32, #tpu.memory_space<vmem>> -> memref<100x16xf32, #tpu.memory_space<vmem>>
      %dma_wait3A_227 = arith.constant 0 : i32
      %dma_wait3A_228 = arith.constant 0 : i32
      %dma_wait3A_229 = tpu.memref_slice %arg4[%add3A, %add3A_192, %dma_wait3A_227, %dma_wait3A_228] : memref<32x50x100x16xf32, #tpu.memory_space<hbm>> -> memref<1x1x100x16xf32, #tpu.memory_space<hbm>>
      %dma_wait3A_230 = tpu.memref_squeeze %dma_wait3A_229 : memref<1x1x100x16xf32, #tpu.memory_space<hbm>> -> memref<100x16xf32, #tpu.memory_space<hbm>>
      tpu.wait_dma2 semaphore(%arg24 : memref<!tpu.dma_semaphore, #tpu.memory_space<semaphore_mem>>) src(%dma_wait3A_230 : memref<100x16xf32, #tpu.memory_space<hbm>>) dst(%dma_wait3A_226 : memref<100x16xf32, #tpu.memory_space<vmem>>)
      %scan3A_231 = arith.constant 0 : i32
      %scan3A_232 = arith.constant 0 : i32
      %scan3A_233 = arith.constant 100 : i32
      %scan3A_234 = arith.addi %scan3A_232, %scan3A_233 : i32
      %scan3A_235 = arith.constant 1 : i32
      scf.for %scan3A_298 = %scan3A_232 to %scan3A_234 step %scan3A_235  : i32 {
        %get3A_299 = arith.constant 0 : i32
        %get3A_300 = arith.index_cast %get3A_299 : i32 to index
        %get3A_301 = arith.index_cast %scan3A_298 : i32 to index
        %get3A_302 = arith.constant 0 : index
        %get3A_303 = tpu.vector_load %arg14[%get3A_300, %get3A_301, %get3A_302] {strides = array<i32>} : memref<2x100x16xf32, #tpu.memory_space<vmem>>, vector<1x1x16xf32>,
        %get3A_304 = vector.shape_cast %get3A_303 : vector<1x1x16xf32> to vector<16xf32>
        %slice3A = vector.extract_strided_slice %get3A_304 {offsets = [0], sizes = [1], strides = [1]} : vector<16xf32> to vector<1xf32>
        %squeeze3A = vector.extract %slice3A[0] : f32 from vector<1xf32>
        %mul3A_305 = vector.broadcast %squeeze3A : f32 to vector<16xf32>
        %mul3A_306 = arith.mulf %mul3A_305, %get3A_4 : vector<16xf32>
        %add3A_307 = arith.addf %get3A_84, %mul3A_306 : vector<16xf32>
        %slice3A_308 = vector.extract_strided_slice %get3A_304 {offsets = [1], sizes = [1], strides = [1]} : vector<16xf32> to vector<1xf32>
        %squeeze3A_309 = vector.extract %slice3A_308[0] : f32 from vector<1xf32>
        %mul3A_310 = vector.broadcast %squeeze3A_309 : f32 to vector<16xf32>
        %mul3A_311 = arith.mulf %mul3A_310, %get3A_9 : vector<16xf32>
        %slice3A_312 = vector.extract_strided_slice %get3A_304 {offsets = [2], sizes = [1], strides = [1]} : vector<16xf32> to vector<1xf32>
        %squeeze3A_313 = vector.extract %slice3A_312[0] : f32 from vector<1xf32>
        %mul3A_314 = vector.broadcast %squeeze3A_313 : f32 to vector<16xf32>
        %mul3A_315 = arith.mulf %mul3A_314, %get3A_14 : vector<16xf32>
        %slice3A_316 = vector.extract_strided_slice %get3A_304 {offsets = [3], sizes = [1], strides = [1]} : vector<16xf32> to vector<1xf32>
        %squeeze3A_317 = vector.extract %slice3A_316[0] : f32 from vector<1xf32>
        %mul3A_318 = vector.broadcast %squeeze3A_317 : f32 to vector<16xf32>
        %mul3A_319 = arith.mulf %mul3A_318, %get3A_19 : vector<16xf32>
        %slice3A_320 = vector.extract_strided_slice %get3A_304 {offsets = [4], sizes = [1], strides = [1]} : vector<16xf32> to vector<1xf32>
        %squeeze3A_321 = vector.extract %slice3A_320[0] : f32 from vector<1xf32>
        %mul3A_322 = vector.broadcast %squeeze3A_321 : f32 to vector<16xf32>
        %mul3A_323 = arith.mulf %mul3A_322, %get3A_24 : vector<16xf32>
        %add3A_324 = arith.addf %add3A_307, %mul3A_323 : vector<16xf32>
        %slice3A_325 = vector.extract_strided_slice %get3A_304 {offsets = [5], sizes = [1], strides = [1]} : vector<16xf32> to vector<1xf32>
        %squeeze3A_326 = vector.extract %slice3A_325[0] : f32 from vector<1xf32>
        %mul3A_327 = vector.broadcast %squeeze3A_326 : f32 to vector<16xf32>
        %mul3A_328 = arith.mulf %mul3A_327, %get3A_29 : vector<16xf32>
        %add3A_329 = arith.addf %mul3A_311, %mul3A_328 : vector<16xf32>
        %slice3A_330 = vector.extract_strided_slice %get3A_304 {offsets = [6], sizes = [1], strides = [1]} : vector<16xf32> to vector<1xf32>
        %squeeze3A_331 = vector.extract %slice3A_330[0] : f32 from vector<1xf32>
        %mul3A_332 = vector.broadcast %squeeze3A_331 : f32 to vector<16xf32>
        %mul3A_333 = arith.mulf %mul3A_332, %get3A_34 : vector<16xf32>
        %add3A_334 = arith.addf %mul3A_315, %mul3A_333 : vector<16xf32>
        %slice3A_335 = vector.extract_strided_slice %get3A_304 {offsets = [7], sizes = [1], strides = [1]} : vector<16xf32> to vector<1xf32>
        %squeeze3A_336 = vector.extract %slice3A_335[0] : f32 from vector<1xf32>
        %mul3A_337 = vector.broadcast %squeeze3A_336 : f32 to vector<16xf32>
        %mul3A_338 = arith.mulf %mul3A_337, %get3A_39 : vector<16xf32>
        %add3A_339 = arith.addf %mul3A_319, %mul3A_338 : vector<16xf32>
        %slice3A_340 = vector.extract_strided_slice %get3A_304 {offsets = [8], sizes = [1], strides = [1]} : vector<16xf32> to vector<1xf32>
        %squeeze3A_341 = vector.extract %slice3A_340[0] : f32 from vector<1xf32>
        %mul3A_342 = vector.broadcast %squeeze3A_341 : f32 to vector<16xf32>
        %mul3A_343 = arith.mulf %mul3A_342, %get3A_44 : vector<16xf32>
        %add3A_344 = arith.addf %add3A_324, %mul3A_343 : vector<16xf32>
        %slice3A_345 = vector.extract_strided_slice %get3A_304 {offsets = [9], sizes = [1], strides = [1]} : vector<16xf32> to vector<1xf32>
        %squeeze3A_346 = vector.extract %slice3A_345[0] : f32 from vector<1xf32>
        %mul3A_347 = vector.broadcast %squeeze3A_346 : f32 to vector<16xf32>
        %mul3A_348 = arith.mulf %mul3A_347, %get3A_49 : vector<16xf32>
        %add3A_349 = arith.addf %add3A_329, %mul3A_348 : vector<16xf32>
        %slice3A_350 = vector.extract_strided_slice %get3A_304 {offsets = [10], sizes = [1], strides = [1]} : vector<16xf32> to vector<1xf32>
        %squeeze3A_351 = vector.extract %slice3A_350[0] : f32 from vector<1xf32>
        %mul3A_352 = vector.broadcast %squeeze3A_351 : f32 to vector<16xf32>
        %mul3A_353 = arith.mulf %mul3A_352, %get3A_54 : vector<16xf32>
        %add3A_354 = arith.addf %add3A_334, %mul3A_353 : vector<16xf32>
        %slice3A_355 = vector.extract_strided_slice %get3A_304 {offsets = [11], sizes = [1], strides = [1]} : vector<16xf32> to vector<1xf32>
        %squeeze3A_356 = vector.extract %slice3A_355[0] : f32 from vector<1xf32>
        %mul3A_357 = vector.broadcast %squeeze3A_356 : f32 to vector<16xf32>
        %mul3A_358 = arith.mulf %mul3A_357, %get3A_59 : vector<16xf32>
        %add3A_359 = arith.addf %add3A_339, %mul3A_358 : vector<16xf32>
        %slice3A_360 = vector.extract_strided_slice %get3A_304 {offsets = [12], sizes = [1], strides = [1]} : vector<16xf32> to vector<1xf32>
        %squeeze3A_361 = vector.extract %slice3A_360[0] : f32 from vector<1xf32>
        %mul3A_362 = vector.broadcast %squeeze3A_361 : f32 to vector<16xf32>
        %mul3A_363 = arith.mulf %mul3A_362, %get3A_64 : vector<16xf32>
        %add3A_364 = arith.addf %add3A_344, %mul3A_363 : vector<16xf32>
        %slice3A_365 = vector.extract_strided_slice %get3A_304 {offsets = [13], sizes = [1], strides = [1]} : vector<16xf32> to vector<1xf32>
        %squeeze3A_366 = vector.extract %slice3A_365[0] : f32 from vector<1xf32>
        %mul3A_367 = vector.broadcast %squeeze3A_366 : f32 to vector<16xf32>
        %mul3A_368 = arith.mulf %mul3A_367, %get3A_69 : vector<16xf32>
        %add3A_369 = arith.addf %add3A_349, %mul3A_368 : vector<16xf32>
        %slice3A_370 = vector.extract_strided_slice %get3A_304 {offsets = [14], sizes = [1], strides = [1]} : vector<16xf32> to vector<1xf32>
        %squeeze3A_371 = vector.extract %slice3A_370[0] : f32 from vector<1xf32>
        %mul3A_372 = vector.broadcast %squeeze3A_371 : f32 to vector<16xf32>
        %mul3A_373 = arith.mulf %mul3A_372, %get3A_74 : vector<16xf32>
        %add3A_374 = arith.addf %add3A_354, %mul3A_373 : vector<16xf32>
        %slice3A_375 = vector.extract_strided_slice %get3A_304 {offsets = [15], sizes = [1], strides = [1]} : vector<16xf32> to vector<1xf32>
        %squeeze3A_376 = vector.extract %slice3A_375[0] : f32 from vector<1xf32>
        %mul3A_377 = vector.broadcast %squeeze3A_376 : f32 to vector<16xf32>
        %mul3A_378 = arith.mulf %mul3A_377, %get3A_79 : vector<16xf32>
        %add3A_379 = arith.addf %add3A_359, %mul3A_378 : vector<16xf32>
        %add3A_380 = arith.addf %add3A_364, %add3A_369 : vector<16xf32>
        %add3A_381 = arith.addf %add3A_374, %add3A_379 : vector<16xf32>
        %add3A_382 = arith.addf %add3A_380, %add3A_381 : vector<16xf32>
        %max3A = arith.constant 0.000000e+00 : f32
        %max3A_383 = vector.broadcast %max3A : f32 to vector<16xf32>
        %max3A_384 = arith.maximumf %add3A_382, %max3A_383 : vector<16xf32>
        %get3A_385 = arith.constant 0 : i32
        %get3A_386 = arith.index_cast %get3A_385 : i32 to index
        %get3A_387 = arith.index_cast %scan3A_298 : i32 to index
        %get3A_388 = arith.constant 0 : index
        %get3A_389 = tpu.vector_load %arg16[%get3A_386, %get3A_387, %get3A_388] {strides = array<i32>} : memref<2x100x16xf32, #tpu.memory_space<vmem>>, vector<1x1x16xf32>,
        %get3A_390 = vector.shape_cast %get3A_389 : vector<1x1x16xf32> to vector<16xf32>
        %slice3A_391 = vector.extract_strided_slice %max3A_384 {offsets = [0], sizes = [1], strides = [1]} : vector<16xf32> to vector<1xf32>
        %squeeze3A_392 = vector.extract %slice3A_391[0] : f32 from vector<1xf32>
        %get3A_393 = arith.constant 0 : i32
        %get3A_394 = arith.index_cast %get3A_393 : i32 to index
        %get3A_395 = arith.index_cast %scan3A_298 : i32 to index
        %get3A_396 = arith.constant 0 : index
        %get3A_397 = tpu.vector_load %arg15[%get3A_394, %get3A_395, %get3A_396] {strides = array<i32>} : memref<2x100x256xf32, #tpu.memory_space<vmem>>, vector<1x1x16xf32>,
        %get3A_398 = vector.shape_cast %get3A_397 : vector<1x1x16xf32> to vector<16xf32>
        %mul3A_399 = vector.broadcast %squeeze3A_392 : f32 to vector<16xf32>
        %mul3A_400 = arith.mulf %mul3A_399, %get3A_398 : vector<16xf32>
        %add3A_401 = arith.addf %get3A_390, %mul3A_400 : vector<16xf32>
        %slice3A_402 = vector.extract_strided_slice %max3A_384 {offsets = [1], sizes = [1], strides = [1]} : vector<16xf32> to vector<1xf32>
        %squeeze3A_403 = vector.extract %slice3A_402[0] : f32 from vector<1xf32>
        %get3A_404 = arith.constant 0 : i32
        %get3A_405 = arith.index_cast %get3A_404 : i32 to index
        %get3A_406 = arith.index_cast %scan3A_298 : i32 to index
        %get3A_407 = arith.constant 16 : index
        %get3A_408 = tpu.vector_load %arg15[%get3A_405, %get3A_406, %get3A_407] {strides = array<i32>} : memref<2x100x256xf32, #tpu.memory_space<vmem>>, vector<1x1x16xf32>,
        %get3A_409 = vector.shape_cast %get3A_408 : vector<1x1x16xf32> to vector<16xf32>
        %mul3A_410 = vector.broadcast %squeeze3A_403 : f32 to vector<16xf32>
        %mul3A_411 = arith.mulf %mul3A_410, %get3A_409 : vector<16xf32>
        %slice3A_412 = vector.extract_strided_slice %max3A_384 {offsets = [2], sizes = [1], strides = [1]} : vector<16xf32> to vector<1xf32>
        %squeeze3A_413 = vector.extract %slice3A_412[0] : f32 from vector<1xf32>
        %get3A_414 = arith.constant 0 : i32
        %get3A_415 = arith.index_cast %get3A_414 : i32 to index
        %get3A_416 = arith.index_cast %scan3A_298 : i32 to index
        %get3A_417 = arith.constant 32 : index
        %get3A_418 = tpu.vector_load %arg15[%get3A_415, %get3A_416, %get3A_417] {strides = array<i32>} : memref<2x100x256xf32, #tpu.memory_space<vmem>>, vector<1x1x16xf32>,
        %get3A_419 = vector.shape_cast %get3A_418 : vector<1x1x16xf32> to vector<16xf32>
        %mul3A_420 = vector.broadcast %squeeze3A_413 : f32 to vector<16xf32>
        %mul3A_421 = arith.mulf %mul3A_420, %get3A_419 : vector<16xf32>
        %slice3A_422 = vector.extract_strided_slice %max3A_384 {offsets = [3], sizes = [1], strides = [1]} : vector<16xf32> to vector<1xf32>
        %squeeze3A_423 = vector.extract %slice3A_422[0] : f32 from vector<1xf32>
        %get3A_424 = arith.constant 0 : i32
        %get3A_425 = arith.index_cast %get3A_424 : i32 to index
        %get3A_426 = arith.index_cast %scan3A_298 : i32 to index
        %get3A_427 = arith.constant 48 : index
        %get3A_428 = tpu.vector_load %arg15[%get3A_425, %get3A_426, %get3A_427] {strides = array<i32>} : memref<2x100x256xf32, #tpu.memory_space<vmem>>, vector<1x1x16xf32>,
        %get3A_429 = vector.shape_cast %get3A_428 : vector<1x1x16xf32> to vector<16xf32>
        %mul3A_430 = vector.broadcast %squeeze3A_423 : f32 to vector<16xf32>
        %mul3A_431 = arith.mulf %mul3A_430, %get3A_429 : vector<16xf32>
        %slice3A_432 = vector.extract_strided_slice %max3A_384 {offsets = [4], sizes = [1], strides = [1]} : vector<16xf32> to vector<1xf32>
        %squeeze3A_433 = vector.extract %slice3A_432[0] : f32 from vector<1xf32>
        %get3A_434 = arith.constant 0 : i32
        %get3A_435 = arith.index_cast %get3A_434 : i32 to index
        %get3A_436 = arith.index_cast %scan3A_298 : i32 to index
        %get3A_437 = arith.constant 64 : index
        %get3A_438 = tpu.vector_load %arg15[%get3A_435, %get3A_436, %get3A_437] {strides = array<i32>} : memref<2x100x256xf32, #tpu.memory_space<vmem>>, vector<1x1x16xf32>,
        %get3A_439 = vector.shape_cast %get3A_438 : vector<1x1x16xf32> to vector<16xf32>
        %mul3A_440 = vector.broadcast %squeeze3A_433 : f32 to vector<16xf32>
        %mul3A_441 = arith.mulf %mul3A_440, %get3A_439 : vector<16xf32>
        %add3A_442 = arith.addf %add3A_401, %mul3A_441 : vector<16xf32>
        %slice3A_443 = vector.extract_strided_slice %max3A_384 {offsets = [5], sizes = [1], strides = [1]} : vector<16xf32> to vector<1xf32>
        %squeeze3A_444 = vector.extract %slice3A_443[0] : f32 from vector<1xf32>
        %get3A_445 = arith.constant 0 : i32
        %get3A_446 = arith.index_cast %get3A_445 : i32 to index
        %get3A_447 = arith.index_cast %scan3A_298 : i32 to index
        %get3A_448 = arith.constant 80 : index
        %get3A_449 = tpu.vector_load %arg15[%get3A_446, %get3A_447, %get3A_448] {strides = array<i32>} : memref<2x100x256xf32, #tpu.memory_space<vmem>>, vector<1x1x16xf32>,
        %get3A_450 = vector.shape_cast %get3A_449 : vector<1x1x16xf32> to vector<16xf32>
        %mul3A_451 = vector.broadcast %squeeze3A_444 : f32 to vector<16xf32>
        %mul3A_452 = arith.mulf %mul3A_451, %get3A_450 : vector<16xf32>
        %add3A_453 = arith.addf %mul3A_411, %mul3A_452 : vector<16xf32>
        %slice3A_454 = vector.extract_strided_slice %max3A_384 {offsets = [6], sizes = [1], strides = [1]} : vector<16xf32> to vector<1xf32>
        %squeeze3A_455 = vector.extract %slice3A_454[0] : f32 from vector<1xf32>
        %get3A_456 = arith.constant 0 : i32
        %get3A_457 = arith.index_cast %get3A_456 : i32 to index
        %get3A_458 = arith.index_cast %scan3A_298 : i32 to index
        %get3A_459 = arith.constant 96 : index
        %get3A_460 = tpu.vector_load %arg15[%get3A_457, %get3A_458, %get3A_459] {strides = array<i32>} : memref<2x100x256xf32, #tpu.memory_space<vmem>>, vector<1x1x16xf32>,
        %get3A_461 = vector.shape_cast %get3A_460 : vector<1x1x16xf32> to vector<16xf32>
        %mul3A_462 = vector.broadcast %squeeze3A_455 : f32 to vector<16xf32>
        %mul3A_463 = arith.mulf %mul3A_462, %get3A_461 : vector<16xf32>
        %add3A_464 = arith.addf %mul3A_421, %mul3A_463 : vector<16xf32>
        %slice3A_465 = vector.extract_strided_slice %max3A_384 {offsets = [7], sizes = [1], strides = [1]} : vector<16xf32> to vector<1xf32>
        %squeeze3A_466 = vector.extract %slice3A_465[0] : f32 from vector<1xf32>
        %get3A_467 = arith.constant 0 : i32
        %get3A_468 = arith.index_cast %get3A_467 : i32 to index
        %get3A_469 = arith.index_cast %scan3A_298 : i32 to index
        %get3A_470 = arith.constant 112 : index
        %get3A_471 = tpu.vector_load %arg15[%get3A_468, %get3A_469, %get3A_470] {strides = array<i32>} : memref<2x100x256xf32, #tpu.memory_space<vmem>>, vector<1x1x16xf32>,
        %get3A_472 = vector.shape_cast %get3A_471 : vector<1x1x16xf32> to vector<16xf32>
        %mul3A_473 = vector.broadcast %squeeze3A_466 : f32 to vector<16xf32>
        %mul3A_474 = arith.mulf %mul3A_473, %get3A_472 : vector<16xf32>
        %add3A_475 = arith.addf %mul3A_431, %mul3A_474 : vector<16xf32>
        %slice3A_476 = vector.extract_strided_slice %max3A_384 {offsets = [8], sizes = [1], strides = [1]} : vector<16xf32> to vector<1xf32>
        %squeeze3A_477 = vector.extract %slice3A_476[0] : f32 from vector<1xf32>
        %get3A_478 = arith.constant 0 : i32
        %get3A_479 = arith.index_cast %get3A_478 : i32 to index
        %get3A_480 = arith.index_cast %scan3A_298 : i32 to index
        %get3A_481 = arith.constant 128 : index
        %get3A_482 = tpu.vector_load %arg15[%get3A_479, %get3A_480, %get3A_481] {strides = array<i32>} : memref<2x100x256xf32, #tpu.memory_space<vmem>>, vector<1x1x16xf32>,
        %get3A_483 = vector.shape_cast %get3A_482 : vector<1x1x16xf32> to vector<16xf32>
        %mul3A_484 = vector.broadcast %squeeze3A_477 : f32 to vector<16xf32>
        %mul3A_485 = arith.mulf %mul3A_484, %get3A_483 : vector<16xf32>
        %add3A_486 = arith.addf %add3A_442, %mul3A_485 : vector<16xf32>
        %slice3A_487 = vector.extract_strided_slice %max3A_384 {offsets = [9], sizes = [1], strides = [1]} : vector<16xf32> to vector<1xf32>
        %squeeze3A_488 = vector.extract %slice3A_487[0] : f32 from vector<1xf32>
        %get3A_489 = arith.constant 0 : i32
        %get3A_490 = arith.index_cast %get3A_489 : i32 to index
        %get3A_491 = arith.index_cast %scan3A_298 : i32 to index
        %get3A_492 = arith.constant 144 : index
        %get3A_493 = tpu.vector_load %arg15[%get3A_490, %get3A_491, %get3A_492] {strides = array<i32>} : memref<2x100x256xf32, #tpu.memory_space<vmem>>, vector<1x1x16xf32>,
        %get3A_494 = vector.shape_cast %get3A_493 : vector<1x1x16xf32> to vector<16xf32>
        %mul3A_495 = vector.broadcast %squeeze3A_488 : f32 to vector<16xf32>
        %mul3A_496 = arith.mulf %mul3A_495, %get3A_494 : vector<16xf32>
        %add3A_497 = arith.addf %add3A_453, %mul3A_496 : vector<16xf32>
        %slice3A_498 = vector.extract_strided_slice %max3A_384 {offsets = [10], sizes = [1], strides = [1]} : vector<16xf32> to vector<1xf32>
        %squeeze3A_499 = vector.extract %slice3A_498[0] : f32 from vector<1xf32>
        %get3A_500 = arith.constant 0 : i32
        %get3A_501 = arith.index_cast %get3A_500 : i32 to index
        %get3A_502 = arith.index_cast %scan3A_298 : i32 to index
        %get3A_503 = arith.constant 160 : index
        %get3A_504 = tpu.vector_load %arg15[%get3A_501, %get3A_502, %get3A_503] {strides = array<i32>} : memref<2x100x256xf32, #tpu.memory_space<vmem>>, vector<1x1x16xf32>,
        %get3A_505 = vector.shape_cast %get3A_504 : vector<1x1x16xf32> to vector<16xf32>
        %mul3A_506 = vector.broadcast %squeeze3A_499 : f32 to vector<16xf32>
        %mul3A_507 = arith.mulf %mul3A_506, %get3A_505 : vector<16xf32>
        %add3A_508 = arith.addf %add3A_464, %mul3A_507 : vector<16xf32>
        %slice3A_509 = vector.extract_strided_slice %max3A_384 {offsets = [11], sizes = [1], strides = [1]} : vector<16xf32> to vector<1xf32>
        %squeeze3A_510 = vector.extract %slice3A_509[0] : f32 from vector<1xf32>
        %get3A_511 = arith.constant 0 : i32
        %get3A_512 = arith.index_cast %get3A_511 : i32 to index
        %get3A_513 = arith.index_cast %scan3A_298 : i32 to index
        %get3A_514 = arith.constant 176 : index
        %get3A_515 = tpu.vector_load %arg15[%get3A_512, %get3A_513, %get3A_514] {strides = array<i32>} : memref<2x100x256xf32, #tpu.memory_space<vmem>>, vector<1x1x16xf32>,
        %get3A_516 = vector.shape_cast %get3A_515 : vector<1x1x16xf32> to vector<16xf32>
        %mul3A_517 = vector.broadcast %squeeze3A_510 : f32 to vector<16xf32>
        %mul3A_518 = arith.mulf %mul3A_517, %get3A_516 : vector<16xf32>
        %add3A_519 = arith.addf %add3A_475, %mul3A_518 : vector<16xf32>
        %slice3A_520 = vector.extract_strided_slice %max3A_384 {offsets = [12], sizes = [1], strides = [1]} : vector<16xf32> to vector<1xf32>
        %squeeze3A_521 = vector.extract %slice3A_520[0] : f32 from vector<1xf32>
        %get3A_522 = arith.constant 0 : i32
        %get3A_523 = arith.index_cast %get3A_522 : i32 to index
        %get3A_524 = arith.index_cast %scan3A_298 : i32 to index
        %get3A_525 = arith.constant 192 : index
        %get3A_526 = tpu.vector_load %arg15[%get3A_523, %get3A_524, %get3A_525] {strides = array<i32>} : memref<2x100x256xf32, #tpu.memory_space<vmem>>, vector<1x1x16xf32>,
        %get3A_527 = vector.shape_cast %get3A_526 : vector<1x1x16xf32> to vector<16xf32>
        %mul3A_528 = vector.broadcast %squeeze3A_521 : f32 to vector<16xf32>
        %mul3A_529 = arith.mulf %mul3A_528, %get3A_527 : vector<16xf32>
        %add3A_530 = arith.addf %add3A_486, %mul3A_529 : vector<16xf32>
        %slice3A_531 = vector.extract_strided_slice %max3A_384 {offsets = [13], sizes = [1], strides = [1]} : vector<16xf32> to vector<1xf32>
        %squeeze3A_532 = vector.extract %slice3A_531[0] : f32 from vector<1xf32>
        %get3A_533 = arith.constant 0 : i32
        %get3A_534 = arith.index_cast %get3A_533 : i32 to index
        %get3A_535 = arith.index_cast %scan3A_298 : i32 to index
        %get3A_536 = arith.constant 208 : index
        %get3A_537 = tpu.vector_load %arg15[%get3A_534, %get3A_535, %get3A_536] {strides = array<i32>} : memref<2x100x256xf32, #tpu.memory_space<vmem>>, vector<1x1x16xf32>,
        %get3A_538 = vector.shape_cast %get3A_537 : vector<1x1x16xf32> to vector<16xf32>
        %mul3A_539 = vector.broadcast %squeeze3A_532 : f32 to vector<16xf32>
        %mul3A_540 = arith.mulf %mul3A_539, %get3A_538 : vector<16xf32>
        %add3A_541 = arith.addf %add3A_497, %mul3A_540 : vector<16xf32>
        %slice3A_542 = vector.extract_strided_slice %max3A_384 {offsets = [14], sizes = [1], strides = [1]} : vector<16xf32> to vector<1xf32>
        %squeeze3A_543 = vector.extract %slice3A_542[0] : f32 from vector<1xf32>
        %get3A_544 = arith.constant 0 : i32
        %get3A_545 = arith.index_cast %get3A_544 : i32 to index
        %get3A_546 = arith.index_cast %scan3A_298 : i32 to index
        %get3A_547 = arith.constant 224 : index
        %get3A_548 = tpu.vector_load %arg15[%get3A_545, %get3A_546, %get3A_547] {strides = array<i32>} : memref<2x100x256xf32, #tpu.memory_space<vmem>>, vector<1x1x16xf32>,
        %get3A_549 = vector.shape_cast %get3A_548 : vector<1x1x16xf32> to vector<16xf32>
        %mul3A_550 = vector.broadcast %squeeze3A_543 : f32 to vector<16xf32>
        %mul3A_551 = arith.mulf %mul3A_550, %get3A_549 : vector<16xf32>
        %add3A_552 = arith.addf %add3A_508, %mul3A_551 : vector<16xf32>
        %slice3A_553 = vector.extract_strided_slice %max3A_384 {offsets = [15], sizes = [1], strides = [1]} : vector<16xf32> to vector<1xf32>
        %squeeze3A_554 = vector.extract %slice3A_553[0] : f32 from vector<1xf32>
        %get3A_555 = arith.constant 0 : i32
        %get3A_556 = arith.index_cast %get3A_555 : i32 to index
        %get3A_557 = arith.index_cast %scan3A_298 : i32 to index
        %get3A_558 = arith.constant 240 : index
        %get3A_559 = tpu.vector_load %arg15[%get3A_556, %get3A_557, %get3A_558] {strides = array<i32>} : memref<2x100x256xf32, #tpu.memory_space<vmem>>, vector<1x1x16xf32>,
        %get3A_560 = vector.shape_cast %get3A_559 : vector<1x1x16xf32> to vector<16xf32>
        %mul3A_561 = vector.broadcast %squeeze3A_554 : f32 to vector<16xf32>
        %mul3A_562 = arith.mulf %mul3A_561, %get3A_560 : vector<16xf32>
        %add3A_563 = arith.addf %add3A_519, %mul3A_562 : vector<16xf32>
        %add3A_564 = arith.addf %add3A_530, %add3A_541 : vector<16xf32>
        %add3A_565 = arith.addf %add3A_552, %add3A_563 : vector<16xf32>
        %add3A_566 = arith.addf %add3A_564, %add3A_565 : vector<16xf32>
        %swap3A = arith.constant 0 : i32
        %swap3A_567 = arith.index_cast %swap3A : i32 to index
        %swap3A_568 = arith.index_cast %scan3A_298 : i32 to index
        %swap3A_569 = arith.constant 0 : index
        %swap3A_570 = tpu.vector_load %arg17[%swap3A_567, %swap3A_568, %swap3A_569] {strides = array<i32>} : memref<2x100x16xf32, #tpu.memory_space<vmem>>, vector<1x1x16xf32>,
        %swap3A_571 = vector.shape_cast %swap3A_570 : vector<1x1x16xf32> to vector<16xf32>
        %swap3A_572 = vector.shape_cast %add3A_566 : vector<16xf32> to vector<1x1x16xf32>
        tpu.vector_store %arg17[%swap3A_567, %swap3A_568, %swap3A_569], %swap3A_572 {strides = array<i32>} : memref<2x100x16xf32, #tpu.memory_space<vmem>>, vector<1x1x16xf32>,
      }
      %scan3A_236 = arith.constant 100 : i32
      %run_scoped3A = arith.constant 0 : i32
      "tpu.region"() ({
        %run_scoped3A_298 = tpu.sem_alloc : memref<!tpu.dma_semaphore, #tpu.memory_space<semaphore_mem>>
        %dma_start3A_299 = arith.constant 0 : i32
        %dma_start3A_300 = arith.constant 0 : i32
        %dma_start3A_301 = tpu.memref_slice %arg17[%run_scoped3A, %dma_start3A_299, %dma_start3A_300] : memref<2x100x16xf32, #tpu.memory_space<vmem>> -> memref<1x100x16xf32, #tpu.memory_space<vmem>>
        %dma_start3A_302 = tpu.memref_squeeze %dma_start3A_301 : memref<1x100x16xf32, #tpu.memory_space<vmem>> -> memref<100x16xf32, #tpu.memory_space<vmem>>
        %dma_start3A_303 = arith.constant 0 : i32
        %dma_start3A_304 = tpu.memref_slice %arg11[%add3A_192, %dma_start3A_303] : memref<50x100xi32, #tpu.memory_space<vmem>> -> memref<1x100xi32, #tpu.memory_space<vmem>>
        %dma_start3A_305 = tpu.memref_squeeze %dma_start3A_304 : memref<1x100xi32, #tpu.memory_space<vmem>> -> memref<100xi32, #tpu.memory_space<vmem>>
        %dma_start3A_306 = arith.constant 0 : i32
        %dma_start3A_307 = arith.constant 0 : i32
        %dma_start3A_308 = tpu.memref_slice %arg19[%dma_start3A_306, %dma_start3A_307] : memref<10240x16xf32, #tpu.memory_space<vmem_shared>> -> memref<10240x16xf32, #tpu.memory_space<vmem_shared>>
        tpu.enqueue_indirect_dma source(%dma_start3A_302 : memref<100x16xf32, #tpu.memory_space<vmem>>) target(%dma_start3A_308 : memref<10240x16xf32, #tpu.memory_space<vmem_shared>>) offsets(%dma_start3A_305 : memref<100xi32, #tpu.memory_space<vmem>>) semaphore(%run_scoped3A_298 : memref<!tpu.dma_semaphore, #tpu.memory_space<semaphore_mem>>) {add = true}
        %dma_wait3A_309 = arith.constant 0 : i32
        %dma_wait3A_310 = arith.constant 0 : i32
        %dma_wait3A_311 = tpu.memref_slice %arg17[%run_scoped3A, %dma_wait3A_309, %dma_wait3A_310] : memref<2x100x16xf32, #tpu.memory_space<vmem>> -> memref<1x100x16xf32, #tpu.memory_space<vmem>>
        %dma_wait3A_312 = tpu.memref_squeeze %dma_wait3A_311 : memref<1x100x16xf32, #tpu.memory_space<vmem>> -> memref<100x16xf32, #tpu.memory_space<vmem>>
        %dma_wait3A_313 = arith.constant 0 : i32
        %dma_wait3A_314 = tpu.memref_slice %arg11[%add3A_192, %dma_wait3A_313] : memref<50x100xi32, #tpu.memory_space<vmem>> -> memref<1x100xi32, #tpu.memory_space<vmem>>
        %dma_wait3A_315 = tpu.memref_squeeze %dma_wait3A_314 : memref<1x100xi32, #tpu.memory_space<vmem>> -> memref<100xi32, #tpu.memory_space<vmem>>
        %dma_wait3A_316 = arith.constant 0 : i32
        %dma_wait3A_317 = arith.constant 0 : i32
        %dma_wait3A_318 = tpu.memref_slice %arg19[%dma_wait3A_316, %dma_wait3A_317] : memref<10240x16xf32, #tpu.memory_space<vmem_shared>> -> memref<10240x16xf32, #tpu.memory_space<vmem_shared>>
        tpu.wait_indirect_dma semaphore(%run_scoped3A_298 : memref<!tpu.dma_semaphore, #tpu.memory_space<semaphore_mem>>) src(%dma_wait3A_312 : memref<100x16xf32, #tpu.memory_space<vmem>>) dst(%dma_wait3A_318 : memref<10240x16xf32, #tpu.memory_space<vmem_shared>>)
        tpu.yield
      }) : () -> ()
      %add3A_237 = arith.constant 2 : i32
      %add3A_238 = arith.addi %add3A_192, %add3A_237 : i32
      %lt3A = arith.constant 50 : i32
      %lt3A_239 = arith.cmpi slt, %add3A_238, %lt3A : i32
      %convert_element_type3A = arith.extui %lt3A_239 : i1 to i32
      %cond3A = arith.constant 0 : i32
      %cond3A_240 = arith.cmpi ne, %convert_element_type3A, %cond3A : i32
      scf.if %cond3A_240 {
        %add3A_298 = arith.constant 2 : i32
        %add3A_299 = arith.addi %add3A_192, %add3A_298 : i32
        %dma_start3A_300 = arith.constant 0 : i32
        %dma_start3A_301 = arith.constant 0 : i32
        %dma_start3A_302 = arith.constant 0 : i32
        %dma_start3A_303 = tpu.memref_slice %arg15[%dma_start3A_300, %dma_start3A_301, %dma_start3A_302] : memref<2x100x256xf32, #tpu.memory_space<vmem>> -> memref<1x100x256xf32, #tpu.memory_space<vmem>>
        %dma_start3A_304 = tpu.memref_squeeze %dma_start3A_303 : memref<1x100x256xf32, #tpu.memory_space<vmem>> -> memref<100x256xf32, #tpu.memory_space<vmem>>
        %dma_start3A_305 = arith.constant 0 : i32
        %dma_start3A_306 = tpu.memref_slice %arg10[%add3A_299, %dma_start3A_305] : memref<50x100xi32, #tpu.memory_space<vmem>> -> memref<1x100xi32, #tpu.memory_space<vmem>>
        %dma_start3A_307 = tpu.memref_squeeze %dma_start3A_306 : memref<1x100xi32, #tpu.memory_space<vmem>> -> memref<100xi32, #tpu.memory_space<vmem>>
        %dma_start3A_308 = arith.constant 0 : i32
        %dma_start3A_309 = arith.constant 0 : i32
        %dma_start3A_310 = tpu.memref_slice %arg2[%dma_start3A_308, %dma_start3A_309] : memref<10000x256xf32, #tpu.memory_space<hbm>> -> memref<10000x256xf32, #tpu.memory_space<hbm>>
        tpu.enqueue_indirect_dma source(%dma_start3A_310 : memref<10000x256xf32, #tpu.memory_space<hbm>>) target(%dma_start3A_304 : memref<100x256xf32, #tpu.memory_space<vmem>>) offsets(%dma_start3A_307 : memref<100xi32, #tpu.memory_space<vmem>>) semaphore(%arg20 : memref<!tpu.dma_semaphore, #tpu.memory_space<semaphore_mem>>)
        %dma_start3A_311 = arith.constant 0 : i32
        %dma_start3A_312 = arith.constant 0 : i32
        %dma_start3A_313 = arith.constant 0 : i32
        %dma_start3A_314 = tpu.memref_slice %arg16[%dma_start3A_311, %dma_start3A_312, %dma_start3A_313] : memref<2x100x16xf32, #tpu.memory_space<vmem>> -> memref<1x100x16xf32, #tpu.memory_space<vmem>>
        %dma_start3A_315 = tpu.memref_squeeze %dma_start3A_314 : memref<1x100x16xf32, #tpu.memory_space<vmem>> -> memref<100x16xf32, #tpu.memory_space<vmem>>
        %dma_start3A_316 = arith.constant 0 : i32
        %dma_start3A_317 = tpu.memref_slice %arg10[%add3A_299, %dma_start3A_316] : memref<50x100xi32, #tpu.memory_space<vmem>> -> memref<1x100xi32, #tpu.memory_space<vmem>>
        %dma_start3A_318 = tpu.memref_squeeze %dma_start3A_317 : memref<1x100xi32, #tpu.memory_space<vmem>> -> memref<100xi32, #tpu.memory_space<vmem>>
        %dma_start3A_319 = arith.constant 0 : i32
        %dma_start3A_320 = arith.constant 0 : i32
        %dma_start3A_321 = tpu.memref_slice %arg3[%dma_start3A_319, %dma_start3A_320] : memref<10000x16xf32, #tpu.memory_space<hbm>> -> memref<10000x16xf32, #tpu.memory_space<hbm>>
        tpu.enqueue_indirect_dma source(%dma_start3A_321 : memref<10000x16xf32, #tpu.memory_space<hbm>>) target(%dma_start3A_315 : memref<100x16xf32, #tpu.memory_space<vmem>>) offsets(%dma_start3A_318 : memref<100xi32, #tpu.memory_space<vmem>>) semaphore(%arg22 : memref<!tpu.dma_semaphore, #tpu.memory_space<semaphore_mem>>)
        %dma_start3A_322 = arith.constant 0 : i32
        %dma_start3A_323 = arith.constant 0 : i32
        %dma_start3A_324 = arith.constant 0 : i32
        %dma_start3A_325 = tpu.memref_slice %arg14[%dma_start3A_322, %dma_start3A_323, %dma_start3A_324] : memref<2x100x16xf32, #tpu.memory_space<vmem>> -> memref<1x100x16xf32, #tpu.memory_space<vmem>>
        %dma_start3A_326 = tpu.memref_squeeze %dma_start3A_325 : memref<1x100x16xf32, #tpu.memory_space<vmem>> -> memref<100x16xf32, #tpu.memory_space<vmem>>
        %dma_start3A_327 = arith.constant 0 : i32
        %dma_start3A_328 = arith.constant 0 : i32
        %dma_start3A_329 = tpu.memref_slice %arg4[%add3A, %add3A_299, %dma_start3A_327, %dma_start3A_328] : memref<32x50x100x16xf32, #tpu.memory_space<hbm>> -> memref<1x1x100x16xf32, #tpu.memory_space<hbm>>
        %dma_start3A_330 = tpu.memref_squeeze %dma_start3A_329 : memref<1x1x100x16xf32, #tpu.memory_space<hbm>> -> memref<100x16xf32, #tpu.memory_space<hbm>>
        %dma_start3A_331 = arith.constant 0 : i32
        %dma_start3A_332 = arith.constant 0 : i32
        %dma_start3A_333 = tpu.memref_slice %arg14[%dma_start3A_322, %dma_start3A_331, %dma_start3A_332] : memref<2x100x16xf32, #tpu.memory_space<vmem>> -> memref<1x100x16xf32, #tpu.memory_space<vmem>>
        %dma_start3A_334 = tpu.memref_squeeze %dma_start3A_333 : memref<1x100x16xf32, #tpu.memory_space<vmem>> -> memref<100x16xf32, #tpu.memory_space<vmem>>
        %dma_start3A_335 = arith.constant 0 : i32
        %dma_start3A_336 = arith.constant 0 : i32
        %dma_start3A_337 = tpu.memref_slice %arg4[%add3A, %add3A_299, %dma_start3A_335, %dma_start3A_336] : memref<32x50x100x16xf32, #tpu.memory_space<hbm>> -> memref<1x1x100x16xf32, #tpu.memory_space<hbm>>
        %dma_start3A_338 = tpu.memref_squeeze %dma_start3A_337 : memref<1x1x100x16xf32, #tpu.memory_space<hbm>> -> memref<100x16xf32, #tpu.memory_space<hbm>>
        tpu.enqueue_dma source(%dma_start3A_338 : memref<100x16xf32, #tpu.memory_space<hbm>>) target(%dma_start3A_334 : memref<100x16xf32, #tpu.memory_space<vmem>>) target_semaphore(%arg24 : memref<!tpu.dma_semaphore, #tpu.memory_space<semaphore_mem>>)
      } else {
      }
      %mul3A_241 = arith.constant 2 : i32
      %mul3A_242 = arith.muli %scan3A_188, %mul3A_241 : i32
      %add3A_243 = arith.constant 1 : i32
      %add3A_244 = arith.addi %mul3A_242, %add3A_243 : i32
      %dma_wait3A_245 = arith.constant 1 : i32
      %dma_wait3A_246 = arith.constant 0 : i32
      %dma_wait3A_247 = arith.constant 0 : i32
      %dma_wait3A_248 = tpu.memref_slice %arg15[%dma_wait3A_245, %dma_wait3A_246, %dma_wait3A_247] : memref<2x100x256xf32, #tpu.memory_space<vmem>> -> memref<1x100x256xf32, #tpu.memory_space<vmem>>
      %dma_wait3A_249 = tpu.memref_squeeze %dma_wait3A_248 : memref<1x100x256xf32, #tpu.memory_space<vmem>> -> memref<100x256xf32, #tpu.memory_space<vmem>>
      %dma_wait3A_250 = arith.constant 0 : i32
      %dma_wait3A_251 = tpu.memref_slice %arg10[%add3A_244, %dma_wait3A_250] : memref<50x100xi32, #tpu.memory_space<vmem>> -> memref<1x100xi32, #tpu.memory_space<vmem>>
      %dma_wait3A_252 = tpu.memref_squeeze %dma_wait3A_251 : memref<1x100xi32, #tpu.memory_space<vmem>> -> memref<100xi32, #tpu.memory_space<vmem>>
      %dma_wait3A_253 = arith.constant 0 : i32
      %dma_wait3A_254 = arith.constant 0 : i32
      %dma_wait3A_255 = tpu.memref_slice %arg2[%dma_wait3A_253, %dma_wait3A_254] : memref<10000x256xf32, #tpu.memory_space<hbm>> -> memref<10000x256xf32, #tpu.memory_space<hbm>>
      tpu.wait_indirect_dma semaphore(%arg21 : memref<!tpu.dma_semaphore, #tpu.memory_space<semaphore_mem>>) src(%dma_wait3A_255 : memref<10000x256xf32, #tpu.memory_space<hbm>>) dst(%dma_wait3A_249 : memref<100x256xf32, #tpu.memory_space<vmem>>)
      %dma_wait3A_256 = arith.constant 1 : i32
      %dma_wait3A_257 = arith.constant 0 : i32
      %dma_wait3A_258 = arith.constant 0 : i32
      %dma_wait3A_259 = tpu.memref_slice %arg16[%dma_wait3A_256, %dma_wait3A_257, %dma_wait3A_258] : memref<2x100x16xf32, #tpu.memory_space<vmem>> -> memref<1x100x16xf32, #tpu.memory_space<vmem>>
      %dma_wait3A_260 = tpu.memref_squeeze %dma_wait3A_259 : memref<1x100x16xf32, #tpu.memory_space<vmem>> -> memref<100x16xf32, #tpu.memory_space<vmem>>
      %dma_wait3A_261 = arith.constant 0 : i32
      %dma_wait3A_262 = tpu.memref_slice %arg10[%add3A_244, %dma_wait3A_261] : memref<50x100xi32, #tpu.memory_space<vmem>> -> memref<1x100xi32, #tpu.memory_space<vmem>>
      %dma_wait3A_263 = tpu.memref_squeeze %dma_wait3A_262 : memref<1x100xi32, #tpu.memory_space<vmem>> -> memref<100xi32, #tpu.memory_space<vmem>>
      %dma_wait3A_264 = arith.constant 0 : i32
      %dma_wait3A_265 = arith.constant 0 : i32
      %dma_wait3A_266 = tpu.memref_slice %arg3[%dma_wait3A_264, %dma_wait3A_265] : memref<10000x16xf32, #tpu.memory_space<hbm>> -> memref<10000x16xf32, #tpu.memory_space<hbm>>
      tpu.wait_indirect_dma semaphore(%arg23 : memref<!tpu.dma_semaphore, #tpu.memory_space<semaphore_mem>>) src(%dma_wait3A_266 : memref<10000x16xf32, #tpu.memory_space<hbm>>) dst(%dma_wait3A_260 : memref<100x16xf32, #tpu.memory_space<vmem>>)
      %dma_wait3A_267 = arith.constant 1 : i32
      %dma_wait3A_268 = arith.constant 0 : i32
      %dma_wait3A_269 = arith.constant 0 : i32
      %dma_wait3A_270 = tpu.memref_slice %arg14[%dma_wait3A_267, %dma_wait3A_268, %dma_wait3A_269] : memref<2x100x16xf32, #tpu.memory_space<vmem>> -> memref<1x100x16xf32, #tpu.memory_space<vmem>>
      %dma_wait3A_271 = tpu.memref_squeeze %dma_wait3A_270 : memref<1x100x16xf32, #tpu.memory_space<vmem>> -> memref<100x16xf32, #tpu.memory_space<vmem>>
      %dma_wait3A_272 = arith.constant 0 : i32
      %dma_wait3A_273 = arith.constant 0 : i32
      %dma_wait3A_274 = tpu.memref_slice %arg4[%add3A, %add3A_244, %dma_wait3A_272, %dma_wait3A_273] : memref<32x50x100x16xf32, #tpu.memory_space<hbm>> -> memref<1x1x100x16xf32, #tpu.memory_space<hbm>>
      %dma_wait3A_275 = tpu.memref_squeeze %dma_wait3A_274 : memref<1x1x100x16xf32, #tpu.memory_space<hbm>> -> memref<100x16xf32, #tpu.memory_space<hbm>>
      %dma_wait3A_276 = arith.constant 0 : i32
      %dma_wait3A_277 = arith.constant 0 : i32
      %dma_wait3A_278 = tpu.memref_slice %arg14[%dma_wait3A_267, %dma_wait3A_276, %dma_wait3A_277] : memref<2x100x16xf32, #tpu.memory_space<vmem>> -> memref<1x100x16xf32, #tpu.memory_space<vmem>>
      %dma_wait3A_279 = tpu.memref_squeeze %dma_wait3A_278 : memref<1x100x16xf32, #tpu.memory_space<vmem>> -> memref<100x16xf32, #tpu.memory_space<vmem>>
      %dma_wait3A_280 = arith.constant 0 : i32
      %dma_wait3A_281 = arith.constant 0 : i32
      %dma_wait3A_282 = tpu.memref_slice %arg4[%add3A, %add3A_244, %dma_wait3A_280, %dma_wait3A_281] : memref<32x50x100x16xf32, #tpu.memory_space<hbm>> -> memref<1x1x100x16xf32, #tpu.memory_space<hbm>>
      %dma_wait3A_283 = tpu.memref_squeeze %dma_wait3A_282 : memref<1x1x100x16xf32, #tpu.memory_space<hbm>> -> memref<100x16xf32, #tpu.memory_space<hbm>>
      tpu.wait_dma2 semaphore(%arg25 : memref<!tpu.dma_semaphore, #tpu.memory_space<semaphore_mem>>) src(%dma_wait3A_283 : memref<100x16xf32, #tpu.memory_space<hbm>>) dst(%dma_wait3A_279 : memref<100x16xf32, #tpu.memory_space<vmem>>)
      %scan3A_284 = arith.constant 0 : i32
      %scan3A_285 = arith.constant 0 : i32
      %scan3A_286 = arith.constant 100 : i32
      %scan3A_287 = arith.addi %scan3A_285, %scan3A_286 : i32
      %scan3A_288 = arith.constant 1 : i32
      scf.for %scan3A_298 = %scan3A_285 to %scan3A_287 step %scan3A_288  : i32 {
        %get3A_299 = arith.constant 1 : i32
        %get3A_300 = arith.index_cast %get3A_299 : i32 to index
        %get3A_301 = arith.index_cast %scan3A_298 : i32 to index
        %get3A_302 = arith.constant 0 : index
        %get3A_303 = tpu.vector_load %arg14[%get3A_300, %get3A_301, %get3A_302] {strides = array<i32>} : memref<2x100x16xf32, #tpu.memory_space<vmem>>, vector<1x1x16xf32>,
        %get3A_304 = vector.shape_cast %get3A_303 : vector<1x1x16xf32> to vector<16xf32>
        %slice3A = vector.extract_strided_slice %get3A_304 {offsets = [0], sizes = [1], strides = [1]} : vector<16xf32> to vector<1xf32>
        %squeeze3A = vector.extract %slice3A[0] : f32 from vector<1xf32>
        %mul3A_305 = vector.broadcast %squeeze3A : f32 to vector<16xf32>
        %mul3A_306 = arith.mulf %mul3A_305, %get3A_4 : vector<16xf32>
        %add3A_307 = arith.addf %get3A_84, %mul3A_306 : vector<16xf32>
        %slice3A_308 = vector.extract_strided_slice %get3A_304 {offsets = [1], sizes = [1], strides = [1]} : vector<16xf32> to vector<1xf32>
        %squeeze3A_309 = vector.extract %slice3A_308[0] : f32 from vector<1xf32>
        %mul3A_310 = vector.broadcast %squeeze3A_309 : f32 to vector<16xf32>
        %mul3A_311 = arith.mulf %mul3A_310, %get3A_9 : vector<16xf32>
        %slice3A_312 = vector.extract_strided_slice %get3A_304 {offsets = [2], sizes = [1], strides = [1]} : vector<16xf32> to vector<1xf32>
        %squeeze3A_313 = vector.extract %slice3A_312[0] : f32 from vector<1xf32>
        %mul3A_314 = vector.broadcast %squeeze3A_313 : f32 to vector<16xf32>
        %mul3A_315 = arith.mulf %mul3A_314, %get3A_14 : vector<16xf32>
        %slice3A_316 = vector.extract_strided_slice %get3A_304 {offsets = [3], sizes = [1], strides = [1]} : vector<16xf32> to vector<1xf32>
        %squeeze3A_317 = vector.extract %slice3A_316[0] : f32 from vector<1xf32>
        %mul3A_318 = vector.broadcast %squeeze3A_317 : f32 to vector<16xf32>
        %mul3A_319 = arith.mulf %mul3A_318, %get3A_19 : vector<16xf32>
        %slice3A_320 = vector.extract_strided_slice %get3A_304 {offsets = [4], sizes = [1], strides = [1]} : vector<16xf32> to vector<1xf32>
        %squeeze3A_321 = vector.extract %slice3A_320[0] : f32 from vector<1xf32>
        %mul3A_322 = vector.broadcast %squeeze3A_321 : f32 to vector<16xf32>
        %mul3A_323 = arith.mulf %mul3A_322, %get3A_24 : vector<16xf32>
        %add3A_324 = arith.addf %add3A_307, %mul3A_323 : vector<16xf32>
        %slice3A_325 = vector.extract_strided_slice %get3A_304 {offsets = [5], sizes = [1], strides = [1]} : vector<16xf32> to vector<1xf32>
        %squeeze3A_326 = vector.extract %slice3A_325[0] : f32 from vector<1xf32>
        %mul3A_327 = vector.broadcast %squeeze3A_326 : f32 to vector<16xf32>
        %mul3A_328 = arith.mulf %mul3A_327, %get3A_29 : vector<16xf32>
        %add3A_329 = arith.addf %mul3A_311, %mul3A_328 : vector<16xf32>
        %slice3A_330 = vector.extract_strided_slice %get3A_304 {offsets = [6], sizes = [1], strides = [1]} : vector<16xf32> to vector<1xf32>
        %squeeze3A_331 = vector.extract %slice3A_330[0] : f32 from vector<1xf32>
        %mul3A_332 = vector.broadcast %squeeze3A_331 : f32 to vector<16xf32>
        %mul3A_333 = arith.mulf %mul3A_332, %get3A_34 : vector<16xf32>
        %add3A_334 = arith.addf %mul3A_315, %mul3A_333 : vector<16xf32>
        %slice3A_335 = vector.extract_strided_slice %get3A_304 {offsets = [7], sizes = [1], strides = [1]} : vector<16xf32> to vector<1xf32>
        %squeeze3A_336 = vector.extract %slice3A_335[0] : f32 from vector<1xf32>
        %mul3A_337 = vector.broadcast %squeeze3A_336 : f32 to vector<16xf32>
        %mul3A_338 = arith.mulf %mul3A_337, %get3A_39 : vector<16xf32>
        %add3A_339 = arith.addf %mul3A_319, %mul3A_338 : vector<16xf32>
        %slice3A_340 = vector.extract_strided_slice %get3A_304 {offsets = [8], sizes = [1], strides = [1]} : vector<16xf32> to vector<1xf32>
        %squeeze3A_341 = vector.extract %slice3A_340[0] : f32 from vector<1xf32>
        %mul3A_342 = vector.broadcast %squeeze3A_341 : f32 to vector<16xf32>
        %mul3A_343 = arith.mulf %mul3A_342, %get3A_44 : vector<16xf32>
        %add3A_344 = arith.addf %add3A_324, %mul3A_343 : vector<16xf32>
        %slice3A_345 = vector.extract_strided_slice %get3A_304 {offsets = [9], sizes = [1], strides = [1]} : vector<16xf32> to vector<1xf32>
        %squeeze3A_346 = vector.extract %slice3A_345[0] : f32 from vector<1xf32>
        %mul3A_347 = vector.broadcast %squeeze3A_346 : f32 to vector<16xf32>
        %mul3A_348 = arith.mulf %mul3A_347, %get3A_49 : vector<16xf32>
        %add3A_349 = arith.addf %add3A_329, %mul3A_348 : vector<16xf32>
        %slice3A_350 = vector.extract_strided_slice %get3A_304 {offsets = [10], sizes = [1], strides = [1]} : vector<16xf32> to vector<1xf32>
        %squeeze3A_351 = vector.extract %slice3A_350[0] : f32 from vector<1xf32>
        %mul3A_352 = vector.broadcast %squeeze3A_351 : f32 to vector<16xf32>
        %mul3A_353 = arith.mulf %mul3A_352, %get3A_54 : vector<16xf32>
        %add3A_354 = arith.addf %add3A_334, %mul3A_353 : vector<16xf32>
        %slice3A_355 = vector.extract_strided_slice %get3A_304 {offsets = [11], sizes = [1], strides = [1]} : vector<16xf32> to vector<1xf32>
        %squeeze3A_356 = vector.extract %slice3A_355[0] : f32 from vector<1xf32>
        %mul3A_357 = vector.broadcast %squeeze3A_356 : f32 to vector<16xf32>
        %mul3A_358 = arith.mulf %mul3A_357, %get3A_59 : vector<16xf32>
        %add3A_359 = arith.addf %add3A_339, %mul3A_358 : vector<16xf32>
        %slice3A_360 = vector.extract_strided_slice %get3A_304 {offsets = [12], sizes = [1], strides = [1]} : vector<16xf32> to vector<1xf32>
        %squeeze3A_361 = vector.extract %slice3A_360[0] : f32 from vector<1xf32>
        %mul3A_362 = vector.broadcast %squeeze3A_361 : f32 to vector<16xf32>
        %mul3A_363 = arith.mulf %mul3A_362, %get3A_64 : vector<16xf32>
        %add3A_364 = arith.addf %add3A_344, %mul3A_363 : vector<16xf32>
        %slice3A_365 = vector.extract_strided_slice %get3A_304 {offsets = [13], sizes = [1], strides = [1]} : vector<16xf32> to vector<1xf32>
        %squeeze3A_366 = vector.extract %slice3A_365[0] : f32 from vector<1xf32>
        %mul3A_367 = vector.broadcast %squeeze3A_366 : f32 to vector<16xf32>
        %mul3A_368 = arith.mulf %mul3A_367, %get3A_69 : vector<16xf32>
        %add3A_369 = arith.addf %add3A_349, %mul3A_368 : vector<16xf32>
        %slice3A_370 = vector.extract_strided_slice %get3A_304 {offsets = [14], sizes = [1], strides = [1]} : vector<16xf32> to vector<1xf32>
        %squeeze3A_371 = vector.extract %slice3A_370[0] : f32 from vector<1xf32>
        %mul3A_372 = vector.broadcast %squeeze3A_371 : f32 to vector<16xf32>
        %mul3A_373 = arith.mulf %mul3A_372, %get3A_74 : vector<16xf32>
        %add3A_374 = arith.addf %add3A_354, %mul3A_373 : vector<16xf32>
        %slice3A_375 = vector.extract_strided_slice %get3A_304 {offsets = [15], sizes = [1], strides = [1]} : vector<16xf32> to vector<1xf32>
        %squeeze3A_376 = vector.extract %slice3A_375[0] : f32 from vector<1xf32>
        %mul3A_377 = vector.broadcast %squeeze3A_376 : f32 to vector<16xf32>
        %mul3A_378 = arith.mulf %mul3A_377, %get3A_79 : vector<16xf32>
        %add3A_379 = arith.addf %add3A_359, %mul3A_378 : vector<16xf32>
        %add3A_380 = arith.addf %add3A_364, %add3A_369 : vector<16xf32>
        %add3A_381 = arith.addf %add3A_374, %add3A_379 : vector<16xf32>
        %add3A_382 = arith.addf %add3A_380, %add3A_381 : vector<16xf32>
        %max3A = arith.constant 0.000000e+00 : f32
        %max3A_383 = vector.broadcast %max3A : f32 to vector<16xf32>
        %max3A_384 = arith.maximumf %add3A_382, %max3A_383 : vector<16xf32>
        %get3A_385 = arith.constant 1 : i32
        %get3A_386 = arith.index_cast %get3A_385 : i32 to index
        %get3A_387 = arith.index_cast %scan3A_298 : i32 to index
        %get3A_388 = arith.constant 0 : index
        %get3A_389 = tpu.vector_load %arg16[%get3A_386, %get3A_387, %get3A_388] {strides = array<i32>} : memref<2x100x16xf32, #tpu.memory_space<vmem>>, vector<1x1x16xf32>,
        %get3A_390 = vector.shape_cast %get3A_389 : vector<1x1x16xf32> to vector<16xf32>
        %slice3A_391 = vector.extract_strided_slice %max3A_384 {offsets = [0], sizes = [1], strides = [1]} : vector<16xf32> to vector<1xf32>
        %squeeze3A_392 = vector.extract %slice3A_391[0] : f32 from vector<1xf32>
        %get3A_393 = arith.constant 1 : i32
        %get3A_394 = arith.index_cast %get3A_393 : i32 to index
        %get3A_395 = arith.index_cast %scan3A_298 : i32 to index
        %get3A_396 = arith.constant 0 : index
        %get3A_397 = tpu.vector_load %arg15[%get3A_394, %get3A_395, %get3A_396] {strides = array<i32>} : memref<2x100x256xf32, #tpu.memory_space<vmem>>, vector<1x1x16xf32>,
        %get3A_398 = vector.shape_cast %get3A_397 : vector<1x1x16xf32> to vector<16xf32>
        %mul3A_399 = vector.broadcast %squeeze3A_392 : f32 to vector<16xf32>
        %mul3A_400 = arith.mulf %mul3A_399, %get3A_398 : vector<16xf32>
        %add3A_401 = arith.addf %get3A_390, %mul3A_400 : vector<16xf32>
        %slice3A_402 = vector.extract_strided_slice %max3A_384 {offsets = [1], sizes = [1], strides = [1]} : vector<16xf32> to vector<1xf32>
        %squeeze3A_403 = vector.extract %slice3A_402[0] : f32 from vector<1xf32>
        %get3A_404 = arith.constant 1 : i32
        %get3A_405 = arith.index_cast %get3A_404 : i32 to index
        %get3A_406 = arith.index_cast %scan3A_298 : i32 to index
        %get3A_407 = arith.constant 16 : index
        %get3A_408 = tpu.vector_load %arg15[%get3A_405, %get3A_406, %get3A_407] {strides = array<i32>} : memref<2x100x256xf32, #tpu.memory_space<vmem>>, vector<1x1x16xf32>,
        %get3A_409 = vector.shape_cast %get3A_408 : vector<1x1x16xf32> to vector<16xf32>
        %mul3A_410 = vector.broadcast %squeeze3A_403 : f32 to vector<16xf32>
        %mul3A_411 = arith.mulf %mul3A_410, %get3A_409 : vector<16xf32>
        %slice3A_412 = vector.extract_strided_slice %max3A_384 {offsets = [2], sizes = [1], strides = [1]} : vector<16xf32> to vector<1xf32>
        %squeeze3A_413 = vector.extract %slice3A_412[0] : f32 from vector<1xf32>
        %get3A_414 = arith.constant 1 : i32
        %get3A_415 = arith.index_cast %get3A_414 : i32 to index
        %get3A_416 = arith.index_cast %scan3A_298 : i32 to index
        %get3A_417 = arith.constant 32 : index
        %get3A_418 = tpu.vector_load %arg15[%get3A_415, %get3A_416, %get3A_417] {strides = array<i32>} : memref<2x100x256xf32, #tpu.memory_space<vmem>>, vector<1x1x16xf32>,
        %get3A_419 = vector.shape_cast %get3A_418 : vector<1x1x16xf32> to vector<16xf32>
        %mul3A_420 = vector.broadcast %squeeze3A_413 : f32 to vector<16xf32>
        %mul3A_421 = arith.mulf %mul3A_420, %get3A_419 : vector<16xf32>
        %slice3A_422 = vector.extract_strided_slice %max3A_384 {offsets = [3], sizes = [1], strides = [1]} : vector<16xf32> to vector<1xf32>
        %squeeze3A_423 = vector.extract %slice3A_422[0] : f32 from vector<1xf32>
        %get3A_424 = arith.constant 1 : i32
        %get3A_425 = arith.index_cast %get3A_424 : i32 to index
        %get3A_426 = arith.index_cast %scan3A_298 : i32 to index
        %get3A_427 = arith.constant 48 : index
        %get3A_428 = tpu.vector_load %arg15[%get3A_425, %get3A_426, %get3A_427] {strides = array<i32>} : memref<2x100x256xf32, #tpu.memory_space<vmem>>, vector<1x1x16xf32>,
        %get3A_429 = vector.shape_cast %get3A_428 : vector<1x1x16xf32> to vector<16xf32>
        %mul3A_430 = vector.broadcast %squeeze3A_423 : f32 to vector<16xf32>
        %mul3A_431 = arith.mulf %mul3A_430, %get3A_429 : vector<16xf32>
        %slice3A_432 = vector.extract_strided_slice %max3A_384 {offsets = [4], sizes = [1], strides = [1]} : vector<16xf32> to vector<1xf32>
        %squeeze3A_433 = vector.extract %slice3A_432[0] : f32 from vector<1xf32>
        %get3A_434 = arith.constant 1 : i32
        %get3A_435 = arith.index_cast %get3A_434 : i32 to index
        %get3A_436 = arith.index_cast %scan3A_298 : i32 to index
        %get3A_437 = arith.constant 64 : index
        %get3A_438 = tpu.vector_load %arg15[%get3A_435, %get3A_436, %get3A_437] {strides = array<i32>} : memref<2x100x256xf32, #tpu.memory_space<vmem>>, vector<1x1x16xf32>,
        %get3A_439 = vector.shape_cast %get3A_438 : vector<1x1x16xf32> to vector<16xf32>
        %mul3A_440 = vector.broadcast %squeeze3A_433 : f32 to vector<16xf32>
        %mul3A_441 = arith.mulf %mul3A_440, %get3A_439 : vector<16xf32>
        %add3A_442 = arith.addf %add3A_401, %mul3A_441 : vector<16xf32>
        %slice3A_443 = vector.extract_strided_slice %max3A_384 {offsets = [5], sizes = [1], strides = [1]} : vector<16xf32> to vector<1xf32>
        %squeeze3A_444 = vector.extract %slice3A_443[0] : f32 from vector<1xf32>
        %get3A_445 = arith.constant 1 : i32
        %get3A_446 = arith.index_cast %get3A_445 : i32 to index
        %get3A_447 = arith.index_cast %scan3A_298 : i32 to index
        %get3A_448 = arith.constant 80 : index
        %get3A_449 = tpu.vector_load %arg15[%get3A_446, %get3A_447, %get3A_448] {strides = array<i32>} : memref<2x100x256xf32, #tpu.memory_space<vmem>>, vector<1x1x16xf32>,
        %get3A_450 = vector.shape_cast %get3A_449 : vector<1x1x16xf32> to vector<16xf32>
        %mul3A_451 = vector.broadcast %squeeze3A_444 : f32 to vector<16xf32>
        %mul3A_452 = arith.mulf %mul3A_451, %get3A_450 : vector<16xf32>
        %add3A_453 = arith.addf %mul3A_411, %mul3A_452 : vector<16xf32>
        %slice3A_454 = vector.extract_strided_slice %max3A_384 {offsets = [6], sizes = [1], strides = [1]} : vector<16xf32> to vector<1xf32>
        %squeeze3A_455 = vector.extract %slice3A_454[0] : f32 from vector<1xf32>
        %get3A_456 = arith.constant 1 : i32
        %get3A_457 = arith.index_cast %get3A_456 : i32 to index
        %get3A_458 = arith.index_cast %scan3A_298 : i32 to index
        %get3A_459 = arith.constant 96 : index
        %get3A_460 = tpu.vector_load %arg15[%get3A_457, %get3A_458, %get3A_459] {strides = array<i32>} : memref<2x100x256xf32, #tpu.memory_space<vmem>>, vector<1x1x16xf32>,
        %get3A_461 = vector.shape_cast %get3A_460 : vector<1x1x16xf32> to vector<16xf32>
        %mul3A_462 = vector.broadcast %squeeze3A_455 : f32 to vector<16xf32>
        %mul3A_463 = arith.mulf %mul3A_462, %get3A_461 : vector<16xf32>
        %add3A_464 = arith.addf %mul3A_421, %mul3A_463 : vector<16xf32>
        %slice3A_465 = vector.extract_strided_slice %max3A_384 {offsets = [7], sizes = [1], strides = [1]} : vector<16xf32> to vector<1xf32>
        %squeeze3A_466 = vector.extract %slice3A_465[0] : f32 from vector<1xf32>
        %get3A_467 = arith.constant 1 : i32
        %get3A_468 = arith.index_cast %get3A_467 : i32 to index
        %get3A_469 = arith.index_cast %scan3A_298 : i32 to index
        %get3A_470 = arith.constant 112 : index
        %get3A_471 = tpu.vector_load %arg15[%get3A_468, %get3A_469, %get3A_470] {strides = array<i32>} : memref<2x100x256xf32, #tpu.memory_space<vmem>>, vector<1x1x16xf32>,
        %get3A_472 = vector.shape_cast %get3A_471 : vector<1x1x16xf32> to vector<16xf32>
        %mul3A_473 = vector.broadcast %squeeze3A_466 : f32 to vector<16xf32>
        %mul3A_474 = arith.mulf %mul3A_473, %get3A_472 : vector<16xf32>
        %add3A_475 = arith.addf %mul3A_431, %mul3A_474 : vector<16xf32>
        %slice3A_476 = vector.extract_strided_slice %max3A_384 {offsets = [8], sizes = [1], strides = [1]} : vector<16xf32> to vector<1xf32>
        %squeeze3A_477 = vector.extract %slice3A_476[0] : f32 from vector<1xf32>
        %get3A_478 = arith.constant 1 : i32
        %get3A_479 = arith.index_cast %get3A_478 : i32 to index
        %get3A_480 = arith.index_cast %scan3A_298 : i32 to index
        %get3A_481 = arith.constant 128 : index
        %get3A_482 = tpu.vector_load %arg15[%get3A_479, %get3A_480, %get3A_481] {strides = array<i32>} : memref<2x100x256xf32, #tpu.memory_space<vmem>>, vector<1x1x16xf32>,
        %get3A_483 = vector.shape_cast %get3A_482 : vector<1x1x16xf32> to vector<16xf32>
        %mul3A_484 = vector.broadcast %squeeze3A_477 : f32 to vector<16xf32>
        %mul3A_485 = arith.mulf %mul3A_484, %get3A_483 : vector<16xf32>
        %add3A_486 = arith.addf %add3A_442, %mul3A_485 : vector<16xf32>
        %slice3A_487 = vector.extract_strided_slice %max3A_384 {offsets = [9], sizes = [1], strides = [1]} : vector<16xf32> to vector<1xf32>
        %squeeze3A_488 = vector.extract %slice3A_487[0] : f32 from vector<1xf32>
        %get3A_489 = arith.constant 1 : i32
        %get3A_490 = arith.index_cast %get3A_489 : i32 to index
        %get3A_491 = arith.index_cast %scan3A_298 : i32 to index
        %get3A_492 = arith.constant 144 : index
        %get3A_493 = tpu.vector_load %arg15[%get3A_490, %get3A_491, %get3A_492] {strides = array<i32>} : memref<2x100x256xf32, #tpu.memory_space<vmem>>, vector<1x1x16xf32>,
        %get3A_494 = vector.shape_cast %get3A_493 : vector<1x1x16xf32> to vector<16xf32>
        %mul3A_495 = vector.broadcast %squeeze3A_488 : f32 to vector<16xf32>
        %mul3A_496 = arith.mulf %mul3A_495, %get3A_494 : vector<16xf32>
        %add3A_497 = arith.addf %add3A_453, %mul3A_496 : vector<16xf32>
        %slice3A_498 = vector.extract_strided_slice %max3A_384 {offsets = [10], sizes = [1], strides = [1]} : vector<16xf32> to vector<1xf32>
        %squeeze3A_499 = vector.extract %slice3A_498[0] : f32 from vector<1xf32>
        %get3A_500 = arith.constant 1 : i32
        %get3A_501 = arith.index_cast %get3A_500 : i32 to index
        %get3A_502 = arith.index_cast %scan3A_298 : i32 to index
        %get3A_503 = arith.constant 160 : index
        %get3A_504 = tpu.vector_load %arg15[%get3A_501, %get3A_502, %get3A_503] {strides = array<i32>} : memref<2x100x256xf32, #tpu.memory_space<vmem>>, vector<1x1x16xf32>,
        %get3A_505 = vector.shape_cast %get3A_504 : vector<1x1x16xf32> to vector<16xf32>
        %mul3A_506 = vector.broadcast %squeeze3A_499 : f32 to vector<16xf32>
        %mul3A_507 = arith.mulf %mul3A_506, %get3A_505 : vector<16xf32>
        %add3A_508 = arith.addf %add3A_464, %mul3A_507 : vector<16xf32>
        %slice3A_509 = vector.extract_strided_slice %max3A_384 {offsets = [11], sizes = [1], strides = [1]} : vector<16xf32> to vector<1xf32>
        %squeeze3A_510 = vector.extract %slice3A_509[0] : f32 from vector<1xf32>
        %get3A_511 = arith.constant 1 : i32
        %get3A_512 = arith.index_cast %get3A_511 : i32 to index
        %get3A_513 = arith.index_cast %scan3A_298 : i32 to index
        %get3A_514 = arith.constant 176 : index
        %get3A_515 = tpu.vector_load %arg15[%get3A_512, %get3A_513, %get3A_514] {strides = array<i32>} : memref<2x100x256xf32, #tpu.memory_space<vmem>>, vector<1x1x16xf32>,
        %get3A_516 = vector.shape_cast %get3A_515 : vector<1x1x16xf32> to vector<16xf32>
        %mul3A_517 = vector.broadcast %squeeze3A_510 : f32 to vector<16xf32>
        %mul3A_518 = arith.mulf %mul3A_517, %get3A_516 : vector<16xf32>
        %add3A_519 = arith.addf %add3A_475, %mul3A_518 : vector<16xf32>
        %slice3A_520 = vector.extract_strided_slice %max3A_384 {offsets = [12], sizes = [1], strides = [1]} : vector<16xf32> to vector<1xf32>
        %squeeze3A_521 = vector.extract %slice3A_520[0] : f32 from vector<1xf32>
        %get3A_522 = arith.constant 1 : i32
        %get3A_523 = arith.index_cast %get3A_522 : i32 to index
        %get3A_524 = arith.index_cast %scan3A_298 : i32 to index
        %get3A_525 = arith.constant 192 : index
        %get3A_526 = tpu.vector_load %arg15[%get3A_523, %get3A_524, %get3A_525] {strides = array<i32>} : memref<2x100x256xf32, #tpu.memory_space<vmem>>, vector<1x1x16xf32>,
        %get3A_527 = vector.shape_cast %get3A_526 : vector<1x1x16xf32> to vector<16xf32>
        %mul3A_528 = vector.broadcast %squeeze3A_521 : f32 to vector<16xf32>
        %mul3A_529 = arith.mulf %mul3A_528, %get3A_527 : vector<16xf32>
        %add3A_530 = arith.addf %add3A_486, %mul3A_529 : vector<16xf32>
        %slice3A_531 = vector.extract_strided_slice %max3A_384 {offsets = [13], sizes = [1], strides = [1]} : vector<16xf32> to vector<1xf32>
        %squeeze3A_532 = vector.extract %slice3A_531[0] : f32 from vector<1xf32>
        %get3A_533 = arith.constant 1 : i32
        %get3A_534 = arith.index_cast %get3A_533 : i32 to index
        %get3A_535 = arith.index_cast %scan3A_298 : i32 to index
        %get3A_536 = arith.constant 208 : index
        %get3A_537 = tpu.vector_load %arg15[%get3A_534, %get3A_535, %get3A_536] {strides = array<i32>} : memref<2x100x256xf32, #tpu.memory_space<vmem>>, vector<1x1x16xf32>,
        %get3A_538 = vector.shape_cast %get3A_537 : vector<1x1x16xf32> to vector<16xf32>
        %mul3A_539 = vector.broadcast %squeeze3A_532 : f32 to vector<16xf32>
        %mul3A_540 = arith.mulf %mul3A_539, %get3A_538 : vector<16xf32>
        %add3A_541 = arith.addf %add3A_497, %mul3A_540 : vector<16xf32>
        %slice3A_542 = vector.extract_strided_slice %max3A_384 {offsets = [14], sizes = [1], strides = [1]} : vector<16xf32> to vector<1xf32>
        %squeeze3A_543 = vector.extract %slice3A_542[0] : f32 from vector<1xf32>
        %get3A_544 = arith.constant 1 : i32
        %get3A_545 = arith.index_cast %get3A_544 : i32 to index
        %get3A_546 = arith.index_cast %scan3A_298 : i32 to index
        %get3A_547 = arith.constant 224 : index
        %get3A_548 = tpu.vector_load %arg15[%get3A_545, %get3A_546, %get3A_547] {strides = array<i32>} : memref<2x100x256xf32, #tpu.memory_space<vmem>>, vector<1x1x16xf32>,
        %get3A_549 = vector.shape_cast %get3A_548 : vector<1x1x16xf32> to vector<16xf32>
        %mul3A_550 = vector.broadcast %squeeze3A_543 : f32 to vector<16xf32>
        %mul3A_551 = arith.mulf %mul3A_550, %get3A_549 : vector<16xf32>
        %add3A_552 = arith.addf %add3A_508, %mul3A_551 : vector<16xf32>
        %slice3A_553 = vector.extract_strided_slice %max3A_384 {offsets = [15], sizes = [1], strides = [1]} : vector<16xf32> to vector<1xf32>
        %squeeze3A_554 = vector.extract %slice3A_553[0] : f32 from vector<1xf32>
        %get3A_555 = arith.constant 1 : i32
        %get3A_556 = arith.index_cast %get3A_555 : i32 to index
        %get3A_557 = arith.index_cast %scan3A_298 : i32 to index
        %get3A_558 = arith.constant 240 : index
        %get3A_559 = tpu.vector_load %arg15[%get3A_556, %get3A_557, %get3A_558] {strides = array<i32>} : memref<2x100x256xf32, #tpu.memory_space<vmem>>, vector<1x1x16xf32>,
        %get3A_560 = vector.shape_cast %get3A_559 : vector<1x1x16xf32> to vector<16xf32>
        %mul3A_561 = vector.broadcast %squeeze3A_554 : f32 to vector<16xf32>
        %mul3A_562 = arith.mulf %mul3A_561, %get3A_560 : vector<16xf32>
        %add3A_563 = arith.addf %add3A_519, %mul3A_562 : vector<16xf32>
        %add3A_564 = arith.addf %add3A_530, %add3A_541 : vector<16xf32>
        %add3A_565 = arith.addf %add3A_552, %add3A_563 : vector<16xf32>
        %add3A_566 = arith.addf %add3A_564, %add3A_565 : vector<16xf32>
        %swap3A = arith.constant 1 : i32
        %swap3A_567 = arith.index_cast %swap3A : i32 to index
        %swap3A_568 = arith.index_cast %scan3A_298 : i32 to index
        %swap3A_569 = arith.constant 0 : index
        %swap3A_570 = tpu.vector_load %arg17[%swap3A_567, %swap3A_568, %swap3A_569] {strides = array<i32>} : memref<2x100x16xf32, #tpu.memory_space<vmem>>, vector<1x1x16xf32>,
        %swap3A_571 = vector.shape_cast %swap3A_570 : vector<1x1x16xf32> to vector<16xf32>
        %swap3A_572 = vector.shape_cast %add3A_566 : vector<16xf32> to vector<1x1x16xf32>
        tpu.vector_store %arg17[%swap3A_567, %swap3A_568, %swap3A_569], %swap3A_572 {strides = array<i32>} : memref<2x100x16xf32, #tpu.memory_space<vmem>>, vector<1x1x16xf32>,
      }
      %scan3A_289 = arith.constant 100 : i32
      %run_scoped3A_290 = arith.constant 1 : i32
      "tpu.region"() ({
        %run_scoped3A_298 = tpu.sem_alloc : memref<!tpu.dma_semaphore, #tpu.memory_space<semaphore_mem>>
        %dma_start3A_299 = arith.constant 0 : i32
        %dma_start3A_300 = arith.constant 0 : i32
        %dma_start3A_301 = tpu.memref_slice %arg17[%run_scoped3A_290, %dma_start3A_299, %dma_start3A_300] : memref<2x100x16xf32, #tpu.memory_space<vmem>> -> memref<1x100x16xf32, #tpu.memory_space<vmem>>
        %dma_start3A_302 = tpu.memref_squeeze %dma_start3A_301 : memref<1x100x16xf32, #tpu.memory_space<vmem>> -> memref<100x16xf32, #tpu.memory_space<vmem>>
        %dma_start3A_303 = arith.constant 0 : i32
        %dma_start3A_304 = tpu.memref_slice %arg11[%add3A_244, %dma_start3A_303] : memref<50x100xi32, #tpu.memory_space<vmem>> -> memref<1x100xi32, #tpu.memory_space<vmem>>
        %dma_start3A_305 = tpu.memref_squeeze %dma_start3A_304 : memref<1x100xi32, #tpu.memory_space<vmem>> -> memref<100xi32, #tpu.memory_space<vmem>>
        %dma_start3A_306 = arith.constant 0 : i32
        %dma_start3A_307 = arith.constant 0 : i32
        %dma_start3A_308 = tpu.memref_slice %arg19[%dma_start3A_306, %dma_start3A_307] : memref<10240x16xf32, #tpu.memory_space<vmem_shared>> -> memref<10240x16xf32, #tpu.memory_space<vmem_shared>>
        tpu.enqueue_indirect_dma source(%dma_start3A_302 : memref<100x16xf32, #tpu.memory_space<vmem>>) target(%dma_start3A_308 : memref<10240x16xf32, #tpu.memory_space<vmem_shared>>) offsets(%dma_start3A_305 : memref<100xi32, #tpu.memory_space<vmem>>) semaphore(%run_scoped3A_298 : memref<!tpu.dma_semaphore, #tpu.memory_space<semaphore_mem>>) {add = true}
        %dma_wait3A_309 = arith.constant 0 : i32
        %dma_wait3A_310 = arith.constant 0 : i32
        %dma_wait3A_311 = tpu.memref_slice %arg17[%run_scoped3A_290, %dma_wait3A_309, %dma_wait3A_310] : memref<2x100x16xf32, #tpu.memory_space<vmem>> -> memref<1x100x16xf32, #tpu.memory_space<vmem>>
        %dma_wait3A_312 = tpu.memref_squeeze %dma_wait3A_311 : memref<1x100x16xf32, #tpu.memory_space<vmem>> -> memref<100x16xf32, #tpu.memory_space<vmem>>
        %dma_wait3A_313 = arith.constant 0 : i32
        %dma_wait3A_314 = tpu.memref_slice %arg11[%add3A_244, %dma_wait3A_313] : memref<50x100xi32, #tpu.memory_space<vmem>> -> memref<1x100xi32, #tpu.memory_space<vmem>>
        %dma_wait3A_315 = tpu.memref_squeeze %dma_wait3A_314 : memref<1x100xi32, #tpu.memory_space<vmem>> -> memref<100xi32, #tpu.memory_space<vmem>>
        %dma_wait3A_316 = arith.constant 0 : i32
        %dma_wait3A_317 = arith.constant 0 : i32
        %dma_wait3A_318 = tpu.memref_slice %arg19[%dma_wait3A_316, %dma_wait3A_317] : memref<10240x16xf32, #tpu.memory_space<vmem_shared>> -> memref<10240x16xf32, #tpu.memory_space<vmem_shared>>
        tpu.wait_indirect_dma semaphore(%run_scoped3A_298 : memref<!tpu.dma_semaphore, #tpu.memory_space<semaphore_mem>>) src(%dma_wait3A_312 : memref<100x16xf32, #tpu.memory_space<vmem>>) dst(%dma_wait3A_318 : memref<10240x16xf32, #tpu.memory_space<vmem_shared>>)
        tpu.yield
      }) : () -> ()
      %add3A_291 = arith.constant 2 : i32
      %add3A_292 = arith.addi %add3A_244, %add3A_291 : i32
      %lt3A_293 = arith.constant 50 : i32
      %lt3A_294 = arith.cmpi slt, %add3A_292, %lt3A_293 : i32
      %convert_element_type3A_295 = arith.extui %lt3A_294 : i1 to i32
      %cond3A_296 = arith.constant 0 : i32
      %cond3A_297 = arith.cmpi ne, %convert_element_type3A_295, %cond3A_296 : i32
      scf.if %cond3A_297 {
        %add3A_298 = arith.constant 2 : i32
        %add3A_299 = arith.addi %add3A_244, %add3A_298 : i32
        %dma_start3A_300 = arith.constant 1 : i32
        %dma_start3A_301 = arith.constant 0 : i32
        %dma_start3A_302 = arith.constant 0 : i32
        %dma_start3A_303 = tpu.memref_slice %arg15[%dma_start3A_300, %dma_start3A_301, %dma_start3A_302] : memref<2x100x256xf32, #tpu.memory_space<vmem>> -> memref<1x100x256xf32, #tpu.memory_space<vmem>>
        %dma_start3A_304 = tpu.memref_squeeze %dma_start3A_303 : memref<1x100x256xf32, #tpu.memory_space<vmem>> -> memref<100x256xf32, #tpu.memory_space<vmem>>
        %dma_start3A_305 = arith.constant 0 : i32
        %dma_start3A_306 = tpu.memref_slice %arg10[%add3A_299, %dma_start3A_305] : memref<50x100xi32, #tpu.memory_space<vmem>> -> memref<1x100xi32, #tpu.memory_space<vmem>>
        %dma_start3A_307 = tpu.memref_squeeze %dma_start3A_306 : memref<1x100xi32, #tpu.memory_space<vmem>> -> memref<100xi32, #tpu.memory_space<vmem>>
        %dma_start3A_308 = arith.constant 0 : i32
        %dma_start3A_309 = arith.constant 0 : i32
        %dma_start3A_310 = tpu.memref_slice %arg2[%dma_start3A_308, %dma_start3A_309] : memref<10000x256xf32, #tpu.memory_space<hbm>> -> memref<10000x256xf32, #tpu.memory_space<hbm>>
        tpu.enqueue_indirect_dma source(%dma_start3A_310 : memref<10000x256xf32, #tpu.memory_space<hbm>>) target(%dma_start3A_304 : memref<100x256xf32, #tpu.memory_space<vmem>>) offsets(%dma_start3A_307 : memref<100xi32, #tpu.memory_space<vmem>>) semaphore(%arg21 : memref<!tpu.dma_semaphore, #tpu.memory_space<semaphore_mem>>)
        %dma_start3A_311 = arith.constant 1 : i32
        %dma_start3A_312 = arith.constant 0 : i32
        %dma_start3A_313 = arith.constant 0 : i32
        %dma_start3A_314 = tpu.memref_slice %arg16[%dma_start3A_311, %dma_start3A_312, %dma_start3A_313] : memref<2x100x16xf32, #tpu.memory_space<vmem>> -> memref<1x100x16xf32, #tpu.memory_space<vmem>>
        %dma_start3A_315 = tpu.memref_squeeze %dma_start3A_314 : memref<1x100x16xf32, #tpu.memory_space<vmem>> -> memref<100x16xf32, #tpu.memory_space<vmem>>
        %dma_start3A_316 = arith.constant 0 : i32
        %dma_start3A_317 = tpu.memref_slice %arg10[%add3A_299, %dma_start3A_316] : memref<50x100xi32, #tpu.memory_space<vmem>> -> memref<1x100xi32, #tpu.memory_space<vmem>>
        %dma_start3A_318 = tpu.memref_squeeze %dma_start3A_317 : memref<1x100xi32, #tpu.memory_space<vmem>> -> memref<100xi32, #tpu.memory_space<vmem>>
        %dma_start3A_319 = arith.constant 0 : i32
        %dma_start3A_320 = arith.constant 0 : i32
        %dma_start3A_321 = tpu.memref_slice %arg3[%dma_start3A_319, %dma_start3A_320] : memref<10000x16xf32, #tpu.memory_space<hbm>> -> memref<10000x16xf32, #tpu.memory_space<hbm>>
        tpu.enqueue_indirect_dma source(%dma_start3A_321 : memref<10000x16xf32, #tpu.memory_space<hbm>>) target(%dma_start3A_315 : memref<100x16xf32, #tpu.memory_space<vmem>>) offsets(%dma_start3A_318 : memref<100xi32, #tpu.memory_space<vmem>>) semaphore(%arg23 : memref<!tpu.dma_semaphore, #tpu.memory_space<semaphore_mem>>)
        %dma_start3A_322 = arith.constant 1 : i32
        %dma_start3A_323 = arith.constant 0 : i32
        %dma_start3A_324 = arith.constant 0 : i32
        %dma_start3A_325 = tpu.memref_slice %arg14[%dma_start3A_322, %dma_start3A_323, %dma_start3A_324] : memref<2x100x16xf32, #tpu.memory_space<vmem>> -> memref<1x100x16xf32, #tpu.memory_space<vmem>>
        %dma_start3A_326 = tpu.memref_squeeze %dma_start3A_325 : memref<1x100x16xf32, #tpu.memory_space<vmem>> -> memref<100x16xf32, #tpu.memory_space<vmem>>
        %dma_start3A_327 = arith.constant 0 : i32
        %dma_start3A_328 = arith.constant 0 : i32
        %dma_start3A_329 = tpu.memref_slice %arg4[%add3A, %add3A_299, %dma_start3A_327, %dma_start3A_328] : memref<32x50x100x16xf32, #tpu.memory_space<hbm>> -> memref<1x1x100x16xf32, #tpu.memory_space<hbm>>
        %dma_start3A_330 = tpu.memref_squeeze %dma_start3A_329 : memref<1x1x100x16xf32, #tpu.memory_space<hbm>> -> memref<100x16xf32, #tpu.memory_space<hbm>>
        %dma_start3A_331 = arith.constant 0 : i32
        %dma_start3A_332 = arith.constant 0 : i32
        %dma_start3A_333 = tpu.memref_slice %arg14[%dma_start3A_322, %dma_start3A_331, %dma_start3A_332] : memref<2x100x16xf32, #tpu.memory_space<vmem>> -> memref<1x100x16xf32, #tpu.memory_space<vmem>>
        %dma_start3A_334 = tpu.memref_squeeze %dma_start3A_333 : memref<1x100x16xf32, #tpu.memory_space<vmem>> -> memref<100x16xf32, #tpu.memory_space<vmem>>
        %dma_start3A_335 = arith.constant 0 : i32
        %dma_start3A_336 = arith.constant 0 : i32
        %dma_start3A_337 = tpu.memref_slice %arg4[%add3A, %add3A_299, %dma_start3A_335, %dma_start3A_336] : memref<32x50x100x16xf32, #tpu.memory_space<hbm>> -> memref<1x1x100x16xf32, #tpu.memory_space<hbm>>
        %dma_start3A_338 = tpu.memref_squeeze %dma_start3A_337 : memref<1x1x100x16xf32, #tpu.memory_space<hbm>> -> memref<100x16xf32, #tpu.memory_space<hbm>>
        tpu.enqueue_dma source(%dma_start3A_338 : memref<100x16xf32, #tpu.memory_space<hbm>>) target(%dma_start3A_334 : memref<100x16xf32, #tpu.memory_space<vmem>>) target_semaphore(%arg25 : memref<!tpu.dma_semaphore, #tpu.memory_space<semaphore_mem>>)
      } else {
      }
    }
    %scan3A_184 = arith.constant 25 : i32
    %barrier3A_185 = arith.constant 0 : index
    tpu.barrier barrier_id(%barrier3A_185)
    %mul3A_186 = arith.constant 640 : i32
    %mul3A_187 = arith.muli %arg1, %mul3A_186 : i32
    "tpu.region"() ({
      %run_scoped3A = tpu.sem_alloc : memref<!tpu.dma_semaphore, #tpu.memory_space<semaphore_mem>>
      %dma_start3A_188 = arith.constant 0 : i32
      %dma_start3A_189 = arith.constant 0 : i32
      %dma_start3A_190 = tpu.memref_slice %arg9[%arg0, %arg1, %dma_start3A_188, %dma_start3A_189] : memref<2x16x640x16xf32, #tpu.memory_space<hbm>> -> memref<1x1x640x16xf32, #tpu.memory_space<hbm>>
      %dma_start3A_191 = tpu.memref_squeeze %dma_start3A_190 : memref<1x1x640x16xf32, #tpu.memory_space<hbm>> -> memref<640x16xf32, #tpu.memory_space<hbm>>
      %dma_start3A_192 = arith.constant 0 : i32
      %dma_start3A_193 = tpu.memref_slice %arg19[%mul3A_187, %dma_start3A_192] : memref<10240x16xf32, #tpu.memory_space<vmem_shared>> -> memref<640x16xf32, #tpu.memory_space<vmem_shared>>
      tpu.enqueue_dma source(%dma_start3A_193 : memref<640x16xf32, #tpu.memory_space<vmem_shared>>) target(%dma_start3A_191 : memref<640x16xf32, #tpu.memory_space<hbm>>) target_semaphore(%run_scoped3A : memref<!tpu.dma_semaphore, #tpu.memory_space<semaphore_mem>>)
      %dma_wait3A = arith.constant 0 : i32
      %dma_wait3A_194 = arith.constant 0 : i32
      %dma_wait3A_195 = tpu.memref_slice %arg9[%arg0, %arg1, %dma_wait3A, %dma_wait3A_194] : memref<2x16x640x16xf32, #tpu.memory_space<hbm>> -> memref<1x1x640x16xf32, #tpu.memory_space<hbm>>
      %dma_wait3A_196 = tpu.memref_squeeze %dma_wait3A_195 : memref<1x1x640x16xf32, #tpu.memory_space<hbm>> -> memref<640x16xf32, #tpu.memory_space<hbm>>
      %dma_wait3A_197 = arith.constant 0 : i32
      %dma_wait3A_198 = tpu.memref_slice %arg19[%mul3A_187, %dma_wait3A_197] : memref<10240x16xf32, #tpu.memory_space<vmem_shared>> -> memref<640x16xf32, #tpu.memory_space<vmem_shared>>
      tpu.wait_dma2 semaphore(%run_scoped3A : memref<!tpu.dma_semaphore, #tpu.memory_space<semaphore_mem>>) src(%dma_wait3A_198 : memref<640x16xf32, #tpu.memory_space<vmem_shared>>) dst(%dma_wait3A_196 : memref<640x16xf32, #tpu.memory_space<hbm>>)
      tpu.yield
    }) : () -> ()
    return
  }
}

module attributes {stable_mosaic.version = 14 : i64} {
  func.func @_node_pre_body(%arg0: i32, %arg1: memref<2000x128xf32, #tpu.memory_space<vmem>>, %arg2: memref<128x256xf32, #tpu.memory_space<vmem>>, %arg3: memref<128x16xf32, #tpu.memory_space<vmem>>, %arg4: memref<128x16xf32, #tpu.memory_space<vmem>>, %arg5: memref<1x16xf32, #tpu.memory_space<vmem>>, %arg6: memref<2000x256xf32, #tpu.memory_space<vmem>>, %arg7: memref<2000x16xf32, #tpu.memory_space<vmem>>, %arg8: memref<2000x16xf32, #tpu.memory_space<vmem>>) attributes {dimension_semantics = [#tpu.dimension_semantics<arbitrary>], iteration_bounds = array<i64: 5>, scalar_prefetch = 0 : i64, scratch_operands = 0 : i64, tpu.core_type = #tpu.core_type<tc>, window_params = [{transform_indices = @transform_0, window_bounds = array<i64: 2000, 128>}, {pipeline_mode = #tpu.pipeline_mode<synchronous>, transform_indices = @transform_1, window_bounds = array<i64: 128, 256>}, {pipeline_mode = #tpu.pipeline_mode<synchronous>, transform_indices = @transform_2, window_bounds = array<i64: 128, 16>}, {pipeline_mode = #tpu.pipeline_mode<synchronous>, transform_indices = @transform_3, window_bounds = array<i64: 128, 16>}, {pipeline_mode = #tpu.pipeline_mode<synchronous>, transform_indices = @transform_4, window_bounds = array<i64: 1, 16>}, {transform_indices = @transform_5, window_bounds = array<i64: 2000, 256>}, {transform_indices = @transform_6, window_bounds = array<i64: 2000, 16>}, {transform_indices = @transform_7, window_bounds = array<i64: 2000, 16>}]} {
    %get3A = arith.constant 0 : index
    %get3A_0 = arith.constant 0 : index
    %get3A_1 = vector.load %arg1[%get3A, %get3A_0] : memref<2000x128xf32, #tpu.memory_space<vmem>>, vector<2000x128xf32>
    %get3A_2 = arith.constant 0 : index
    %get3A_3 = arith.constant 0 : index
    %get3A_4 = vector.load %arg2[%get3A_2, %get3A_3] : memref<128x256xf32, #tpu.memory_space<vmem>>, vector<128x256xf32>
    %dot_general3A = arith.constant dense<0.000000e+00> : vector<2000x256xf32>
    %dot_general3A_5 = tpu.matmul %get3A_1, %get3A_4, %dot_general3A {dimension_numbers = #tpu.dot_dimension_numbers<[1], [0], [0], [1], [0, 0, 1, 1], [], []>, transpose_lhs_hint = false} : vector<2000x128xf32>, vector<128x256xf32>, vector<2000x256xf32> -> vector<2000x256xf32>
    %swap3A = arith.constant 0 : index
    %swap3A_6 = arith.constant 0 : index
    %swap3A_7 = vector.load %arg6[%swap3A, %swap3A_6] : memref<2000x256xf32, #tpu.memory_space<vmem>>, vector<2000x256xf32>
    tpu.vector_store %arg6[%swap3A, %swap3A_6], %dot_general3A_5 {strides = array<i32>} : memref<2000x256xf32, #tpu.memory_space<vmem>>, vector<2000x256xf32>,
    %get3A_8 = arith.constant 0 : index
    %get3A_9 = arith.constant 0 : index
    %get3A_10 = vector.load %arg3[%get3A_8, %get3A_9] : memref<128x16xf32, #tpu.memory_space<vmem>>, vector<128x16xf32>
    %dot_general3A_11 = arith.constant dense<0.000000e+00> : vector<2000x16xf32>
    %dot_general3A_12 = tpu.matmul %get3A_1, %get3A_10, %dot_general3A_11 {dimension_numbers = #tpu.dot_dimension_numbers<[1], [0], [0], [1], [0, 0, 1, 1], [], []>, transpose_lhs_hint = false} : vector<2000x128xf32>, vector<128x16xf32>, vector<2000x16xf32> -> vector<2000x16xf32>
    %swap3A_13 = arith.constant 0 : index
    %swap3A_14 = arith.constant 0 : index
    %swap3A_15 = vector.load %arg7[%swap3A_13, %swap3A_14] : memref<2000x16xf32, #tpu.memory_space<vmem>>, vector<2000x16xf32>
    tpu.vector_store %arg7[%swap3A_13, %swap3A_14], %dot_general3A_12 {strides = array<i32>} : memref<2000x16xf32, #tpu.memory_space<vmem>>, vector<2000x16xf32>,
    %get3A_16 = arith.constant 0 : index
    %get3A_17 = arith.constant 0 : index
    %get3A_18 = vector.load %arg4[%get3A_16, %get3A_17] : memref<128x16xf32, #tpu.memory_space<vmem>>, vector<128x16xf32>
    %dot_general3A_19 = arith.constant dense<0.000000e+00> : vector<2000x16xf32>
    %dot_general3A_20 = tpu.matmul %get3A_1, %get3A_18, %dot_general3A_19 {dimension_numbers = #tpu.dot_dimension_numbers<[1], [0], [0], [1], [0, 0, 1, 1], [], []>, transpose_lhs_hint = false} : vector<2000x128xf32>, vector<128x16xf32>, vector<2000x16xf32> -> vector<2000x16xf32>
    %get3A_21 = arith.constant 0 : index
    %get3A_22 = arith.constant 0 : index
    %get3A_23 = vector.load %arg5[%get3A_21, %get3A_22] : memref<1x16xf32, #tpu.memory_space<vmem>>, vector<1x16xf32>
    %add3A = vector.broadcast %get3A_23 : vector<1x16xf32> to vector<2000x16xf32>
    %add3A_24 = arith.addf %dot_general3A_20, %add3A : vector<2000x16xf32>
    %swap3A_25 = arith.constant 0 : index
    %swap3A_26 = arith.constant 0 : index
    %swap3A_27 = vector.load %arg8[%swap3A_25, %swap3A_26] : memref<2000x16xf32, #tpu.memory_space<vmem>>, vector<2000x16xf32>
    tpu.vector_store %arg8[%swap3A_25, %swap3A_26], %add3A_24 {strides = array<i32>} : memref<2000x16xf32, #tpu.memory_space<vmem>>, vector<2000x16xf32>,
    return
  }
  func.func @transform_0(%arg0: i32) -> (i32, i32) {
    %c0_i32 = arith.constant 0 : i32
    %c0_i32_0 = arith.constant 0 : i32
    return %arg0, %c0_i32 : i32, i32
  }
  func.func @transform_1(%arg0: i32) -> (i32, i32) {
    %c0_i32 = arith.constant 0 : i32
    %c0_i32_0 = arith.constant 0 : i32
    %c0_i32_1 = arith.constant 0 : i32
    return %c0_i32, %c0_i32_0 : i32, i32
  }
  func.func @transform_2(%arg0: i32) -> (i32, i32) {
    %c0_i32 = arith.constant 0 : i32
    %c0_i32_0 = arith.constant 0 : i32
    %c0_i32_1 = arith.constant 0 : i32
    return %c0_i32, %c0_i32_0 : i32, i32
  }
  func.func @transform_3(%arg0: i32) -> (i32, i32) {
    %c0_i32 = arith.constant 0 : i32
    %c0_i32_0 = arith.constant 0 : i32
    %c0_i32_1 = arith.constant 0 : i32
    return %c0_i32, %c0_i32_0 : i32, i32
  }
  func.func @transform_4(%arg0: i32) -> (i32, i32) {
    %c0_i32 = arith.constant 0 : i32
    %c0_i32_0 = arith.constant 0 : i32
    %c0_i32_1 = arith.constant 0 : i32
    return %c0_i32, %c0_i32_0 : i32, i32
  }
  func.func @transform_5(%arg0: i32) -> (i32, i32) {
    %c0_i32 = arith.constant 0 : i32
    %c0_i32_0 = arith.constant 0 : i32
    return %arg0, %c0_i32 : i32, i32
  }
  func.func @transform_6(%arg0: i32) -> (i32, i32) {
    %c0_i32 = arith.constant 0 : i32
    %c0_i32_0 = arith.constant 0 : i32
    return %arg0, %c0_i32 : i32, i32
  }
  func.func @transform_7(%arg0: i32) -> (i32, i32) {
    %c0_i32 = arith.constant 0 : i32
    %c0_i32_0 = arith.constant 0 : i32
    return %arg0, %c0_i32 : i32, i32
  }
}

module attributes {stable_mosaic.version = 14 : i64} {
  func.func @_combine_pre_body(%arg0: i32, %arg1: memref<2000x16xf32, #tpu.memory_space<vmem>>, %arg2: memref<2000x16xf32, #tpu.memory_space<vmem>>, %arg3: memref<2000x16xf32, #tpu.memory_space<vmem>>, %arg4: memref<16x256xf32, #tpu.memory_space<vmem>>, %arg5: memref<16x16xf32, #tpu.memory_space<vmem>>, %arg6: memref<16x16xf32, #tpu.memory_space<vmem>>, %arg7: memref<1x16xf32, #tpu.memory_space<vmem>>, %arg8: memref<2000x256xf32, #tpu.memory_space<vmem>>, %arg9: memref<2000x16xf32, #tpu.memory_space<vmem>>, %arg10: memref<2000x16xf32, #tpu.memory_space<vmem>>) attributes {dimension_semantics = [#tpu.dimension_semantics<arbitrary>], iteration_bounds = array<i64: 5>, scalar_prefetch = 0 : i64, scratch_operands = 0 : i64, tpu.core_type = #tpu.core_type<tc>, window_params = [{transform_indices = @transform_0, window_bounds = array<i64: 2000, 16>}, {transform_indices = @transform_1, window_bounds = array<i64: 2000, 16>}, {transform_indices = @transform_2, window_bounds = array<i64: 2000, 16>}, {pipeline_mode = #tpu.pipeline_mode<synchronous>, transform_indices = @transform_3, window_bounds = array<i64: 16, 256>}, {pipeline_mode = #tpu.pipeline_mode<synchronous>, transform_indices = @transform_4, window_bounds = array<i64: 16, 16>}, {pipeline_mode = #tpu.pipeline_mode<synchronous>, transform_indices = @transform_5, window_bounds = array<i64: 16, 16>}, {pipeline_mode = #tpu.pipeline_mode<synchronous>, transform_indices = @transform_6, window_bounds = array<i64: 1, 16>}, {transform_indices = @transform_7, window_bounds = array<i64: 2000, 256>}, {transform_indices = @transform_8, window_bounds = array<i64: 2000, 16>}, {transform_indices = @transform_9, window_bounds = array<i64: 2000, 16>}]} {
    %get3A = arith.constant 0 : index
    %get3A_0 = arith.constant 0 : index
    %get3A_1 = vector.load %arg1[%get3A, %get3A_0] : memref<2000x16xf32, #tpu.memory_space<vmem>>, vector<2000x16xf32>
    %get3A_2 = arith.constant 0 : index
    %get3A_3 = arith.constant 0 : index
    %get3A_4 = vector.load %arg2[%get3A_2, %get3A_3] : memref<2000x16xf32, #tpu.memory_space<vmem>>, vector<2000x16xf32>
    %add3A = arith.addf %get3A_1, %get3A_4 : vector<2000x16xf32>
    %get3A_5 = arith.constant 0 : index
    %get3A_6 = arith.constant 0 : index
    %get3A_7 = vector.load %arg3[%get3A_5, %get3A_6] : memref<2000x16xf32, #tpu.memory_space<vmem>>, vector<2000x16xf32>
    %add3A_8 = arith.addf %add3A, %get3A_7 : vector<2000x16xf32>
    %max3A = arith.constant 0.000000e+00 : f32
    %max3A_9 = vector.broadcast %max3A : f32 to vector<2000x16xf32>
    %max3A_10 = arith.maximumf %add3A_8, %max3A_9 : vector<2000x16xf32>
    %get3A_11 = arith.constant 0 : index
    %get3A_12 = arith.constant 0 : index
    %get3A_13 = vector.load %arg4[%get3A_11, %get3A_12] : memref<16x256xf32, #tpu.memory_space<vmem>>, vector<16x256xf32>
    %dot_general3A = arith.constant dense<0.000000e+00> : vector<2000x256xf32>
    %dot_general3A_14 = tpu.matmul %max3A_10, %get3A_13, %dot_general3A {dimension_numbers = #tpu.dot_dimension_numbers<[1], [0], [0], [1], [0, 0, 1, 1], [], []>, transpose_lhs_hint = false} : vector<2000x16xf32>, vector<16x256xf32>, vector<2000x256xf32> -> vector<2000x256xf32>
    %swap3A = arith.constant 0 : index
    %swap3A_15 = arith.constant 0 : index
    %swap3A_16 = vector.load %arg8[%swap3A, %swap3A_15] : memref<2000x256xf32, #tpu.memory_space<vmem>>, vector<2000x256xf32>
    tpu.vector_store %arg8[%swap3A, %swap3A_15], %dot_general3A_14 {strides = array<i32>} : memref<2000x256xf32, #tpu.memory_space<vmem>>, vector<2000x256xf32>,
    %get3A_17 = arith.constant 0 : index
    %get3A_18 = arith.constant 0 : index
    %get3A_19 = vector.load %arg5[%get3A_17, %get3A_18] : memref<16x16xf32, #tpu.memory_space<vmem>>, vector<16x16xf32>
    %dot_general3A_20 = arith.constant dense<0.000000e+00> : vector<2000x16xf32>
    %dot_general3A_21 = tpu.matmul %max3A_10, %get3A_19, %dot_general3A_20 {dimension_numbers = #tpu.dot_dimension_numbers<[1], [0], [0], [1], [0, 0, 1, 1], [], []>, transpose_lhs_hint = false} : vector<2000x16xf32>, vector<16x16xf32>, vector<2000x16xf32> -> vector<2000x16xf32>
    %swap3A_22 = arith.constant 0 : index
    %swap3A_23 = arith.constant 0 : index
    %swap3A_24 = vector.load %arg9[%swap3A_22, %swap3A_23] : memref<2000x16xf32, #tpu.memory_space<vmem>>, vector<2000x16xf32>
    tpu.vector_store %arg9[%swap3A_22, %swap3A_23], %dot_general3A_21 {strides = array<i32>} : memref<2000x16xf32, #tpu.memory_space<vmem>>, vector<2000x16xf32>,
    %get3A_25 = arith.constant 0 : index
    %get3A_26 = arith.constant 0 : index
    %get3A_27 = vector.load %arg6[%get3A_25, %get3A_26] : memref<16x16xf32, #tpu.memory_space<vmem>>, vector<16x16xf32>
    %dot_general3A_28 = arith.constant dense<0.000000e+00> : vector<2000x16xf32>
    %dot_general3A_29 = tpu.matmul %max3A_10, %get3A_27, %dot_general3A_28 {dimension_numbers = #tpu.dot_dimension_numbers<[1], [0], [0], [1], [0, 0, 1, 1], [], []>, transpose_lhs_hint = false} : vector<2000x16xf32>, vector<16x16xf32>, vector<2000x16xf32> -> vector<2000x16xf32>
    %get3A_30 = arith.constant 0 : index
    %get3A_31 = arith.constant 0 : index
    %get3A_32 = vector.load %arg7[%get3A_30, %get3A_31] : memref<1x16xf32, #tpu.memory_space<vmem>>, vector<1x16xf32>
    %add3A_33 = vector.broadcast %get3A_32 : vector<1x16xf32> to vector<2000x16xf32>
    %add3A_34 = arith.addf %dot_general3A_29, %add3A_33 : vector<2000x16xf32>
    %swap3A_35 = arith.constant 0 : index
    %swap3A_36 = arith.constant 0 : index
    %swap3A_37 = vector.load %arg10[%swap3A_35, %swap3A_36] : memref<2000x16xf32, #tpu.memory_space<vmem>>, vector<2000x16xf32>
    tpu.vector_store %arg10[%swap3A_35, %swap3A_36], %add3A_34 {strides = array<i32>} : memref<2000x16xf32, #tpu.memory_space<vmem>>, vector<2000x16xf32>,
    return
  }
  func.func @transform_0(%arg0: i32) -> (i32, i32) {
    %c0_i32 = arith.constant 0 : i32
    %c0_i32_0 = arith.constant 0 : i32
    return %arg0, %c0_i32 : i32, i32
  }
  func.func @transform_1(%arg0: i32) -> (i32, i32) {
    %c0_i32 = arith.constant 0 : i32
    %c0_i32_0 = arith.constant 0 : i32
    return %arg0, %c0_i32 : i32, i32
  }
  func.func @transform_2(%arg0: i32) -> (i32, i32) {
    %c0_i32 = arith.constant 0 : i32
    %c0_i32_0 = arith.constant 0 : i32
    return %arg0, %c0_i32 : i32, i32
  }
  func.func @transform_3(%arg0: i32) -> (i32, i32) {
    %c0_i32 = arith.constant 0 : i32
    %c0_i32_0 = arith.constant 0 : i32
    %c0_i32_1 = arith.constant 0 : i32
    return %c0_i32, %c0_i32_0 : i32, i32
  }
  func.func @transform_4(%arg0: i32) -> (i32, i32) {
    %c0_i32 = arith.constant 0 : i32
    %c0_i32_0 = arith.constant 0 : i32
    %c0_i32_1 = arith.constant 0 : i32
    return %c0_i32, %c0_i32_0 : i32, i32
  }
  func.func @transform_5(%arg0: i32) -> (i32, i32) {
    %c0_i32 = arith.constant 0 : i32
    %c0_i32_0 = arith.constant 0 : i32
    %c0_i32_1 = arith.constant 0 : i32
    return %c0_i32, %c0_i32_0 : i32, i32
  }
  func.func @transform_6(%arg0: i32) -> (i32, i32) {
    %c0_i32 = arith.constant 0 : i32
    %c0_i32_0 = arith.constant 0 : i32
    %c0_i32_1 = arith.constant 0 : i32
    return %c0_i32, %c0_i32_0 : i32, i32
  }
  func.func @transform_7(%arg0: i32) -> (i32, i32) {
    %c0_i32 = arith.constant 0 : i32
    %c0_i32_0 = arith.constant 0 : i32
    return %arg0, %c0_i32 : i32, i32
  }
  func.func @transform_8(%arg0: i32) -> (i32, i32) {
    %c0_i32 = arith.constant 0 : i32
    %c0_i32_0 = arith.constant 0 : i32
    return %arg0, %c0_i32 : i32, i32
  }
  func.func @transform_9(%arg0: i32) -> (i32, i32) {
    %c0_i32 = arith.constant 0 : i32
    %c0_i32_0 = arith.constant 0 : i32
    return %arg0, %c0_i32 : i32, i32
  }
}

module attributes {stable_mosaic.version = 14 : i64} {
  func.func @_final_body(%arg0: i32, %arg1: memref<2000x16xf32, #tpu.memory_space<vmem>>, %arg2: memref<2000x16xf32, #tpu.memory_space<vmem>>, %arg3: memref<2000x16xf32, #tpu.memory_space<vmem>>, %arg4: memref<16x2xf32, #tpu.memory_space<vmem>>, %arg5: memref<1x2xf32, #tpu.memory_space<vmem>>, %arg6: memref<2000x2xf32, #tpu.memory_space<vmem>>) attributes {dimension_semantics = [#tpu.dimension_semantics<arbitrary>], iteration_bounds = array<i64: 5>, scalar_prefetch = 0 : i64, scratch_operands = 0 : i64, tpu.core_type = #tpu.core_type<tc>, window_params = [{transform_indices = @transform_0, window_bounds = array<i64: 2000, 16>}, {transform_indices = @transform_1, window_bounds = array<i64: 2000, 16>}, {transform_indices = @transform_2, window_bounds = array<i64: 2000, 16>}, {pipeline_mode = #tpu.pipeline_mode<synchronous>, transform_indices = @transform_3, window_bounds = array<i64: 16, 2>}, {pipeline_mode = #tpu.pipeline_mode<synchronous>, transform_indices = @transform_4, window_bounds = array<i64: 1, 2>}, {transform_indices = @transform_5, window_bounds = array<i64: 2000, 2>}]} {
    %get3A = arith.constant 0 : index
    %get3A_0 = arith.constant 0 : index
    %get3A_1 = vector.load %arg1[%get3A, %get3A_0] : memref<2000x16xf32, #tpu.memory_space<vmem>>, vector<2000x16xf32>
    %get3A_2 = arith.constant 0 : index
    %get3A_3 = arith.constant 0 : index
    %get3A_4 = vector.load %arg2[%get3A_2, %get3A_3] : memref<2000x16xf32, #tpu.memory_space<vmem>>, vector<2000x16xf32>
    %add3A = arith.addf %get3A_1, %get3A_4 : vector<2000x16xf32>
    %get3A_5 = arith.constant 0 : index
    %get3A_6 = arith.constant 0 : index
    %get3A_7 = vector.load %arg3[%get3A_5, %get3A_6] : memref<2000x16xf32, #tpu.memory_space<vmem>>, vector<2000x16xf32>
    %add3A_8 = arith.addf %add3A, %get3A_7 : vector<2000x16xf32>
    %max3A = arith.constant 0.000000e+00 : f32
    %max3A_9 = vector.broadcast %max3A : f32 to vector<2000x16xf32>
    %max3A_10 = arith.maximumf %add3A_8, %max3A_9 : vector<2000x16xf32>
    %get3A_11 = arith.constant 0 : index
    %get3A_12 = arith.constant 0 : index
    %get3A_13 = vector.load %arg4[%get3A_11, %get3A_12] : memref<16x2xf32, #tpu.memory_space<vmem>>, vector<16x2xf32>
    %dot_general3A = arith.constant dense<0.000000e+00> : vector<2000x2xf32>
    %dot_general3A_14 = tpu.matmul %max3A_10, %get3A_13, %dot_general3A {dimension_numbers = #tpu.dot_dimension_numbers<[1], [0], [0], [1], [0, 0, 1, 1], [], []>, transpose_lhs_hint = false} : vector<2000x16xf32>, vector<16x2xf32>, vector<2000x2xf32> -> vector<2000x2xf32>
    %get3A_15 = arith.constant 0 : index
    %get3A_16 = arith.constant 0 : index
    %get3A_17 = vector.load %arg5[%get3A_15, %get3A_16] : memref<1x2xf32, #tpu.memory_space<vmem>>, vector<1x2xf32>
    %add3A_18 = vector.broadcast %get3A_17 : vector<1x2xf32> to vector<2000x2xf32>
    %add3A_19 = arith.addf %dot_general3A_14, %add3A_18 : vector<2000x2xf32>
    %reduce_max3A = arith.constant dense<0xFF800000> : vector<2000xf32>
    %reduce_max3A_20 = vector.multi_reduction <maximumf>, %add3A_19, %reduce_max3A [1] : vector<2000x2xf32> to vector<2000xf32>
    %broadcast_in_dim3A = vector.shape_cast %reduce_max3A_20 : vector<2000xf32> to vector<2000x1xf32>
    %sub3A = vector.broadcast %broadcast_in_dim3A : vector<2000x1xf32> to vector<2000x2xf32>
    %sub3A_21 = arith.subf %add3A_19, %sub3A : vector<2000x2xf32>
    %exp3A = math.exp %sub3A_21 : vector<2000x2xf32>
    %reduce_sum3A = arith.constant dense<0.000000e+00> : vector<2000xf32>
    %reduce_sum3A_22 = vector.multi_reduction <add>, %exp3A, %reduce_sum3A [1] : vector<2000x2xf32> to vector<2000xf32>
    %broadcast_in_dim3A_23 = vector.shape_cast %reduce_sum3A_22 : vector<2000xf32> to vector<2000x1xf32>
    %log3A = math.log %broadcast_in_dim3A_23 : vector<2000x1xf32>
    %sub3A_24 = vector.broadcast %log3A : vector<2000x1xf32> to vector<2000x2xf32>
    %sub3A_25 = arith.subf %sub3A_21, %sub3A_24 : vector<2000x2xf32>
    %swap3A = arith.constant 0 : index
    %swap3A_26 = arith.constant 0 : index
    %swap3A_27 = vector.load %arg6[%swap3A, %swap3A_26] : memref<2000x2xf32, #tpu.memory_space<vmem>>, vector<2000x2xf32>
    tpu.vector_store %arg6[%swap3A, %swap3A_26], %sub3A_25 {strides = array<i32>} : memref<2000x2xf32, #tpu.memory_space<vmem>>, vector<2000x2xf32>,
    return
  }
  func.func @transform_0(%arg0: i32) -> (i32, i32) {
    %c0_i32 = arith.constant 0 : i32
    %c0_i32_0 = arith.constant 0 : i32
    return %arg0, %c0_i32 : i32, i32
  }
  func.func @transform_1(%arg0: i32) -> (i32, i32) {
    %c0_i32 = arith.constant 0 : i32
    %c0_i32_0 = arith.constant 0 : i32
    return %arg0, %c0_i32 : i32, i32
  }
  func.func @transform_2(%arg0: i32) -> (i32, i32) {
    %c0_i32 = arith.constant 0 : i32
    %c0_i32_0 = arith.constant 0 : i32
    return %arg0, %c0_i32 : i32, i32
  }
  func.func @transform_3(%arg0: i32) -> (i32, i32) {
    %c0_i32 = arith.constant 0 : i32
    %c0_i32_0 = arith.constant 0 : i32
    %c0_i32_1 = arith.constant 0 : i32
    return %c0_i32, %c0_i32_0 : i32, i32
  }
  func.func @transform_4(%arg0: i32) -> (i32, i32) {
    %c0_i32 = arith.constant 0 : i32
    %c0_i32_0 = arith.constant 0 : i32
    %c0_i32_1 = arith.constant 0 : i32
    return %c0_i32, %c0_i32_0 : i32, i32
  }
  func.func @transform_5(%arg0: i32) -> (i32, i32) {
    %c0_i32 = arith.constant 0 : i32
    %c0_i32_0 = arith.constant 0 : i32
    return %arg0, %c0_i32 : i32, i32
  }
}

</mosaic_0001>

<sc_bundles>
// kernel: kernel.10.cloned.1.call-start
scs
__scs_entry_jumppad:
0x0: {  	(pc) =	sbr.rel $0x88, $3  }
0x1: {  	(tag) =	ssettag $0x0;
	lr =	simm.s32 $0x1  }
0x2: {  	[smem:$0x3F90] =	sst lr;
	_ =	strace $0xD0000000  }
0x3: {  	_ = 	snop  }
0x4: {  	_ = 	snop  }
0x5: {  	_ = 	snop  }
0x6: {  	_ = 	snop  }
0x7: {  	_ = 	snop  }
__scs_overlays_trampoline_lowered:
0x8: {  	[smem:$0x3F9F] =	sst s0  }
0x9: {  	[smem:$0x3FA0] =	sst s1  }
0xa: {  	[smem:$0x3FA1] =	sst s2  }
0xb: {  	[smem:$0x3FA2] =	sst s3  }
0xc: {  	[smem:$0x3FA3] =	sst s4  }
0xd: {  	[smem:$0x3FA4] =	sst s5  }
0xe: {  	[smem:$0x3FA5] =	sst s6  }
0xf: {  	[smem:$0x3FA6] =	sst s7  }
0x10: {  	[smem:$0x3FA7] =	sst s8  }
0x11: {  	[smem:$0x3FA8] =	sst s9;
	s0 =	simm.s32 @!p0 $0x0  }
0x12: {  	s1 =	sld [smem:$0x3F8E];
	s0 =	simm.s32 @p0 $0x1  }
0x13: {  	[smem:$0x3FA9] =	sst s0;
	s0 =	simm.s32 @!p1 $0x0  }
0x14: {  	s2 =	sld [smem:$0x3F8D];
	s0 =	simm.s32 @p1 $0x1  }
0x15: {  	[smem:$0x3FAA] =	sst s0;
	s0 =	simm.s32 @!p2 $0x0  }
0x16: {  	s3 =	sld [smem:$0x3FDB];
	s0 =	simm.s32 @p2 $0x1  }
0x17: {  	s4 =	simm.s32 $0x1BF5;
	[smem:$0x3FAC] =	sst s0  }
0x18: {  	s0 =	sld [smem:$0x3F8F];
	_ =	swait.ge [sflag:s4], $0x0  }
0x19: {  	s7 =	sld [smem:$0x3F90]  }
0x1a: {  	s8 =	sadd.s32 $0xFFFFE003, lr  }
0x1b: {  	s9 =	sadd.s32 $0xFFFFFEF7, lr;
	s5 =	simm.s32 $0xFFFFFFFF;
	p2 =	slt.u32 s8, $0xFFFFF086  }
0x1c: {  	p1 =	slt.u32 s9, $0xF7A;
	s5 =	simm.s32 @!p2 $0x0  }
0x1d: {  	s5 =	simm.s32 @p1 $0x1;
	p0 =	seq.s32 s7, s2  }
0x1e: {  	s7 =	smul.u32 @!p0 $0xF7A, s2;
	p2 =	seq.s32 @!p0 s5, $0x0  }
0x1f: {  	s9 =	smul.u32 $0xF7A, s1;
	s8 =	simm.s32 @!p0 $0x1BF5;
	p2 =	por !p2, p0  }
0x20: {  	[sflag:s8] =	ssyncset.s32 @!p0 $0xFFFFF086;
	s6 =	sadd.s32 @!p0 s3, s7;
	s7 =	simm.s32 @!p0 $0x108  }
0x21: {  	s3 =	sadd.s32 s3, s9;
	s6 =	sadd.s32 @!p0 $0x88, s6;
	s7 =	simm.s32 @p2 $0x1082  }
0x22: {  	[simem:s7], [sflag:s8] =	dma.local @!p0 [hbm:s6], $0xF7A  }
0x23: {  	s9 =	sor.u32 $0xD0000000, s2;
	s6 =	simm.s32 $0x108;
	_ =	swait.ge @!p0 [sflag:s8], $0x0  }
0x24: {  	s3 =	sadd.s32 $0x88, s3;
	s6 =	simm.s32 @!p1 $0x1082;
	[sflag:s4] =	ssyncset.s32 $0xFFFFF086  }
0x25: {  	[simem:s6], [sflag:s4] =	dma.local [hbm:s3], $0xF7A  }
0x26: {  	[smem:$0x3F90] =	sst s1;
	(tag) =	ssettag s2;
	_ =	strace s9  }
0x27: {  	s1 =	sld [smem:$0x3FA0]  }
0x28: {  	s2 =	sld [smem:$0x3FA1]  }
0x29: {  	s4 =	sld [smem:$0x3FA3]  }
0x2a: {  	p0 =	seq.s32 s5, $0x0;
	s5 =	sld [smem:$0x3FA4]  }
0x2b: {  	s6 =	sld [smem:$0x3FA5]  }
0x2c: {  	s7 =	sld [smem:$0x3FA6]  }
0x2d: {  	s3 =	simm.s32 $0x108;
	s8 =	sld [smem:$0x3FA7]  }
0x2e: {  	s3 =	simm.s32 @!p0 $0x1082;
	s9 =	sld [smem:$0x3FA8]  }
0x2f: {  	lr =	sadd.s32 s0, s3;
	s0 =	sld [smem:$0x3F9F]  }
0x30: {  	s3 =	sld [smem:$0x3FA2]  }
0x31: {  	[smem:$0x3FAB] =	sst s10  }
0x32: {  	s10 =	sld [smem:$0x3FA9];
	_ =	sdelay $0x3  }
0x33: {  	p0 =	seq.s32 s10, $0x1;
	s10 =	sld [smem:$0x3FAB];
	_ =	sdelay $0x3  }
0x34: {  	[smem:$0x3FAB] =	sst s10  }
0x35: {  	s10 =	sld [smem:$0x3FAA];
	_ =	sdelay $0x3  }
0x36: {  	p1 =	seq.s32 s10, $0x1;
	s10 =	sld [smem:$0x3FAB];
	_ =	sdelay $0x3  }
0x37: {  	[smem:$0x3FAB] =	sst s10  }
0x38: {  	s10 =	sld [smem:$0x3FAC]  }
0x39: {  	_ = 	snop;
	(pc) =	sbr.ind lr, $3  }
0x3a: {  	_ = 	snop  }
0x3b: {  	_ = 	snop  }
0x3c: {  	p2 =	seq.s32 s10, $0x1;
	s10 =	sld [smem:$0x3FAB]  }
0x3d: {  	_ =	shalt  }
0x3e: {  	_ =	shalt  }
0x3f: {  	_ =	shalt  }
0x40: {  	_ =	shalt  }
0x41: {  	_ =	shalt  }
0x42: {  	_ =	shalt  }
0x43: {  	_ =	shalt  }
0x44: {  	_ =	shalt  }
0x45: {  	_ =	shalt  }
0x46: {  	_ =	shalt  }
0x47: {  	_ =	shalt  }
0x48: {  	_ =	shalt  }
0x49: {  	_ =	shalt  }
0x4a: {  	_ =	shalt  }
0x4b: {  	_ =	shalt  }
0x4c: {  	_ =	shalt  }
0x4d: {  	_ =	shalt  }
0x4e: {  	_ =	shalt  }
0x4f: {  	_ =	shalt  }
0x50: {  	_ =	shalt  }
0x51: {  	_ =	shalt  }
0x52: {  	_ =	shalt  }
0x53: {  	_ =	shalt  }
0x54: {  	_ =	shalt  }
0x55: {  	_ =	shalt  }
0x56: {  	_ =	shalt  }
0x57: {  	_ =	shalt  }
0x58: {  	_ =	shalt  }
0x59: {  	_ =	shalt  }
0x5a: {  	_ =	shalt  }
0x5b: {  	_ =	shalt  }
0x5c: {  	_ =	shalt  }
0x5d: {  	_ =	shalt  }
0x5e: {  	_ =	shalt  }
0x5f: {  	_ =	shalt  }
0x60: {  	_ =	shalt  }
0x61: {  	_ =	shalt  }
0x62: {  	_ =	shalt  }
0x63: {  	_ =	shalt  }
0x64: {  	_ =	shalt  }
0x65: {  	_ =	shalt  }
0x66: {  	_ =	shalt  }
0x67: {  	_ =	shalt  }
0x68: {  	_ =	shalt  }
0x69: {  	_ =	shalt  }
0x6a: {  	_ =	shalt  }
0x6b: {  	_ =	shalt  }
0x6c: {  	_ =	shalt  }
0x6d: {  	_ =	shalt  }
0x6e: {  	_ =	shalt  }
0x6f: {  	_ =	shalt  }
0x70: {  	_ =	shalt  }
0x71: {  	_ =	shalt  }
0x72: {  	_ =	shalt  }
0x73: {  	_ =	shalt  }
0x74: {  	_ =	shalt  }
0x75: {  	_ =	shalt  }
0x76: {  	_ =	shalt  }
0x77: {  	_ =	shalt  }
0x78: {  	_ =	shalt  }
0x79: {  	_ =	shalt  }
0x7a: {  	_ =	shalt  }
0x7b: {  	_ =	shalt  }
0x7c: {  	_ =	shalt  }
0x7d: {  	_ =	shalt  }
0x7e: {  	_ =	shalt  }
0x7f: {  	_ =	shalt  }
0x80: {  	_ =	shalt  }
0x81: {  	_ =	shalt  }
0x82: {  	_ =	shalt  }
0x83: {  	_ =	shalt  }
0x84: {  	_ =	shalt  }
0x85: {  	_ =	shalt  }
0x86: {  	_ =	shalt  }
0x87: {  	_ =	shalt  }
.Lfunc_end0:
.L_simem_size_0:
called_computation.1_lowered:
.L_overlay_start_0:
0x88: {  	s2 =	sld [smem:$0x3FD9]  }
0x89: {  	s3 =	sld [smem:$0x3FFE];
	_ =	sdelay $0x1  }
0x8a: {  	s1 =	srdreg.scid  }
0x8b: {  	s0 =	sand.u32 $0x1, s1  }
0x8c: {  	s17 =	sshll.u32 s0, $0xA;
	s2 =	sadd.s32 s3, s2  }
0x8d: {  	s2 =	sadd.s32 s2, s17  }
0x8e: {  	[smem:$0x3FB7] =	sst s2  }
0x8f: {  	_ = 	snop  }
0x90: {  	s2 =	sld [smem:$0x3FBF];
	(tm) =	ssettm $0x1  }
0x91: {  	s18 =	sld [smem:$0x3FFB];
	_ =	sdelay $0x3  }
0x92: {  	_ =	strace s18  }
0x93: {  	s3 =	sld [smem:$0x3FFC];
	_ =	sdelay $0x3  }
0x94: {  	_ =	strace s3  }
0x95: {  	s3 =	sld [smem:$0x3FFD];
	_ =	sdelay $0x3  }
0x96: {  	_ =	strace s3  }
0x97: {  	_ =	strace $0x8FFFFFFF  }
0x98: {  	s19 =	sld [smem:$0x3FDB];
	_ =	sdelay $0x1  }
0x99: {  	s4 =	simm.s32 $_scs_section_size  }
0x9a: {  	s5 =	simm.s32 $_size__tile_overlayer_lowered;
	s6 =	simm.s32 $_tile_overlayer_lowered  }
0x9b: {  	s22 =	simm.s32 $0x1BFF;
	s21 =	sshll.u32 s6, $0x1;
	s3 =	sadd.s32 s4, s19  }
0x9c: {  	s7 =	simm.s32 $0x0;
	s20 =	sshll.u32 s5, $0x1;
	s5 =	sadd.s32 s21, s3  }
0x9d: {  	[timem:s7], [sflag:s22] =	dma.local [hbm:s5], s20  }
0x9e: {  	_ =	swait.ge [sflag:s22], s20  }
0x9f: {  	s4 =	ssub.s32 $0x0, s20;
	[sflag:s22] =	ssyncset.done $0x0  }
0xa0: {  	[sflag:s22] =	ssyncadd.s32 s4;
	_ =	sdelay $0x1  }
0xa1: {  	s23 =	simm.s32 $0x1B8B  }
0xa2: {  	_ =	swait.ge [sflag:s23], $0x1  }
0xa3: {  	[sflag:s23] =	ssyncset.done $0x0  }
0xa4: {  	s25 =	simm.s32 $0x1B8E;
	s24 =	sld [smem:$0x3FFE];
	[sflag:s23] =	ssyncadd.s32 $0xFFFFFFFF  }
0xa5: {  	s26 =	simm.s32 $execute0_lowered;
	[smem:$0x3FD2] =	sst s25  }
0xa6: {  	s5 =	sshll.u32 s26, $0x1;
	_ =	strace $0x80000049;
	[dreg:$0x1] =	wrdreg $0xFFFFFFFF  }
0xa7: {  	s28 =	simm.s32 $_size_execute0_lowered;
	s3 =	sadd.s32 s3, s5;
	[dreg:$0x0] =	wrdreg $0x0  }
0xa8: {  	s5 =	sshll.u32 s28, $0x1;
	[dreg:$0x2] =	wrdreg s3  }
0xa9: {  	[dreg:$0x3] =	wrdreg s5  }
0xaa: {  	[dreg:$0x4] =	wrdreg $0xC0  }
0xab: {  	_ =	task [dreg:s7], $0x5FFFF  }
0xac: {  	[dreg:$0x1] =	wrdreg $0xFFFFFFFF  }
0xad: {  	[dreg:$0x0] =	wrdreg $0x60  }
0xae: {  	[dreg:$0x2] =	wrdreg s24  }
0xaf: {  	[dreg:$0x3] =	wrdreg s2  }
0xb0: {  	[dreg:$0x4] =	wrdreg $0x11B300  }
0xb1: {  	[dreg:$0x5] =	wrdreg $0x9  }
0xb2: {  	_ =	task.clear_ibuf [dreg:s7], $0x6FFFF;
	_ =	strace $0x90000049  }
0xb3: {  	s29 =	simm.s32 $0x9;
	_ =	strace $0x8000004B  }
0xb4: {  	_ =	swait.ge [sflag:s29], $0x1  }
0xb5: {  	[sflag:s29] =	ssyncadd.s32 $0xFFFFFFFF  }
0xb6: {  	_ =	strace $0x9000004B  }
0xb7: {  	_ =	sfence  }
0xb8: {  	s30 =	sld [smem:$0x0];
	_ =	sdelay $0x2  }
0xb9: {  	s31 =	sshll.u32 s1, $0xD;
	s1 =	sshrl.u32 s1, $0x2  }
0xba: {  	s3 =	sand.u32 $0x4000, s31;
	s1 =	sadd.s32 s1, s30  }
0xbb: {  	s0 =	sor.u32 s3, s0;
	s1 =	sshll.u32 s1, $0x11  }
0xbc: {  	s0 =	sor.u32 s1, s0  }
0xbd: {  	s0 =	sadd.s32 $0x8F2B, s0  }
0xbe: {  	[sflag:s0] =	ssyncadd.remote.s32 $0x1  }
0xbf: {  	_ =	sfence.sel $0xFFFF  }
0xc0: {  	[dreg:$0x0] =	wrdreg $0xFFFFFFFF;
	(pc) =	sbr.abs _section_cstart, $3  }
0xc1: {  	[dreg:$0x1] =	wrdreg $0xFFFFFFFF  }
0xc2: {  	_ =	task.clear_ibuf [dreg:s7], $0x2FFFF;
	_ =	strace $0x9FFFFFFF  }
0xc3: {  	(tm) =	ssettm $0x7FFFFFFF  }
tec
execute0_lowered:
.L_overlay_start_1:
0x0: {  	(tag) =	ssettag $0x1  }
0x1: {  	s0 =	rddreg [dreg:$0x0];
	s1 =	srdreg.scid  }
0x2: {  	s11 =	stileid.u32;
	s3 =	rddreg [dreg:$0x2]  }
0x3: {  	s4 =	simm.s32 $0x0;
	s31 =	simm.s32 $0x11730;
	s28 =	simm.s32 $0x10470  }
0x4: {  	s29 =	simm.s32 $0x2FF0;
	s1 =	sand.u32 $0x1, s1;
	s2 =	sshll.u32 s11, $0x1  }
0x5: {  	[smem:$0x7FF] =	sst s4;
	s5 =	sadd.s32 $0x1C200, s0;
	s6 =	sadd.s32 $0x2C00, s0  }
0x6: {  	s10 =	smul.u32 $0x2800, s11;
	s7 =	sadd.s32 $0x350200, s0;
	s12 =	sadd.s32 $0x1C000, s0  }
0x7: {  	s11 =	smul.u32 $0xA000, s11;
	s2 =	sor.u32 s1, s2;
	_ =	strace $0x8000004A  }
0x8: {  	s9 =	smul.u32 $0x28000, s1;
	[dreg:$0x4] =	wrdreg s12;
	s1 =	ssub.s32 $0x2, s1  }
0x9: {  	s12 =	simm.s32 $0x10AB0;
	s8 =	smul.u32 $0x28A, s2;
	s14 =	sshrl.u32 s1, $0x1  }
0xa: {  	s17 =	sshrl.u32 s11, $0x2;
	s10 =	sadd.s32 s10, s9;
	s1 =	ssub.s32 s1, s14  }
0xb: {  	s9 =	smul.u32 $0x13880, s2;
	s8 =	sadd.s32 s8, s0;
	s18 =	smax.u32 s1, $0x1  }
0xc: {  	s13 =	sshrl.u32 s10, $0x3;
	s16 =	sadd.s32 $0x7C00, s8;
	[dreg:$0xa] =	wrdreg s18  }
0xd: {  	s15 =	sshrl.u32 s9, $0x3;
	s8 =	sadd.s32 $0xCE00, s8;
	[dreg:$0x5] =	wrdreg s16  }
0xe: {  	s0 =	sadd.s32 s13, s0;
	s2 =	sadd.s32 s7, s15;
	[dreg:$0x7] =	wrdreg s8  }
0xf: {  	s13 =	sadd.s32 s17, s3;
	s0 =	sadd.s32 $0x12000, s0;
	[dreg:$0x6] =	wrdreg s2  }
0x10: {  	s14 =	simm.s32 $0x2;
	s19 =	sadd.s32 $0x400, s13;
	[dreg:$0x9] =	wrdreg s0  }
0x11: {  	s1 =	simm.s32 $0x64;
	s20 =	sadd.s32 $0x800, s13;
	[dreg:$0xb] =	wrdreg s19  }
0x12: {  	s10 =	simm.s32 $0x5;
	s21 =	sadd.s32 $0xC00, s13;
	[dreg:$0xc] =	wrdreg s20  }
0x13: {  	s17 =	simm.s32 $0x110F0;
	s22 =	sadd.s32 $0x1000, s13;
	[dreg:$0xd] =	wrdreg s21  }
0x14: {  	s18 =	simm.s32 $0x0;
	s23 =	sadd.s32 $0x1400, s13;
	[dreg:$0xe] =	wrdreg s22  }
0x15: {  	s24 =	sadd.s32 $0x1800, s13;
	s25 =	sadd.s32 $0x1C00, s13;
	[dreg:$0xf] =	wrdreg s23  }
.Ltmp0:
0x16: {  	s26 =	sadd.s32 $0x2000, s13;
	[dreg:$0x10] =	wrdreg s24;
	(pc) =	sbr.rel .LBB2_1-.Ltmp0, $4  }
0x17: {  	s30 =	sadd.s32 $0x2400, s13;
	s8 =	simm.s32 $0x3;
	[dreg:$0x11] =	wrdreg s25  }
0x18: {  	s15 =	simm.s32 $0x4;
	s16 =	simm.s32 $0x6;
	[dreg:$0x12] =	wrdreg s26  }
0x19: {  	s2 =	sadd.s32 $0xC8, s2;
	[dreg:$0x13] =	wrdreg s30;
	s26 =	simm.s32 $0x7  }
0x1a: {  	v0 =	vimm.f32 $0.0e+00;
	s0 =	simm.s32 $0x1;
	[dreg:$0x8] =	wrdreg s2;
	s2 =	simm.s32 $0x9A30  }
.LBB2_10:
0x1b: {  	s11 =	stileid.u32  }
0x1c: {  	[bflag:$0x0] =	sbarrier.arrive $0xFFFF;
	s11 =	sshll.u32 s11, $0x6  }
0x1d: {  	s19 =	sshrl.u32 s13, $0x3;
	s20 =	rddreg [dreg:$0x9];
	s11 =	sor.u32 $0x1C07, s11  }
0x1e: {  	[hbm:s20], [sflag:s11] =	dma.local [spmem:s19], $0x500  }
0x1f: {  	_ =	swait.ge [sflag:s26], $0x500  }
0x20: {  	s18 =	sadd.s32 $0x1, s18;
	s30 =	rddreg [dreg:$0xa]  }
0x21: {  	p0 =	sne.s32 s18, s30  }
.Ltmp1:
0x22: {  	_ = 	snop;
	(pc) =	sbr.rel @!p0 .LBB2_11-.Ltmp1, $3  }
0x23: {  	_ =	sdelay $0x1  }
0x24: {  	[sflag:s26] =	ssyncset.done $0x0  }
0x25: {  	[sflag:s26] =	ssyncadd.s32 $0xFFFFFB00  }
.LBB2_1:
0x26: {  	s11 =	rddreg [dreg:$0x5]  }
0x27: {  	[tilespmem:s4], [sflag:$0x7] =	stream.linear.gather [hbm4b:s11+s4], $0x1450, $0x38;
	[tilespmem:$0x14330] =	vst v63  }
0x28: {  	_ =	swait.ge [sflag:s26], $0x1450  }
0x29: {  	[sflag:s26] =	ssyncset.done $0x0  }
0x2a: {  	s19 =	simm.s32 $0x1450;
	s22 =	rddreg [dreg:$0x7];
	[sflag:s26] =	ssyncadd.s32 $0xFFFFEBB0  }
0x2b: {  	[tilespmem:s19], [sflag:$0x7] =	stream.linear.gather [hbm4b:s22+s4], $0x1450, $0x38;
	[tilespmem:$0x14330] =	vst v63  }
0x2c: {  	_ =	swait.ge [sflag:s26], $0x1450  }
0x2d: {  	[sflag:s26] =	ssyncset.done $0x0  }
0x2e: {  	s24 =	simm.s32 $0x28A0;
	s23 =	rddreg [dreg:$0x4];
	[sflag:s26] =	ssyncadd.s32 $0xFFFFEBB0  }
0x2f: {  	[tilespmem:s24], [sflag:$0x7] =	stream.linear.gather [hbm4b:s23+s4], $0x100, $0x38;
	[tilespmem:$0x14330] =	vst v63  }
0x30: {  	_ =	swait.ge [sflag:s26], $0x100  }
0x31: {  	[sflag:s26] =	ssyncset.done $0x0  }
0x32: {  	[sflag:s26] =	ssyncadd.s32 $0xFFFFFF00  }
0x33: {  	s30 =	simm.s32 $0x29A0;
	s25 =	rddreg [dreg:$0x1]  }
0x34: {  	[tilespmem:s30], [sflag:$0x7] =	stream.linear.gather [hbm4b:s25+s4], $0x10, $0x38;
	[tilespmem:$0x14330] =	vst v63  }
0x35: {  	_ =	swait.ge [sflag:s26], $0x10  }
0x36: {  	[sflag:s26] =	ssyncset.done $0x0  }
0x37: {  	[sflag:s26] =	ssyncadd.s32 $0xFFFFFFF0  }
0x38: {  	v1 =	vld [tilespmem:$0x28A0]  }
0x39: {  	v2 =	vld [tilespmem:$0x28B0]  }
0x3a: {  	v3 =	vld [tilespmem:$0x28C0]  }
0x3b: {  	v4 =	vld [tilespmem:$0x28D0]  }
0x3c: {  	v5 =	vld [tilespmem:$0x28E0]  }
0x3d: {  	v6 =	vld [tilespmem:$0x28F0]  }
0x3e: {  	v7 =	vld [tilespmem:$0x2900]  }
0x3f: {  	v8 =	vld [tilespmem:$0x2910]  }
0x40: {  	v9 =	vld [tilespmem:$0x2920]  }
0x41: {  	v10 =	vld [tilespmem:$0x2930]  }
0x42: {  	v11 =	vld [tilespmem:$0x2940]  }
0x43: {  	v12 =	vld [tilespmem:$0x2950]  }
0x44: {  	v13 =	vld [tilespmem:$0x2960]  }
0x45: {  	v14 =	vld [tilespmem:$0x2970]  }
0x46: {  	v15 =	vld [tilespmem:$0x2980]  }
0x47: {  	v16 =	vld [tilespmem:$0x2990]  }
0x48: {  	s11 =	simm.s32 $0x40;
	s19 =	simm.s32 $0x0;
	v17 =	vld [tilespmem:$0x29A0]  }
.LBB2_2:
0x49: {  	p0 =	sne.s32 s11, $0xFC0;
	[tilespmem:s19+$0x11730] =	vst v0;
	s19 =	smov.u32 s11;
	s11 =	sadd.s32 $0x40, s11  }
.Ltmp2:
0x4a: {  	(pc) =	sbr.rel @p0 .LBB2_2-.Ltmp2, $2  }
0x4b: {  	_ =	sdelay $0x2  }
0x4c: {  	s19 =	sshra.s32 s19, $0x2  }
0x4d: {  	[tilespmem:s19+$0x11730] =	vst v0  }
0x4e: {  	[spmem:s13] =	stream.linear.scatter [tilespmem:s31], [sflag:$0x7], $0x400, $0x38;
	[tilespmem:$0x14330] =	vst v63  }
0x4f: {  	_ =	swait.ge [sflag:s26], $0x400  }
0x50: {  	[sflag:s26] =	ssyncset.done $0x0  }
0x51: {  	s11 =	rddreg [dreg:$0xb];
	[sflag:s26] =	ssyncadd.s32 $0xFFFFFC00  }
0x52: {  	[spmem:s11] =	stream.linear.scatter [tilespmem:s31], [sflag:$0x7], $0x400, $0x38;
	[tilespmem:$0x14330] =	vst v63  }
0x53: {  	_ =	swait.ge [sflag:s26], $0x400  }
0x54: {  	[sflag:s26] =	ssyncset.done $0x0  }
0x55: {  	s22 =	rddreg [dreg:$0xc];
	[sflag:s26] =	ssyncadd.s32 $0xFFFFFC00  }
0x56: {  	[spmem:s22] =	stream.linear.scatter [tilespmem:s31], [sflag:$0x7], $0x400, $0x38;
	[tilespmem:$0x14330] =	vst v63  }
0x57: {  	_ =	swait.ge [sflag:s26], $0x400  }
0x58: {  	[sflag:s26] =	ssyncset.done $0x0  }
0x59: {  	s23 =	rddreg [dreg:$0xd];
	[sflag:s26] =	ssyncadd.s32 $0xFFFFFC00  }
0x5a: {  	[spmem:s23] =	stream.linear.scatter [tilespmem:s31], [sflag:$0x7], $0x400, $0x38;
	[tilespmem:$0x14330] =	vst v63  }
0x5b: {  	_ =	swait.ge [sflag:s26], $0x400  }
0x5c: {  	[sflag:s26] =	ssyncset.done $0x0  }
0x5d: {  	s24 =	rddreg [dreg:$0xe];
	[sflag:s26] =	ssyncadd.s32 $0xFFFFFC00  }
0x5e: {  	[spmem:s24] =	stream.linear.scatter [tilespmem:s31], [sflag:$0x7], $0x400, $0x38;
	[tilespmem:$0x14330] =	vst v63  }
0x5f: {  	_ =	swait.ge [sflag:s26], $0x400  }
0x60: {  	[sflag:s26] =	ssyncset.done $0x0  }
0x61: {  	s25 =	rddreg [dreg:$0xf];
	[sflag:s26] =	ssyncadd.s32 $0xFFFFFC00  }
0x62: {  	[spmem:s25] =	stream.linear.scatter [tilespmem:s31], [sflag:$0x7], $0x400, $0x38;
	[tilespmem:$0x14330] =	vst v63  }
0x63: {  	_ =	swait.ge [sflag:s26], $0x400  }
0x64: {  	[sflag:s26] =	ssyncset.done $0x0  }
0x65: {  	s30 =	rddreg [dreg:$0x10];
	[sflag:s26] =	ssyncadd.s32 $0xFFFFFC00  }
0x66: {  	[spmem:s30] =	stream.linear.scatter [tilespmem:s31], [sflag:$0x7], $0x400, $0x38;
	[tilespmem:$0x14330] =	vst v63  }
0x67: {  	_ =	swait.ge [sflag:s26], $0x400  }
0x68: {  	[sflag:s26] =	ssyncset.done $0x0  }
0x69: {  	s19 =	rddreg [dreg:$0x11];
	[sflag:s26] =	ssyncadd.s32 $0xFFFFFC00  }
0x6a: {  	[spmem:s19] =	stream.linear.scatter [tilespmem:s31], [sflag:$0x7], $0x400, $0x38;
	[tilespmem:$0x14330] =	vst v63  }
0x6b: {  	_ =	swait.ge [sflag:s26], $0x400  }
0x6c: {  	[sflag:s26] =	ssyncset.done $0x0  }
0x6d: {  	s20 =	rddreg [dreg:$0x12];
	[sflag:s26] =	ssyncadd.s32 $0xFFFFFC00  }
0x6e: {  	[spmem:s20] =	stream.linear.scatter [tilespmem:s31], [sflag:$0x7], $0x400, $0x38;
	[tilespmem:$0x14330] =	vst v63  }
0x6f: {  	_ =	swait.ge [sflag:s26], $0x400  }
0x70: {  	[sflag:s26] =	ssyncset.done $0x0  }
0x71: {  	s21 =	rddreg [dreg:$0x13];
	[sflag:s26] =	ssyncadd.s32 $0xFFFFFC00  }
0x72: {  	[spmem:s21] =	stream.linear.scatter [tilespmem:s31], [sflag:$0x7], $0x400, $0x38;
	[tilespmem:$0x14330] =	vst v63  }
0x73: {  	_ =	swait.ge [sflag:s26], $0x400  }
0x74: {  	[sflag:s26] =	ssyncset.done $0x0  }
0x75: {  	[sflag:s26] =	ssyncadd.s32 $0xFFFFFC00  }
0x76: {  	s22 =	simm.s32 $0x3630;
	s19 =	simm.s32 $0x0;
	[bflag:$0x0] =	sbarrier.arrive $0xFFFF  }
0x77: {  	[tilespmem:s22], [sflag:$0x1] =	stream.indirect.gather [hbm4b:s5+s1], $0x100, s19, s1, $0xb8;
	[tilespmem:$0x14330] =	vst v63  }
0x78: {  	s23 =	simm.s32 $0xFE30  }
0x79: {  	[tilespmem:s23], [sflag:$0x3] =	stream.indirect.gather [hbm4b:s6+s1], $0x10, s19, s1, $0xb8;
	[tilespmem:$0x14330] =	vst v63  }
0x7a: {  	s20 =	simm.s32 $0x29B0;
	s24 =	rddreg [dreg:$0x6]  }
0x7b: {  	[tilespmem:s20], [sflag:$0x5] =	stream.linear.gather [hbm4b:s24+s19], $0x640, $0x38;
	[tilespmem:$0x14330] =	vst v63  }
0x7c: {  	s25 =	simm.s32 $0x68  }
0x7d: {  	[tilespmem:s2], [sflag:$0x2] =	stream.indirect.gather [hbm4b:s5+s1], $0x100, s25, s1, $0xb8;
	[tilespmem:$0x14330] =	vst v63  }
0x7e: {  	_ = 	snop  }
0x7f: {  	[tilespmem:s28], [sflag:$0x4] =	stream.indirect.gather [hbm4b:s6+s1], $0x10, s25, s1, $0xb8;
	[tilespmem:$0x14330] =	vst v63  }
0x80: {  	s30 =	rddreg [dreg:$0x8]  }
0x81: {  	[tilespmem:s29], [sflag:$0x6] =	stream.linear.gather [hbm4b:s30+s19], $0x640, $0x38;
	[tilespmem:$0x14330] =	vst v63  }
.LBB2_4:
0x82: {  	_ =	swait.ge [sflag:s0], $0x6400  }
0x83: {  	[sflag:s0] =	ssyncset.done $0x0  }
0x84: {  	[sflag:s0] =	ssyncadd.s32 $0xFFFF9C00  }
0x85: {  	_ =	swait.ge [sflag:s8], $0x640  }
0x86: {  	[sflag:s8] =	ssyncset.done $0x0  }
0x87: {  	[sflag:s8] =	ssyncadd.s32 $0xFFFFF9C0  }
0x88: {  	_ =	swait.ge [sflag:s10], $0x640  }
0x89: {  	[sflag:s10] =	ssyncset.done $0x0  }
0x8a: {  	s20 =	simm.s32 $0x0;
	[sflag:s10] =	ssyncadd.s32 $0xFFFFF9C0  }
0x8b: {  	v18 =	vld [tilespmem:s20+$0x29B0];
	_ =	sdelay $0x4  }
0x8c: {  	v19 =	vbroadcast v18, $0x0;
	v20 =	vbroadcast v18, $0xB  }
0x8d: {  	v21 =	vbroadcast v18, $0x2;
	v22 =	vbroadcast v18, $0x5  }
0x8e: {  	s30 =	simm.s32 $0x10;
	v23 =	vbroadcast v18, $0xC;
	v24 =	vbroadcast v18, $0x8  }
0x8f: {  	v33 =	vld [tilespmem:s30+$0x29B0];
	v25 =	vbroadcast v18, $0xF;
	v26 =	vbroadcast v18, $0x7  }
0x90: {  	v27 =	vbroadcast v18, $0x1;
	v28 =	vbroadcast v18, $0x9  }
0x91: {  	v29 =	vbroadcast v18, $0x6;
	v30 =	vbroadcast v18, $0xD  }
0x92: {  	v31 =	vbroadcast v18, $0x3;
	v32 =	vbroadcast v18, $0xA  }
0x93: {  	v34 =	vbroadcast v18, $0xE;
	v18 =	vbroadcast v18, $0x4  }
0x94: {  	v51 =	vbroadcast v33, $0x8;
	v52 =	vbroadcast v33, $0x7  }
0x95: {  	v53 =	vbroadcast v33, $0x9;
	v54 =	vbroadcast v33, $0xA  }
0x96: {  	v19 =	vmul.f32 v19, v1;
	v22 =	vmul.f32 v22, v6  }
0x97: {  	v25 =	vmul.f32 v25, v16;
	v24 =	vmul.f32 v24, v9  }
0x98: {  	v27 =	vmul.f32 v27, v2;
	v23 =	vmul.f32 v23, v13  }
0x99: {  	v28 =	vmul.f32 v28, v10;
	v26 =	vmul.f32 v26, v8  }
0x9a: {  	v30 =	vmul.f32 v30, v14;
	v31 =	vmul.f32 v31, v4  }
0x9b: {  	v20 =	vmul.f32 v20, v12;
	v32 =	vmul.f32 v32, v11  }
0x9c: {  	v29 =	vmul.f32 v29, v7;
	v21 =	vmul.f32 v21, v3  }
0x9d: {  	v18 =	vmul.f32 v18, v5;
	v26 =	vadd.f32 v26, v31;
	v22 =	vadd.f32 v22, v27  }
0x9e: {  	v27 =	vmul.f32 v34, v15;
	v21 =	vadd.f32 v29, v21;
	v29 =	vbroadcast v33, $0x2  }
0x9f: {  	v19 =	vadd.f32 v19, v17;
	v31 =	vbroadcast v33, $0xF;
	v34 =	vmul.f32 v52, v8  }
0xa0: {  	v20 =	vadd.f32 v26, v20;
	v26 =	vbroadcast v33, $0x0;
	v22 =	vadd.f32 v22, v28  }
0xa1: {  	v28 =	vbroadcast v33, $0xB;
	v18 =	vadd.f32 v19, v18;
	v19 =	vbroadcast v33, $0xC  }
0xa2: {  	v21 =	vadd.f32 v21, v32;
	v32 =	vmul.f32 v54, v11;
	v29 =	vmul.f32 v29, v3  }
0xa3: {  	v20 =	vadd.f32 v20, v25;
	v25 =	vbroadcast v33, $0x5;
	v26 =	vmul.f32 v26, v1  }
0xa4: {  	v18 =	vadd.f32 v18, v24;
	v22 =	vadd.f32 v22, v30;
	v30 =	vbroadcast v33, $0x1  }
0xa5: {  	v21 =	vadd.f32 v21, v27;
	v24 =	vmul.f32 v25, v6;
	v25 =	vmul.f32 v31, v16  }
0xa6: {  	v31 =	vmul.f32 v51, v9;
	v18 =	vadd.f32 v18, v23;
	v23 =	vbroadcast v33, $0x6  }
0xa7: {  	v27 =	vmul.f32 v30, v2;
	v30 =	vmul.f32 v19, v13  }
0xa8: {  	v19 =	vbroadcast v33, $0xD;
	v20 =	vadd.f32 v20, v21;
	v21 =	vbroadcast v33, $0x3  }
0xa9: {  	v26 =	vadd.f32 v26, v17;
	v18 =	vadd.f32 v18, v22;
	v22 =	vmul.f32 v53, v10  }
0xaa: {  	s22 =	simm.s32 $0x36B0;
	v36 =	vld [tilespmem:s20+$0xFE30];
	v35 =	vmul.f32 v19, v14;
	v24 =	vadd.f32 v24, v27;
	v19 =	vmul.f32 v21, v4  }
0xab: {  	v55 =	vld [tilespmem:s22+$0xFFFFFFC0];
	v21 =	vbroadcast v33, $0xE;
	v33 =	vbroadcast v33, $0x4;
	v18 =	vadd.f32 v18, v20  }
0xac: {  	v27 =	vmul.f32 v28, v12;
	v28 =	vld [tilespmem:s22+$0x20];
	v23 =	vmul.f32 v23, v7;
	v19 =	vadd.f32 v34, v19  }
0xad: {  	v21 =	vmul.f32 v21, v15;
	v33 =	vmul.f32 v33, v5;
	v20 =	vmax.f32 v18, $0.0e+00;
	v18 =	vld [tilespmem:s22+$0xFFFFFF80]  }
0xae: {  	v57 =	vld [tilespmem:s22+$0xFFFFFFB0];
	v27 =	vadd.f32 v19, v27;
	v19 =	vbroadcast v20, $0xF;
	v39 =	vbroadcast v20, $0x0  }
0xaf: {  	v37 =	vld [tilespmem:s22+$0x40];
	v41 =	vadd.f32 v24, v22;
	v40 =	vbroadcast v20, $0xC;
	v22 =	vbroadcast v20, $0xA  }
0xb0: {  	v38 =	vld [tilespmem:s22+$0xFFFFFFA0];
	v29 =	vadd.f32 v23, v29;
	v56 =	vbroadcast v20, $0x2;
	v43 =	vbroadcast v20, $0x4  }
0xb1: {  	v42 =	vld [tilespmem:s22+$0x0];
	v59 =	vbroadcast v20, $0x9;
	v61 =	vbroadcast v20, $0x3;
	v23 =	vadd.f32 v27, v25  }
0xb2: {  	v44 =	vld [tilespmem:s22+$0x10];
	v25 =	vadd.f32 v26, v33;
	v26 =	vmul.f32 v28, v22;
	v18 =	vmul.f32 v39, v18  }
0xb3: {  	v24 =	vld [tilespmem:s22+$0xFFFFFFD0];
	v27 =	vadd.f32 v29, v32;
	v29 =	vmul.f32 v43, v55;
	v32 =	vmul.f32 v61, v57  }
0xb4: {  	v34 =	vld [tilespmem:s22+$0xFFFFFF90];
	v28 =	vadd.f32 v25, v31;
	v31 =	vbroadcast v20, $0x8;
	v18 =	vadd.f32 v18, v36  }
0xb5: {  	v58 =	vadd.f32 v41, v35;
	v22 =	vld [tilespmem:s22+$0x50];
	v33 =	vmul.f32 v37, v40;
	v37 =	vbroadcast v20, $0x5  }
0xb6: {  	v25 =	vld [tilespmem:s22+$0xFFFFFFE0];
	v60 =	vadd.f32 v28, v30;
	v62 =	vmul.f32 v42, v31;
	v63 =	vadd.f32 v18, v29  }
0xb7: {  	v28 =	vld [tilespmem:s22+$0xFFFFFFF0];
	v31 =	vmul.f32 v56, v38;
	v30 =	vmul.f32 v44, v59  }
0xb8: {  	s23 =	simm.s32 $0x80;
	s21 =	simm.s32 $0x37B0;
	v36 =	vbroadcast v20, $0x1;
	v29 =	vld [tilespmem:s22+$0x30];
	v18 =	vadd.f32 v60, v58;
	v35 =	vadd.f32 v63, v62  }
.LBB2_5:
0xb9: {  	s24 =	sshra.s32 s23, $0x2;
	p0 =	sne.s32 s23, $0x18C0;
	s23 =	sadd.s32 $0x40, s23;
	v21 =	vadd.f32 v27, v21;
	v27 =	vbroadcast v20, $0x7;
	v38 =	vbroadcast v20, $0xD  }
0xba: {  	v24 =	vmul.f32 v37, v24;
	v37 =	vbroadcast v20, $0x6;
	v33 =	vadd.f32 v33, v35;
	v35 =	vld [tilespmem:s22+$0x70]  }
0xbb: {  	v21 =	vadd.f32 v23, v21;
	v23 =	vmul.f32 v36, v34;
	v34 =	vbroadcast v20, $0xB;
	v36 =	vld [tilespmem:s22+$0x60];
	s22 =	smov.u32 s21  }
0xbc: {  	v27 =	vmul.f32 v27, v28;
	v39 =	vld [tilespmem:s24+$0x29B0];
	v25 =	vmul.f32 v37, v25  }
0xbd: {  	v22 =	vmul.f32 v22, v38;
	v20 =	vbroadcast v20, $0xE;
	v23 =	vadd.f32 v24, v23  }
0xbe: {  	v24 =	vadd.f32 v25, v31;
	v25 =	vadd.f32 v27, v32;
	v27 =	vmul.f32 v29, v34  }
0xbf: {  	v23 =	vadd.f32 v30, v23;
	v19 =	vmul.f32 v35, v19  }
0xc0: {  	v24 =	vadd.f32 v26, v24;
	v25 =	vadd.f32 v27, v25;
	v20 =	vmul.f32 v36, v20  }
0xc1: {  	v26 =	vbroadcast v39, $0x0;
	v27 =	vbroadcast v39, $0xB;
	v22 =	vadd.f32 v22, v23  }
0xc2: {  	v23 =	vbroadcast v39, $0x2;
	v28 =	vbroadcast v39, $0x5;
	v19 =	vadd.f32 v19, v25  }
0xc3: {  	v20 =	vadd.f32 v20, v24;
	v25 =	vmul.f32 v26, v1;
	v26 =	vbroadcast v39, $0xC  }
0xc4: {  	v29 =	vbroadcast v39, $0xF;
	v24 =	vbroadcast v39, $0x8;
	v22 =	vadd.f32 v22, v33  }
0xc5: {  	v19 =	vadd.f32 v19, v20;
	v30 =	vadd.f32 v25, v17;
	v25 =	vbroadcast v39, $0x7  }
0xc6: {  	v29 =	vmul.f32 v29, v16;
	v20 =	vmul.f32 v28, v6  }
0xc7: {  	v28 =	vbroadcast v39, $0x1;
	v31 =	vmul.f32 v24, v9;
	v19 =	vadd.f32 v19, v22  }
0xc8: {  	v32 =	vbroadcast v39, $0x6;
	v22 =	vbroadcast v39, $0x9  }
0xc9: {  	v33 =	vmul.f32 v26, v13;
	v28 =	vmul.f32 v28, v2;
	v34 =	vld [tilespmem:s30+$0xFE30];
	[tilespmem:s20+$0x10AB0] =	vst v19;
	s20 =	smov.u32 s30;
	s30 =	smov.u32 s24  }
0xca: {  	v26 =	vmul.f32 v22, v10;
	v19 =	vbroadcast v39, $0xD;
	v24 =	vld [tilespmem:s21+$0xFFFFFFD0]  }
0xcb: {  	v22 =	vbroadcast v39, $0x3;
	v35 =	vadd.f32 v20, v28;
	v20 =	vbroadcast v39, $0xA;
	v36 =	vld [tilespmem:s21+$0x20]  }
0xcc: {  	v28 =	vmul.f32 v25, v8;
	v37 =	vmul.f32 v19, v14;
	s21 =	sadd.s32 $0x100, s21;
	v38 =	vld [tilespmem:s22+$0x40]  }
0xcd: {  	v27 =	vmul.f32 v27, v12;
	v19 =	vmul.f32 v22, v4;
	v22 =	vld [tilespmem:s22+$0x50]  }
0xce: {  	v18 =	vadd.f32 v18, v21;
	v40 =	vmul.f32 v20, v11;
	v20 =	vbroadcast v39, $0xE;
	v25 =	vld [tilespmem:s22+$0xFFFFFFE0]  }
0xcf: {  	v32 =	vmul.f32 v32, v7;
	v39 =	vbroadcast v39, $0x4;
	v19 =	vadd.f32 v28, v19;
	v41 =	vld [tilespmem:s22+$0xFFFFFFA0]  }
0xd0: {  	v23 =	vmul.f32 v23, v3;
	v21 =	vmul.f32 v20, v15;
	v20 =	vmax.f32 v18, $0.0e+00;
	v18 =	vld [tilespmem:s22+$0xFFFFFF80]  }
0xd1: {  	v39 =	vmul.f32 v39, v5;
	v27 =	vadd.f32 v19, v27;
	v19 =	vbroadcast v20, $0xF;
	v42 =	vld [tilespmem:s22+$0xFFFFFFC0]  }
0xd2: {  	v32 =	vadd.f32 v32, v23;
	v43 =	vbroadcast v20, $0x0;
	v44 =	vbroadcast v20, $0xC;
	v28 =	vld [tilespmem:s22+$0xFFFFFFF0]  }
0xd3: {  	v35 =	vadd.f32 v35, v26;
	v26 =	vbroadcast v20, $0xA;
	v23 =	vadd.f32 v27, v29;
	v45 =	vld [tilespmem:s22+$0x0]  }
0xd4: {  	v29 =	vadd.f32 v30, v39;
	v30 =	vbroadcast v20, $0x2;
	v39 =	vbroadcast v20, $0x4;
	v46 =	vld [tilespmem:s22+$0x10]  }
0xd5: {  	v26 =	vmul.f32 v36, v26;
	v27 =	vadd.f32 v32, v40;
	v18 =	vmul.f32 v43, v18;
	v32 =	vld [tilespmem:s22+$0xFFFFFFB0]  }
0xd6: {  	v31 =	vadd.f32 v29, v31;
	v36 =	vmul.f32 v39, v42;
	v39 =	vbroadcast v20, $0x8;
	v29 =	vld [tilespmem:s22+$0x30]  }
.Ltmp3:
0xd7: {  	v35 =	vadd.f32 v35, v37;
	v37 =	vbroadcast v20, $0x9;
	v18 =	vadd.f32 v18, v34;
	(pc) =	sbr.rel @p0 .LBB2_5-.Ltmp3, $4  }
0xd8: {  	v40 =	vbroadcast v20, $0x3;
	v33 =	vadd.f32 v31, v33;
	v39 =	vmul.f32 v45, v39  }
0xd9: {  	v31 =	vmul.f32 v30, v41;
	v34 =	vld [tilespmem:s22+$0xFFFFFF90];
	v41 =	vadd.f32 v18, v36;
	v30 =	vmul.f32 v46, v37  }
0xda: {  	v18 =	vadd.f32 v33, v35;
	v33 =	vmul.f32 v38, v44;
	v32 =	vmul.f32 v40, v32  }
0xdb: {  	v36 =	vbroadcast v20, $0x1;
	v37 =	vbroadcast v20, $0x5;
	v35 =	vadd.f32 v41, v39  }
0xdc: {  	v38 =	vbroadcast v20, $0x7  }
0xdd: {  	v61 =	vbroadcast v20, $0x6;
	v39 =	vld [tilespmem:s22+$0x70];
	v62 =	vbroadcast v20, $0xB  }
0xde: {  	v40 =	vld [tilespmem:s22+$0x60];
	v24 =	vmul.f32 v37, v24;
	v34 =	vmul.f32 v36, v34  }
0xdf: {  	v25 =	vmul.f32 v61, v25;
	v28 =	vmul.f32 v38, v28  }
0xe0: {  	v63 =	vbroadcast v20, $0xD;
	v20 =	vbroadcast v20, $0xE;
	v24 =	vadd.f32 v24, v34  }
0xe1: {  	v29 =	vmul.f32 v29, v62;
	v25 =	vadd.f32 v25, v31;
	v28 =	vadd.f32 v28, v32  }
0xe2: {  	v22 =	vmul.f32 v22, v63;
	v19 =	vmul.f32 v39, v19;
	v24 =	vadd.f32 v30, v24  }
0xe3: {  	v20 =	vmul.f32 v40, v20;
	v25 =	vadd.f32 v26, v25;
	v26 =	vadd.f32 v29, v28  }
0xe4: {  	v28 =	vadd.f32 v33, v35;
	v22 =	vadd.f32 v22, v24  }
0xe5: {  	v19 =	vadd.f32 v19, v26;
	v20 =	vadd.f32 v20, v25;
	_ =	sdelay $0x1  }
0xe6: {  	v22 =	vadd.f32 v22, v28;
	v19 =	vadd.f32 v19, v20;
	_ =	sdelay $0x1  }
0xe7: {  	v20 =	vadd.f32 v27, v21;
	v19 =	vadd.f32 v19, v22;
	_ =	sdelay $0x1  }
0xe8: {  	v21 =	vld [tilespmem:s30+$0xFE30];
	v20 =	vadd.f32 v23, v20;
	[tilespmem:s20+$0x10AB0] =	vst v19  }
0xe9: {  	v19 =	vld [tilespmem:s21+$0x20]  }
0xea: {  	v18 =	vadd.f32 v18, v20;
	v20 =	vld [tilespmem:s21+$0xFFFFFFA0]  }
0xeb: {  	v22 =	vld [tilespmem:s21+$0xFFFFFF80]  }
0xec: {  	v23 =	vld [tilespmem:s21+$0xFFFFFFC0];
	v18 =	vmax.f32 v18, $0.0e+00  }
0xed: {  	v26 =	vld [tilespmem:s21+$0x0];
	v24 =	vbroadcast v18, $0xF;
	v25 =	vbroadcast v18, $0x0  }
0xee: {  	v29 =	vld [tilespmem:s21+$0x10];
	v27 =	vbroadcast v18, $0xC;
	v28 =	vbroadcast v18, $0xA  }
0xef: {  	v36 =	vld [tilespmem:s21+$0xFFFFFFB0];
	v30 =	vbroadcast v18, $0x2;
	v31 =	vbroadcast v18, $0x4  }
0xf0: {  	v37 =	vld [tilespmem:s21+$0x40];
	v38 =	vbroadcast v18, $0x9;
	v22 =	vmul.f32 v25, v22  }
0xf1: {  	v19 =	vmul.f32 v19, v28;
	v25 =	vld [tilespmem:s21+$0xFFFFFFD0];
	v28 =	vbroadcast v18, $0x8  }
0xf2: {  	v39 =	vbroadcast v18, $0x3;
	v23 =	vmul.f32 v31, v23;
	v31 =	vld [tilespmem:s21+$0xFFFFFFE0]  }
0xf3: {  	v42 =	vbroadcast v18, $0x1;
	v26 =	vmul.f32 v26, v28;
	v28 =	vld [tilespmem:s21+$0xFFFFFF90]  }
0xf4: {  	v43 =	vbroadcast v18, $0x7;
	v20 =	vmul.f32 v30, v20;
	v30 =	vld [tilespmem:s21+$0xFFFFFFF0]  }
0xf5: {  	v40 =	vld [tilespmem:s21+$0x50];
	v21 =	vadd.f32 v22, v21;
	v22 =	vmul.f32 v37, v27;
	v27 =	vbroadcast v18, $0x5  }
0xf6: {  	v41 =	vld [tilespmem:s21+$0x30];
	v44 =	vbroadcast v18, $0xB;
	v29 =	vmul.f32 v29, v38  }
0xf7: {  	v45 =	vld [tilespmem:s21+$0x60];
	v21 =	vadd.f32 v21, v23;
	v23 =	vmul.f32 v27, v25;
	v25 =	vbroadcast v18, $0x6  }
0xf8: {  	v32 =	vmul.f32 v39, v36;
	v27 =	vld [tilespmem:s21+$0x70];
	v28 =	vmul.f32 v42, v28  }
0xf9: {  	v21 =	vadd.f32 v21, v26;
	v26 =	vmul.f32 v43, v30;
	v25 =	vmul.f32 v25, v31  }
0xfa: {  	v30 =	vbroadcast v18, $0xD;
	v18 =	vbroadcast v18, $0xE;
	v23 =	vadd.f32 v23, v28  }
0xfb: {  	v20 =	vadd.f32 v25, v20;
	v25 =	vadd.f32 v26, v32;
	v26 =	vmul.f32 v41, v44  }
0xfc: {  	v18 =	vmul.f32 v45, v18;
	v28 =	vmul.f32 v40, v30;
	v23 =	vadd.f32 v29, v23  }
0xfd: {  	v24 =	vmul.f32 v27, v24;
	v19 =	vadd.f32 v19, v20;
	v20 =	vadd.f32 v26, v25  }
0xfe: {  	v21 =	vadd.f32 v22, v21;
	v22 =	vadd.f32 v28, v23  }
0xff: {  	v20 =	vadd.f32 v24, v20;
	v18 =	vadd.f32 v18, v19;
	_ =	sdelay $0x1  }
0x100: {  	v19 =	vadd.f32 v22, v21;
	v18 =	vadd.f32 v20, v18  }
0x101: {  	s11 =	smul.u32 $0x340, s19  }
0x102: {  	v18 =	vadd.f32 v18, v19  }
0x103: {  	s20 =	sshra.s32 s11, $0x2  }
0x104: {  	p0 =	seq.s32 s19, $0x18;
	s11 =	sadd.s32 $0x1450, s20;
	[tilespmem:s30+$0x10AB0] =	vst v18;
	s30 =	sshll.u32 s19, $0x1  }
0x105: {  	[spmem:s3] =	stream.indirect.scatter.add.f32 [tilespmem:s12], [sflag:$0x7], $0x10, s11, s1, $0xb8;
	[tilespmem:$0x14330] =	vst v63  }
0x106: {  	s11 =	sadd.s32 @!p0 $0x2, s30  }
0x107: {  	s21 =	smul.u32 @!p0 $0x1A0, s11  }
0x108: {  	_ =	swait.ge [sflag:s26], $0x640;
	s11 =	smul.u32 @!p0 $0x640, s11  }
0x109: {  	s22 =	simm.s32 @!p0 $0x64;
	s23 =	simm.s32 @!p0 $0x3630;
	[sflag:s26] =	ssyncset.done $0x0  }
0x10a: {  	[sflag:s26] =	ssyncadd.s32 $0xFFFFF9C0;
	s21 =	sshra.s32 @!p0 s21, $0x2;
	s11 =	sadd.s32 @!p0 s9, s11  }
0x10b: {  	[tilespmem:s23], [sflag:$0x1] =	stream.indirect.gather @!p0 [hbm4b:s5+s22], $0x100, s21, s22, $0xb8;
	[tilespmem:$0x14330] =	vst v63  }
0x10c: {  	s23 =	simm.s32 @!p0 $0xFE30;
	s11 =	sshrl.u32 @!p0 s11, $0x3  }
0x10d: {  	[tilespmem:s23], [sflag:$0x3] =	stream.indirect.gather @!p0 [hbm4b:s6+s22], $0x10, s21, s22, $0xb8;
	[tilespmem:$0x14330] =	vst v63  }
0x10e: {  	s11 =	sadd.s32 @!p0 s7, s11;
	s21 =	simm.s32 @!p0 $0x0;
	s22 =	simm.s32 @!p0 $0x29B0  }
0x10f: {  	[tilespmem:s22], [sflag:$0x5] =	stream.linear.gather @!p0 [hbm4b:s11+s21], $0x640, $0x38;
	[tilespmem:$0x14330] =	vst v63  }
0x110: {  	_ =	swait.ge [sflag:s14], $0x6400  }
0x111: {  	[sflag:s14] =	ssyncset.done $0x0  }
0x112: {  	[sflag:s14] =	ssyncadd.s32 $0xFFFF9C00  }
0x113: {  	_ =	swait.ge [sflag:s15], $0x640  }
0x114: {  	[sflag:s15] =	ssyncset.done $0x0  }
0x115: {  	[sflag:s15] =	ssyncadd.s32 $0xFFFFF9C0  }
0x116: {  	_ =	swait.ge [sflag:s16], $0x640  }
0x117: {  	[sflag:s16] =	ssyncset.done $0x0  }
0x118: {  	s24 =	simm.s32 $0x2FF0;
	[sflag:s16] =	ssyncadd.s32 $0xFFFFF9C0  }
0x119: {  	v18 =	vld [tilespmem:s24+$0x0];
	_ =	sdelay $0x4  }
0x11a: {  	v19 =	vbroadcast v18, $0xC;
	v20 =	vbroadcast v18, $0xD  }
0x11b: {  	v21 =	vbroadcast v18, $0xE;
	v22 =	vbroadcast v18, $0xF  }
0x11c: {  	v23 =	vbroadcast v18, $0x8;
	v24 =	vbroadcast v18, $0x9  }
0x11d: {  	v25 =	vbroadcast v18, $0xA;
	v26 =	vbroadcast v18, $0xB  }
0x11e: {  	v27 =	vbroadcast v18, $0x1;
	v28 =	vbroadcast v18, $0x2  }
0x11f: {  	v29 =	vbroadcast v18, $0x3;
	v30 =	vbroadcast v18, $0x4  }
0x120: {  	v31 =	vbroadcast v18, $0x5;
	v46 =	vbroadcast v18, $0x6  }
0x121: {  	v47 =	vbroadcast v18, $0x0;
	v18 =	vbroadcast v18, $0x7  }
0x122: {  	v19 =	vmul.f32 v19, v13;
	v20 =	vmul.f32 v20, v14  }
0x123: {  	v23 =	vmul.f32 v23, v9;
	v24 =	vmul.f32 v24, v10  }
0x124: {  	v27 =	vmul.f32 v27, v2;
	v28 =	vmul.f32 v28, v3  }
0x125: {  	v33 =	vmul.f32 v47, v1;
	v29 =	vmul.f32 v29, v4  }
0x126: {  	v31 =	vmul.f32 v31, v6;
	v32 =	vmul.f32 v46, v7  }
0x127: {  	v30 =	vmul.f32 v30, v5;
	v18 =	vmul.f32 v18, v8;
	v33 =	vadd.f32 v33, v17  }
0x128: {  	v25 =	vmul.f32 v25, v11;
	v27 =	vadd.f32 v31, v27;
	v28 =	vadd.f32 v32, v28  }
0x129: {  	v26 =	vmul.f32 v26, v12;
	v18 =	vadd.f32 v18, v29;
	v30 =	vadd.f32 v33, v30  }
0x12a: {  	v21 =	vmul.f32 v21, v15;
	v24 =	vadd.f32 v27, v24;
	v25 =	vadd.f32 v28, v25  }
0x12b: {  	v22 =	vmul.f32 v22, v16;
	v18 =	vadd.f32 v18, v26;
	v23 =	vadd.f32 v30, v23  }
0x12c: {  	v20 =	vadd.f32 v24, v20;
	v21 =	vadd.f32 v25, v21  }
0x12d: {  	v18 =	vadd.f32 v18, v22;
	v19 =	vadd.f32 v23, v19;
	_ =	sdelay $0x1  }
0x12e: {  	s25 =	simm.s32 $0x0;
	v18 =	vadd.f32 v18, v21;
	v19 =	vadd.f32 v19, v20  }
0x12f: {  	v48 =	vld [tilespmem:s25+$0x9A80]  }
0x130: {  	v52 =	vld [tilespmem:s25+$0x9A50];
	v18 =	vadd.f32 v19, v18  }
0x131: {  	v54 =	vld [tilespmem:s25+$0x9A60]  }
0x132: {  	v41 =	vld [tilespmem:s25+$0x9A30];
	v18 =	vmax.f32 v18, $0.0e+00  }
0x133: {  	v45 =	vld [tilespmem:s25+$0x9A90];
	v24 =	vbroadcast v18, $0xC;
	v25 =	vbroadcast v18, $0xD  }
0x134: {  	v22 =	vld [tilespmem:s25+$0x9AC0];
	v27 =	vbroadcast v18, $0xE;
	v28 =	vbroadcast v18, $0xF  }
0x135: {  	v20 =	vld [tilespmem:s25+$0x9AF0];
	v30 =	vbroadcast v18, $0x8;
	v31 =	vbroadcast v18, $0x9  }
0x136: {  	v19 =	vld [tilespmem:s25+$0x9B00];
	v49 =	vbroadcast v18, $0xA;
	v50 =	vbroadcast v18, $0xB  }
0x137: {  	v21 =	vld [tilespmem:s25+$0x9AB0];
	v51 =	vbroadcast v18, $0x1;
	v53 =	vbroadcast v18, $0x2  }
0x138: {  	v29 =	vld [tilespmem:s25+$0x9A40];
	v55 =	vbroadcast v18, $0x3;
	v56 =	vbroadcast v18, $0x4  }
0x139: {  	s21 =	simm.s32 $0x10470;
	v26 =	vld [tilespmem:s25+$0x9A70];
	v42 =	vbroadcast v18, $0x5;
	v43 =	vbroadcast v18, $0x6  }
0x13a: {  	v23 =	vld [tilespmem:s21+$0x0];
	v44 =	vbroadcast v18, $0x0;
	v18 =	vbroadcast v18, $0x7  }
0x13b: {  	v46 =	vld [tilespmem:s25+$0x9AA0];
	v20 =	vmul.f32 v20, v24;
	v19 =	vmul.f32 v19, v25  }
0x13c: {  	v21 =	vmul.f32 v21, v30;
	v22 =	vmul.f32 v22, v31;
	v24 =	vld [tilespmem:s25+$0x9AD0]  }
0x13d: {  	v25 =	vmul.f32 v51, v29;
	v30 =	vld [tilespmem:s25+$0x9AE0];
	v31 =	vmul.f32 v44, v41  }
0x13e: {  	v58 =	vld [tilespmem:s25+$0x9B10];
	v29 =	vmul.f32 v53, v52;
	v32 =	vmul.f32 v42, v48  }
0x13f: {  	v60 =	vld [tilespmem:s25+$0x9B20];
	v59 =	vmul.f32 v43, v45;
	v26 =	vmul.f32 v56, v26;
	v23 =	vadd.f32 v31, v23  }
0x140: {  	v57 =	vmul.f32 v55, v54;
	v18 =	vmul.f32 v18, v46;
	v25 =	vadd.f32 v32, v25  }
0x141: {  	v29 =	vadd.f32 v59, v29;
	v23 =	vadd.f32 v23, v26  }
0x142: {  	v18 =	vadd.f32 v18, v57;
	v24 =	vmul.f32 v24, v49;
	v26 =	vmul.f32 v30, v50  }
0x143: {  	v22 =	vadd.f32 v22, v25;
	v25 =	vmul.f32 v58, v27;
	v21 =	vadd.f32 v23, v21  }
0x144: {  	v23 =	vmul.f32 v60, v28;
	v24 =	vadd.f32 v24, v29;
	v18 =	vadd.f32 v26, v18  }
0x145: {  	v19 =	vadd.f32 v19, v22;
	v20 =	vadd.f32 v20, v21  }
0x146: {  	v22 =	vadd.f32 v25, v24;
	v18 =	vadd.f32 v23, v18;
	_ =	sdelay $0x1  }
0x147: {  	v19 =	vadd.f32 v19, v20;
	v18 =	vadd.f32 v18, v22;
	_ =	sdelay $0x1  }
0x148: {  	v18 =	vadd.f32 v18, v19  }
0x149: {  	s22 =	simm.s32 $0x110F0  }
0x14a: {  	s23 =	simm.s32 $0x3000;
	[tilespmem:s22+$0x0] =	vst v18  }
0x14b: {  	v21 =	vld [tilespmem:s23+$0x0];
	_ =	sdelay $0x4  }
0x14c: {  	v23 =	vbroadcast v21, $0xC;
	v24 =	vbroadcast v21, $0xD  }
0x14d: {  	v19 =	vbroadcast v21, $0xE;
	v18 =	vbroadcast v21, $0xF  }
0x14e: {  	v25 =	vbroadcast v21, $0x8;
	v26 =	vbroadcast v21, $0x9  }
0x14f: {  	v22 =	vbroadcast v21, $0xA;
	v20 =	vbroadcast v21, $0xB  }
0x150: {  	v27 =	vbroadcast v21, $0x1;
	v28 =	vbroadcast v21, $0x2  }
0x151: {  	v29 =	vbroadcast v21, $0x3;
	v61 =	vbroadcast v21, $0x4  }
0x152: {  	v30 =	vbroadcast v21, $0x5;
	v31 =	vbroadcast v21, $0x6  }
0x153: {  	v62 =	vbroadcast v21, $0x0;
	v63 =	vbroadcast v21, $0x7  }
0x154: {  	v21 =	vmul.f32 v23, v13;
	v23 =	vmul.f32 v24, v14  }
0x155: {  	v24 =	vmul.f32 v25, v9;
	v25 =	vmul.f32 v26, v10  }
0x156: {  	v27 =	vmul.f32 v27, v2;
	v28 =	vmul.f32 v28, v3  }
0x157: {  	v33 =	vmul.f32 v62, v1;
	v26 =	vmul.f32 v29, v4  }
0x158: {  	v30 =	vmul.f32 v30, v6;
	v31 =	vmul.f32 v31, v7  }
0x159: {  	s24 =	simm.s32 $0x400;
	s25 =	simm.s32 $0x800;
	v32 =	vmul.f32 v61, v5;
	v29 =	vadd.f32 v33, v17;
	v33 =	vmul.f32 v63, v8  }
.LBB2_7:
0x15a: {  	p1 =	sne.s32 s25, $0x18C00;
	v27 =	vadd.f32 v30, v27;
	v28 =	vadd.f32 v31, v28;
	v22 =	vmul.f32 v22, v11  }
0x15b: {  	v20 =	vmul.f32 v20, v12;
	v29 =	vadd.f32 v29, v32;
	v26 =	vadd.f32 v33, v26  }
0x15c: {  	v19 =	vmul.f32 v19, v15;
	v25 =	vadd.f32 v27, v25;
	v22 =	vadd.f32 v28, v22  }
0x15d: {  	v18 =	vmul.f32 v18, v16;
	v24 =	vadd.f32 v29, v24;
	v20 =	vadd.f32 v26, v20  }
0x15e: {  	v23 =	vadd.f32 v25, v23;
	v19 =	vadd.f32 v22, v19  }
0x15f: {  	v21 =	vadd.f32 v24, v21;
	v18 =	vadd.f32 v20, v18;
	_ =	sdelay $0x1  }
0x160: {  	s11 =	sshra.s32 s24, $0x2;
	s24 =	smov.u32 s25;
	v20 =	vadd.f32 v21, v23;
	v18 =	vadd.f32 v18, v19  }
0x161: {  	v19 =	vld [tilespmem:s11+$0x9AF0]  }
0x162: {  	v18 =	vadd.f32 v20, v18;
	v20 =	vld [tilespmem:s11+$0x9B00]  }
0x163: {  	v21 =	vld [tilespmem:s11+$0x9AB0]  }
0x164: {  	s21 =	sadd.s32 $0x10, s21;
	v18 =	vmax.f32 v18, $0.0e+00;
	v22 =	vld [tilespmem:s11+$0x9AC0]  }
0x165: {  	v23 =	vld [tilespmem:s21+$0x0];
	v24 =	vbroadcast v18, $0xC;
	v25 =	vbroadcast v18, $0xD  }
0x166: {  	v27 =	vbroadcast v18, $0xE;
	v28 =	vbroadcast v18, $0xF;
	v26 =	vld [tilespmem:s11+$0x9A70]  }
0x167: {  	v30 =	vbroadcast v18, $0x8;
	v31 =	vbroadcast v18, $0x9;
	v29 =	vld [tilespmem:s11+$0x9A40]  }
0x168: {  	v33 =	vbroadcast v18, $0xA;
	v34 =	vbroadcast v18, $0xB;
	v32 =	vld [tilespmem:s11+$0x9A80]  }
0x169: {  	v35 =	vbroadcast v18, $0x1;
	v37 =	vbroadcast v18, $0x2;
	v36 =	vld [tilespmem:s11+$0x9A50]  }
0x16a: {  	v39 =	vbroadcast v18, $0x3;
	v40 =	vbroadcast v18, $0x4;
	v38 =	vld [tilespmem:s11+$0x9A60]  }
0x16b: {  	v42 =	vbroadcast v18, $0x5;
	v43 =	vbroadcast v18, $0x6;
	v41 =	vld [tilespmem:s11+$0x9A30]  }
0x16c: {  	v44 =	vbroadcast v18, $0x0;
	v18 =	vbroadcast v18, $0x7;
	v45 =	vld [tilespmem:s11+$0x9A90]  }
0x16d: {  	v19 =	vmul.f32 v19, v24;
	v20 =	vmul.f32 v20, v25;
	v46 =	vld [tilespmem:s11+$0x9AA0]  }
0x16e: {  	v21 =	vmul.f32 v21, v30;
	v22 =	vmul.f32 v22, v31;
	v24 =	vld [tilespmem:s11+$0x9AD0]  }
0x16f: {  	v25 =	vmul.f32 v35, v29;
	v29 =	vmul.f32 v37, v36;
	v30 =	vld [tilespmem:s11+$0x9AE0]  }
0x170: {  	v35 =	vmul.f32 v39, v38;
	v31 =	vmul.f32 v44, v41;
	v36 =	vld [tilespmem:s11+$0x9B10]  }
0x171: {  	v32 =	vmul.f32 v42, v32;
	v37 =	vmul.f32 v43, v45;
	v38 =	vld [tilespmem:s11+$0x9B20]  }
0x172: {  	v26 =	vmul.f32 v40, v26;
	v23 =	vadd.f32 v31, v23;
	v18 =	vmul.f32 v18, v46  }
0x173: {  	v25 =	vadd.f32 v32, v25;
	v29 =	vadd.f32 v37, v29;
	v24 =	vmul.f32 v24, v33  }
0x174: {  	v23 =	vadd.f32 v23, v26;
	v18 =	vadd.f32 v18, v35;
	v26 =	vmul.f32 v30, v34  }
0x175: {  	v22 =	vadd.f32 v22, v25;
	v24 =	vadd.f32 v24, v29;
	v25 =	vmul.f32 v36, v27  }
0x176: {  	v21 =	vadd.f32 v23, v21;
	v18 =	vadd.f32 v26, v18;
	v23 =	vmul.f32 v38, v28  }
0x177: {  	v20 =	vadd.f32 v20, v22;
	v22 =	vadd.f32 v25, v24  }
0x178: {  	v19 =	vadd.f32 v19, v21;
	v18 =	vadd.f32 v23, v18;
	_ =	sdelay $0x1  }
0x179: {  	v19 =	vadd.f32 v20, v19;
	v18 =	vadd.f32 v18, v22;
	_ =	sdelay $0x1  }
0x17a: {  	v18 =	vadd.f32 v18, v19  }
0x17b: {  	s22 =	sadd.s32 $0x10, s22  }
0x17c: {  	s23 =	sadd.s32 $0x10, s23;
	[tilespmem:s22+$0x0] =	vst v18  }
0x17d: {  	v21 =	vld [tilespmem:s23+$0x0];
	_ =	sdelay $0x4  }
0x17e: {  	v23 =	vbroadcast v21, $0xC;
	v24 =	vbroadcast v21, $0xD  }
0x17f: {  	v19 =	vbroadcast v21, $0xE;
	v18 =	vbroadcast v21, $0xF  }
0x180: {  	v25 =	vbroadcast v21, $0x8;
	v26 =	vbroadcast v21, $0x9  }
0x181: {  	v22 =	vbroadcast v21, $0xA;
	v20 =	vbroadcast v21, $0xB  }
0x182: {  	v27 =	vbroadcast v21, $0x1;
	v28 =	vbroadcast v21, $0x2  }
0x183: {  	v29 =	vbroadcast v21, $0x3;
	v32 =	vbroadcast v21, $0x4  }
0x184: {  	v30 =	vbroadcast v21, $0x5;
	v31 =	vbroadcast v21, $0x6  }
0x185: {  	v33 =	vbroadcast v21, $0x0;
	v34 =	vbroadcast v21, $0x7  }
0x186: {  	v21 =	vmul.f32 v23, v13;
	v23 =	vmul.f32 v24, v14  }
.Ltmp4:
0x187: {  	v24 =	vmul.f32 v25, v9;
	v25 =	vmul.f32 v26, v10;
	(pc) =	sbr.rel @p1 .LBB2_7-.Ltmp4, $4  }
0x188: {  	v27 =	vmul.f32 v27, v2;
	v28 =	vmul.f32 v28, v3  }
0x189: {  	v33 =	vmul.f32 v33, v1;
	v26 =	vmul.f32 v29, v4  }
0x18a: {  	v30 =	vmul.f32 v30, v6;
	v31 =	vmul.f32 v31, v7  }
0x18b: {  	s25 =	sadd.s32 $0x400, s25;
	v32 =	vmul.f32 v32, v5;
	v29 =	vadd.f32 v33, v17;
	v33 =	vmul.f32 v34, v8  }
0x18c: {  	v27 =	vadd.f32 v30, v27;
	v28 =	vadd.f32 v31, v28;
	v22 =	vmul.f32 v22, v11  }
0x18d: {  	v20 =	vmul.f32 v20, v12;
	v29 =	vadd.f32 v29, v32;
	v26 =	vadd.f32 v33, v26  }
0x18e: {  	v19 =	vmul.f32 v19, v15;
	v25 =	vadd.f32 v27, v25;
	v22 =	vadd.f32 v28, v22  }
0x18f: {  	v18 =	vmul.f32 v18, v16;
	v24 =	vadd.f32 v29, v24;
	v20 =	vadd.f32 v26, v20  }
0x190: {  	v23 =	vadd.f32 v25, v23;
	v19 =	vadd.f32 v22, v19  }
0x191: {  	v21 =	vadd.f32 v24, v21;
	v18 =	vadd.f32 v20, v18;
	_ =	sdelay $0x1  }
0x192: {  	s11 =	sshra.s32 s24, $0x2;
	v54 =	vadd.f32 v21, v23;
	v18 =	vadd.f32 v18, v19  }
0x193: {  	v55 =	vld [tilespmem:s11+$0x9B00]  }
0x194: {  	v56 =	vld [tilespmem:s11+$0x9AB0];
	v18 =	vadd.f32 v54, v18  }
0x195: {  	v57 =	vld [tilespmem:s11+$0x9AC0]  }
0x196: {  	v60 =	vld [tilespmem:s11+$0x9A70];
	v18 =	vmax.f32 v18, $0.0e+00  }
0x197: {  	v62 =	vld [tilespmem:s11+$0x9A40];
	v58 =	vbroadcast v18, $0xC;
	v59 =	vbroadcast v18, $0xD  }
0x198: {  	v49 =	vld [tilespmem:s11+$0x9A80];
	v61 =	vbroadcast v18, $0xE;
	v28 =	vbroadcast v18, $0xF  }
0x199: {  	v36 =	vld [tilespmem:s11+$0x9A50];
	v63 =	vbroadcast v18, $0x8;
	v48 =	vbroadcast v18, $0x9  }
0x19a: {  	v19 =	vld [tilespmem:s11+$0x9AF0];
	v50 =	vbroadcast v18, $0xA;
	v34 =	vbroadcast v18, $0xB  }
0x19b: {  	v38 =	vld [tilespmem:s11+$0x9A60];
	v35 =	vbroadcast v18, $0x1;
	v37 =	vbroadcast v18, $0x2  }
0x19c: {  	v41 =	vld [tilespmem:s11+$0x9A30];
	v39 =	vbroadcast v18, $0x3;
	v40 =	vbroadcast v18, $0x4  }
0x19d: {  	v45 =	vld [tilespmem:s11+$0x9A90];
	v42 =	vbroadcast v18, $0x5;
	v43 =	vbroadcast v18, $0x6  }
0x19e: {  	s21 =	sadd.s32 $0x10, s21;
	v46 =	vld [tilespmem:s11+$0x9AA0];
	v44 =	vbroadcast v18, $0x0;
	v18 =	vbroadcast v18, $0x7  }
0x19f: {  	v23 =	vld [tilespmem:s21+$0x0];
	v19 =	vmul.f32 v19, v58;
	v20 =	vmul.f32 v55, v59  }
0x1a0: {  	v51 =	vld [tilespmem:s11+$0x9AD0];
	v21 =	vmul.f32 v56, v63;
	v22 =	vmul.f32 v57, v48  }
0x1a1: {  	v54 =	vld [tilespmem:s11+$0x9AE0];
	v52 =	vmul.f32 v35, v62;
	v53 =	vmul.f32 v37, v36  }
0x1a2: {  	v55 =	vmul.f32 v44, v41;
	v56 =	vmul.f32 v39, v38;
	v57 =	vld [tilespmem:s11+$0x9B10]  }
0x1a3: {  	v32 =	vmul.f32 v42, v49;
	v58 =	vmul.f32 v43, v45;
	v59 =	vld [tilespmem:s11+$0x9B20]  }
0x1a4: {  	v26 =	vmul.f32 v40, v60;
	v18 =	vmul.f32 v18, v46;
	v23 =	vadd.f32 v55, v23  }
0x1a5: {  	v24 =	vmul.f32 v51, v50;
	v25 =	vadd.f32 v32, v52;
	v29 =	vadd.f32 v58, v53  }
0x1a6: {  	v60 =	vmul.f32 v54, v34;
	v18 =	vadd.f32 v18, v56;
	v23 =	vadd.f32 v23, v26  }
0x1a7: {  	v22 =	vadd.f32 v22, v25;
	v24 =	vadd.f32 v24, v29;
	v61 =	vmul.f32 v57, v61  }
0x1a8: {  	v18 =	vadd.f32 v60, v18;
	v62 =	vmul.f32 v59, v28;
	v21 =	vadd.f32 v23, v21  }
0x1a9: {  	v20 =	vadd.f32 v20, v22;
	v63 =	vadd.f32 v61, v24  }
0x1aa: {  	v18 =	vadd.f32 v62, v18;
	v19 =	vadd.f32 v19, v21;
	_ =	sdelay $0x1  }
0x1ab: {  	v18 =	vadd.f32 v18, v63;
	v19 =	vadd.f32 v20, v19;
	_ =	sdelay $0x1  }
0x1ac: {  	v18 =	vadd.f32 v18, v19  }
0x1ad: {  	s24 =	sadd.s32 $0x10, s22  }
.Ltmp5:
0x1ae: {  	s25 =	sadd.s32 $0x14B8, s20;
	[tilespmem:s24+$0x0] =	vst v18;
	(pc) =	sbr.rel @p0 .LBB2_10-.Ltmp5, $4  }
0x1af: {  	[spmem:s3] =	stream.indirect.scatter.add.f32 [tilespmem:s17], [sflag:$0x7], $0x10, s25, s1, $0xb8;
	[tilespmem:$0x14330] =	vst v63  }
0x1b0: {  	_ =	swait.ge [sflag:s26], $0x640  }
0x1b1: {  	[sflag:s26] =	ssyncset.done $0x0  }
0x1b2: {  	[sflag:s26] =	ssyncadd.s32 $0xFFFFF9C0  }
0x1b3: {  	s11 =	sadd.s32 $0x3, s30  }
0x1b4: {  	s20 =	smul.u32 $0x1A0, s11;
	_ =	sdelay $0x1  }
0x1b5: {  	s11 =	smul.u32 $0x640, s11;
	s20 =	sshra.s32 s20, $0x2  }
0x1b6: {  	[tilespmem:s2], [sflag:$0x2] =	stream.indirect.gather [hbm4b:s5+s1], $0x100, s20, s1, $0xb8;
	[tilespmem:$0x14330] =	vst v63  }
.Ltmp6:
0x1b7: {  	s11 =	sadd.s32 s9, s11;
	(pc) =	sbr.rel .LBB2_4-.Ltmp6, $4  }
0x1b8: {  	s11 =	sshrl.u32 s11, $0x3  }
0x1b9: {  	[tilespmem:s28], [sflag:$0x4] =	stream.indirect.gather [hbm4b:s6+s1], $0x10, s20, s1, $0xb8;
	[tilespmem:$0x14330] =	vst v63  }
0x1ba: {  	s19 =	sadd.s32 $0x1, s19;
	s11 =	sadd.s32 s7, s11  }
0x1bb: {  	[tilespmem:s29], [sflag:$0x6] =	stream.linear.gather [hbm4b:s11+s4], $0x640, $0x38;
	[tilespmem:$0x14330] =	vst v63  }
.LBB2_11:
0x1bc: {  	_ =	sfence.sel $0x180000  }
0x1bd: {  	[bflag:$0x0] =	sbarrier.arrive $0xFFFF  }
0x1be: {  	_ =	strace $0x9000004A  }
0x1bf: {  	s0 =	stileid.u32;
	[bflag:$0x2] =	sbarrier.arrive $0xFFFF  }
0x1c0: {  	p0 =	sne.s32 s0, $0x0;
	s0 =	rddreg [dreg:$0x3]  }
0x1c1: {  	s0 =	sadd.s32 @!p0 $0x100000, s0  }
0x1c2: {  	[sflag:s0] =	ssyncadd.tile.s32 @!p0 $0x1;
	_ =	shalt  }
.Lfunc_end2:
_tile_overlayer_lowered:
.L_overlay_start_2:
0x1c3: {  	(tag) =	ssettag $0x2  }
0x1c4: {  	s0 =	rddreg [dreg:$0x0];
	s2 =	stileid.u32  }
0x1c5: {  	s1 =	rddreg [dreg:$0x1];
	p0 =	sne.s32 s2, $0x0  }
0x1c6: {  	s3 =	rddreg [dreg:$0x2];
	[bflag:$0x3] =	sbarrier.arrive $0xFFFF;
	s2 =	simm.s32 @!p0 $0x1C07  }
0x1c7: {  	[timem:s3], [sflag:s2] =	dma.local @!p0 [hbm:s0], s1  }
0x1c8: {  	s0 =	simm.s32 @!p0 $0x7  }
0x1c9: {  	_ =	swait.ge @!p0 [sflag:s0], s1  }
0x1ca: {  	s1 =	ssub.s32 @!p0 $0x0, s1;
	[sflag:s0] =	ssyncset.done @!p0 $0x0  }
0x1cb: {  	[sflag:s0] =	ssyncadd.s32 @!p0 s1  }
0x1cc: {  	[bflag:$0x3] =	sbarrier.arrive $0xFFFF  }
0x1cd: {  	_ =	shalt  }

// kernel: kernel.7.cloned.1.call-start
scs
__scs_entry_jumppad:
0x0: {  	(pc) =	sbr.rel $0x88, $3  }
0x1: {  	(tag) =	ssettag $0x0;
	lr =	simm.s32 $0x1  }
0x2: {  	[smem:$0x3F90] =	sst lr;
	_ =	strace $0xD0000000  }
0x3: {  	_ = 	snop  }
0x4: {  	_ = 	snop  }
0x5: {  	_ = 	snop  }
0x6: {  	_ = 	snop  }
0x7: {  	_ = 	snop  }
__scs_overlays_trampoline_lowered:
0x8: {  	[smem:$0x3F9F] =	sst s0  }
0x9: {  	[smem:$0x3FA0] =	sst s1  }
0xa: {  	[smem:$0x3FA1] =	sst s2  }
0xb: {  	[smem:$0x3FA2] =	sst s3  }
0xc: {  	[smem:$0x3FA3] =	sst s4  }
0xd: {  	[smem:$0x3FA4] =	sst s5  }
0xe: {  	[smem:$0x3FA5] =	sst s6  }
0xf: {  	[smem:$0x3FA6] =	sst s7  }
0x10: {  	[smem:$0x3FA7] =	sst s8  }
0x11: {  	[smem:$0x3FA8] =	sst s9;
	s0 =	simm.s32 @!p0 $0x0  }
0x12: {  	s1 =	sld [smem:$0x3F8E];
	s0 =	simm.s32 @p0 $0x1  }
0x13: {  	[smem:$0x3FA9] =	sst s0;
	s0 =	simm.s32 @!p1 $0x0  }
0x14: {  	s2 =	sld [smem:$0x3F8D];
	s0 =	simm.s32 @p1 $0x1  }
0x15: {  	[smem:$0x3FAA] =	sst s0;
	s0 =	simm.s32 @!p2 $0x0  }
0x16: {  	s3 =	sld [smem:$0x3FDB];
	s0 =	simm.s32 @p2 $0x1  }
0x17: {  	s4 =	simm.s32 $0x1BF5;
	[smem:$0x3FAC] =	sst s0  }
0x18: {  	s0 =	sld [smem:$0x3F8F];
	_ =	swait.ge [sflag:s4], $0x0  }
0x19: {  	s7 =	sld [smem:$0x3F90]  }
0x1a: {  	s8 =	sadd.s32 $0xFFFFE003, lr  }
0x1b: {  	s9 =	sadd.s32 $0xFFFFFEF7, lr;
	s5 =	simm.s32 $0xFFFFFFFF;
	p2 =	slt.u32 s8, $0xFFFFF086  }
0x1c: {  	p1 =	slt.u32 s9, $0xF7A;
	s5 =	simm.s32 @!p2 $0x0  }
0x1d: {  	s5 =	simm.s32 @p1 $0x1;
	p0 =	seq.s32 s7, s2  }
0x1e: {  	s7 =	smul.u32 @!p0 $0xF7A, s2;
	p2 =	seq.s32 @!p0 s5, $0x0  }
0x1f: {  	s9 =	smul.u32 $0xF7A, s1;
	s8 =	simm.s32 @!p0 $0x1BF5;
	p2 =	por !p2, p0  }
0x20: {  	[sflag:s8] =	ssyncset.s32 @!p0 $0xFFFFF086;
	s6 =	sadd.s32 @!p0 s3, s7;
	s7 =	simm.s32 @!p0 $0x108  }
0x21: {  	s3 =	sadd.s32 s3, s9;
	s6 =	sadd.s32 @!p0 $0x88, s6;
	s7 =	simm.s32 @p2 $0x1082  }
0x22: {  	[simem:s7], [sflag:s8] =	dma.local @!p0 [hbm:s6], $0xF7A  }
0x23: {  	s9 =	sor.u32 $0xD0000000, s2;
	s6 =	simm.s32 $0x108;
	_ =	swait.ge @!p0 [sflag:s8], $0x0  }
0x24: {  	s3 =	sadd.s32 $0x88, s3;
	s6 =	simm.s32 @!p1 $0x1082;
	[sflag:s4] =	ssyncset.s32 $0xFFFFF086  }
0x25: {  	[simem:s6], [sflag:s4] =	dma.local [hbm:s3], $0xF7A  }
0x26: {  	[smem:$0x3F90] =	sst s1;
	(tag) =	ssettag s2;
	_ =	strace s9  }
0x27: {  	s1 =	sld [smem:$0x3FA0]  }
0x28: {  	s2 =	sld [smem:$0x3FA1]  }
0x29: {  	s4 =	sld [smem:$0x3FA3]  }
0x2a: {  	p0 =	seq.s32 s5, $0x0;
	s5 =	sld [smem:$0x3FA4]  }
0x2b: {  	s6 =	sld [smem:$0x3FA5]  }
0x2c: {  	s7 =	sld [smem:$0x3FA6]  }
0x2d: {  	s3 =	simm.s32 $0x108;
	s8 =	sld [smem:$0x3FA7]  }
0x2e: {  	s3 =	simm.s32 @!p0 $0x1082;
	s9 =	sld [smem:$0x3FA8]  }
0x2f: {  	lr =	sadd.s32 s0, s3;
	s0 =	sld [smem:$0x3F9F]  }
0x30: {  	s3 =	sld [smem:$0x3FA2]  }
0x31: {  	[smem:$0x3FAB] =	sst s10  }
0x32: {  	s10 =	sld [smem:$0x3FA9];
	_ =	sdelay $0x3  }
0x33: {  	p0 =	seq.s32 s10, $0x1;
	s10 =	sld [smem:$0x3FAB];
	_ =	sdelay $0x3  }
0x34: {  	[smem:$0x3FAB] =	sst s10  }
0x35: {  	s10 =	sld [smem:$0x3FAA];
	_ =	sdelay $0x3  }
0x36: {  	p1 =	seq.s32 s10, $0x1;
	s10 =	sld [smem:$0x3FAB];
	_ =	sdelay $0x3  }
0x37: {  	[smem:$0x3FAB] =	sst s10  }
0x38: {  	s10 =	sld [smem:$0x3FAC]  }
0x39: {  	_ = 	snop;
	(pc) =	sbr.ind lr, $3  }
0x3a: {  	_ = 	snop  }
0x3b: {  	_ = 	snop  }
0x3c: {  	p2 =	seq.s32 s10, $0x1;
	s10 =	sld [smem:$0x3FAB]  }
0x3d: {  	_ =	shalt  }
0x3e: {  	_ =	shalt  }
0x3f: {  	_ =	shalt  }
0x40: {  	_ =	shalt  }
0x41: {  	_ =	shalt  }
0x42: {  	_ =	shalt  }
0x43: {  	_ =	shalt  }
0x44: {  	_ =	shalt  }
0x45: {  	_ =	shalt  }
0x46: {  	_ =	shalt  }
0x47: {  	_ =	shalt  }
0x48: {  	_ =	shalt  }
0x49: {  	_ =	shalt  }
0x4a: {  	_ =	shalt  }
0x4b: {  	_ =	shalt  }
0x4c: {  	_ =	shalt  }
0x4d: {  	_ =	shalt  }
0x4e: {  	_ =	shalt  }
0x4f: {  	_ =	shalt  }
0x50: {  	_ =	shalt  }
0x51: {  	_ =	shalt  }
0x52: {  	_ =	shalt  }
0x53: {  	_ =	shalt  }
0x54: {  	_ =	shalt  }
0x55: {  	_ =	shalt  }
0x56: {  	_ =	shalt  }
0x57: {  	_ =	shalt  }
0x58: {  	_ =	shalt  }
0x59: {  	_ =	shalt  }
0x5a: {  	_ =	shalt  }
0x5b: {  	_ =	shalt  }
0x5c: {  	_ =	shalt  }
0x5d: {  	_ =	shalt  }
0x5e: {  	_ =	shalt  }
0x5f: {  	_ =	shalt  }
0x60: {  	_ =	shalt  }
0x61: {  	_ =	shalt  }
0x62: {  	_ =	shalt  }
0x63: {  	_ =	shalt  }
0x64: {  	_ =	shalt  }
0x65: {  	_ =	shalt  }
0x66: {  	_ =	shalt  }
0x67: {  	_ =	shalt  }
0x68: {  	_ =	shalt  }
0x69: {  	_ =	shalt  }
0x6a: {  	_ =	shalt  }
0x6b: {  	_ =	shalt  }
0x6c: {  	_ =	shalt  }
0x6d: {  	_ =	shalt  }
0x6e: {  	_ =	shalt  }
0x6f: {  	_ =	shalt  }
0x70: {  	_ =	shalt  }
0x71: {  	_ =	shalt  }
0x72: {  	_ =	shalt  }
0x73: {  	_ =	shalt  }
0x74: {  	_ =	shalt  }
0x75: {  	_ =	shalt  }
0x76: {  	_ =	shalt  }
0x77: {  	_ =	shalt  }
0x78: {  	_ =	shalt  }
0x79: {  	_ =	shalt  }
0x7a: {  	_ =	shalt  }
0x7b: {  	_ =	shalt  }
0x7c: {  	_ =	shalt  }
0x7d: {  	_ =	shalt  }
0x7e: {  	_ =	shalt  }
0x7f: {  	_ =	shalt  }
0x80: {  	_ =	shalt  }
0x81: {  	_ =	shalt  }
0x82: {  	_ =	shalt  }
0x83: {  	_ =	shalt  }
0x84: {  	_ =	shalt  }
0x85: {  	_ =	shalt  }
0x86: {  	_ =	shalt  }
0x87: {  	_ =	shalt  }
.Lfunc_end0:
.L_simem_size_0:
called_computation_lowered:
.L_overlay_start_0:
0x88: {  	s2 =	sld [smem:$0x3FD9]  }
0x89: {  	s3 =	sld [smem:$0x3FFE];
	_ =	sdelay $0x1  }
0x8a: {  	s1 =	srdreg.scid  }
0x8b: {  	s0 =	sand.u32 $0x1, s1  }
0x8c: {  	s17 =	sshll.u32 s0, $0xA;
	s2 =	sadd.s32 s3, s2  }
0x8d: {  	s2 =	sadd.s32 s2, s17  }
0x8e: {  	[smem:$0x3FB7] =	sst s2  }
0x8f: {  	_ = 	snop  }
0x90: {  	s2 =	sld [smem:$0x3FC5]  }
0x91: {  	s18 =	sld [smem:$0x3FD0];
	(tm) =	ssettm $0x1  }
0x92: {  	s4 =	sld [smem:$0x3FFB];
	_ =	sdelay $0x3  }
0x93: {  	_ =	strace s4  }
0x94: {  	s4 =	sld [smem:$0x3FFC];
	_ =	sdelay $0x3  }
0x95: {  	_ =	strace s4  }
0x96: {  	s4 =	sld [smem:$0x3FFD];
	_ =	sdelay $0x3  }
0x97: {  	_ =	strace s4  }
0x98: {  	_ =	strace $0x8FFFFFFF  }
0x99: {  	s19 =	sld [smem:$0x3FDB];
	_ =	sdelay $0x1  }
0x9a: {  	s5 =	simm.s32 $_scs_section_size  }
0x9b: {  	s6 =	simm.s32 $_size__tile_overlayer_lowered;
	s7 =	simm.s32 $_tile_overlayer_lowered  }
0x9c: {  	s22 =	simm.s32 $0x1BFF;
	s21 =	sshll.u32 s7, $0x1;
	s4 =	sadd.s32 s5, s19  }
0x9d: {  	s8 =	simm.s32 $0x0;
	s20 =	sshll.u32 s6, $0x1;
	s6 =	sadd.s32 s21, s4  }
0x9e: {  	[timem:s8], [sflag:s22] =	dma.local [hbm:s6], s20  }
0x9f: {  	_ =	swait.ge [sflag:s22], s20  }
0xa0: {  	s5 =	ssub.s32 $0x0, s20;
	[sflag:s22] =	ssyncset.done $0x0  }
0xa1: {  	[sflag:s22] =	ssyncadd.s32 s5;
	_ =	sdelay $0x1  }
0xa2: {  	s23 =	simm.s32 $0x1B8B  }
0xa3: {  	_ =	swait.ge [sflag:s23], $0x1  }
0xa4: {  	[sflag:s23] =	ssyncset.done $0x0  }
0xa5: {  	s25 =	simm.s32 $0x1B8E;
	s24 =	sld [smem:$0x3FFE];
	[sflag:s23] =	ssyncadd.s32 $0xFFFFFFFF  }
0xa6: {  	s26 =	simm.s32 $execute0_lowered;
	[smem:$0x3FD2] =	sst s25  }
0xa7: {  	s6 =	sshll.u32 s26, $0x1;
	_ =	strace $0x80000046;
	[dreg:$0x1] =	wrdreg $0xFFFFFFFF  }
0xa8: {  	s28 =	simm.s32 $_size_execute0_lowered;
	s4 =	sadd.s32 s4, s6;
	[dreg:$0x0] =	wrdreg $0x0  }
0xa9: {  	s6 =	sshll.u32 s28, $0x1;
	[dreg:$0x2] =	wrdreg s4  }
0xaa: {  	[dreg:$0x3] =	wrdreg s6  }
0xab: {  	[dreg:$0x4] =	wrdreg $0xC0  }
0xac: {  	_ =	task [dreg:s8], $0x5FFFF  }
0xad: {  	[dreg:$0x1] =	wrdreg $0xFFFFFFFF  }
0xae: {  	[dreg:$0x0] =	wrdreg $0x60  }
0xaf: {  	[dreg:$0x2] =	wrdreg s24  }
0xb0: {  	[dreg:$0x3] =	wrdreg s18  }
0xb1: {  	[dreg:$0x4] =	wrdreg s2  }
0xb2: {  	[dreg:$0x5] =	wrdreg $0x11B300  }
0xb3: {  	[dreg:$0x6] =	wrdreg $0x9  }
0xb4: {  	_ =	task.clear_ibuf [dreg:s8], $0x7FFFF;
	_ =	strace $0x90000046  }
0xb5: {  	s29 =	simm.s32 $0x9;
	_ =	strace $0x80000048  }
0xb6: {  	_ =	swait.ge [sflag:s29], $0x1  }
0xb7: {  	[sflag:s29] =	ssyncadd.s32 $0xFFFFFFFF  }
0xb8: {  	_ =	strace $0x90000048  }
0xb9: {  	_ =	sfence  }
0xba: {  	s30 =	sld [smem:$0x0];
	_ =	sdelay $0x2  }
0xbb: {  	s31 =	sshll.u32 s1, $0xD;
	s1 =	sshrl.u32 s1, $0x2  }
0xbc: {  	s3 =	sand.u32 $0x4000, s31;
	s1 =	sadd.s32 s1, s30  }
0xbd: {  	s0 =	sor.u32 s3, s0;
	s1 =	sshll.u32 s1, $0x11  }
0xbe: {  	s0 =	sor.u32 s1, s0  }
0xbf: {  	s0 =	sadd.s32 $0x8F2B, s0  }
0xc0: {  	[sflag:s0] =	ssyncadd.remote.s32 $0x1  }
0xc1: {  	_ =	sfence.sel $0xFFFF  }
0xc2: {  	[dreg:$0x0] =	wrdreg $0xFFFFFFFF;
	(pc) =	sbr.abs _section_cstart, $3  }
0xc3: {  	[dreg:$0x1] =	wrdreg $0xFFFFFFFF  }
0xc4: {  	_ =	task.clear_ibuf [dreg:s8], $0x2FFFF;
	_ =	strace $0x9FFFFFFF  }
0xc5: {  	(tm) =	ssettm $0x7FFFFFFF  }
tec
execute0_lowered:
.L_overlay_start_1:
0x0: {  	(tag) =	ssettag $0x1  }
0x1: {  	s0 =	rddreg [dreg:$0x0];
	s1 =	srdreg.scid  }
0x2: {  	s11 =	stileid.u32;
	s4 =	rddreg [dreg:$0x3];
	s5 =	simm.s32 $0x0  }
0x3: {  	s31 =	simm.s32 $0x11730;
	s30 =	simm.s32 $0x9A30;
	s28 =	simm.s32 $0x1  }
0x4: {  	s12 =	simm.s32 $0x10AB0;
	s1 =	sand.u32 $0x1, s1;
	s2 =	sshll.u32 s11, $0x1  }
0x5: {  	[smem:$0x7FF] =	sst s5;
	s6 =	sadd.s32 $0x78000, s0;
	s10 =	smul.u32 $0x2800, s11  }
0x6: {  	s7 =	sadd.s32 $0x2C00, s0;
	s8 =	sadd.s32 $0x350200, s0;
	s11 =	smul.u32 $0xA000, s11  }
0x7: {  	s2 =	sor.u32 s1, s2;
	s9 =	smul.u32 $0x28000, s1;
	s1 =	ssub.s32 $0x2, s1  }
0x8: {  	_ =	strace $0x80000047;
	s3 =	smul.u32 $0x28A, s2;
	s14 =	sshrl.u32 s1, $0x1  }
0x9: {  	s17 =	sshrl.u32 s11, $0x2;
	s10 =	sadd.s32 s10, s9;
	s1 =	ssub.s32 s1, s14  }
0xa: {  	s9 =	smul.u32 $0x13880, s2;
	s3 =	sadd.s32 s3, s0;
	s18 =	smax.u32 s1, $0x1  }
0xb: {  	s13 =	sshrl.u32 s10, $0x3;
	s16 =	sadd.s32 $0x7C00, s3;
	[dreg:$0xa] =	wrdreg s18  }
0xc: {  	s15 =	sshrl.u32 s9, $0x3;
	s3 =	sadd.s32 $0xCE00, s3;
	[dreg:$0x5] =	wrdreg s16  }
0xd: {  	s0 =	sadd.s32 s13, s0;
	s2 =	sadd.s32 s8, s15;
	[dreg:$0x7] =	wrdreg s3  }
0xe: {  	s13 =	sadd.s32 s17, s4;
	s0 =	sadd.s32 $0x12000, s0;
	[dreg:$0x6] =	wrdreg s2  }
0xf: {  	s14 =	simm.s32 $0x2;
	s19 =	sadd.s32 $0x400, s13;
	[dreg:$0x9] =	wrdreg s0  }
0x10: {  	s1 =	simm.s32 $0x10470;
	s20 =	sadd.s32 $0x800, s13;
	[dreg:$0xb] =	wrdreg s19  }
0x11: {  	s10 =	simm.s32 $0x5;
	s21 =	sadd.s32 $0xC00, s13;
	[dreg:$0xc] =	wrdreg s20  }
0x12: {  	s17 =	simm.s32 $0x110F0;
	s22 =	sadd.s32 $0x1000, s13;
	[dreg:$0xd] =	wrdreg s21  }
0x13: {  	s18 =	simm.s32 $0x0;
	s23 =	sadd.s32 $0x1400, s13;
	[dreg:$0xe] =	wrdreg s22  }
0x14: {  	s24 =	sadd.s32 $0x1800, s13;
	s25 =	sadd.s32 $0x1C00, s13;
	[dreg:$0xf] =	wrdreg s23  }
.Ltmp0:
0x15: {  	s26 =	sadd.s32 $0x2000, s13;
	[dreg:$0x10] =	wrdreg s24;
	(pc) =	sbr.rel .LBB2_1-.Ltmp0, $4  }
0x16: {  	s29 =	sadd.s32 $0x2400, s13;
	s3 =	simm.s32 $0x2FF0;
	[dreg:$0x11] =	wrdreg s25  }
0x17: {  	s15 =	simm.s32 $0x4;
	s16 =	simm.s32 $0x6;
	[dreg:$0x12] =	wrdreg s26  }
0x18: {  	s2 =	sadd.s32 $0xC8, s2;
	[dreg:$0x13] =	wrdreg s29;
	s26 =	simm.s32 $0x7  }
0x19: {  	v0 =	vimm.f32 $0.0e+00;
	s0 =	simm.s32 $0x3;
	[dreg:$0x8] =	wrdreg s2;
	s2 =	simm.s32 $0x64  }
.LBB2_10:
0x1a: {  	s11 =	stileid.u32  }
0x1b: {  	[bflag:$0x0] =	sbarrier.arrive $0xFFFF;
	s11 =	sshll.u32 s11, $0x6  }
0x1c: {  	s19 =	sshrl.u32 s13, $0x3;
	s20 =	rddreg [dreg:$0x9];
	s11 =	sor.u32 $0x1C07, s11  }
0x1d: {  	[hbm:s20], [sflag:s11] =	dma.local [spmem:s19], $0x500  }
0x1e: {  	_ =	swait.ge [sflag:s26], $0x500  }
0x1f: {  	s18 =	sadd.s32 $0x1, s18;
	s29 =	rddreg [dreg:$0xa]  }
0x20: {  	p0 =	sne.s32 s18, s29  }
.Ltmp1:
0x21: {  	_ = 	snop;
	(pc) =	sbr.rel @!p0 .LBB2_11-.Ltmp1, $3  }
0x22: {  	_ =	sdelay $0x1  }
0x23: {  	[sflag:s26] =	ssyncset.done $0x0  }
0x24: {  	[sflag:s26] =	ssyncadd.s32 $0xFFFFFB00  }
.LBB2_1:
0x25: {  	s11 =	rddreg [dreg:$0x5]  }
0x26: {  	[tilespmem:s5], [sflag:$0x7] =	stream.linear.gather [hbm4b:s11+s5], $0x1450, $0x38;
	[tilespmem:$0x14330] =	vst v63  }
0x27: {  	_ =	swait.ge [sflag:s26], $0x1450  }
0x28: {  	[sflag:s26] =	ssyncset.done $0x0  }
0x29: {  	s19 =	simm.s32 $0x1450;
	s22 =	rddreg [dreg:$0x7];
	[sflag:s26] =	ssyncadd.s32 $0xFFFFEBB0  }
0x2a: {  	[tilespmem:s19], [sflag:$0x7] =	stream.linear.gather [hbm4b:s22+s5], $0x1450, $0x38;
	[tilespmem:$0x14330] =	vst v63  }
0x2b: {  	_ =	swait.ge [sflag:s26], $0x1450  }
0x2c: {  	[sflag:s26] =	ssyncset.done $0x0  }
0x2d: {  	[sflag:s26] =	ssyncadd.s32 $0xFFFFEBB0  }
0x2e: {  	s24 =	simm.s32 $0x28A0;
	s23 =	rddreg [dreg:$0x1]  }
0x2f: {  	[tilespmem:s24], [sflag:$0x7] =	stream.linear.gather [hbm4b:s23+s5], $0x100, $0x38;
	[tilespmem:$0x14330] =	vst v63  }
0x30: {  	_ =	swait.ge [sflag:s26], $0x100  }
0x31: {  	[sflag:s26] =	ssyncset.done $0x0  }
0x32: {  	[sflag:s26] =	ssyncadd.s32 $0xFFFFFF00  }
0x33: {  	s29 =	simm.s32 $0x29A0;
	s25 =	rddreg [dreg:$0x2]  }
0x34: {  	[tilespmem:s29], [sflag:$0x7] =	stream.linear.gather [hbm4b:s25+s5], $0x10, $0x38;
	[tilespmem:$0x14330] =	vst v63  }
0x35: {  	_ =	swait.ge [sflag:s26], $0x10  }
0x36: {  	[sflag:s26] =	ssyncset.done $0x0  }
0x37: {  	[sflag:s26] =	ssyncadd.s32 $0xFFFFFFF0  }
0x38: {  	v1 =	vld [tilespmem:$0x28A0]  }
0x39: {  	v2 =	vld [tilespmem:$0x28B0]  }
0x3a: {  	v3 =	vld [tilespmem:$0x28C0]  }
0x3b: {  	v4 =	vld [tilespmem:$0x28D0]  }
0x3c: {  	v5 =	vld [tilespmem:$0x28E0]  }
0x3d: {  	v6 =	vld [tilespmem:$0x28F0]  }
0x3e: {  	v7 =	vld [tilespmem:$0x2900]  }
0x3f: {  	v8 =	vld [tilespmem:$0x2910]  }
0x40: {  	v9 =	vld [tilespmem:$0x2920]  }
0x41: {  	v10 =	vld [tilespmem:$0x2930]  }
0x42: {  	v11 =	vld [tilespmem:$0x2940]  }
0x43: {  	v12 =	vld [tilespmem:$0x2950]  }
0x44: {  	v13 =	vld [tilespmem:$0x2960]  }
0x45: {  	v14 =	vld [tilespmem:$0x2970]  }
0x46: {  	v15 =	vld [tilespmem:$0x2980]  }
0x47: {  	v16 =	vld [tilespmem:$0x2990]  }
0x48: {  	s11 =	simm.s32 $0x40;
	s19 =	simm.s32 $0x0;
	v17 =	vld [tilespmem:$0x29A0]  }
.LBB2_2:
0x49: {  	p0 =	sne.s32 s11, $0xFC0;
	[tilespmem:s19+$0x11730] =	vst v0;
	s19 =	smov.u32 s11;
	s11 =	sadd.s32 $0x40, s11  }
.Ltmp2:
0x4a: {  	(pc) =	sbr.rel @p0 .LBB2_2-.Ltmp2, $2  }
0x4b: {  	_ =	sdelay $0x2  }
0x4c: {  	s19 =	sshra.s32 s19, $0x2  }
0x4d: {  	[tilespmem:s19+$0x11730] =	vst v0  }
0x4e: {  	[spmem:s13] =	stream.linear.scatter [tilespmem:s31], [sflag:$0x7], $0x400, $0x38;
	[tilespmem:$0x14330] =	vst v63  }
0x4f: {  	_ =	swait.ge [sflag:s26], $0x400  }
0x50: {  	[sflag:s26] =	ssyncset.done $0x0  }
0x51: {  	s11 =	rddreg [dreg:$0xb];
	[sflag:s26] =	ssyncadd.s32 $0xFFFFFC00  }
0x52: {  	[spmem:s11] =	stream.linear.scatter [tilespmem:s31], [sflag:$0x7], $0x400, $0x38;
	[tilespmem:$0x14330] =	vst v63  }
0x53: {  	_ =	swait.ge [sflag:s26], $0x400  }
0x54: {  	[sflag:s26] =	ssyncset.done $0x0  }
0x55: {  	s22 =	rddreg [dreg:$0xc];
	[sflag:s26] =	ssyncadd.s32 $0xFFFFFC00  }
0x56: {  	[spmem:s22] =	stream.linear.scatter [tilespmem:s31], [sflag:$0x7], $0x400, $0x38;
	[tilespmem:$0x14330] =	vst v63  }
0x57: {  	_ =	swait.ge [sflag:s26], $0x400  }
0x58: {  	[sflag:s26] =	ssyncset.done $0x0  }
0x59: {  	s23 =	rddreg [dreg:$0xd];
	[sflag:s26] =	ssyncadd.s32 $0xFFFFFC00  }
0x5a: {  	[spmem:s23] =	stream.linear.scatter [tilespmem:s31], [sflag:$0x7], $0x400, $0x38;
	[tilespmem:$0x14330] =	vst v63  }
0x5b: {  	_ =	swait.ge [sflag:s26], $0x400  }
0x5c: {  	[sflag:s26] =	ssyncset.done $0x0  }
0x5d: {  	s24 =	rddreg [dreg:$0xe];
	[sflag:s26] =	ssyncadd.s32 $0xFFFFFC00  }
0x5e: {  	[spmem:s24] =	stream.linear.scatter [tilespmem:s31], [sflag:$0x7], $0x400, $0x38;
	[tilespmem:$0x14330] =	vst v63  }
0x5f: {  	_ =	swait.ge [sflag:s26], $0x400  }
0x60: {  	[sflag:s26] =	ssyncset.done $0x0  }
0x61: {  	s25 =	rddreg [dreg:$0xf];
	[sflag:s26] =	ssyncadd.s32 $0xFFFFFC00  }
0x62: {  	[spmem:s25] =	stream.linear.scatter [tilespmem:s31], [sflag:$0x7], $0x400, $0x38;
	[tilespmem:$0x14330] =	vst v63  }
0x63: {  	_ =	swait.ge [sflag:s26], $0x400  }
0x64: {  	[sflag:s26] =	ssyncset.done $0x0  }
0x65: {  	s29 =	rddreg [dreg:$0x10];
	[sflag:s26] =	ssyncadd.s32 $0xFFFFFC00  }
0x66: {  	[spmem:s29] =	stream.linear.scatter [tilespmem:s31], [sflag:$0x7], $0x400, $0x38;
	[tilespmem:$0x14330] =	vst v63  }
0x67: {  	_ =	swait.ge [sflag:s26], $0x400  }
0x68: {  	[sflag:s26] =	ssyncset.done $0x0  }
0x69: {  	s19 =	rddreg [dreg:$0x11];
	[sflag:s26] =	ssyncadd.s32 $0xFFFFFC00  }
0x6a: {  	[spmem:s19] =	stream.linear.scatter [tilespmem:s31], [sflag:$0x7], $0x400, $0x38;
	[tilespmem:$0x14330] =	vst v63  }
0x6b: {  	_ =	swait.ge [sflag:s26], $0x400  }
0x6c: {  	[sflag:s26] =	ssyncset.done $0x0  }
0x6d: {  	s20 =	rddreg [dreg:$0x12];
	[sflag:s26] =	ssyncadd.s32 $0xFFFFFC00  }
0x6e: {  	[spmem:s20] =	stream.linear.scatter [tilespmem:s31], [sflag:$0x7], $0x400, $0x38;
	[tilespmem:$0x14330] =	vst v63  }
0x6f: {  	_ =	swait.ge [sflag:s26], $0x400  }
0x70: {  	[sflag:s26] =	ssyncset.done $0x0  }
0x71: {  	s21 =	rddreg [dreg:$0x13];
	[sflag:s26] =	ssyncadd.s32 $0xFFFFFC00  }
0x72: {  	[spmem:s21] =	stream.linear.scatter [tilespmem:s31], [sflag:$0x7], $0x400, $0x38;
	[tilespmem:$0x14330] =	vst v63  }
0x73: {  	_ =	swait.ge [sflag:s26], $0x400  }
0x74: {  	[sflag:s26] =	ssyncset.done $0x0  }
0x75: {  	[sflag:s26] =	ssyncadd.s32 $0xFFFFFC00  }
0x76: {  	s22 =	simm.s32 $0x3630;
	s19 =	simm.s32 $0x0;
	[bflag:$0x0] =	sbarrier.arrive $0xFFFF  }
0x77: {  	[tilespmem:s22], [sflag:$0x1] =	stream.indirect.gather [hbm4b:s6+s2], $0x100, s19, s2, $0xb8;
	[tilespmem:$0x14330] =	vst v63  }
0x78: {  	s23 =	simm.s32 $0xFE30  }
0x79: {  	[tilespmem:s23], [sflag:$0x3] =	stream.indirect.gather [hbm4b:s7+s2], $0x10, s19, s2, $0xb8;
	[tilespmem:$0x14330] =	vst v63  }
0x7a: {  	s20 =	simm.s32 $0x29B0;
	s24 =	rddreg [dreg:$0x6]  }
0x7b: {  	[tilespmem:s20], [sflag:$0x5] =	stream.linear.gather [hbm4b:s24+s19], $0x640, $0x38;
	[tilespmem:$0x14330] =	vst v63  }
0x7c: {  	s25 =	simm.s32 $0x68  }
0x7d: {  	[tilespmem:s30], [sflag:$0x2] =	stream.indirect.gather [hbm4b:s6+s2], $0x100, s25, s2, $0xb8;
	[tilespmem:$0x14330] =	vst v63  }
0x7e: {  	_ = 	snop  }
0x7f: {  	[tilespmem:s1], [sflag:$0x4] =	stream.indirect.gather [hbm4b:s7+s2], $0x10, s25, s2, $0xb8;
	[tilespmem:$0x14330] =	vst v63  }
0x80: {  	s29 =	rddreg [dreg:$0x8]  }
0x81: {  	[tilespmem:s3], [sflag:$0x6] =	stream.linear.gather [hbm4b:s29+s19], $0x640, $0x38;
	[tilespmem:$0x14330] =	vst v63  }
.LBB2_4:
0x82: {  	_ =	swait.ge [sflag:s28], $0x6400  }
0x83: {  	[sflag:s28] =	ssyncset.done $0x0  }
0x84: {  	[sflag:s28] =	ssyncadd.s32 $0xFFFF9C00  }
0x85: {  	_ =	swait.ge [sflag:s0], $0x640  }
0x86: {  	[sflag:s0] =	ssyncset.done $0x0  }
0x87: {  	[sflag:s0] =	ssyncadd.s32 $0xFFFFF9C0  }
0x88: {  	_ =	swait.ge [sflag:s10], $0x640  }
0x89: {  	[sflag:s10] =	ssyncset.done $0x0  }
0x8a: {  	s20 =	simm.s32 $0x0;
	[sflag:s10] =	ssyncadd.s32 $0xFFFFF9C0  }
0x8b: {  	v18 =	vld [tilespmem:s20+$0x29B0];
	_ =	sdelay $0x4  }
0x8c: {  	v19 =	vbroadcast v18, $0x0;
	v20 =	vbroadcast v18, $0xB  }
0x8d: {  	v21 =	vbroadcast v18, $0x2;
	v22 =	vbroadcast v18, $0x5  }
0x8e: {  	s29 =	simm.s32 $0x10;
	v23 =	vbroadcast v18, $0xC;
	v24 =	vbroadcast v18, $0x8  }
0x8f: {  	v33 =	vld [tilespmem:s29+$0x29B0];
	v25 =	vbroadcast v18, $0xF;
	v26 =	vbroadcast v18, $0x7  }
0x90: {  	v27 =	vbroadcast v18, $0x1;
	v28 =	vbroadcast v18, $0x9  }
0x91: {  	v29 =	vbroadcast v18, $0x6;
	v30 =	vbroadcast v18, $0xD  }
0x92: {  	v31 =	vbroadcast v18, $0x3;
	v32 =	vbroadcast v18, $0xA  }
0x93: {  	v34 =	vbroadcast v18, $0xE;
	v18 =	vbroadcast v18, $0x4  }
0x94: {  	v51 =	vbroadcast v33, $0x8;
	v52 =	vbroadcast v33, $0x7  }
0x95: {  	v53 =	vbroadcast v33, $0x9;
	v54 =	vbroadcast v33, $0xA  }
0x96: {  	v19 =	vmul.f32 v19, v1;
	v22 =	vmul.f32 v22, v6  }
0x97: {  	v25 =	vmul.f32 v25, v16;
	v24 =	vmul.f32 v24, v9  }
0x98: {  	v27 =	vmul.f32 v27, v2;
	v23 =	vmul.f32 v23, v13  }
0x99: {  	v28 =	vmul.f32 v28, v10;
	v26 =	vmul.f32 v26, v8  }
0x9a: {  	v30 =	vmul.f32 v30, v14;
	v31 =	vmul.f32 v31, v4  }
0x9b: {  	v20 =	vmul.f32 v20, v12;
	v32 =	vmul.f32 v32, v11  }
0x9c: {  	v29 =	vmul.f32 v29, v7;
	v21 =	vmul.f32 v21, v3  }
0x9d: {  	v18 =	vmul.f32 v18, v5;
	v26 =	vadd.f32 v26, v31;
	v22 =	vadd.f32 v22, v27  }
0x9e: {  	v27 =	vmul.f32 v34, v15;
	v21 =	vadd.f32 v29, v21;
	v29 =	vbroadcast v33, $0x2  }
0x9f: {  	v19 =	vadd.f32 v19, v17;
	v31 =	vbroadcast v33, $0xF;
	v34 =	vmul.f32 v52, v8  }
0xa0: {  	v20 =	vadd.f32 v26, v20;
	v26 =	vbroadcast v33, $0x0;
	v22 =	vadd.f32 v22, v28  }
0xa1: {  	v28 =	vbroadcast v33, $0xB;
	v18 =	vadd.f32 v19, v18;
	v19 =	vbroadcast v33, $0xC  }
0xa2: {  	v21 =	vadd.f32 v21, v32;
	v32 =	vmul.f32 v54, v11;
	v29 =	vmul.f32 v29, v3  }
0xa3: {  	v20 =	vadd.f32 v20, v25;
	v25 =	vbroadcast v33, $0x5;
	v26 =	vmul.f32 v26, v1  }
0xa4: {  	v18 =	vadd.f32 v18, v24;
	v22 =	vadd.f32 v22, v30;
	v30 =	vbroadcast v33, $0x1  }
0xa5: {  	v21 =	vadd.f32 v21, v27;
	v24 =	vmul.f32 v25, v6;
	v25 =	vmul.f32 v31, v16  }
0xa6: {  	v31 =	vmul.f32 v51, v9;
	v18 =	vadd.f32 v18, v23;
	v23 =	vbroadcast v33, $0x6  }
0xa7: {  	v27 =	vmul.f32 v30, v2;
	v30 =	vmul.f32 v19, v13  }
0xa8: {  	v19 =	vbroadcast v33, $0xD;
	v20 =	vadd.f32 v20, v21;
	v21 =	vbroadcast v33, $0x3  }
0xa9: {  	v26 =	vadd.f32 v26, v17;
	v18 =	vadd.f32 v18, v22;
	v22 =	vmul.f32 v53, v10  }
0xaa: {  	s22 =	simm.s32 $0x36B0;
	v36 =	vld [tilespmem:s20+$0xFE30];
	v35 =	vmul.f32 v19, v14;
	v24 =	vadd.f32 v24, v27;
	v19 =	vmul.f32 v21, v4  }
0xab: {  	v55 =	vld [tilespmem:s22+$0xFFFFFFC0];
	v21 =	vbroadcast v33, $0xE;
	v33 =	vbroadcast v33, $0x4;
	v18 =	vadd.f32 v18, v20  }
0xac: {  	v27 =	vmul.f32 v28, v12;
	v28 =	vld [tilespmem:s22+$0x20];
	v23 =	vmul.f32 v23, v7;
	v19 =	vadd.f32 v34, v19  }
0xad: {  	v21 =	vmul.f32 v21, v15;
	v33 =	vmul.f32 v33, v5;
	v20 =	vmax.f32 v18, $0.0e+00;
	v18 =	vld [tilespmem:s22+$0xFFFFFF80]  }
0xae: {  	v57 =	vld [tilespmem:s22+$0xFFFFFFB0];
	v27 =	vadd.f32 v19, v27;
	v19 =	vbroadcast v20, $0xF;
	v39 =	vbroadcast v20, $0x0  }
0xaf: {  	v37 =	vld [tilespmem:s22+$0x40];
	v41 =	vadd.f32 v24, v22;
	v40 =	vbroadcast v20, $0xC;
	v22 =	vbroadcast v20, $0xA  }
0xb0: {  	v38 =	vld [tilespmem:s22+$0xFFFFFFA0];
	v29 =	vadd.f32 v23, v29;
	v56 =	vbroadcast v20, $0x2;
	v43 =	vbroadcast v20, $0x4  }
0xb1: {  	v42 =	vld [tilespmem:s22+$0x0];
	v59 =	vbroadcast v20, $0x9;
	v61 =	vbroadcast v20, $0x3;
	v23 =	vadd.f32 v27, v25  }
0xb2: {  	v44 =	vld [tilespmem:s22+$0x10];
	v25 =	vadd.f32 v26, v33;
	v26 =	vmul.f32 v28, v22;
	v18 =	vmul.f32 v39, v18  }
0xb3: {  	v24 =	vld [tilespmem:s22+$0xFFFFFFD0];
	v27 =	vadd.f32 v29, v32;
	v29 =	vmul.f32 v43, v55;
	v32 =	vmul.f32 v61, v57  }
0xb4: {  	v34 =	vld [tilespmem:s22+$0xFFFFFF90];
	v28 =	vadd.f32 v25, v31;
	v31 =	vbroadcast v20, $0x8;
	v18 =	vadd.f32 v18, v36  }
0xb5: {  	v58 =	vadd.f32 v41, v35;
	v22 =	vld [tilespmem:s22+$0x50];
	v33 =	vmul.f32 v37, v40;
	v37 =	vbroadcast v20, $0x5  }
0xb6: {  	v25 =	vld [tilespmem:s22+$0xFFFFFFE0];
	v60 =	vadd.f32 v28, v30;
	v62 =	vmul.f32 v42, v31;
	v63 =	vadd.f32 v18, v29  }
0xb7: {  	v28 =	vld [tilespmem:s22+$0xFFFFFFF0];
	v31 =	vmul.f32 v56, v38;
	v30 =	vmul.f32 v44, v59  }
0xb8: {  	s23 =	simm.s32 $0x80;
	s21 =	simm.s32 $0x37B0;
	v36 =	vbroadcast v20, $0x1;
	v29 =	vld [tilespmem:s22+$0x30];
	v18 =	vadd.f32 v60, v58;
	v35 =	vadd.f32 v63, v62  }
.LBB2_5:
0xb9: {  	s24 =	sshra.s32 s23, $0x2;
	p0 =	sne.s32 s23, $0x18C0;
	s23 =	sadd.s32 $0x40, s23;
	v21 =	vadd.f32 v27, v21;
	v27 =	vbroadcast v20, $0x7;
	v38 =	vbroadcast v20, $0xD  }
0xba: {  	v24 =	vmul.f32 v37, v24;
	v37 =	vbroadcast v20, $0x6;
	v33 =	vadd.f32 v33, v35;
	v35 =	vld [tilespmem:s22+$0x70]  }
0xbb: {  	v21 =	vadd.f32 v23, v21;
	v23 =	vmul.f32 v36, v34;
	v34 =	vbroadcast v20, $0xB;
	v36 =	vld [tilespmem:s22+$0x60];
	s22 =	smov.u32 s21  }
0xbc: {  	v27 =	vmul.f32 v27, v28;
	v39 =	vld [tilespmem:s24+$0x29B0];
	v25 =	vmul.f32 v37, v25  }
0xbd: {  	v22 =	vmul.f32 v22, v38;
	v20 =	vbroadcast v20, $0xE;
	v23 =	vadd.f32 v24, v23  }
0xbe: {  	v24 =	vadd.f32 v25, v31;
	v25 =	vadd.f32 v27, v32;
	v27 =	vmul.f32 v29, v34  }
0xbf: {  	v23 =	vadd.f32 v30, v23;
	v19 =	vmul.f32 v35, v19  }
0xc0: {  	v24 =	vadd.f32 v26, v24;
	v25 =	vadd.f32 v27, v25;
	v20 =	vmul.f32 v36, v20  }
0xc1: {  	v26 =	vbroadcast v39, $0x0;
	v27 =	vbroadcast v39, $0xB;
	v22 =	vadd.f32 v22, v23  }
0xc2: {  	v23 =	vbroadcast v39, $0x2;
	v28 =	vbroadcast v39, $0x5;
	v19 =	vadd.f32 v19, v25  }
0xc3: {  	v20 =	vadd.f32 v20, v24;
	v25 =	vmul.f32 v26, v1;
	v26 =	vbroadcast v39, $0xC  }
0xc4: {  	v29 =	vbroadcast v39, $0xF;
	v24 =	vbroadcast v39, $0x8;
	v22 =	vadd.f32 v22, v33  }
0xc5: {  	v19 =	vadd.f32 v19, v20;
	v30 =	vadd.f32 v25, v17;
	v25 =	vbroadcast v39, $0x7  }
0xc6: {  	v29 =	vmul.f32 v29, v16;
	v20 =	vmul.f32 v28, v6  }
0xc7: {  	v28 =	vbroadcast v39, $0x1;
	v31 =	vmul.f32 v24, v9;
	v19 =	vadd.f32 v19, v22  }
0xc8: {  	v32 =	vbroadcast v39, $0x6;
	v22 =	vbroadcast v39, $0x9  }
0xc9: {  	v33 =	vmul.f32 v26, v13;
	v28 =	vmul.f32 v28, v2;
	v34 =	vld [tilespmem:s29+$0xFE30];
	[tilespmem:s20+$0x10AB0] =	vst v19;
	s20 =	smov.u32 s29;
	s29 =	smov.u32 s24  }
0xca: {  	v26 =	vmul.f32 v22, v10;
	v19 =	vbroadcast v39, $0xD;
	v24 =	vld [tilespmem:s21+$0xFFFFFFD0]  }
0xcb: {  	v22 =	vbroadcast v39, $0x3;
	v35 =	vadd.f32 v20, v28;
	v20 =	vbroadcast v39, $0xA;
	v36 =	vld [tilespmem:s21+$0x20]  }
0xcc: {  	v28 =	vmul.f32 v25, v8;
	v37 =	vmul.f32 v19, v14;
	s21 =	sadd.s32 $0x100, s21;
	v38 =	vld [tilespmem:s22+$0x40]  }
0xcd: {  	v27 =	vmul.f32 v27, v12;
	v19 =	vmul.f32 v22, v4;
	v22 =	vld [tilespmem:s22+$0x50]  }
0xce: {  	v18 =	vadd.f32 v18, v21;
	v40 =	vmul.f32 v20, v11;
	v20 =	vbroadcast v39, $0xE;
	v25 =	vld [tilespmem:s22+$0xFFFFFFE0]  }
0xcf: {  	v32 =	vmul.f32 v32, v7;
	v39 =	vbroadcast v39, $0x4;
	v19 =	vadd.f32 v28, v19;
	v41 =	vld [tilespmem:s22+$0xFFFFFFA0]  }
0xd0: {  	v23 =	vmul.f32 v23, v3;
	v21 =	vmul.f32 v20, v15;
	v20 =	vmax.f32 v18, $0.0e+00;
	v18 =	vld [tilespmem:s22+$0xFFFFFF80]  }
0xd1: {  	v39 =	vmul.f32 v39, v5;
	v27 =	vadd.f32 v19, v27;
	v19 =	vbroadcast v20, $0xF;
	v42 =	vld [tilespmem:s22+$0xFFFFFFC0]  }
0xd2: {  	v32 =	vadd.f32 v32, v23;
	v43 =	vbroadcast v20, $0x0;
	v44 =	vbroadcast v20, $0xC;
	v28 =	vld [tilespmem:s22+$0xFFFFFFF0]  }
0xd3: {  	v35 =	vadd.f32 v35, v26;
	v26 =	vbroadcast v20, $0xA;
	v23 =	vadd.f32 v27, v29;
	v45 =	vld [tilespmem:s22+$0x0]  }
0xd4: {  	v29 =	vadd.f32 v30, v39;
	v30 =	vbroadcast v20, $0x2;
	v39 =	vbroadcast v20, $0x4;
	v46 =	vld [tilespmem:s22+$0x10]  }
0xd5: {  	v26 =	vmul.f32 v36, v26;
	v27 =	vadd.f32 v32, v40;
	v18 =	vmul.f32 v43, v18;
	v32 =	vld [tilespmem:s22+$0xFFFFFFB0]  }
0xd6: {  	v31 =	vadd.f32 v29, v31;
	v36 =	vmul.f32 v39, v42;
	v39 =	vbroadcast v20, $0x8;
	v29 =	vld [tilespmem:s22+$0x30]  }
.Ltmp3:
0xd7: {  	v35 =	vadd.f32 v35, v37;
	v37 =	vbroadcast v20, $0x9;
	v18 =	vadd.f32 v18, v34;
	(pc) =	sbr.rel @p0 .LBB2_5-.Ltmp3, $4  }
0xd8: {  	v40 =	vbroadcast v20, $0x3;
	v33 =	vadd.f32 v31, v33;
	v39 =	vmul.f32 v45, v39  }
0xd9: {  	v31 =	vmul.f32 v30, v41;
	v34 =	vld [tilespmem:s22+$0xFFFFFF90];
	v41 =	vadd.f32 v18, v36;
	v30 =	vmul.f32 v46, v37  }
0xda: {  	v18 =	vadd.f32 v33, v35;
	v33 =	vmul.f32 v38, v44;
	v32 =	vmul.f32 v40, v32  }
0xdb: {  	v36 =	vbroadcast v20, $0x1;
	v37 =	vbroadcast v20, $0x5;
	v35 =	vadd.f32 v41, v39  }
0xdc: {  	v38 =	vbroadcast v20, $0x7  }
0xdd: {  	v61 =	vbroadcast v20, $0x6;
	v39 =	vld [tilespmem:s22+$0x70];
	v62 =	vbroadcast v20, $0xB  }
0xde: {  	v40 =	vld [tilespmem:s22+$0x60];
	v24 =	vmul.f32 v37, v24;
	v34 =	vmul.f32 v36, v34  }
0xdf: {  	v25 =	vmul.f32 v61, v25;
	v28 =	vmul.f32 v38, v28  }
0xe0: {  	v63 =	vbroadcast v20, $0xD;
	v20 =	vbroadcast v20, $0xE;
	v24 =	vadd.f32 v24, v34  }
0xe1: {  	v29 =	vmul.f32 v29, v62;
	v25 =	vadd.f32 v25, v31;
	v28 =	vadd.f32 v28, v32  }
0xe2: {  	v22 =	vmul.f32 v22, v63;
	v19 =	vmul.f32 v39, v19;
	v24 =	vadd.f32 v30, v24  }
0xe3: {  	v20 =	vmul.f32 v40, v20;
	v25 =	vadd.f32 v26, v25;
	v26 =	vadd.f32 v29, v28  }
0xe4: {  	v28 =	vadd.f32 v33, v35;
	v22 =	vadd.f32 v22, v24  }
0xe5: {  	v19 =	vadd.f32 v19, v26;
	v20 =	vadd.f32 v20, v25;
	_ =	sdelay $0x1  }
0xe6: {  	v22 =	vadd.f32 v22, v28;
	v19 =	vadd.f32 v19, v20;
	_ =	sdelay $0x1  }
0xe7: {  	v20 =	vadd.f32 v27, v21;
	v19 =	vadd.f32 v19, v22;
	_ =	sdelay $0x1  }
0xe8: {  	v21 =	vld [tilespmem:s29+$0xFE30];
	v20 =	vadd.f32 v23, v20;
	[tilespmem:s20+$0x10AB0] =	vst v19  }
0xe9: {  	v19 =	vld [tilespmem:s21+$0x20]  }
0xea: {  	v18 =	vadd.f32 v18, v20;
	v20 =	vld [tilespmem:s21+$0xFFFFFFA0]  }
0xeb: {  	v22 =	vld [tilespmem:s21+$0xFFFFFF80]  }
0xec: {  	v23 =	vld [tilespmem:s21+$0xFFFFFFC0];
	v18 =	vmax.f32 v18, $0.0e+00  }
0xed: {  	v26 =	vld [tilespmem:s21+$0x0];
	v24 =	vbroadcast v18, $0xF;
	v25 =	vbroadcast v18, $0x0  }
0xee: {  	v29 =	vld [tilespmem:s21+$0x10];
	v27 =	vbroadcast v18, $0xC;
	v28 =	vbroadcast v18, $0xA  }
0xef: {  	v36 =	vld [tilespmem:s21+$0xFFFFFFB0];
	v30 =	vbroadcast v18, $0x2;
	v31 =	vbroadcast v18, $0x4  }
0xf0: {  	v37 =	vld [tilespmem:s21+$0x40];
	v38 =	vbroadcast v18, $0x9;
	v22 =	vmul.f32 v25, v22  }
0xf1: {  	v19 =	vmul.f32 v19, v28;
	v25 =	vld [tilespmem:s21+$0xFFFFFFD0];
	v28 =	vbroadcast v18, $0x8  }
0xf2: {  	v39 =	vbroadcast v18, $0x3;
	v23 =	vmul.f32 v31, v23;
	v31 =	vld [tilespmem:s21+$0xFFFFFFE0]  }
0xf3: {  	v42 =	vbroadcast v18, $0x1;
	v26 =	vmul.f32 v26, v28;
	v28 =	vld [tilespmem:s21+$0xFFFFFF90]  }
0xf4: {  	v43 =	vbroadcast v18, $0x7;
	v20 =	vmul.f32 v30, v20;
	v30 =	vld [tilespmem:s21+$0xFFFFFFF0]  }
0xf5: {  	v40 =	vld [tilespmem:s21+$0x50];
	v21 =	vadd.f32 v22, v21;
	v22 =	vmul.f32 v37, v27;
	v27 =	vbroadcast v18, $0x5  }
0xf6: {  	v41 =	vld [tilespmem:s21+$0x30];
	v44 =	vbroadcast v18, $0xB;
	v29 =	vmul.f32 v29, v38  }
0xf7: {  	v45 =	vld [tilespmem:s21+$0x60];
	v21 =	vadd.f32 v21, v23;
	v23 =	vmul.f32 v27, v25;
	v25 =	vbroadcast v18, $0x6  }
0xf8: {  	v32 =	vmul.f32 v39, v36;
	v27 =	vld [tilespmem:s21+$0x70];
	v28 =	vmul.f32 v42, v28  }
0xf9: {  	v21 =	vadd.f32 v21, v26;
	v26 =	vmul.f32 v43, v30;
	v25 =	vmul.f32 v25, v31  }
0xfa: {  	v30 =	vbroadcast v18, $0xD;
	v18 =	vbroadcast v18, $0xE;
	v23 =	vadd.f32 v23, v28  }
0xfb: {  	v20 =	vadd.f32 v25, v20;
	v25 =	vadd.f32 v26, v32;
	v26 =	vmul.f32 v41, v44  }
0xfc: {  	v18 =	vmul.f32 v45, v18;
	v28 =	vmul.f32 v40, v30;
	v23 =	vadd.f32 v29, v23  }
0xfd: {  	v24 =	vmul.f32 v27, v24;
	v19 =	vadd.f32 v19, v20;
	v20 =	vadd.f32 v26, v25  }
0xfe: {  	v21 =	vadd.f32 v22, v21;
	v22 =	vadd.f32 v28, v23  }
0xff: {  	v20 =	vadd.f32 v24, v20;
	v18 =	vadd.f32 v18, v19;
	_ =	sdelay $0x1  }
0x100: {  	v19 =	vadd.f32 v22, v21;
	v18 =	vadd.f32 v20, v18  }
0x101: {  	s11 =	smul.u32 $0x340, s19  }
0x102: {  	v18 =	vadd.f32 v18, v19  }
0x103: {  	s20 =	sshra.s32 s11, $0x2  }
0x104: {  	p0 =	seq.s32 s19, $0x18;
	s11 =	sadd.s32 $0x1450, s20;
	[tilespmem:s29+$0x10AB0] =	vst v18;
	s29 =	sshll.u32 s19, $0x1  }
0x105: {  	[spmem:s4] =	stream.indirect.scatter.add.f32 [tilespmem:s12], [sflag:$0x7], $0x10, s11, s2, $0xb8;
	[tilespmem:$0x14330] =	vst v63  }
0x106: {  	s11 =	sadd.s32 @!p0 $0x2, s29  }
0x107: {  	s21 =	smul.u32 @!p0 $0x1A0, s11  }
0x108: {  	_ =	swait.ge [sflag:s26], $0x640;
	s11 =	smul.u32 @!p0 $0x640, s11  }
0x109: {  	s22 =	simm.s32 @!p0 $0x64;
	s23 =	simm.s32 @!p0 $0x3630;
	[sflag:s26] =	ssyncset.done $0x0  }
0x10a: {  	[sflag:s26] =	ssyncadd.s32 $0xFFFFF9C0;
	s21 =	sshra.s32 @!p0 s21, $0x2;
	s11 =	sadd.s32 @!p0 s9, s11  }
0x10b: {  	[tilespmem:s23], [sflag:$0x1] =	stream.indirect.gather @!p0 [hbm4b:s6+s22], $0x100, s21, s22, $0xb8;
	[tilespmem:$0x14330] =	vst v63  }
0x10c: {  	s23 =	simm.s32 @!p0 $0xFE30;
	s11 =	sshrl.u32 @!p0 s11, $0x3  }
0x10d: {  	[tilespmem:s23], [sflag:$0x3] =	stream.indirect.gather @!p0 [hbm4b:s7+s22], $0x10, s21, s22, $0xb8;
	[tilespmem:$0x14330] =	vst v63  }
0x10e: {  	s11 =	sadd.s32 @!p0 s8, s11;
	s21 =	simm.s32 @!p0 $0x0;
	s22 =	simm.s32 @!p0 $0x29B0  }
0x10f: {  	[tilespmem:s22], [sflag:$0x5] =	stream.linear.gather @!p0 [hbm4b:s11+s21], $0x640, $0x38;
	[tilespmem:$0x14330] =	vst v63  }
0x110: {  	_ =	swait.ge [sflag:s14], $0x6400  }
0x111: {  	[sflag:s14] =	ssyncset.done $0x0  }
0x112: {  	[sflag:s14] =	ssyncadd.s32 $0xFFFF9C00  }
0x113: {  	_ =	swait.ge [sflag:s15], $0x640  }
0x114: {  	[sflag:s15] =	ssyncset.done $0x0  }
0x115: {  	[sflag:s15] =	ssyncadd.s32 $0xFFFFF9C0  }
0x116: {  	_ =	swait.ge [sflag:s16], $0x640  }
0x117: {  	[sflag:s16] =	ssyncset.done $0x0  }
0x118: {  	s24 =	simm.s32 $0x2FF0;
	[sflag:s16] =	ssyncadd.s32 $0xFFFFF9C0  }
0x119: {  	v18 =	vld [tilespmem:s24+$0x0];
	_ =	sdelay $0x4  }
0x11a: {  	v19 =	vbroadcast v18, $0xC;
	v20 =	vbroadcast v18, $0xD  }
0x11b: {  	v21 =	vbroadcast v18, $0xE;
	v22 =	vbroadcast v18, $0xF  }
0x11c: {  	v23 =	vbroadcast v18, $0x8;
	v24 =	vbroadcast v18, $0x9  }
0x11d: {  	v25 =	vbroadcast v18, $0xA;
	v26 =	vbroadcast v18, $0xB  }
0x11e: {  	v27 =	vbroadcast v18, $0x1;
	v28 =	vbroadcast v18, $0x2  }
0x11f: {  	v29 =	vbroadcast v18, $0x3;
	v30 =	vbroadcast v18, $0x4  }
0x120: {  	v31 =	vbroadcast v18, $0x5;
	v46 =	vbroadcast v18, $0x6  }
0x121: {  	v47 =	vbroadcast v18, $0x0;
	v18 =	vbroadcast v18, $0x7  }
0x122: {  	v19 =	vmul.f32 v19, v13;
	v20 =	vmul.f32 v20, v14  }
0x123: {  	v23 =	vmul.f32 v23, v9;
	v24 =	vmul.f32 v24, v10  }
0x124: {  	v27 =	vmul.f32 v27, v2;
	v28 =	vmul.f32 v28, v3  }
0x125: {  	v33 =	vmul.f32 v47, v1;
	v29 =	vmul.f32 v29, v4  }
0x126: {  	v31 =	vmul.f32 v31, v6;
	v32 =	vmul.f32 v46, v7  }
0x127: {  	v30 =	vmul.f32 v30, v5;
	v18 =	vmul.f32 v18, v8;
	v33 =	vadd.f32 v33, v17  }
0x128: {  	v25 =	vmul.f32 v25, v11;
	v27 =	vadd.f32 v31, v27;
	v28 =	vadd.f32 v32, v28  }
0x129: {  	v26 =	vmul.f32 v26, v12;
	v18 =	vadd.f32 v18, v29;
	v30 =	vadd.f32 v33, v30  }
0x12a: {  	v21 =	vmul.f32 v21, v15;
	v24 =	vadd.f32 v27, v24;
	v25 =	vadd.f32 v28, v25  }
0x12b: {  	v22 =	vmul.f32 v22, v16;
	v18 =	vadd.f32 v18, v26;
	v23 =	vadd.f32 v30, v23  }
0x12c: {  	v20 =	vadd.f32 v24, v20;
	v21 =	vadd.f32 v25, v21  }
0x12d: {  	v18 =	vadd.f32 v18, v22;
	v19 =	vadd.f32 v23, v19;
	_ =	sdelay $0x1  }
0x12e: {  	s25 =	simm.s32 $0x0;
	v18 =	vadd.f32 v18, v21;
	v19 =	vadd.f32 v19, v20  }
0x12f: {  	v48 =	vld [tilespmem:s25+$0x9A80]  }
0x130: {  	v52 =	vld [tilespmem:s25+$0x9A50];
	v18 =	vadd.f32 v19, v18  }
0x131: {  	v54 =	vld [tilespmem:s25+$0x9A60]  }
0x132: {  	v41 =	vld [tilespmem:s25+$0x9A30];
	v18 =	vmax.f32 v18, $0.0e+00  }
0x133: {  	v45 =	vld [tilespmem:s25+$0x9A90];
	v24 =	vbroadcast v18, $0xC;
	v25 =	vbroadcast v18, $0xD  }
0x134: {  	v22 =	vld [tilespmem:s25+$0x9AC0];
	v27 =	vbroadcast v18, $0xE;
	v28 =	vbroadcast v18, $0xF  }
0x135: {  	v20 =	vld [tilespmem:s25+$0x9AF0];
	v30 =	vbroadcast v18, $0x8;
	v31 =	vbroadcast v18, $0x9  }
0x136: {  	v19 =	vld [tilespmem:s25+$0x9B00];
	v49 =	vbroadcast v18, $0xA;
	v50 =	vbroadcast v18, $0xB  }
0x137: {  	v21 =	vld [tilespmem:s25+$0x9AB0];
	v51 =	vbroadcast v18, $0x1;
	v53 =	vbroadcast v18, $0x2  }
0x138: {  	v29 =	vld [tilespmem:s25+$0x9A40];
	v55 =	vbroadcast v18, $0x3;
	v56 =	vbroadcast v18, $0x4  }
0x139: {  	s21 =	simm.s32 $0x10470;
	v26 =	vld [tilespmem:s25+$0x9A70];
	v42 =	vbroadcast v18, $0x5;
	v43 =	vbroadcast v18, $0x6  }
0x13a: {  	v23 =	vld [tilespmem:s21+$0x0];
	v44 =	vbroadcast v18, $0x0;
	v18 =	vbroadcast v18, $0x7  }
0x13b: {  	v46 =	vld [tilespmem:s25+$0x9AA0];
	v20 =	vmul.f32 v20, v24;
	v19 =	vmul.f32 v19, v25  }
0x13c: {  	v21 =	vmul.f32 v21, v30;
	v22 =	vmul.f32 v22, v31;
	v24 =	vld [tilespmem:s25+$0x9AD0]  }
0x13d: {  	v25 =	vmul.f32 v51, v29;
	v30 =	vld [tilespmem:s25+$0x9AE0];
	v31 =	vmul.f32 v44, v41  }
0x13e: {  	v58 =	vld [tilespmem:s25+$0x9B10];
	v29 =	vmul.f32 v53, v52;
	v32 =	vmul.f32 v42, v48  }
0x13f: {  	v60 =	vld [tilespmem:s25+$0x9B20];
	v59 =	vmul.f32 v43, v45;
	v26 =	vmul.f32 v56, v26;
	v23 =	vadd.f32 v31, v23  }
0x140: {  	v57 =	vmul.f32 v55, v54;
	v18 =	vmul.f32 v18, v46;
	v25 =	vadd.f32 v32, v25  }
0x141: {  	v29 =	vadd.f32 v59, v29;
	v23 =	vadd.f32 v23, v26  }
0x142: {  	v18 =	vadd.f32 v18, v57;
	v24 =	vmul.f32 v24, v49;
	v26 =	vmul.f32 v30, v50  }
0x143: {  	v22 =	vadd.f32 v22, v25;
	v25 =	vmul.f32 v58, v27;
	v21 =	vadd.f32 v23, v21  }
0x144: {  	v23 =	vmul.f32 v60, v28;
	v24 =	vadd.f32 v24, v29;
	v18 =	vadd.f32 v26, v18  }
0x145: {  	v19 =	vadd.f32 v19, v22;
	v20 =	vadd.f32 v20, v21  }
0x146: {  	v22 =	vadd.f32 v25, v24;
	v18 =	vadd.f32 v23, v18;
	_ =	sdelay $0x1  }
0x147: {  	v19 =	vadd.f32 v19, v20;
	v18 =	vadd.f32 v18, v22;
	_ =	sdelay $0x1  }
0x148: {  	v18 =	vadd.f32 v18, v19  }
0x149: {  	s22 =	simm.s32 $0x110F0  }
0x14a: {  	s23 =	simm.s32 $0x3000;
	[tilespmem:s22+$0x0] =	vst v18  }
0x14b: {  	v21 =	vld [tilespmem:s23+$0x0];
	_ =	sdelay $0x4  }
0x14c: {  	v23 =	vbroadcast v21, $0xC;
	v24 =	vbroadcast v21, $0xD  }
0x14d: {  	v19 =	vbroadcast v21, $0xE;
	v18 =	vbroadcast v21, $0xF  }
0x14e: {  	v25 =	vbroadcast v21, $0x8;
	v26 =	vbroadcast v21, $0x9  }
0x14f: {  	v22 =	vbroadcast v21, $0xA;
	v20 =	vbroadcast v21, $0xB  }
0x150: {  	v27 =	vbroadcast v21, $0x1;
	v28 =	vbroadcast v21, $0x2  }
0x151: {  	v29 =	vbroadcast v21, $0x3;
	v61 =	vbroadcast v21, $0x4  }
0x152: {  	v30 =	vbroadcast v21, $0x5;
	v31 =	vbroadcast v21, $0x6  }
0x153: {  	v62 =	vbroadcast v21, $0x0;
	v63 =	vbroadcast v21, $0x7  }
0x154: {  	v21 =	vmul.f32 v23, v13;
	v23 =	vmul.f32 v24, v14  }
0x155: {  	v24 =	vmul.f32 v25, v9;
	v25 =	vmul.f32 v26, v10  }
0x156: {  	v27 =	vmul.f32 v27, v2;
	v28 =	vmul.f32 v28, v3  }
0x157: {  	v33 =	vmul.f32 v62, v1;
	v26 =	vmul.f32 v29, v4  }
0x158: {  	v30 =	vmul.f32 v30, v6;
	v31 =	vmul.f32 v31, v7  }
0x159: {  	s24 =	simm.s32 $0x400;
	s25 =	simm.s32 $0x800;
	v32 =	vmul.f32 v61, v5;
	v29 =	vadd.f32 v33, v17;
	v33 =	vmul.f32 v63, v8  }
.LBB2_7:
0x15a: {  	p1 =	sne.s32 s25, $0x18C00;
	v27 =	vadd.f32 v30, v27;
	v28 =	vadd.f32 v31, v28;
	v22 =	vmul.f32 v22, v11  }
0x15b: {  	v20 =	vmul.f32 v20, v12;
	v29 =	vadd.f32 v29, v32;
	v26 =	vadd.f32 v33, v26  }
0x15c: {  	v19 =	vmul.f32 v19, v15;
	v25 =	vadd.f32 v27, v25;
	v22 =	vadd.f32 v28, v22  }
0x15d: {  	v18 =	vmul.f32 v18, v16;
	v24 =	vadd.f32 v29, v24;
	v20 =	vadd.f32 v26, v20  }
0x15e: {  	v23 =	vadd.f32 v25, v23;
	v19 =	vadd.f32 v22, v19  }
0x15f: {  	v21 =	vadd.f32 v24, v21;
	v18 =	vadd.f32 v20, v18;
	_ =	sdelay $0x1  }
0x160: {  	s11 =	sshra.s32 s24, $0x2;
	s24 =	smov.u32 s25;
	v20 =	vadd.f32 v21, v23;
	v18 =	vadd.f32 v18, v19  }
0x161: {  	v19 =	vld [tilespmem:s11+$0x9AF0]  }
0x162: {  	v18 =	vadd.f32 v20, v18;
	v20 =	vld [tilespmem:s11+$0x9B00]  }
0x163: {  	v21 =	vld [tilespmem:s11+$0x9AB0]  }
0x164: {  	s21 =	sadd.s32 $0x10, s21;
	v18 =	vmax.f32 v18, $0.0e+00;
	v22 =	vld [tilespmem:s11+$0x9AC0]  }
0x165: {  	v23 =	vld [tilespmem:s21+$0x0];
	v24 =	vbroadcast v18, $0xC;
	v25 =	vbroadcast v18, $0xD  }
0x166: {  	v27 =	vbroadcast v18, $0xE;
	v28 =	vbroadcast v18, $0xF;
	v26 =	vld [tilespmem:s11+$0x9A70]  }
0x167: {  	v30 =	vbroadcast v18, $0x8;
	v31 =	vbroadcast v18, $0x9;
	v29 =	vld [tilespmem:s11+$0x9A40]  }
0x168: {  	v33 =	vbroadcast v18, $0xA;
	v34 =	vbroadcast v18, $0xB;
	v32 =	vld [tilespmem:s11+$0x9A80]  }
0x169: {  	v35 =	vbroadcast v18, $0x1;
	v37 =	vbroadcast v18, $0x2;
	v36 =	vld [tilespmem:s11+$0x9A50]  }
0x16a: {  	v39 =	vbroadcast v18, $0x3;
	v40 =	vbroadcast v18, $0x4;
	v38 =	vld [tilespmem:s11+$0x9A60]  }
0x16b: {  	v42 =	vbroadcast v18, $0x5;
	v43 =	vbroadcast v18, $0x6;
	v41 =	vld [tilespmem:s11+$0x9A30]  }
0x16c: {  	v44 =	vbroadcast v18, $0x0;
	v18 =	vbroadcast v18, $0x7;
	v45 =	vld [tilespmem:s11+$0x9A90]  }
0x16d: {  	v19 =	vmul.f32 v19, v24;
	v20 =	vmul.f32 v20, v25;
	v46 =	vld [tilespmem:s11+$0x9AA0]  }
0x16e: {  	v21 =	vmul.f32 v21, v30;
	v22 =	vmul.f32 v22, v31;
	v24 =	vld [tilespmem:s11+$0x9AD0]  }
0x16f: {  	v25 =	vmul.f32 v35, v29;
	v29 =	vmul.f32 v37, v36;
	v30 =	vld [tilespmem:s11+$0x9AE0]  }
0x170: {  	v35 =	vmul.f32 v39, v38;
	v31 =	vmul.f32 v44, v41;
	v36 =	vld [tilespmem:s11+$0x9B10]  }
0x171: {  	v32 =	vmul.f32 v42, v32;
	v37 =	vmul.f32 v43, v45;
	v38 =	vld [tilespmem:s11+$0x9B20]  }
0x172: {  	v26 =	vmul.f32 v40, v26;
	v23 =	vadd.f32 v31, v23;
	v18 =	vmul.f32 v18, v46  }
0x173: {  	v25 =	vadd.f32 v32, v25;
	v29 =	vadd.f32 v37, v29;
	v24 =	vmul.f32 v24, v33  }
0x174: {  	v23 =	vadd.f32 v23, v26;
	v18 =	vadd.f32 v18, v35;
	v26 =	vmul.f32 v30, v34  }
0x175: {  	v22 =	vadd.f32 v22, v25;
	v24 =	vadd.f32 v24, v29;
	v25 =	vmul.f32 v36, v27  }
0x176: {  	v21 =	vadd.f32 v23, v21;
	v18 =	vadd.f32 v26, v18;
	v23 =	vmul.f32 v38, v28  }
0x177: {  	v20 =	vadd.f32 v20, v22;
	v22 =	vadd.f32 v25, v24  }
0x178: {  	v19 =	vadd.f32 v19, v21;
	v18 =	vadd.f32 v23, v18;
	_ =	sdelay $0x1  }
0x179: {  	v19 =	vadd.f32 v20, v19;
	v18 =	vadd.f32 v18, v22;
	_ =	sdelay $0x1  }
0x17a: {  	v18 =	vadd.f32 v18, v19  }
0x17b: {  	s22 =	sadd.s32 $0x10, s22  }
0x17c: {  	s23 =	sadd.s32 $0x10, s23;
	[tilespmem:s22+$0x0] =	vst v18  }
0x17d: {  	v21 =	vld [tilespmem:s23+$0x0];
	_ =	sdelay $0x4  }
0x17e: {  	v23 =	vbroadcast v21, $0xC;
	v24 =	vbroadcast v21, $0xD  }
0x17f: {  	v19 =	vbroadcast v21, $0xE;
	v18 =	vbroadcast v21, $0xF  }
0x180: {  	v25 =	vbroadcast v21, $0x8;
	v26 =	vbroadcast v21, $0x9  }
0x181: {  	v22 =	vbroadcast v21, $0xA;
	v20 =	vbroadcast v21, $0xB  }
0x182: {  	v27 =	vbroadcast v21, $0x1;
	v28 =	vbroadcast v21, $0x2  }
0x183: {  	v29 =	vbroadcast v21, $0x3;
	v32 =	vbroadcast v21, $0x4  }
0x184: {  	v30 =	vbroadcast v21, $0x5;
	v31 =	vbroadcast v21, $0x6  }
0x185: {  	v33 =	vbroadcast v21, $0x0;
	v34 =	vbroadcast v21, $0x7  }
0x186: {  	v21 =	vmul.f32 v23, v13;
	v23 =	vmul.f32 v24, v14  }
.Ltmp4:
0x187: {  	v24 =	vmul.f32 v25, v9;
	v25 =	vmul.f32 v26, v10;
	(pc) =	sbr.rel @p1 .LBB2_7-.Ltmp4, $4  }
0x188: {  	v27 =	vmul.f32 v27, v2;
	v28 =	vmul.f32 v28, v3  }
0x189: {  	v33 =	vmul.f32 v33, v1;
	v26 =	vmul.f32 v29, v4  }
0x18a: {  	v30 =	vmul.f32 v30, v6;
	v31 =	vmul.f32 v31, v7  }
0x18b: {  	s25 =	sadd.s32 $0x400, s25;
	v32 =	vmul.f32 v32, v5;
	v29 =	vadd.f32 v33, v17;
	v33 =	vmul.f32 v34, v8  }
0x18c: {  	v27 =	vadd.f32 v30, v27;
	v28 =	vadd.f32 v31, v28;
	v22 =	vmul.f32 v22, v11  }
0x18d: {  	v20 =	vmul.f32 v20, v12;
	v29 =	vadd.f32 v29, v32;
	v26 =	vadd.f32 v33, v26  }
0x18e: {  	v19 =	vmul.f32 v19, v15;
	v25 =	vadd.f32 v27, v25;
	v22 =	vadd.f32 v28, v22  }
0x18f: {  	v18 =	vmul.f32 v18, v16;
	v24 =	vadd.f32 v29, v24;
	v20 =	vadd.f32 v26, v20  }
0x190: {  	v23 =	vadd.f32 v25, v23;
	v19 =	vadd.f32 v22, v19  }
0x191: {  	v21 =	vadd.f32 v24, v21;
	v18 =	vadd.f32 v20, v18;
	_ =	sdelay $0x1  }
0x192: {  	s11 =	sshra.s32 s24, $0x2;
	v54 =	vadd.f32 v21, v23;
	v18 =	vadd.f32 v18, v19  }
0x193: {  	v55 =	vld [tilespmem:s11+$0x9B00]  }
0x194: {  	v56 =	vld [tilespmem:s11+$0x9AB0];
	v18 =	vadd.f32 v54, v18  }
0x195: {  	v57 =	vld [tilespmem:s11+$0x9AC0]  }
0x196: {  	v60 =	vld [tilespmem:s11+$0x9A70];
	v18 =	vmax.f32 v18, $0.0e+00  }
0x197: {  	v62 =	vld [tilespmem:s11+$0x9A40];
	v58 =	vbroadcast v18, $0xC;
	v59 =	vbroadcast v18, $0xD  }
0x198: {  	v49 =	vld [tilespmem:s11+$0x9A80];
	v61 =	vbroadcast v18, $0xE;
	v28 =	vbroadcast v18, $0xF  }
0x199: {  	v36 =	vld [tilespmem:s11+$0x9A50];
	v63 =	vbroadcast v18, $0x8;
	v48 =	vbroadcast v18, $0x9  }
0x19a: {  	v19 =	vld [tilespmem:s11+$0x9AF0];
	v50 =	vbroadcast v18, $0xA;
	v34 =	vbroadcast v18, $0xB  }
0x19b: {  	v38 =	vld [tilespmem:s11+$0x9A60];
	v35 =	vbroadcast v18, $0x1;
	v37 =	vbroadcast v18, $0x2  }
0x19c: {  	v41 =	vld [tilespmem:s11+$0x9A30];
	v39 =	vbroadcast v18, $0x3;
	v40 =	vbroadcast v18, $0x4  }
0x19d: {  	v45 =	vld [tilespmem:s11+$0x9A90];
	v42 =	vbroadcast v18, $0x5;
	v43 =	vbroadcast v18, $0x6  }
0x19e: {  	s21 =	sadd.s32 $0x10, s21;
	v46 =	vld [tilespmem:s11+$0x9AA0];
	v44 =	vbroadcast v18, $0x0;
	v18 =	vbroadcast v18, $0x7  }
0x19f: {  	v23 =	vld [tilespmem:s21+$0x0];
	v19 =	vmul.f32 v19, v58;
	v20 =	vmul.f32 v55, v59  }
0x1a0: {  	v51 =	vld [tilespmem:s11+$0x9AD0];
	v21 =	vmul.f32 v56, v63;
	v22 =	vmul.f32 v57, v48  }
0x1a1: {  	v54 =	vld [tilespmem:s11+$0x9AE0];
	v52 =	vmul.f32 v35, v62;
	v53 =	vmul.f32 v37, v36  }
0x1a2: {  	v55 =	vmul.f32 v44, v41;
	v56 =	vmul.f32 v39, v38;
	v57 =	vld [tilespmem:s11+$0x9B10]  }
0x1a3: {  	v32 =	vmul.f32 v42, v49;
	v58 =	vmul.f32 v43, v45;
	v59 =	vld [tilespmem:s11+$0x9B20]  }
0x1a4: {  	v26 =	vmul.f32 v40, v60;
	v18 =	vmul.f32 v18, v46;
	v23 =	vadd.f32 v55, v23  }
0x1a5: {  	v24 =	vmul.f32 v51, v50;
	v25 =	vadd.f32 v32, v52;
	v29 =	vadd.f32 v58, v53  }
0x1a6: {  	v60 =	vmul.f32 v54, v34;
	v18 =	vadd.f32 v18, v56;
	v23 =	vadd.f32 v23, v26  }
0x1a7: {  	v22 =	vadd.f32 v22, v25;
	v24 =	vadd.f32 v24, v29;
	v61 =	vmul.f32 v57, v61  }
0x1a8: {  	v18 =	vadd.f32 v60, v18;
	v62 =	vmul.f32 v59, v28;
	v21 =	vadd.f32 v23, v21  }
0x1a9: {  	v20 =	vadd.f32 v20, v22;
	v63 =	vadd.f32 v61, v24  }
0x1aa: {  	v18 =	vadd.f32 v62, v18;
	v19 =	vadd.f32 v19, v21;
	_ =	sdelay $0x1  }
0x1ab: {  	v18 =	vadd.f32 v18, v63;
	v19 =	vadd.f32 v20, v19;
	_ =	sdelay $0x1  }
0x1ac: {  	v18 =	vadd.f32 v18, v19  }
0x1ad: {  	s24 =	sadd.s32 $0x10, s22  }
.Ltmp5:
0x1ae: {  	s25 =	sadd.s32 $0x14B8, s20;
	[tilespmem:s24+$0x0] =	vst v18;
	(pc) =	sbr.rel @p0 .LBB2_10-.Ltmp5, $4  }
0x1af: {  	[spmem:s4] =	stream.indirect.scatter.add.f32 [tilespmem:s17], [sflag:$0x7], $0x10, s25, s2, $0xb8;
	[tilespmem:$0x14330] =	vst v63  }
0x1b0: {  	_ =	swait.ge [sflag:s26], $0x640  }
0x1b1: {  	[sflag:s26] =	ssyncset.done $0x0  }
0x1b2: {  	[sflag:s26] =	ssyncadd.s32 $0xFFFFF9C0  }
0x1b3: {  	s11 =	sadd.s32 $0x3, s29  }
0x1b4: {  	s20 =	smul.u32 $0x1A0, s11;
	_ =	sdelay $0x1  }
0x1b5: {  	s11 =	smul.u32 $0x640, s11;
	s20 =	sshra.s32 s20, $0x2  }
0x1b6: {  	[tilespmem:s30], [sflag:$0x2] =	stream.indirect.gather [hbm4b:s6+s2], $0x100, s20, s2, $0xb8;
	[tilespmem:$0x14330] =	vst v63  }
.Ltmp6:
0x1b7: {  	s11 =	sadd.s32 s9, s11;
	(pc) =	sbr.rel .LBB2_4-.Ltmp6, $4  }
0x1b8: {  	s11 =	sshrl.u32 s11, $0x3  }
0x1b9: {  	[tilespmem:s1], [sflag:$0x4] =	stream.indirect.gather [hbm4b:s7+s2], $0x10, s20, s2, $0xb8;
	[tilespmem:$0x14330] =	vst v63  }
0x1ba: {  	s19 =	sadd.s32 $0x1, s19;
	s11 =	sadd.s32 s8, s11  }
0x1bb: {  	[tilespmem:s3], [sflag:$0x6] =	stream.linear.gather [hbm4b:s11+s5], $0x640, $0x38;
	[tilespmem:$0x14330] =	vst v63  }
.LBB2_11:
0x1bc: {  	_ =	sfence.sel $0x180000  }
0x1bd: {  	[bflag:$0x0] =	sbarrier.arrive $0xFFFF  }
0x1be: {  	_ =	strace $0x90000047  }
0x1bf: {  	s0 =	stileid.u32;
	[bflag:$0x2] =	sbarrier.arrive $0xFFFF  }
0x1c0: {  	p0 =	sne.s32 s0, $0x0;
	s0 =	rddreg [dreg:$0x4]  }
0x1c1: {  	s0 =	sadd.s32 @!p0 $0x100000, s0  }
0x1c2: {  	[sflag:s0] =	ssyncadd.tile.s32 @!p0 $0x1;
	_ =	shalt  }
.Lfunc_end2:
_tile_overlayer_lowered:
.L_overlay_start_2:
0x1c3: {  	(tag) =	ssettag $0x2  }
0x1c4: {  	s0 =	rddreg [dreg:$0x0];
	s2 =	stileid.u32  }
0x1c5: {  	s1 =	rddreg [dreg:$0x1];
	p0 =	sne.s32 s2, $0x0  }
0x1c6: {  	s3 =	rddreg [dreg:$0x2];
	[bflag:$0x3] =	sbarrier.arrive $0xFFFF;
	s2 =	simm.s32 @!p0 $0x1C07  }
0x1c7: {  	[timem:s3], [sflag:s2] =	dma.local @!p0 [hbm:s0], s1  }
0x1c8: {  	s0 =	simm.s32 @!p0 $0x7  }
0x1c9: {  	_ =	swait.ge @!p0 [sflag:s0], s1  }
0x1ca: {  	s1 =	ssub.s32 @!p0 $0x0, s1;
	[sflag:s0] =	ssyncset.done @!p0 $0x0  }
0x1cb: {  	[sflag:s0] =	ssyncadd.s32 @!p0 s1  }
0x1cc: {  	[bflag:$0x3] =	sbarrier.arrive $0xFFFF  }
0x1cd: {  	_ =	shalt  }

</sc_bundles>
